<compile_context>
chip_gen: v7x
topology: tpu7x:2x2x1
jax: 0.10.2.dev20260603
libtpu: 0.0.44.dev20260713+nightly
codegen_flags: <defaults>
</compile_context>

<pallas_src>
import functools

import jax
import jax.numpy as jnp
from jax import lax
from jax.experimental import pallas as pl
from jax.experimental.pallas import tpu as pltpu
from jax.experimental.pallas import tpu_sc as plsc

BATCH = 16384
D = 32
NROWS = 1000000
NC = 2
NS = 16
NW = NC * NS
BPW = BATCH // NW
PK = 128 // D
BP4 = BPW // PK
L = 16
SUB = 4
NGRP16 = BPW // L

_MESH = plsc.VectorSubcoreMesh(core_axis_name="c", subcore_axis_name="s")


NSUB = BPW // SUB


def _prep_indices(idx_v, pb_v, ln_v):
    def body(t, _):
        v = idx_v[pl.ds(t * L, L)]
        pb_v[pl.ds(t * L, L)] = lax.bitwise_and(v, ~127)
        ln_v[pl.ds(t * L, L)] = lax.bitwise_and(v, 127)
        return 0
    lax.fori_loop(0, BPW // L, body, 0, unroll=False)


def _fire_sub(tbl_t, pb_v, s, buf, sem):
    pbvec = pb_v[pl.ds(s * SUB, L)]
    for jj in range(SUB):
        base = pl.multiple_of(pbvec[jj], 128)
        pltpu.async_copy(tbl_t.at[:, pl.ds(base, 128)], buf.at[jj], sem)


def _drain_sub(tbl_t, buf, sem):
    for jj in range(SUB):
        pltpu.make_async_copy(tbl_t.at[:, pl.ds(0, 128)], buf.at[jj],
                              sem).wait()


def _extract_sub(ln_v, s, buf, rows4_v):
    f0 = lax.iota(jnp.int32, L)
    f1 = f0 + L
    lnvec = ln_v[pl.ds(s * SUB, L)]
    for jj in range(SUB):
        lsplat = jnp.full((L,), lnvec[jj], jnp.int32)
        psplat = jnp.full((L,), jj, jnp.int32)
        v0 = plsc.load_gather(buf, [psplat, f0, lsplat])
        v1 = plsc.load_gather(buf, [psplat, f1, lsplat])
        rows4_v[s, pl.ds(jj * D, L)] = v0
        rows4_v[s, pl.ds(jj * D + L, L)] = v1


NBUF = 4


def _gather_table(tbl_t, pb_v, ln_v, rows4_v, bufs, sems):
    for k in range(NBUF):
        _fire_sub(tbl_t, pb_v, k, bufs[k], sems[k])

    def body(p, _):
        s0 = NBUF * p
        for k in range(NBUF):
            _drain_sub(tbl_t, bufs[k], sems[k])
            _extract_sub(ln_v, s0 + k, bufs[k], rows4_v)
            _fire_sub(tbl_t, pb_v, s0 + NBUF + k, bufs[k], sems[k])
        return 0
    lax.fori_loop(0, NSUB // NBUF - 1, body, 0, unroll=False)

    s0 = NSUB - NBUF
    for k in range(NBUF):
        _drain_sub(tbl_t, bufs[k], sems[k])
        _extract_sub(ln_v, s0 + k, bufs[k], rows4_v)


@functools.partial(
    pl.kernel,
    mesh=_MESH,
    out_type=(
        jax.ShapeDtypeStruct((BATCH // PK, 128), jnp.float32),
        jax.ShapeDtypeStruct((BATCH // PK, 128), jnp.float32),
    ),
    scratch_types=[
        pltpu.VMEM((BPW,), jnp.int32),
        pltpu.VMEM((BPW,), jnp.int32),
        pltpu.VMEM((BPW + L,), jnp.int32),
        pltpu.VMEM((BPW + L,), jnp.int32),
        pltpu.VMEM((BPW + L,), jnp.int32),
        pltpu.VMEM((BPW + L,), jnp.int32),
        pltpu.VMEM((SUB, D, 128), jnp.float32),
        pltpu.VMEM((SUB, D, 128), jnp.float32),
        pltpu.VMEM((SUB, D, 128), jnp.float32),
        pltpu.VMEM((SUB, D, 128), jnp.float32),
        pltpu.VMEM((BP4, 128), jnp.float32),
        pltpu.VMEM((BP4, 128), jnp.float32),
        pltpu.SemaphoreType.DMA,
        pltpu.SemaphoreType.DMA,
        pltpu.SemaphoreType.DMA,
        pltpu.SemaphoreType.DMA,
    ],
    compiler_params=pltpu.CompilerParams(needs_layout_passes=False),
)
def _sc_gather(UT_hbm, QT_hbm, uid_hbm, iid_hbm, u_out, q_out,
               uidx_v, iidx_v, upb_v, uln_v, ipb_v, iln_v,
               b0, b1, b2, b3, urows_v, qrows_v,
               sm0, sm1, sm2, sm3):
    wid = lax.axis_index("s") * NC + lax.axis_index("c")
    pltpu.sync_copy(uid_hbm.at[wid], uidx_v)
    pltpu.sync_copy(iid_hbm.at[wid], iidx_v)

    _prep_indices(uidx_v, upb_v, uln_v)
    _prep_indices(iidx_v, ipb_v, iln_v)

    bufs = (b0, b1, b2, b3)
    sems = (sm0, sm1, sm2, sm3)
    _gather_table(UT_hbm, upb_v, uln_v, urows_v, bufs, sems)
    pltpu.sync_copy(urows_v, u_out.at[pl.ds(wid * BP4, BP4)])
    _gather_table(QT_hbm, ipb_v, iln_v, qrows_v, bufs, sems)
    pltpu.sync_copy(qrows_v, q_out.at[pl.ds(wid * BP4, BP4)])


BLK4 = 1024


def _mlp_body(u_ref, q_ref, w1_ref, b1_ref, w2_ref, wp_ref, b2_ref,
              pred_ref, score_ref):
    u4 = u_ref[...]
    q4 = q_ref[...]
    uq4 = u4 * q4
    pred_ref[...] = jnp.dot(uq4, wp_ref[...],
                            preferred_element_type=jnp.float32)
    x = jnp.concatenate([u4, q4, uq4], axis=1)
    h = jnp.dot(x, w1_ref[...], preferred_element_type=jnp.float32)
    h = jnp.maximum(h + b1_ref[...], 0.0)
    s = jnp.dot(h, w2_ref[...], preferred_element_type=jnp.float32)
    score_ref[...] = s + b2_ref[...]


_mlp = pl.pallas_call(
    _mlp_body,
    grid=(BATCH // PK // BLK4,),
    in_specs=[
        pl.BlockSpec((BLK4, 128), lambda i: (i, 0)),
        pl.BlockSpec((BLK4, 128), lambda i: (i, 0)),
        pl.BlockSpec((3 * 128, 256), lambda i: (0, 0)),
        pl.BlockSpec((1, 256), lambda i: (0, 0)),
        pl.BlockSpec((256, PK), lambda i: (0, 0)),
        pl.BlockSpec((128, PK), lambda i: (0, 0)),
        pl.BlockSpec((1, 1), lambda i: (0, 0)),
    ],
    out_specs=[
        pl.BlockSpec((BLK4, PK), lambda i: (i, 0)),
        pl.BlockSpec((BLK4, PK), lambda i: (i, 0)),
    ],
    out_shape=[
        jax.ShapeDtypeStruct((BATCH // PK, PK), jnp.float32),
        jax.ShapeDtypeStruct((BATCH // PK, PK), jnp.float32),
    ],
)


def kernel(user_ids, item_ids, U, Q, B, W1, b1, W2, b2):
    uid2 = user_ids.astype(jnp.int32).reshape(NW, BPW)
    iid2 = item_ids.astype(jnp.int32).reshape(NW, BPW)
    u4, q4 = _sc_gather(U.T, Q.T, uid2, iid2)

    eye4 = jnp.eye(PK, dtype=jnp.float32)
    w1c = jnp.concatenate(
        [jnp.kron(eye4, W1[0:D]),
         jnp.kron(eye4, W1[D:2 * D]),
         jnp.kron(eye4, W1[2 * D:])],
        axis=0)
    b1p = jnp.tile(b1, PK).reshape(1, PK * 64)
    w2p = jnp.kron(eye4, W2)
    wp = jnp.kron(eye4, jnp.ones((D, 1), jnp.float32))

    pred4, score4 = _mlp(u4, q4, w1c, b1p, w2p, wp, b2.reshape(1, 1))
    return pred4.reshape(BATCH), score4.reshape(BATCH)

# --- scband reference (transcript-rebuilt; emitter-appended) ---
"""Pipeline reference for scband-multi-task-net-3126736192343 (READ-ONLY COPY).

The authoritative reference and input builder live on the scoring server;
editing this copy changes nothing except your own understanding.
"""

import jax, jax.numpy as jnp
import numpy as np

NUM_USERS = 1000000
NUM_ITEMS = 1000000
EMBED_DIM = 32
BATCH = 16384


def setup_inputs(seed: int = 0) -> dict:
    key = jax.random.key(seed)
    k_u, k_i, k_U, k_Q, k_W1, k_b1, k_W2, k_b2 = jax.random.split(key, 8)
    user_ids = jax.random.randint(k_u, (BATCH,), 0, NUM_USERS)
    item_ids = jax.random.randint(k_i, (BATCH,), 0, NUM_ITEMS)
    # ScaledEmbedding init: normal / embedding_dim (shared tables since embedding_sharing=True)
    U = jax.random.normal(k_U, (NUM_USERS, EMBED_DIM), dtype=jnp.float32) / EMBED_DIM
    Q = jax.random.normal(k_Q, (NUM_ITEMS, EMBED_DIM), dtype=jnp.float32) / EMBED_DIM
    # ZeroEmbedding item bias
    B = jnp.zeros((NUM_ITEMS, 1), dtype=jnp.float32)
    # MLP: layer_sizes=[96, 64] -> Linear(96, 64), ReLU, Linear(64, 1)
    W1 = jax.random.normal(k_W1, (96, 64), dtype=jnp.float32) * (1.0 / np.sqrt(96))
    b1 = jnp.zeros((64,), dtype=jnp.float32)
    W2 = jax.random.normal(k_W2, (64, 1), dtype=jnp.float32) * (1.0 / np.sqrt(64))
    b2 = jnp.zeros((1,), dtype=jnp.float32)
    return {"user_ids": user_ids, "item_ids": item_ids, "U": U, "Q": Q, "B": B,
            "W1": W1, "b1": b1, "W2": W2, "b2": b2}


def reference(user_ids, item_ids, U, Q, B, W1, b1, W2, b2):
    # Embedding lookups (gathers)
    u = jnp.take(U, user_ids, axis=0)            # (batch, d)
    q = jnp.take(Q, item_ids, axis=0)            # (batch, d)
    b = jnp.take(B, item_ids, axis=0)[:, 0]      # (batch,)
    # Factorization prediction: dot product + item bias
    predictions = jnp.sum(u * q, axis=1) + b     # (batch,)
    # Regression score: MLP on [u, q, u*q]
    x = jnp.concatenate([u, q, u * q], axis=1)   # (batch, 3d = 96)
    h = jax.nn.relu(x @ W1 + b1)                 # (batch, 64)
    score = (h @ W2 + b2)[:, 0]                  # (batch,)
    return predictions, score

if __name__ == "__main__":
    import jax
    _d = setup_inputs()
    print(jax.jit(kernel)(*tuple(_d.values())))

</pallas_src>

<mosaic_0001>
#map = affine_map<(d0, d1) -> (0, 0)>
module attributes {stable_mosaic.version = 14 : i64} {
  func.func @_sc_gather(%arg0: i32, %arg1: i32, %arg2: memref<32x1000000xf32, #tpu.memory_space<hbm>>, %arg3: memref<32x1000000xf32, #tpu.memory_space<hbm>>, %arg4: memref<32x512xi32, #tpu.memory_space<hbm>>, %arg5: memref<32x512xi32, #tpu.memory_space<hbm>>, %arg6: memref<4096x128xf32, #tpu.memory_space<hbm>>, %arg7: memref<4096x128xf32, #tpu.memory_space<hbm>>, %arg8: memref<512xi32, #tpu.memory_space<vmem>>, %arg9: memref<512xi32, #tpu.memory_space<vmem>>, %arg10: memref<528xi32, #tpu.memory_space<vmem>>, %arg11: memref<528xi32, #tpu.memory_space<vmem>>, %arg12: memref<528xi32, #tpu.memory_space<vmem>>, %arg13: memref<528xi32, #tpu.memory_space<vmem>>, %arg14: memref<4x32x128xf32, #tpu.memory_space<vmem>>, %arg15: memref<4x32x128xf32, #tpu.memory_space<vmem>>, %arg16: memref<4x32x128xf32, #tpu.memory_space<vmem>>, %arg17: memref<4x32x128xf32, #tpu.memory_space<vmem>>, %arg18: memref<128x128xf32, #tpu.memory_space<vmem>>, %arg19: memref<128x128xf32, #tpu.memory_space<vmem>>, %arg20: memref<!tpu.dma_semaphore, #tpu.memory_space<semaphore_mem>>, %arg21: memref<!tpu.dma_semaphore, #tpu.memory_space<semaphore_mem>>, %arg22: memref<!tpu.dma_semaphore, #tpu.memory_space<semaphore_mem>>, %arg23: memref<!tpu.dma_semaphore, #tpu.memory_space<semaphore_mem>>) attributes {dimension_semantics = [#tpu.dimension_semantics<core_parallel>, #tpu.dimension_semantics<subcore_parallel>], iteration_bounds = array<i64: 2, 16>, scalar_prefetch = 0 : i64, scratch_operands = 16 : i64, tpu.core_type = #tpu.core_type<sc_vector_subcore>, window_params = [{transform_indices = #map}, {transform_indices = #map}, {transform_indices = #map}, {transform_indices = #map}, {transform_indices = #map}, {transform_indices = #map}]} {
    %mul3A = arith.constant 2 : i32
    %mul3A_0 = arith.muli %arg1, %mul3A : i32
    %add3A = arith.addi %mul3A_0, %arg0 : i32
    "tpu.region"() ({
      %run_scoped3A = tpu.sem_alloc : memref<!tpu.dma_semaphore, #tpu.memory_space<semaphore_mem>>
      %dma_start3A_1558 = arith.constant 0 : i32
      %dma_start3A_1559 = tpu.memref_slice %arg4[%add3A, %dma_start3A_1558] : memref<32x512xi32, #tpu.memory_space<hbm>> -> memref<1x512xi32, #tpu.memory_space<hbm>>
      %dma_start3A_1560 = tpu.memref_squeeze %dma_start3A_1559 : memref<1x512xi32, #tpu.memory_space<hbm>> -> memref<512xi32, #tpu.memory_space<hbm>>
      %dma_start3A_1561 = arith.constant 0 : i32
      %dma_start3A_1562 = tpu.memref_slice %arg4[%add3A, %dma_start3A_1561] : memref<32x512xi32, #tpu.memory_space<hbm>> -> memref<1x512xi32, #tpu.memory_space<hbm>>
      %dma_start3A_1563 = tpu.memref_squeeze %dma_start3A_1562 : memref<1x512xi32, #tpu.memory_space<hbm>> -> memref<512xi32, #tpu.memory_space<hbm>>
      tpu.enqueue_dma source(%dma_start3A_1563 : memref<512xi32, #tpu.memory_space<hbm>>) target(%arg8 : memref<512xi32, #tpu.memory_space<vmem>>) target_semaphore(%run_scoped3A : memref<!tpu.dma_semaphore, #tpu.memory_space<semaphore_mem>>)
      %dma_wait3A_1564 = arith.constant 0 : i32
      %dma_wait3A_1565 = tpu.memref_slice %arg4[%add3A, %dma_wait3A_1564] : memref<32x512xi32, #tpu.memory_space<hbm>> -> memref<1x512xi32, #tpu.memory_space<hbm>>
      %dma_wait3A_1566 = tpu.memref_squeeze %dma_wait3A_1565 : memref<1x512xi32, #tpu.memory_space<hbm>> -> memref<512xi32, #tpu.memory_space<hbm>>
      %dma_wait3A_1567 = arith.constant 0 : i32
      %dma_wait3A_1568 = tpu.memref_slice %arg4[%add3A, %dma_wait3A_1567] : memref<32x512xi32, #tpu.memory_space<hbm>> -> memref<1x512xi32, #tpu.memory_space<hbm>>
      %dma_wait3A_1569 = tpu.memref_squeeze %dma_wait3A_1568 : memref<1x512xi32, #tpu.memory_space<hbm>> -> memref<512xi32, #tpu.memory_space<hbm>>
      tpu.wait_dma2 semaphore(%run_scoped3A : memref<!tpu.dma_semaphore, #tpu.memory_space<semaphore_mem>>) src(%dma_wait3A_1569 : memref<512xi32, #tpu.memory_space<hbm>>) dst(%arg8 : memref<512xi32, #tpu.memory_space<vmem>>)
      tpu.yield
    }) : () -> ()
    "tpu.region"() ({
      %run_scoped3A = tpu.sem_alloc : memref<!tpu.dma_semaphore, #tpu.memory_space<semaphore_mem>>
      %dma_start3A_1558 = arith.constant 0 : i32
      %dma_start3A_1559 = tpu.memref_slice %arg5[%add3A, %dma_start3A_1558] : memref<32x512xi32, #tpu.memory_space<hbm>> -> memref<1x512xi32, #tpu.memory_space<hbm>>
      %dma_start3A_1560 = tpu.memref_squeeze %dma_start3A_1559 : memref<1x512xi32, #tpu.memory_space<hbm>> -> memref<512xi32, #tpu.memory_space<hbm>>
      %dma_start3A_1561 = arith.constant 0 : i32
      %dma_start3A_1562 = tpu.memref_slice %arg5[%add3A, %dma_start3A_1561] : memref<32x512xi32, #tpu.memory_space<hbm>> -> memref<1x512xi32, #tpu.memory_space<hbm>>
      %dma_start3A_1563 = tpu.memref_squeeze %dma_start3A_1562 : memref<1x512xi32, #tpu.memory_space<hbm>> -> memref<512xi32, #tpu.memory_space<hbm>>
      tpu.enqueue_dma source(%dma_start3A_1563 : memref<512xi32, #tpu.memory_space<hbm>>) target(%arg9 : memref<512xi32, #tpu.memory_space<vmem>>) target_semaphore(%run_scoped3A : memref<!tpu.dma_semaphore, #tpu.memory_space<semaphore_mem>>)
      %dma_wait3A_1564 = arith.constant 0 : i32
      %dma_wait3A_1565 = tpu.memref_slice %arg5[%add3A, %dma_wait3A_1564] : memref<32x512xi32, #tpu.memory_space<hbm>> -> memref<1x512xi32, #tpu.memory_space<hbm>>
      %dma_wait3A_1566 = tpu.memref_squeeze %dma_wait3A_1565 : memref<1x512xi32, #tpu.memory_space<hbm>> -> memref<512xi32, #tpu.memory_space<hbm>>
      %dma_wait3A_1567 = arith.constant 0 : i32
      %dma_wait3A_1568 = tpu.memref_slice %arg5[%add3A, %dma_wait3A_1567] : memref<32x512xi32, #tpu.memory_space<hbm>> -> memref<1x512xi32, #tpu.memory_space<hbm>>
      %dma_wait3A_1569 = tpu.memref_squeeze %dma_wait3A_1568 : memref<1x512xi32, #tpu.memory_space<hbm>> -> memref<512xi32, #tpu.memory_space<hbm>>
      tpu.wait_dma2 semaphore(%run_scoped3A : memref<!tpu.dma_semaphore, #tpu.memory_space<semaphore_mem>>) src(%dma_wait3A_1569 : memref<512xi32, #tpu.memory_space<hbm>>) dst(%arg9 : memref<512xi32, #tpu.memory_space<vmem>>)
      tpu.yield
    }) : () -> ()
    %scan3A = arith.constant 0 : i32
    %scan3A_1 = arith.constant 0 : i32
    %scan3A_2 = arith.constant 32 : i32
    %scan3A_3 = arith.addi %scan3A_1, %scan3A_2 : i32
    %scan3A_4 = arith.constant 1 : i32
    %scan3A_5 = scf.for %scan3A_1558 = %scan3A_1 to %scan3A_3 step %scan3A_4 iter_args(%scan3A_1559 = %scan3A) -> (i32)  : i32 {
      %mul3A_1560 = arith.constant 16 : i32
      %mul3A_1561 = arith.muli %scan3A_1558, %mul3A_1560 : i32
      %get3A_1562 = arith.index_cast %mul3A_1561 : i32 to index
      %get3A_1563 = tpu.vector_load %arg8[%get3A_1562] {strides = array<i32>} : memref<512xi32, #tpu.memory_space<vmem>>, vector<16xi32>,
      %and3A = arith.constant -128 : i32
      %and3A_1564 = vector.broadcast %and3A : i32 to vector<16xi32>
      %and3A_1565 = arith.andi %get3A_1563, %and3A_1564 : vector<16xi32>
      %mul3A_1566 = arith.constant 16 : i32
      %mul3A_1567 = arith.muli %scan3A_1558, %mul3A_1566 : i32
      %swap3A_1568 = arith.index_cast %mul3A_1567 : i32 to index
      %swap3A_1569 = tpu.vector_load %arg10[%swap3A_1568] {strides = array<i32>} : memref<528xi32, #tpu.memory_space<vmem>>, vector<16xi32>,
      tpu.vector_store %arg10[%swap3A_1568], %and3A_1565 {strides = array<i32>} : memref<528xi32, #tpu.memory_space<vmem>>, vector<16xi32>,
      %and3A_1570 = arith.constant 127 : i32
      %and3A_1571 = vector.broadcast %and3A_1570 : i32 to vector<16xi32>
      %and3A_1572 = arith.andi %get3A_1563, %and3A_1571 : vector<16xi32>
      %mul3A_1573 = arith.constant 16 : i32
      %mul3A_1574 = arith.muli %scan3A_1558, %mul3A_1573 : i32
      %swap3A_1575 = arith.index_cast %mul3A_1574 : i32 to index
      %swap3A_1576 = tpu.vector_load %arg11[%swap3A_1575] {strides = array<i32>} : memref<528xi32, #tpu.memory_space<vmem>>, vector<16xi32>,
      tpu.vector_store %arg11[%swap3A_1575], %and3A_1572 {strides = array<i32>} : memref<528xi32, #tpu.memory_space<vmem>>, vector<16xi32>,
      %scan3A_1577 = arith.constant 0 : i32
      scf.yield %scan3A_1577 : i32
    }
    %scan3A_6 = arith.constant 32 : i32
    %scan3A_7 = arith.constant 0 : i32
    %scan3A_8 = arith.constant 0 : i32
    %scan3A_9 = arith.constant 32 : i32
    %scan3A_10 = arith.addi %scan3A_8, %scan3A_9 : i32
    %scan3A_11 = arith.constant 1 : i32
    %scan3A_12 = scf.for %scan3A_1558 = %scan3A_8 to %scan3A_10 step %scan3A_11 iter_args(%scan3A_1559 = %scan3A_7) -> (i32)  : i32 {
      %mul3A_1560 = arith.constant 16 : i32
      %mul3A_1561 = arith.muli %scan3A_1558, %mul3A_1560 : i32
      %get3A_1562 = arith.index_cast %mul3A_1561 : i32 to index
      %get3A_1563 = tpu.vector_load %arg9[%get3A_1562] {strides = array<i32>} : memref<512xi32, #tpu.memory_space<vmem>>, vector<16xi32>,
      %and3A = arith.constant -128 : i32
      %and3A_1564 = vector.broadcast %and3A : i32 to vector<16xi32>
      %and3A_1565 = arith.andi %get3A_1563, %and3A_1564 : vector<16xi32>
      %mul3A_1566 = arith.constant 16 : i32
      %mul3A_1567 = arith.muli %scan3A_1558, %mul3A_1566 : i32
      %swap3A_1568 = arith.index_cast %mul3A_1567 : i32 to index
      %swap3A_1569 = tpu.vector_load %arg12[%swap3A_1568] {strides = array<i32>} : memref<528xi32, #tpu.memory_space<vmem>>, vector<16xi32>,
      tpu.vector_store %arg12[%swap3A_1568], %and3A_1565 {strides = array<i32>} : memref<528xi32, #tpu.memory_space<vmem>>, vector<16xi32>,
      %and3A_1570 = arith.constant 127 : i32
      %and3A_1571 = vector.broadcast %and3A_1570 : i32 to vector<16xi32>
      %and3A_1572 = arith.andi %get3A_1563, %and3A_1571 : vector<16xi32>
      %mul3A_1573 = arith.constant 16 : i32
      %mul3A_1574 = arith.muli %scan3A_1558, %mul3A_1573 : i32
      %swap3A_1575 = arith.index_cast %mul3A_1574 : i32 to index
      %swap3A_1576 = tpu.vector_load %arg13[%swap3A_1575] {strides = array<i32>} : memref<528xi32, #tpu.memory_space<vmem>>, vector<16xi32>,
      tpu.vector_store %arg13[%swap3A_1575], %and3A_1572 {strides = array<i32>} : memref<528xi32, #tpu.memory_space<vmem>>, vector<16xi32>,
      %scan3A_1577 = arith.constant 0 : i32
      scf.yield %scan3A_1577 : i32
    }
    %scan3A_13 = arith.constant 32 : i32
    %get3A = arith.constant 0 : index
    %get3A_14 = tpu.vector_load %arg10[%get3A] {strides = array<i32>} : memref<528xi32, #tpu.memory_space<vmem>>, vector<16xi32>,
    %slice3A = vector.extract_strided_slice %get3A_14 {offsets = [0], sizes = [1], strides = [1]} : vector<16xi32> to vector<1xi32>
    %squeeze3A = vector.extract %slice3A[0] : i32 from vector<1xi32>
    %multiple_of3A = tpu.assume_multiple %squeeze3A, 128 : i32
    %dma_start3A = arith.constant 0 : i32
    %dma_start3A_15 = arith.constant 0 : i32
    %dma_start3A_16 = arith.constant 0 : i32
    %dma_start3A_17 = tpu.memref_slice %arg14[%dma_start3A, %dma_start3A_15, %dma_start3A_16] : memref<4x32x128xf32, #tpu.memory_space<vmem>> -> memref<1x32x128xf32, #tpu.memory_space<vmem>>
    %dma_start3A_18 = tpu.memref_squeeze %dma_start3A_17 : memref<1x32x128xf32, #tpu.memory_space<vmem>> -> memref<32x128xf32, #tpu.memory_space<vmem>>
    %dma_start3A_19 = arith.constant 0 : i32
    %dma_start3A_20 = tpu.memref_slice %arg2[%dma_start3A_19, %multiple_of3A] : memref<32x1000000xf32, #tpu.memory_space<hbm>> -> memref<32x128xf32, #tpu.memory_space<hbm>>
    %dma_start3A_21 = arith.constant 0 : i32
    %dma_start3A_22 = arith.constant 0 : i32
    %dma_start3A_23 = tpu.memref_slice %arg14[%dma_start3A, %dma_start3A_21, %dma_start3A_22] : memref<4x32x128xf32, #tpu.memory_space<vmem>> -> memref<1x32x128xf32, #tpu.memory_space<vmem>>
    %dma_start3A_24 = tpu.memref_squeeze %dma_start3A_23 : memref<1x32x128xf32, #tpu.memory_space<vmem>> -> memref<32x128xf32, #tpu.memory_space<vmem>>
    %dma_start3A_25 = arith.constant 0 : i32
    %dma_start3A_26 = tpu.memref_slice %arg2[%dma_start3A_25, %multiple_of3A] : memref<32x1000000xf32, #tpu.memory_space<hbm>> -> memref<32x128xf32, #tpu.memory_space<hbm>>
    tpu.enqueue_dma source(%dma_start3A_26 : memref<32x128xf32, #tpu.memory_space<hbm>>) target(%dma_start3A_24 : memref<32x128xf32, #tpu.memory_space<vmem>>) target_semaphore(%arg20 : memref<!tpu.dma_semaphore, #tpu.memory_space<semaphore_mem>>)
    %slice3A_27 = vector.extract_strided_slice %get3A_14 {offsets = [1], sizes = [1], strides = [1]} : vector<16xi32> to vector<1xi32>
    %squeeze3A_28 = vector.extract %slice3A_27[0] : i32 from vector<1xi32>
    %multiple_of3A_29 = tpu.assume_multiple %squeeze3A_28, 128 : i32
    %dma_start3A_30 = arith.constant 1 : i32
    %dma_start3A_31 = arith.constant 0 : i32
    %dma_start3A_32 = arith.constant 0 : i32
    %dma_start3A_33 = tpu.memref_slice %arg14[%dma_start3A_30, %dma_start3A_31, %dma_start3A_32] : memref<4x32x128xf32, #tpu.memory_space<vmem>> -> memref<1x32x128xf32, #tpu.memory_space<vmem>>
    %dma_start3A_34 = tpu.memref_squeeze %dma_start3A_33 : memref<1x32x128xf32, #tpu.memory_space<vmem>> -> memref<32x128xf32, #tpu.memory_space<vmem>>
    %dma_start3A_35 = arith.constant 0 : i32
    %dma_start3A_36 = tpu.memref_slice %arg2[%dma_start3A_35, %multiple_of3A_29] : memref<32x1000000xf32, #tpu.memory_space<hbm>> -> memref<32x128xf32, #tpu.memory_space<hbm>>
    %dma_start3A_37 = arith.constant 0 : i32
    %dma_start3A_38 = arith.constant 0 : i32
    %dma_start3A_39 = tpu.memref_slice %arg14[%dma_start3A_30, %dma_start3A_37, %dma_start3A_38] : memref<4x32x128xf32, #tpu.memory_space<vmem>> -> memref<1x32x128xf32, #tpu.memory_space<vmem>>
    %dma_start3A_40 = tpu.memref_squeeze %dma_start3A_39 : memref<1x32x128xf32, #tpu.memory_space<vmem>> -> memref<32x128xf32, #tpu.memory_space<vmem>>
    %dma_start3A_41 = arith.constant 0 : i32
    %dma_start3A_42 = tpu.memref_slice %arg2[%dma_start3A_41, %multiple_of3A_29] : memref<32x1000000xf32, #tpu.memory_space<hbm>> -> memref<32x128xf32, #tpu.memory_space<hbm>>
    tpu.enqueue_dma source(%dma_start3A_42 : memref<32x128xf32, #tpu.memory_space<hbm>>) target(%dma_start3A_40 : memref<32x128xf32, #tpu.memory_space<vmem>>) target_semaphore(%arg20 : memref<!tpu.dma_semaphore, #tpu.memory_space<semaphore_mem>>)
    %slice3A_43 = vector.extract_strided_slice %get3A_14 {offsets = [2], sizes = [1], strides = [1]} : vector<16xi32> to vector<1xi32>
    %squeeze3A_44 = vector.extract %slice3A_43[0] : i32 from vector<1xi32>
    %multiple_of3A_45 = tpu.assume_multiple %squeeze3A_44, 128 : i32
    %dma_start3A_46 = arith.constant 2 : i32
    %dma_start3A_47 = arith.constant 0 : i32
    %dma_start3A_48 = arith.constant 0 : i32
    %dma_start3A_49 = tpu.memref_slice %arg14[%dma_start3A_46, %dma_start3A_47, %dma_start3A_48] : memref<4x32x128xf32, #tpu.memory_space<vmem>> -> memref<1x32x128xf32, #tpu.memory_space<vmem>>
    %dma_start3A_50 = tpu.memref_squeeze %dma_start3A_49 : memref<1x32x128xf32, #tpu.memory_space<vmem>> -> memref<32x128xf32, #tpu.memory_space<vmem>>
    %dma_start3A_51 = arith.constant 0 : i32
    %dma_start3A_52 = tpu.memref_slice %arg2[%dma_start3A_51, %multiple_of3A_45] : memref<32x1000000xf32, #tpu.memory_space<hbm>> -> memref<32x128xf32, #tpu.memory_space<hbm>>
    %dma_start3A_53 = arith.constant 0 : i32
    %dma_start3A_54 = arith.constant 0 : i32
    %dma_start3A_55 = tpu.memref_slice %arg14[%dma_start3A_46, %dma_start3A_53, %dma_start3A_54] : memref<4x32x128xf32, #tpu.memory_space<vmem>> -> memref<1x32x128xf32, #tpu.memory_space<vmem>>
    %dma_start3A_56 = tpu.memref_squeeze %dma_start3A_55 : memref<1x32x128xf32, #tpu.memory_space<vmem>> -> memref<32x128xf32, #tpu.memory_space<vmem>>
    %dma_start3A_57 = arith.constant 0 : i32
    %dma_start3A_58 = tpu.memref_slice %arg2[%dma_start3A_57, %multiple_of3A_45] : memref<32x1000000xf32, #tpu.memory_space<hbm>> -> memref<32x128xf32, #tpu.memory_space<hbm>>
    tpu.enqueue_dma source(%dma_start3A_58 : memref<32x128xf32, #tpu.memory_space<hbm>>) target(%dma_start3A_56 : memref<32x128xf32, #tpu.memory_space<vmem>>) target_semaphore(%arg20 : memref<!tpu.dma_semaphore, #tpu.memory_space<semaphore_mem>>)
    %slice3A_59 = vector.extract_strided_slice %get3A_14 {offsets = [3], sizes = [1], strides = [1]} : vector<16xi32> to vector<1xi32>
    %squeeze3A_60 = vector.extract %slice3A_59[0] : i32 from vector<1xi32>
    %multiple_of3A_61 = tpu.assume_multiple %squeeze3A_60, 128 : i32
    %dma_start3A_62 = arith.constant 3 : i32
    %dma_start3A_63 = arith.constant 0 : i32
    %dma_start3A_64 = arith.constant 0 : i32
    %dma_start3A_65 = tpu.memref_slice %arg14[%dma_start3A_62, %dma_start3A_63, %dma_start3A_64] : memref<4x32x128xf32, #tpu.memory_space<vmem>> -> memref<1x32x128xf32, #tpu.memory_space<vmem>>
    %dma_start3A_66 = tpu.memref_squeeze %dma_start3A_65 : memref<1x32x128xf32, #tpu.memory_space<vmem>> -> memref<32x128xf32, #tpu.memory_space<vmem>>
    %dma_start3A_67 = arith.constant 0 : i32
    %dma_start3A_68 = tpu.memref_slice %arg2[%dma_start3A_67, %multiple_of3A_61] : memref<32x1000000xf32, #tpu.memory_space<hbm>> -> memref<32x128xf32, #tpu.memory_space<hbm>>
    %dma_start3A_69 = arith.constant 0 : i32
    %dma_start3A_70 = arith.constant 0 : i32
    %dma_start3A_71 = tpu.memref_slice %arg14[%dma_start3A_62, %dma_start3A_69, %dma_start3A_70] : memref<4x32x128xf32, #tpu.memory_space<vmem>> -> memref<1x32x128xf32, #tpu.memory_space<vmem>>
    %dma_start3A_72 = tpu.memref_squeeze %dma_start3A_71 : memref<1x32x128xf32, #tpu.memory_space<vmem>> -> memref<32x128xf32, #tpu.memory_space<vmem>>
    %dma_start3A_73 = arith.constant 0 : i32
    %dma_start3A_74 = tpu.memref_slice %arg2[%dma_start3A_73, %multiple_of3A_61] : memref<32x1000000xf32, #tpu.memory_space<hbm>> -> memref<32x128xf32, #tpu.memory_space<hbm>>
    tpu.enqueue_dma source(%dma_start3A_74 : memref<32x128xf32, #tpu.memory_space<hbm>>) target(%dma_start3A_72 : memref<32x128xf32, #tpu.memory_space<vmem>>) target_semaphore(%arg20 : memref<!tpu.dma_semaphore, #tpu.memory_space<semaphore_mem>>)
    %get3A_75 = arith.constant 4 : index
    %get3A_76 = tpu.vector_load %arg10[%get3A_75] {strides = array<i32>} : memref<528xi32, #tpu.memory_space<vmem>>, vector<16xi32>,
    %slice3A_77 = vector.extract_strided_slice %get3A_76 {offsets = [0], sizes = [1], strides = [1]} : vector<16xi32> to vector<1xi32>
    %squeeze3A_78 = vector.extract %slice3A_77[0] : i32 from vector<1xi32>
    %multiple_of3A_79 = tpu.assume_multiple %squeeze3A_78, 128 : i32
    %dma_start3A_80 = arith.constant 0 : i32
    %dma_start3A_81 = arith.constant 0 : i32
    %dma_start3A_82 = arith.constant 0 : i32
    %dma_start3A_83 = tpu.memref_slice %arg15[%dma_start3A_80, %dma_start3A_81, %dma_start3A_82] : memref<4x32x128xf32, #tpu.memory_space<vmem>> -> memref<1x32x128xf32, #tpu.memory_space<vmem>>
    %dma_start3A_84 = tpu.memref_squeeze %dma_start3A_83 : memref<1x32x128xf32, #tpu.memory_space<vmem>> -> memref<32x128xf32, #tpu.memory_space<vmem>>
    %dma_start3A_85 = arith.constant 0 : i32
    %dma_start3A_86 = tpu.memref_slice %arg2[%dma_start3A_85, %multiple_of3A_79] : memref<32x1000000xf32, #tpu.memory_space<hbm>> -> memref<32x128xf32, #tpu.memory_space<hbm>>
    %dma_start3A_87 = arith.constant 0 : i32
    %dma_start3A_88 = arith.constant 0 : i32
    %dma_start3A_89 = tpu.memref_slice %arg15[%dma_start3A_80, %dma_start3A_87, %dma_start3A_88] : memref<4x32x128xf32, #tpu.memory_space<vmem>> -> memref<1x32x128xf32, #tpu.memory_space<vmem>>
    %dma_start3A_90 = tpu.memref_squeeze %dma_start3A_89 : memref<1x32x128xf32, #tpu.memory_space<vmem>> -> memref<32x128xf32, #tpu.memory_space<vmem>>
    %dma_start3A_91 = arith.constant 0 : i32
    %dma_start3A_92 = tpu.memref_slice %arg2[%dma_start3A_91, %multiple_of3A_79] : memref<32x1000000xf32, #tpu.memory_space<hbm>> -> memref<32x128xf32, #tpu.memory_space<hbm>>
    tpu.enqueue_dma source(%dma_start3A_92 : memref<32x128xf32, #tpu.memory_space<hbm>>) target(%dma_start3A_90 : memref<32x128xf32, #tpu.memory_space<vmem>>) target_semaphore(%arg21 : memref<!tpu.dma_semaphore, #tpu.memory_space<semaphore_mem>>)
    %slice3A_93 = vector.extract_strided_slice %get3A_76 {offsets = [1], sizes = [1], strides = [1]} : vector<16xi32> to vector<1xi32>
    %squeeze3A_94 = vector.extract %slice3A_93[0] : i32 from vector<1xi32>
    %multiple_of3A_95 = tpu.assume_multiple %squeeze3A_94, 128 : i32
    %dma_start3A_96 = arith.constant 1 : i32
    %dma_start3A_97 = arith.constant 0 : i32
    %dma_start3A_98 = arith.constant 0 : i32
    %dma_start3A_99 = tpu.memref_slice %arg15[%dma_start3A_96, %dma_start3A_97, %dma_start3A_98] : memref<4x32x128xf32, #tpu.memory_space<vmem>> -> memref<1x32x128xf32, #tpu.memory_space<vmem>>
    %dma_start3A_100 = tpu.memref_squeeze %dma_start3A_99 : memref<1x32x128xf32, #tpu.memory_space<vmem>> -> memref<32x128xf32, #tpu.memory_space<vmem>>
    %dma_start3A_101 = arith.constant 0 : i32
    %dma_start3A_102 = tpu.memref_slice %arg2[%dma_start3A_101, %multiple_of3A_95] : memref<32x1000000xf32, #tpu.memory_space<hbm>> -> memref<32x128xf32, #tpu.memory_space<hbm>>
    %dma_start3A_103 = arith.constant 0 : i32
    %dma_start3A_104 = arith.constant 0 : i32
    %dma_start3A_105 = tpu.memref_slice %arg15[%dma_start3A_96, %dma_start3A_103, %dma_start3A_104] : memref<4x32x128xf32, #tpu.memory_space<vmem>> -> memref<1x32x128xf32, #tpu.memory_space<vmem>>
    %dma_start3A_106 = tpu.memref_squeeze %dma_start3A_105 : memref<1x32x128xf32, #tpu.memory_space<vmem>> -> memref<32x128xf32, #tpu.memory_space<vmem>>
    %dma_start3A_107 = arith.constant 0 : i32
    %dma_start3A_108 = tpu.memref_slice %arg2[%dma_start3A_107, %multiple_of3A_95] : memref<32x1000000xf32, #tpu.memory_space<hbm>> -> memref<32x128xf32, #tpu.memory_space<hbm>>
    tpu.enqueue_dma source(%dma_start3A_108 : memref<32x128xf32, #tpu.memory_space<hbm>>) target(%dma_start3A_106 : memref<32x128xf32, #tpu.memory_space<vmem>>) target_semaphore(%arg21 : memref<!tpu.dma_semaphore, #tpu.memory_space<semaphore_mem>>)
    %slice3A_109 = vector.extract_strided_slice %get3A_76 {offsets = [2], sizes = [1], strides = [1]} : vector<16xi32> to vector<1xi32>
    %squeeze3A_110 = vector.extract %slice3A_109[0] : i32 from vector<1xi32>
    %multiple_of3A_111 = tpu.assume_multiple %squeeze3A_110, 128 : i32
    %dma_start3A_112 = arith.constant 2 : i32
    %dma_start3A_113 = arith.constant 0 : i32
    %dma_start3A_114 = arith.constant 0 : i32
    %dma_start3A_115 = tpu.memref_slice %arg15[%dma_start3A_112, %dma_start3A_113, %dma_start3A_114] : memref<4x32x128xf32, #tpu.memory_space<vmem>> -> memref<1x32x128xf32, #tpu.memory_space<vmem>>
    %dma_start3A_116 = tpu.memref_squeeze %dma_start3A_115 : memref<1x32x128xf32, #tpu.memory_space<vmem>> -> memref<32x128xf32, #tpu.memory_space<vmem>>
    %dma_start3A_117 = arith.constant 0 : i32
    %dma_start3A_118 = tpu.memref_slice %arg2[%dma_start3A_117, %multiple_of3A_111] : memref<32x1000000xf32, #tpu.memory_space<hbm>> -> memref<32x128xf32, #tpu.memory_space<hbm>>
    %dma_start3A_119 = arith.constant 0 : i32
    %dma_start3A_120 = arith.constant 0 : i32
    %dma_start3A_121 = tpu.memref_slice %arg15[%dma_start3A_112, %dma_start3A_119, %dma_start3A_120] : memref<4x32x128xf32, #tpu.memory_space<vmem>> -> memref<1x32x128xf32, #tpu.memory_space<vmem>>
    %dma_start3A_122 = tpu.memref_squeeze %dma_start3A_121 : memref<1x32x128xf32, #tpu.memory_space<vmem>> -> memref<32x128xf32, #tpu.memory_space<vmem>>
    %dma_start3A_123 = arith.constant 0 : i32
    %dma_start3A_124 = tpu.memref_slice %arg2[%dma_start3A_123, %multiple_of3A_111] : memref<32x1000000xf32, #tpu.memory_space<hbm>> -> memref<32x128xf32, #tpu.memory_space<hbm>>
    tpu.enqueue_dma source(%dma_start3A_124 : memref<32x128xf32, #tpu.memory_space<hbm>>) target(%dma_start3A_122 : memref<32x128xf32, #tpu.memory_space<vmem>>) target_semaphore(%arg21 : memref<!tpu.dma_semaphore, #tpu.memory_space<semaphore_mem>>)
    %slice3A_125 = vector.extract_strided_slice %get3A_76 {offsets = [3], sizes = [1], strides = [1]} : vector<16xi32> to vector<1xi32>
    %squeeze3A_126 = vector.extract %slice3A_125[0] : i32 from vector<1xi32>
    %multiple_of3A_127 = tpu.assume_multiple %squeeze3A_126, 128 : i32
    %dma_start3A_128 = arith.constant 3 : i32
    %dma_start3A_129 = arith.constant 0 : i32
    %dma_start3A_130 = arith.constant 0 : i32
    %dma_start3A_131 = tpu.memref_slice %arg15[%dma_start3A_128, %dma_start3A_129, %dma_start3A_130] : memref<4x32x128xf32, #tpu.memory_space<vmem>> -> memref<1x32x128xf32, #tpu.memory_space<vmem>>
    %dma_start3A_132 = tpu.memref_squeeze %dma_start3A_131 : memref<1x32x128xf32, #tpu.memory_space<vmem>> -> memref<32x128xf32, #tpu.memory_space<vmem>>
    %dma_start3A_133 = arith.constant 0 : i32
    %dma_start3A_134 = tpu.memref_slice %arg2[%dma_start3A_133, %multiple_of3A_127] : memref<32x1000000xf32, #tpu.memory_space<hbm>> -> memref<32x128xf32, #tpu.memory_space<hbm>>
    %dma_start3A_135 = arith.constant 0 : i32
    %dma_start3A_136 = arith.constant 0 : i32
    %dma_start3A_137 = tpu.memref_slice %arg15[%dma_start3A_128, %dma_start3A_135, %dma_start3A_136] : memref<4x32x128xf32, #tpu.memory_space<vmem>> -> memref<1x32x128xf32, #tpu.memory_space<vmem>>
    %dma_start3A_138 = tpu.memref_squeeze %dma_start3A_137 : memref<1x32x128xf32, #tpu.memory_space<vmem>> -> memref<32x128xf32, #tpu.memory_space<vmem>>
    %dma_start3A_139 = arith.constant 0 : i32
    %dma_start3A_140 = tpu.memref_slice %arg2[%dma_start3A_139, %multiple_of3A_127] : memref<32x1000000xf32, #tpu.memory_space<hbm>> -> memref<32x128xf32, #tpu.memory_space<hbm>>
    tpu.enqueue_dma source(%dma_start3A_140 : memref<32x128xf32, #tpu.memory_space<hbm>>) target(%dma_start3A_138 : memref<32x128xf32, #tpu.memory_space<vmem>>) target_semaphore(%arg21 : memref<!tpu.dma_semaphore, #tpu.memory_space<semaphore_mem>>)
    %get3A_141 = arith.constant 8 : index
    %get3A_142 = tpu.vector_load %arg10[%get3A_141] {strides = array<i32>} : memref<528xi32, #tpu.memory_space<vmem>>, vector<16xi32>,
    %slice3A_143 = vector.extract_strided_slice %get3A_142 {offsets = [0], sizes = [1], strides = [1]} : vector<16xi32> to vector<1xi32>
    %squeeze3A_144 = vector.extract %slice3A_143[0] : i32 from vector<1xi32>
    %multiple_of3A_145 = tpu.assume_multiple %squeeze3A_144, 128 : i32
    %dma_start3A_146 = arith.constant 0 : i32
    %dma_start3A_147 = arith.constant 0 : i32
    %dma_start3A_148 = arith.constant 0 : i32
    %dma_start3A_149 = tpu.memref_slice %arg16[%dma_start3A_146, %dma_start3A_147, %dma_start3A_148] : memref<4x32x128xf32, #tpu.memory_space<vmem>> -> memref<1x32x128xf32, #tpu.memory_space<vmem>>
    %dma_start3A_150 = tpu.memref_squeeze %dma_start3A_149 : memref<1x32x128xf32, #tpu.memory_space<vmem>> -> memref<32x128xf32, #tpu.memory_space<vmem>>
    %dma_start3A_151 = arith.constant 0 : i32
    %dma_start3A_152 = tpu.memref_slice %arg2[%dma_start3A_151, %multiple_of3A_145] : memref<32x1000000xf32, #tpu.memory_space<hbm>> -> memref<32x128xf32, #tpu.memory_space<hbm>>
    %dma_start3A_153 = arith.constant 0 : i32
    %dma_start3A_154 = arith.constant 0 : i32
    %dma_start3A_155 = tpu.memref_slice %arg16[%dma_start3A_146, %dma_start3A_153, %dma_start3A_154] : memref<4x32x128xf32, #tpu.memory_space<vmem>> -> memref<1x32x128xf32, #tpu.memory_space<vmem>>
    %dma_start3A_156 = tpu.memref_squeeze %dma_start3A_155 : memref<1x32x128xf32, #tpu.memory_space<vmem>> -> memref<32x128xf32, #tpu.memory_space<vmem>>
    %dma_start3A_157 = arith.constant 0 : i32
    %dma_start3A_158 = tpu.memref_slice %arg2[%dma_start3A_157, %multiple_of3A_145] : memref<32x1000000xf32, #tpu.memory_space<hbm>> -> memref<32x128xf32, #tpu.memory_space<hbm>>
    tpu.enqueue_dma source(%dma_start3A_158 : memref<32x128xf32, #tpu.memory_space<hbm>>) target(%dma_start3A_156 : memref<32x128xf32, #tpu.memory_space<vmem>>) target_semaphore(%arg22 : memref<!tpu.dma_semaphore, #tpu.memory_space<semaphore_mem>>)
    %slice3A_159 = vector.extract_strided_slice %get3A_142 {offsets = [1], sizes = [1], strides = [1]} : vector<16xi32> to vector<1xi32>
    %squeeze3A_160 = vector.extract %slice3A_159[0] : i32 from vector<1xi32>
    %multiple_of3A_161 = tpu.assume_multiple %squeeze3A_160, 128 : i32
    %dma_start3A_162 = arith.constant 1 : i32
    %dma_start3A_163 = arith.constant 0 : i32
    %dma_start3A_164 = arith.constant 0 : i32
    %dma_start3A_165 = tpu.memref_slice %arg16[%dma_start3A_162, %dma_start3A_163, %dma_start3A_164] : memref<4x32x128xf32, #tpu.memory_space<vmem>> -> memref<1x32x128xf32, #tpu.memory_space<vmem>>
    %dma_start3A_166 = tpu.memref_squeeze %dma_start3A_165 : memref<1x32x128xf32, #tpu.memory_space<vmem>> -> memref<32x128xf32, #tpu.memory_space<vmem>>
    %dma_start3A_167 = arith.constant 0 : i32
    %dma_start3A_168 = tpu.memref_slice %arg2[%dma_start3A_167, %multiple_of3A_161] : memref<32x1000000xf32, #tpu.memory_space<hbm>> -> memref<32x128xf32, #tpu.memory_space<hbm>>
    %dma_start3A_169 = arith.constant 0 : i32
    %dma_start3A_170 = arith.constant 0 : i32
    %dma_start3A_171 = tpu.memref_slice %arg16[%dma_start3A_162, %dma_start3A_169, %dma_start3A_170] : memref<4x32x128xf32, #tpu.memory_space<vmem>> -> memref<1x32x128xf32, #tpu.memory_space<vmem>>
    %dma_start3A_172 = tpu.memref_squeeze %dma_start3A_171 : memref<1x32x128xf32, #tpu.memory_space<vmem>> -> memref<32x128xf32, #tpu.memory_space<vmem>>
    %dma_start3A_173 = arith.constant 0 : i32
    %dma_start3A_174 = tpu.memref_slice %arg2[%dma_start3A_173, %multiple_of3A_161] : memref<32x1000000xf32, #tpu.memory_space<hbm>> -> memref<32x128xf32, #tpu.memory_space<hbm>>
    tpu.enqueue_dma source(%dma_start3A_174 : memref<32x128xf32, #tpu.memory_space<hbm>>) target(%dma_start3A_172 : memref<32x128xf32, #tpu.memory_space<vmem>>) target_semaphore(%arg22 : memref<!tpu.dma_semaphore, #tpu.memory_space<semaphore_mem>>)
    %slice3A_175 = vector.extract_strided_slice %get3A_142 {offsets = [2], sizes = [1], strides = [1]} : vector<16xi32> to vector<1xi32>
    %squeeze3A_176 = vector.extract %slice3A_175[0] : i32 from vector<1xi32>
    %multiple_of3A_177 = tpu.assume_multiple %squeeze3A_176, 128 : i32
    %dma_start3A_178 = arith.constant 2 : i32
    %dma_start3A_179 = arith.constant 0 : i32
    %dma_start3A_180 = arith.constant 0 : i32
    %dma_start3A_181 = tpu.memref_slice %arg16[%dma_start3A_178, %dma_start3A_179, %dma_start3A_180] : memref<4x32x128xf32, #tpu.memory_space<vmem>> -> memref<1x32x128xf32, #tpu.memory_space<vmem>>
    %dma_start3A_182 = tpu.memref_squeeze %dma_start3A_181 : memref<1x32x128xf32, #tpu.memory_space<vmem>> -> memref<32x128xf32, #tpu.memory_space<vmem>>
    %dma_start3A_183 = arith.constant 0 : i32
    %dma_start3A_184 = tpu.memref_slice %arg2[%dma_start3A_183, %multiple_of3A_177] : memref<32x1000000xf32, #tpu.memory_space<hbm>> -> memref<32x128xf32, #tpu.memory_space<hbm>>
    %dma_start3A_185 = arith.constant 0 : i32
    %dma_start3A_186 = arith.constant 0 : i32
    %dma_start3A_187 = tpu.memref_slice %arg16[%dma_start3A_178, %dma_start3A_185, %dma_start3A_186] : memref<4x32x128xf32, #tpu.memory_space<vmem>> -> memref<1x32x128xf32, #tpu.memory_space<vmem>>
    %dma_start3A_188 = tpu.memref_squeeze %dma_start3A_187 : memref<1x32x128xf32, #tpu.memory_space<vmem>> -> memref<32x128xf32, #tpu.memory_space<vmem>>
    %dma_start3A_189 = arith.constant 0 : i32
    %dma_start3A_190 = tpu.memref_slice %arg2[%dma_start3A_189, %multiple_of3A_177] : memref<32x1000000xf32, #tpu.memory_space<hbm>> -> memref<32x128xf32, #tpu.memory_space<hbm>>
    tpu.enqueue_dma source(%dma_start3A_190 : memref<32x128xf32, #tpu.memory_space<hbm>>) target(%dma_start3A_188 : memref<32x128xf32, #tpu.memory_space<vmem>>) target_semaphore(%arg22 : memref<!tpu.dma_semaphore, #tpu.memory_space<semaphore_mem>>)
    %slice3A_191 = vector.extract_strided_slice %get3A_142 {offsets = [3], sizes = [1], strides = [1]} : vector<16xi32> to vector<1xi32>
    %squeeze3A_192 = vector.extract %slice3A_191[0] : i32 from vector<1xi32>
    %multiple_of3A_193 = tpu.assume_multiple %squeeze3A_192, 128 : i32
    %dma_start3A_194 = arith.constant 3 : i32
    %dma_start3A_195 = arith.constant 0 : i32
    %dma_start3A_196 = arith.constant 0 : i32
    %dma_start3A_197 = tpu.memref_slice %arg16[%dma_start3A_194, %dma_start3A_195, %dma_start3A_196] : memref<4x32x128xf32, #tpu.memory_space<vmem>> -> memref<1x32x128xf32, #tpu.memory_space<vmem>>
    %dma_start3A_198 = tpu.memref_squeeze %dma_start3A_197 : memref<1x32x128xf32, #tpu.memory_space<vmem>> -> memref<32x128xf32, #tpu.memory_space<vmem>>
    %dma_start3A_199 = arith.constant 0 : i32
    %dma_start3A_200 = tpu.memref_slice %arg2[%dma_start3A_199, %multiple_of3A_193] : memref<32x1000000xf32, #tpu.memory_space<hbm>> -> memref<32x128xf32, #tpu.memory_space<hbm>>
    %dma_start3A_201 = arith.constant 0 : i32
    %dma_start3A_202 = arith.constant 0 : i32
    %dma_start3A_203 = tpu.memref_slice %arg16[%dma_start3A_194, %dma_start3A_201, %dma_start3A_202] : memref<4x32x128xf32, #tpu.memory_space<vmem>> -> memref<1x32x128xf32, #tpu.memory_space<vmem>>
    %dma_start3A_204 = tpu.memref_squeeze %dma_start3A_203 : memref<1x32x128xf32, #tpu.memory_space<vmem>> -> memref<32x128xf32, #tpu.memory_space<vmem>>
    %dma_start3A_205 = arith.constant 0 : i32
    %dma_start3A_206 = tpu.memref_slice %arg2[%dma_start3A_205, %multiple_of3A_193] : memref<32x1000000xf32, #tpu.memory_space<hbm>> -> memref<32x128xf32, #tpu.memory_space<hbm>>
    tpu.enqueue_dma source(%dma_start3A_206 : memref<32x128xf32, #tpu.memory_space<hbm>>) target(%dma_start3A_204 : memref<32x128xf32, #tpu.memory_space<vmem>>) target_semaphore(%arg22 : memref<!tpu.dma_semaphore, #tpu.memory_space<semaphore_mem>>)
    %get3A_207 = arith.constant 12 : index
    %get3A_208 = tpu.vector_load %arg10[%get3A_207] {strides = array<i32>} : memref<528xi32, #tpu.memory_space<vmem>>, vector<16xi32>,
    %slice3A_209 = vector.extract_strided_slice %get3A_208 {offsets = [0], sizes = [1], strides = [1]} : vector<16xi32> to vector<1xi32>
    %squeeze3A_210 = vector.extract %slice3A_209[0] : i32 from vector<1xi32>
    %multiple_of3A_211 = tpu.assume_multiple %squeeze3A_210, 128 : i32
    %dma_start3A_212 = arith.constant 0 : i32
    %dma_start3A_213 = arith.constant 0 : i32
    %dma_start3A_214 = arith.constant 0 : i32
    %dma_start3A_215 = tpu.memref_slice %arg17[%dma_start3A_212, %dma_start3A_213, %dma_start3A_214] : memref<4x32x128xf32, #tpu.memory_space<vmem>> -> memref<1x32x128xf32, #tpu.memory_space<vmem>>
    %dma_start3A_216 = tpu.memref_squeeze %dma_start3A_215 : memref<1x32x128xf32, #tpu.memory_space<vmem>> -> memref<32x128xf32, #tpu.memory_space<vmem>>
    %dma_start3A_217 = arith.constant 0 : i32
    %dma_start3A_218 = tpu.memref_slice %arg2[%dma_start3A_217, %multiple_of3A_211] : memref<32x1000000xf32, #tpu.memory_space<hbm>> -> memref<32x128xf32, #tpu.memory_space<hbm>>
    %dma_start3A_219 = arith.constant 0 : i32
    %dma_start3A_220 = arith.constant 0 : i32
    %dma_start3A_221 = tpu.memref_slice %arg17[%dma_start3A_212, %dma_start3A_219, %dma_start3A_220] : memref<4x32x128xf32, #tpu.memory_space<vmem>> -> memref<1x32x128xf32, #tpu.memory_space<vmem>>
    %dma_start3A_222 = tpu.memref_squeeze %dma_start3A_221 : memref<1x32x128xf32, #tpu.memory_space<vmem>> -> memref<32x128xf32, #tpu.memory_space<vmem>>
    %dma_start3A_223 = arith.constant 0 : i32
    %dma_start3A_224 = tpu.memref_slice %arg2[%dma_start3A_223, %multiple_of3A_211] : memref<32x1000000xf32, #tpu.memory_space<hbm>> -> memref<32x128xf32, #tpu.memory_space<hbm>>
    tpu.enqueue_dma source(%dma_start3A_224 : memref<32x128xf32, #tpu.memory_space<hbm>>) target(%dma_start3A_222 : memref<32x128xf32, #tpu.memory_space<vmem>>) target_semaphore(%arg23 : memref<!tpu.dma_semaphore, #tpu.memory_space<semaphore_mem>>)
    %slice3A_225 = vector.extract_strided_slice %get3A_208 {offsets = [1], sizes = [1], strides = [1]} : vector<16xi32> to vector<1xi32>
    %squeeze3A_226 = vector.extract %slice3A_225[0] : i32 from vector<1xi32>
    %multiple_of3A_227 = tpu.assume_multiple %squeeze3A_226, 128 : i32
    %dma_start3A_228 = arith.constant 1 : i32
    %dma_start3A_229 = arith.constant 0 : i32
    %dma_start3A_230 = arith.constant 0 : i32
    %dma_start3A_231 = tpu.memref_slice %arg17[%dma_start3A_228, %dma_start3A_229, %dma_start3A_230] : memref<4x32x128xf32, #tpu.memory_space<vmem>> -> memref<1x32x128xf32, #tpu.memory_space<vmem>>
    %dma_start3A_232 = tpu.memref_squeeze %dma_start3A_231 : memref<1x32x128xf32, #tpu.memory_space<vmem>> -> memref<32x128xf32, #tpu.memory_space<vmem>>
    %dma_start3A_233 = arith.constant 0 : i32
    %dma_start3A_234 = tpu.memref_slice %arg2[%dma_start3A_233, %multiple_of3A_227] : memref<32x1000000xf32, #tpu.memory_space<hbm>> -> memref<32x128xf32, #tpu.memory_space<hbm>>
    %dma_start3A_235 = arith.constant 0 : i32
    %dma_start3A_236 = arith.constant 0 : i32
    %dma_start3A_237 = tpu.memref_slice %arg17[%dma_start3A_228, %dma_start3A_235, %dma_start3A_236] : memref<4x32x128xf32, #tpu.memory_space<vmem>> -> memref<1x32x128xf32, #tpu.memory_space<vmem>>
    %dma_start3A_238 = tpu.memref_squeeze %dma_start3A_237 : memref<1x32x128xf32, #tpu.memory_space<vmem>> -> memref<32x128xf32, #tpu.memory_space<vmem>>
    %dma_start3A_239 = arith.constant 0 : i32
    %dma_start3A_240 = tpu.memref_slice %arg2[%dma_start3A_239, %multiple_of3A_227] : memref<32x1000000xf32, #tpu.memory_space<hbm>> -> memref<32x128xf32, #tpu.memory_space<hbm>>
    tpu.enqueue_dma source(%dma_start3A_240 : memref<32x128xf32, #tpu.memory_space<hbm>>) target(%dma_start3A_238 : memref<32x128xf32, #tpu.memory_space<vmem>>) target_semaphore(%arg23 : memref<!tpu.dma_semaphore, #tpu.memory_space<semaphore_mem>>)
    %slice3A_241 = vector.extract_strided_slice %get3A_208 {offsets = [2], sizes = [1], strides = [1]} : vector<16xi32> to vector<1xi32>
    %squeeze3A_242 = vector.extract %slice3A_241[0] : i32 from vector<1xi32>
    %multiple_of3A_243 = tpu.assume_multiple %squeeze3A_242, 128 : i32
    %dma_start3A_244 = arith.constant 2 : i32
    %dma_start3A_245 = arith.constant 0 : i32
    %dma_start3A_246 = arith.constant 0 : i32
    %dma_start3A_247 = tpu.memref_slice %arg17[%dma_start3A_244, %dma_start3A_245, %dma_start3A_246] : memref<4x32x128xf32, #tpu.memory_space<vmem>> -> memref<1x32x128xf32, #tpu.memory_space<vmem>>
    %dma_start3A_248 = tpu.memref_squeeze %dma_start3A_247 : memref<1x32x128xf32, #tpu.memory_space<vmem>> -> memref<32x128xf32, #tpu.memory_space<vmem>>
    %dma_start3A_249 = arith.constant 0 : i32
    %dma_start3A_250 = tpu.memref_slice %arg2[%dma_start3A_249, %multiple_of3A_243] : memref<32x1000000xf32, #tpu.memory_space<hbm>> -> memref<32x128xf32, #tpu.memory_space<hbm>>
    %dma_start3A_251 = arith.constant 0 : i32
    %dma_start3A_252 = arith.constant 0 : i32
    %dma_start3A_253 = tpu.memref_slice %arg17[%dma_start3A_244, %dma_start3A_251, %dma_start3A_252] : memref<4x32x128xf32, #tpu.memory_space<vmem>> -> memref<1x32x128xf32, #tpu.memory_space<vmem>>
    %dma_start3A_254 = tpu.memref_squeeze %dma_start3A_253 : memref<1x32x128xf32, #tpu.memory_space<vmem>> -> memref<32x128xf32, #tpu.memory_space<vmem>>
    %dma_start3A_255 = arith.constant 0 : i32
    %dma_start3A_256 = tpu.memref_slice %arg2[%dma_start3A_255, %multiple_of3A_243] : memref<32x1000000xf32, #tpu.memory_space<hbm>> -> memref<32x128xf32, #tpu.memory_space<hbm>>
    tpu.enqueue_dma source(%dma_start3A_256 : memref<32x128xf32, #tpu.memory_space<hbm>>) target(%dma_start3A_254 : memref<32x128xf32, #tpu.memory_space<vmem>>) target_semaphore(%arg23 : memref<!tpu.dma_semaphore, #tpu.memory_space<semaphore_mem>>)
    %slice3A_257 = vector.extract_strided_slice %get3A_208 {offsets = [3], sizes = [1], strides = [1]} : vector<16xi32> to vector<1xi32>
    %squeeze3A_258 = vector.extract %slice3A_257[0] : i32 from vector<1xi32>
    %multiple_of3A_259 = tpu.assume_multiple %squeeze3A_258, 128 : i32
    %dma_start3A_260 = arith.constant 3 : i32
    %dma_start3A_261 = arith.constant 0 : i32
    %dma_start3A_262 = arith.constant 0 : i32
    %dma_start3A_263 = tpu.memref_slice %arg17[%dma_start3A_260, %dma_start3A_261, %dma_start3A_262] : memref<4x32x128xf32, #tpu.memory_space<vmem>> -> memref<1x32x128xf32, #tpu.memory_space<vmem>>
    %dma_start3A_264 = tpu.memref_squeeze %dma_start3A_263 : memref<1x32x128xf32, #tpu.memory_space<vmem>> -> memref<32x128xf32, #tpu.memory_space<vmem>>
    %dma_start3A_265 = arith.constant 0 : i32
    %dma_start3A_266 = tpu.memref_slice %arg2[%dma_start3A_265, %multiple_of3A_259] : memref<32x1000000xf32, #tpu.memory_space<hbm>> -> memref<32x128xf32, #tpu.memory_space<hbm>>
    %dma_start3A_267 = arith.constant 0 : i32
    %dma_start3A_268 = arith.constant 0 : i32
    %dma_start3A_269 = tpu.memref_slice %arg17[%dma_start3A_260, %dma_start3A_267, %dma_start3A_268] : memref<4x32x128xf32, #tpu.memory_space<vmem>> -> memref<1x32x128xf32, #tpu.memory_space<vmem>>
    %dma_start3A_270 = tpu.memref_squeeze %dma_start3A_269 : memref<1x32x128xf32, #tpu.memory_space<vmem>> -> memref<32x128xf32, #tpu.memory_space<vmem>>
    %dma_start3A_271 = arith.constant 0 : i32
    %dma_start3A_272 = tpu.memref_slice %arg2[%dma_start3A_271, %multiple_of3A_259] : memref<32x1000000xf32, #tpu.memory_space<hbm>> -> memref<32x128xf32, #tpu.memory_space<hbm>>
    tpu.enqueue_dma source(%dma_start3A_272 : memref<32x128xf32, #tpu.memory_space<hbm>>) target(%dma_start3A_270 : memref<32x128xf32, #tpu.memory_space<vmem>>) target_semaphore(%arg23 : memref<!tpu.dma_semaphore, #tpu.memory_space<semaphore_mem>>)
    %scan3A_273 = arith.constant 0 : i32
    %scan3A_274 = arith.constant 0 : i32
    %scan3A_275 = arith.constant 31 : i32
    %scan3A_276 = arith.addi %scan3A_274, %scan3A_275 : i32
    %scan3A_277 = arith.constant 1 : i32
    %scan3A_278 = scf.for %scan3A_1558 = %scan3A_274 to %scan3A_276 step %scan3A_277 iter_args(%scan3A_1559 = %scan3A_273) -> (i32)  : i32 {
      %mul3A_1560 = arith.constant 4 : i32
      %mul3A_1561 = arith.muli %mul3A_1560, %scan3A_1558 : i32
      %dma_wait3A_1562 = arith.constant 0 : i32
      %dma_wait3A_1563 = arith.constant 0 : i32
      %dma_wait3A_1564 = arith.constant 0 : i32
      %dma_wait3A_1565 = tpu.memref_slice %arg14[%dma_wait3A_1562, %dma_wait3A_1563, %dma_wait3A_1564] : memref<4x32x128xf32, #tpu.memory_space<vmem>> -> memref<1x32x128xf32, #tpu.memory_space<vmem>>
      %dma_wait3A_1566 = tpu.memref_squeeze %dma_wait3A_1565 : memref<1x32x128xf32, #tpu.memory_space<vmem>> -> memref<32x128xf32, #tpu.memory_space<vmem>>
      %dma_wait3A_1567 = arith.constant 0 : i32
      %dma_wait3A_1568 = arith.constant 0 : i32
      %dma_wait3A_1569 = tpu.memref_slice %arg2[%dma_wait3A_1567, %dma_wait3A_1568] : memref<32x1000000xf32, #tpu.memory_space<hbm>> -> memref<32x128xf32, #tpu.memory_space<hbm>>
      %dma_wait3A_1570 = arith.constant 0 : i32
      %dma_wait3A_1571 = arith.constant 0 : i32
      %dma_wait3A_1572 = tpu.memref_slice %arg14[%dma_wait3A_1562, %dma_wait3A_1570, %dma_wait3A_1571] : memref<4x32x128xf32, #tpu.memory_space<vmem>> -> memref<1x32x128xf32, #tpu.memory_space<vmem>>
      %dma_wait3A_1573 = tpu.memref_squeeze %dma_wait3A_1572 : memref<1x32x128xf32, #tpu.memory_space<vmem>> -> memref<32x128xf32, #tpu.memory_space<vmem>>
      %dma_wait3A_1574 = arith.constant 0 : i32
      %dma_wait3A_1575 = arith.constant 0 : i32
      %dma_wait3A_1576 = tpu.memref_slice %arg2[%dma_wait3A_1574, %dma_wait3A_1575] : memref<32x1000000xf32, #tpu.memory_space<hbm>> -> memref<32x128xf32, #tpu.memory_space<hbm>>
      tpu.wait_dma2 semaphore(%arg20 : memref<!tpu.dma_semaphore, #tpu.memory_space<semaphore_mem>>) src(%dma_wait3A_1576 : memref<32x128xf32, #tpu.memory_space<hbm>>) dst(%dma_wait3A_1573 : memref<32x128xf32, #tpu.memory_space<vmem>>)
      %dma_wait3A_1577 = arith.constant 1 : i32
      %dma_wait3A_1578 = arith.constant 0 : i32
      %dma_wait3A_1579 = arith.constant 0 : i32
      %dma_wait3A_1580 = tpu.memref_slice %arg14[%dma_wait3A_1577, %dma_wait3A_1578, %dma_wait3A_1579] : memref<4x32x128xf32, #tpu.memory_space<vmem>> -> memref<1x32x128xf32, #tpu.memory_space<vmem>>
      %dma_wait3A_1581 = tpu.memref_squeeze %dma_wait3A_1580 : memref<1x32x128xf32, #tpu.memory_space<vmem>> -> memref<32x128xf32, #tpu.memory_space<vmem>>
      %dma_wait3A_1582 = arith.constant 0 : i32
      %dma_wait3A_1583 = arith.constant 0 : i32
      %dma_wait3A_1584 = tpu.memref_slice %arg2[%dma_wait3A_1582, %dma_wait3A_1583] : memref<32x1000000xf32, #tpu.memory_space<hbm>> -> memref<32x128xf32, #tpu.memory_space<hbm>>
      %dma_wait3A_1585 = arith.constant 0 : i32
      %dma_wait3A_1586 = arith.constant 0 : i32
      %dma_wait3A_1587 = tpu.memref_slice %arg14[%dma_wait3A_1577, %dma_wait3A_1585, %dma_wait3A_1586] : memref<4x32x128xf32, #tpu.memory_space<vmem>> -> memref<1x32x128xf32, #tpu.memory_space<vmem>>
      %dma_wait3A_1588 = tpu.memref_squeeze %dma_wait3A_1587 : memref<1x32x128xf32, #tpu.memory_space<vmem>> -> memref<32x128xf32, #tpu.memory_space<vmem>>
      %dma_wait3A_1589 = arith.constant 0 : i32
      %dma_wait3A_1590 = arith.constant 0 : i32
      %dma_wait3A_1591 = tpu.memref_slice %arg2[%dma_wait3A_1589, %dma_wait3A_1590] : memref<32x1000000xf32, #tpu.memory_space<hbm>> -> memref<32x128xf32, #tpu.memory_space<hbm>>
      tpu.wait_dma2 semaphore(%arg20 : memref<!tpu.dma_semaphore, #tpu.memory_space<semaphore_mem>>) src(%dma_wait3A_1591 : memref<32x128xf32, #tpu.memory_space<hbm>>) dst(%dma_wait3A_1588 : memref<32x128xf32, #tpu.memory_space<vmem>>)
      %dma_wait3A_1592 = arith.constant 2 : i32
      %dma_wait3A_1593 = arith.constant 0 : i32
      %dma_wait3A_1594 = arith.constant 0 : i32
      %dma_wait3A_1595 = tpu.memref_slice %arg14[%dma_wait3A_1592, %dma_wait3A_1593, %dma_wait3A_1594] : memref<4x32x128xf32, #tpu.memory_space<vmem>> -> memref<1x32x128xf32, #tpu.memory_space<vmem>>
      %dma_wait3A_1596 = tpu.memref_squeeze %dma_wait3A_1595 : memref<1x32x128xf32, #tpu.memory_space<vmem>> -> memref<32x128xf32, #tpu.memory_space<vmem>>
      %dma_wait3A_1597 = arith.constant 0 : i32
      %dma_wait3A_1598 = arith.constant 0 : i32
      %dma_wait3A_1599 = tpu.memref_slice %arg2[%dma_wait3A_1597, %dma_wait3A_1598] : memref<32x1000000xf32, #tpu.memory_space<hbm>> -> memref<32x128xf32, #tpu.memory_space<hbm>>
      %dma_wait3A_1600 = arith.constant 0 : i32
      %dma_wait3A_1601 = arith.constant 0 : i32
      %dma_wait3A_1602 = tpu.memref_slice %arg14[%dma_wait3A_1592, %dma_wait3A_1600, %dma_wait3A_1601] : memref<4x32x128xf32, #tpu.memory_space<vmem>> -> memref<1x32x128xf32, #tpu.memory_space<vmem>>
      %dma_wait3A_1603 = tpu.memref_squeeze %dma_wait3A_1602 : memref<1x32x128xf32, #tpu.memory_space<vmem>> -> memref<32x128xf32, #tpu.memory_space<vmem>>
      %dma_wait3A_1604 = arith.constant 0 : i32
      %dma_wait3A_1605 = arith.constant 0 : i32
      %dma_wait3A_1606 = tpu.memref_slice %arg2[%dma_wait3A_1604, %dma_wait3A_1605] : memref<32x1000000xf32, #tpu.memory_space<hbm>> -> memref<32x128xf32, #tpu.memory_space<hbm>>
      tpu.wait_dma2 semaphore(%arg20 : memref<!tpu.dma_semaphore, #tpu.memory_space<semaphore_mem>>) src(%dma_wait3A_1606 : memref<32x128xf32, #tpu.memory_space<hbm>>) dst(%dma_wait3A_1603 : memref<32x128xf32, #tpu.memory_space<vmem>>)
      %dma_wait3A_1607 = arith.constant 3 : i32
      %dma_wait3A_1608 = arith.constant 0 : i32
      %dma_wait3A_1609 = arith.constant 0 : i32
      %dma_wait3A_1610 = tpu.memref_slice %arg14[%dma_wait3A_1607, %dma_wait3A_1608, %dma_wait3A_1609] : memref<4x32x128xf32, #tpu.memory_space<vmem>> -> memref<1x32x128xf32, #tpu.memory_space<vmem>>
      %dma_wait3A_1611 = tpu.memref_squeeze %dma_wait3A_1610 : memref<1x32x128xf32, #tpu.memory_space<vmem>> -> memref<32x128xf32, #tpu.memory_space<vmem>>
      %dma_wait3A_1612 = arith.constant 0 : i32
      %dma_wait3A_1613 = arith.constant 0 : i32
      %dma_wait3A_1614 = tpu.memref_slice %arg2[%dma_wait3A_1612, %dma_wait3A_1613] : memref<32x1000000xf32, #tpu.memory_space<hbm>> -> memref<32x128xf32, #tpu.memory_space<hbm>>
      %dma_wait3A_1615 = arith.constant 0 : i32
      %dma_wait3A_1616 = arith.constant 0 : i32
      %dma_wait3A_1617 = tpu.memref_slice %arg14[%dma_wait3A_1607, %dma_wait3A_1615, %dma_wait3A_1616] : memref<4x32x128xf32, #tpu.memory_space<vmem>> -> memref<1x32x128xf32, #tpu.memory_space<vmem>>
      %dma_wait3A_1618 = tpu.memref_squeeze %dma_wait3A_1617 : memref<1x32x128xf32, #tpu.memory_space<vmem>> -> memref<32x128xf32, #tpu.memory_space<vmem>>
      %dma_wait3A_1619 = arith.constant 0 : i32
      %dma_wait3A_1620 = arith.constant 0 : i32
      %dma_wait3A_1621 = tpu.memref_slice %arg2[%dma_wait3A_1619, %dma_wait3A_1620] : memref<32x1000000xf32, #tpu.memory_space<hbm>> -> memref<32x128xf32, #tpu.memory_space<hbm>>
      tpu.wait_dma2 semaphore(%arg20 : memref<!tpu.dma_semaphore, #tpu.memory_space<semaphore_mem>>) src(%dma_wait3A_1621 : memref<32x128xf32, #tpu.memory_space<hbm>>) dst(%dma_wait3A_1618 : memref<32x128xf32, #tpu.memory_space<vmem>>)
      %add3A_1622 = arith.constant 0 : i32
      %add3A_1623 = arith.addi %mul3A_1561, %add3A_1622 : i32
      %iota3A_1624 = tpu.iota {dimensions = array<i32: 0>} : vector<16xi32>
      %add3A_1625 = arith.constant 16 : i32
      %add3A_1626 = vector.broadcast %add3A_1625 : i32 to vector<16xi32>
      %add3A_1627 = arith.addi %iota3A_1624, %add3A_1626 : vector<16xi32>
      %mul3A_1628 = arith.constant 4 : i32
      %mul3A_1629 = arith.muli %add3A_1623, %mul3A_1628 : i32
      %get3A_1630 = arith.index_cast %mul3A_1629 : i32 to index
      %get3A_1631 = tpu.vector_load %arg11[%get3A_1630] {strides = array<i32>} : memref<528xi32, #tpu.memory_space<vmem>>, vector<16xi32>,
      %slice3A_1632 = vector.extract_strided_slice %get3A_1631 {offsets = [0], sizes = [1], strides = [1]} : vector<16xi32> to vector<1xi32>
      %squeeze3A_1633 = vector.extract %slice3A_1632[0] : i32 from vector<1xi32>
      %broadcast_in_dim3A_1634 = vector.broadcast %squeeze3A_1633 : i32 to vector<16xi32>
      %broadcast_in_dim3A_1635 = arith.constant 0 : i32
      %broadcast_in_dim3A_1636 = vector.broadcast %broadcast_in_dim3A_1635 : i32 to vector<16xi32>
      %gather3A_1637 = tpu.vector_load_idx %arg14[%broadcast_in_dim3A_1636, %iota3A_1624, %broadcast_in_dim3A_1634] : memref<4x32x128xf32, #tpu.memory_space<vmem>>[vector<16xi32>, vector<16xi32>, vector<16xi32>], vector<16xf32>,
      %gather3A_1638 = tpu.vector_load_idx %arg14[%broadcast_in_dim3A_1636, %add3A_1627, %broadcast_in_dim3A_1634] : memref<4x32x128xf32, #tpu.memory_space<vmem>>[vector<16xi32>, vector<16xi32>, vector<16xi32>], vector<16xf32>,
      %swap3A_1639 = arith.index_cast %add3A_1623 : i32 to index
      %swap3A_1640 = arith.constant 0 : index
      %swap3A_1641 = tpu.vector_load %arg18[%swap3A_1639, %swap3A_1640] {strides = array<i32>} : memref<128x128xf32, #tpu.memory_space<vmem>>, vector<16xf32>,
      tpu.vector_store %arg18[%swap3A_1639, %swap3A_1640], %gather3A_1637 {strides = array<i32>} : memref<128x128xf32, #tpu.memory_space<vmem>>, vector<16xf32>,
      %swap3A_1642 = arith.index_cast %add3A_1623 : i32 to index
      %swap3A_1643 = arith.constant 16 : index
      %swap3A_1644 = tpu.vector_load %arg18[%swap3A_1642, %swap3A_1643] {strides = array<i32>} : memref<128x128xf32, #tpu.memory_space<vmem>>, vector<16xf32>,
      tpu.vector_store %arg18[%swap3A_1642, %swap3A_1643], %gather3A_1638 {strides = array<i32>} : memref<128x128xf32, #tpu.memory_space<vmem>>, vector<16xf32>,
      %slice3A_1645 = vector.extract_strided_slice %get3A_1631 {offsets = [1], sizes = [1], strides = [1]} : vector<16xi32> to vector<1xi32>
      %squeeze3A_1646 = vector.extract %slice3A_1645[0] : i32 from vector<1xi32>
      %broadcast_in_dim3A_1647 = vector.broadcast %squeeze3A_1646 : i32 to vector<16xi32>
      %broadcast_in_dim3A_1648 = arith.constant 1 : i32
      %broadcast_in_dim3A_1649 = vector.broadcast %broadcast_in_dim3A_1648 : i32 to vector<16xi32>
      %gather3A_1650 = tpu.vector_load_idx %arg14[%broadcast_in_dim3A_1649, %iota3A_1624, %broadcast_in_dim3A_1647] : memref<4x32x128xf32, #tpu.memory_space<vmem>>[vector<16xi32>, vector<16xi32>, vector<16xi32>], vector<16xf32>,
      %gather3A_1651 = tpu.vector_load_idx %arg14[%broadcast_in_dim3A_1649, %add3A_1627, %broadcast_in_dim3A_1647] : memref<4x32x128xf32, #tpu.memory_space<vmem>>[vector<16xi32>, vector<16xi32>, vector<16xi32>], vector<16xf32>,
      %swap3A_1652 = arith.index_cast %add3A_1623 : i32 to index
      %swap3A_1653 = arith.constant 32 : index
      %swap3A_1654 = tpu.vector_load %arg18[%swap3A_1652, %swap3A_1653] {strides = array<i32>} : memref<128x128xf32, #tpu.memory_space<vmem>>, vector<16xf32>,
      tpu.vector_store %arg18[%swap3A_1652, %swap3A_1653], %gather3A_1650 {strides = array<i32>} : memref<128x128xf32, #tpu.memory_space<vmem>>, vector<16xf32>,
      %swap3A_1655 = arith.index_cast %add3A_1623 : i32 to index
      %swap3A_1656 = arith.constant 48 : index
      %swap3A_1657 = tpu.vector_load %arg18[%swap3A_1655, %swap3A_1656] {strides = array<i32>} : memref<128x128xf32, #tpu.memory_space<vmem>>, vector<16xf32>,
      tpu.vector_store %arg18[%swap3A_1655, %swap3A_1656], %gather3A_1651 {strides = array<i32>} : memref<128x128xf32, #tpu.memory_space<vmem>>, vector<16xf32>,
      %slice3A_1658 = vector.extract_strided_slice %get3A_1631 {offsets = [2], sizes = [1], strides = [1]} : vector<16xi32> to vector<1xi32>
      %squeeze3A_1659 = vector.extract %slice3A_1658[0] : i32 from vector<1xi32>
      %broadcast_in_dim3A_1660 = vector.broadcast %squeeze3A_1659 : i32 to vector<16xi32>
      %broadcast_in_dim3A_1661 = arith.constant 2 : i32
      %broadcast_in_dim3A_1662 = vector.broadcast %broadcast_in_dim3A_1661 : i32 to vector<16xi32>
      %gather3A_1663 = tpu.vector_load_idx %arg14[%broadcast_in_dim3A_1662, %iota3A_1624, %broadcast_in_dim3A_1660] : memref<4x32x128xf32, #tpu.memory_space<vmem>>[vector<16xi32>, vector<16xi32>, vector<16xi32>], vector<16xf32>,
      %gather3A_1664 = tpu.vector_load_idx %arg14[%broadcast_in_dim3A_1662, %add3A_1627, %broadcast_in_dim3A_1660] : memref<4x32x128xf32, #tpu.memory_space<vmem>>[vector<16xi32>, vector<16xi32>, vector<16xi32>], vector<16xf32>,
      %swap3A_1665 = arith.index_cast %add3A_1623 : i32 to index
      %swap3A_1666 = arith.constant 64 : index
      %swap3A_1667 = tpu.vector_load %arg18[%swap3A_1665, %swap3A_1666] {strides = array<i32>} : memref<128x128xf32, #tpu.memory_space<vmem>>, vector<16xf32>,
      tpu.vector_store %arg18[%swap3A_1665, %swap3A_1666], %gather3A_1663 {strides = array<i32>} : memref<128x128xf32, #tpu.memory_space<vmem>>, vector<16xf32>,
      %swap3A_1668 = arith.index_cast %add3A_1623 : i32 to index
      %swap3A_1669 = arith.constant 80 : index
      %swap3A_1670 = tpu.vector_load %arg18[%swap3A_1668, %swap3A_1669] {strides = array<i32>} : memref<128x128xf32, #tpu.memory_space<vmem>>, vector<16xf32>,
      tpu.vector_store %arg18[%swap3A_1668, %swap3A_1669], %gather3A_1664 {strides = array<i32>} : memref<128x128xf32, #tpu.memory_space<vmem>>, vector<16xf32>,
      %slice3A_1671 = vector.extract_strided_slice %get3A_1631 {offsets = [3], sizes = [1], strides = [1]} : vector<16xi32> to vector<1xi32>
      %squeeze3A_1672 = vector.extract %slice3A_1671[0] : i32 from vector<1xi32>
      %broadcast_in_dim3A_1673 = vector.broadcast %squeeze3A_1672 : i32 to vector<16xi32>
      %broadcast_in_dim3A_1674 = arith.constant 3 : i32
      %broadcast_in_dim3A_1675 = vector.broadcast %broadcast_in_dim3A_1674 : i32 to vector<16xi32>
      %gather3A_1676 = tpu.vector_load_idx %arg14[%broadcast_in_dim3A_1675, %iota3A_1624, %broadcast_in_dim3A_1673] : memref<4x32x128xf32, #tpu.memory_space<vmem>>[vector<16xi32>, vector<16xi32>, vector<16xi32>], vector<16xf32>,
      %gather3A_1677 = tpu.vector_load_idx %arg14[%broadcast_in_dim3A_1675, %add3A_1627, %broadcast_in_dim3A_1673] : memref<4x32x128xf32, #tpu.memory_space<vmem>>[vector<16xi32>, vector<16xi32>, vector<16xi32>], vector<16xf32>,
      %swap3A_1678 = arith.index_cast %add3A_1623 : i32 to index
      %swap3A_1679 = arith.constant 96 : index
      %swap3A_1680 = tpu.vector_load %arg18[%swap3A_1678, %swap3A_1679] {strides = array<i32>} : memref<128x128xf32, #tpu.memory_space<vmem>>, vector<16xf32>,
      tpu.vector_store %arg18[%swap3A_1678, %swap3A_1679], %gather3A_1676 {strides = array<i32>} : memref<128x128xf32, #tpu.memory_space<vmem>>, vector<16xf32>,
      %swap3A_1681 = arith.index_cast %add3A_1623 : i32 to index
      %swap3A_1682 = arith.constant 112 : index
      %swap3A_1683 = tpu.vector_load %arg18[%swap3A_1681, %swap3A_1682] {strides = array<i32>} : memref<128x128xf32, #tpu.memory_space<vmem>>, vector<16xf32>,
      tpu.vector_store %arg18[%swap3A_1681, %swap3A_1682], %gather3A_1677 {strides = array<i32>} : memref<128x128xf32, #tpu.memory_space<vmem>>, vector<16xf32>,
      %add3A_1684 = arith.constant 4 : i32
      %add3A_1685 = arith.addi %mul3A_1561, %add3A_1684 : i32
      %add3A_1686 = arith.constant 0 : i32
      %add3A_1687 = arith.addi %add3A_1685, %add3A_1686 : i32
      %mul3A_1688 = arith.constant 4 : i32
      %mul3A_1689 = arith.muli %add3A_1687, %mul3A_1688 : i32
      %get3A_1690 = arith.index_cast %mul3A_1689 : i32 to index
      %get3A_1691 = tpu.vector_load %arg10[%get3A_1690] {strides = array<i32>} : memref<528xi32, #tpu.memory_space<vmem>>, vector<16xi32>,
      %slice3A_1692 = vector.extract_strided_slice %get3A_1691 {offsets = [0], sizes = [1], strides = [1]} : vector<16xi32> to vector<1xi32>
      %squeeze3A_1693 = vector.extract %slice3A_1692[0] : i32 from vector<1xi32>
      %multiple_of3A_1694 = tpu.assume_multiple %squeeze3A_1693, 128 : i32
      %dma_start3A_1695 = arith.constant 0 : i32
      %dma_start3A_1696 = arith.constant 0 : i32
      %dma_start3A_1697 = arith.constant 0 : i32
      %dma_start3A_1698 = tpu.memref_slice %arg14[%dma_start3A_1695, %dma_start3A_1696, %dma_start3A_1697] : memref<4x32x128xf32, #tpu.memory_space<vmem>> -> memref<1x32x128xf32, #tpu.memory_space<vmem>>
      %dma_start3A_1699 = tpu.memref_squeeze %dma_start3A_1698 : memref<1x32x128xf32, #tpu.memory_space<vmem>> -> memref<32x128xf32, #tpu.memory_space<vmem>>
      %dma_start3A_1700 = arith.constant 0 : i32
      %dma_start3A_1701 = tpu.memref_slice %arg2[%dma_start3A_1700, %multiple_of3A_1694] : memref<32x1000000xf32, #tpu.memory_space<hbm>> -> memref<32x128xf32, #tpu.memory_space<hbm>>
      %dma_start3A_1702 = arith.constant 0 : i32
      %dma_start3A_1703 = arith.constant 0 : i32
      %dma_start3A_1704 = tpu.memref_slice %arg14[%dma_start3A_1695, %dma_start3A_1702, %dma_start3A_1703] : memref<4x32x128xf32, #tpu.memory_space<vmem>> -> memref<1x32x128xf32, #tpu.memory_space<vmem>>
      %dma_start3A_1705 = tpu.memref_squeeze %dma_start3A_1704 : memref<1x32x128xf32, #tpu.memory_space<vmem>> -> memref<32x128xf32, #tpu.memory_space<vmem>>
      %dma_start3A_1706 = arith.constant 0 : i32
      %dma_start3A_1707 = tpu.memref_slice %arg2[%dma_start3A_1706, %multiple_of3A_1694] : memref<32x1000000xf32, #tpu.memory_space<hbm>> -> memref<32x128xf32, #tpu.memory_space<hbm>>
      tpu.enqueue_dma source(%dma_start3A_1707 : memref<32x128xf32, #tpu.memory_space<hbm>>) target(%dma_start3A_1705 : memref<32x128xf32, #tpu.memory_space<vmem>>) target_semaphore(%arg20 : memref<!tpu.dma_semaphore, #tpu.memory_space<semaphore_mem>>)
      %slice3A_1708 = vector.extract_strided_slice %get3A_1691 {offsets = [1], sizes = [1], strides = [1]} : vector<16xi32> to vector<1xi32>
      %squeeze3A_1709 = vector.extract %slice3A_1708[0] : i32 from vector<1xi32>
      %multiple_of3A_1710 = tpu.assume_multiple %squeeze3A_1709, 128 : i32
      %dma_start3A_1711 = arith.constant 1 : i32
      %dma_start3A_1712 = arith.constant 0 : i32
      %dma_start3A_1713 = arith.constant 0 : i32
      %dma_start3A_1714 = tpu.memref_slice %arg14[%dma_start3A_1711, %dma_start3A_1712, %dma_start3A_1713] : memref<4x32x128xf32, #tpu.memory_space<vmem>> -> memref<1x32x128xf32, #tpu.memory_space<vmem>>
      %dma_start3A_1715 = tpu.memref_squeeze %dma_start3A_1714 : memref<1x32x128xf32, #tpu.memory_space<vmem>> -> memref<32x128xf32, #tpu.memory_space<vmem>>
      %dma_start3A_1716 = arith.constant 0 : i32
      %dma_start3A_1717 = tpu.memref_slice %arg2[%dma_start3A_1716, %multiple_of3A_1710] : memref<32x1000000xf32, #tpu.memory_space<hbm>> -> memref<32x128xf32, #tpu.memory_space<hbm>>
      %dma_start3A_1718 = arith.constant 0 : i32
      %dma_start3A_1719 = arith.constant 0 : i32
      %dma_start3A_1720 = tpu.memref_slice %arg14[%dma_start3A_1711, %dma_start3A_1718, %dma_start3A_1719] : memref<4x32x128xf32, #tpu.memory_space<vmem>> -> memref<1x32x128xf32, #tpu.memory_space<vmem>>
      %dma_start3A_1721 = tpu.memref_squeeze %dma_start3A_1720 : memref<1x32x128xf32, #tpu.memory_space<vmem>> -> memref<32x128xf32, #tpu.memory_space<vmem>>
      %dma_start3A_1722 = arith.constant 0 : i32
      %dma_start3A_1723 = tpu.memref_slice %arg2[%dma_start3A_1722, %multiple_of3A_1710] : memref<32x1000000xf32, #tpu.memory_space<hbm>> -> memref<32x128xf32, #tpu.memory_space<hbm>>
      tpu.enqueue_dma source(%dma_start3A_1723 : memref<32x128xf32, #tpu.memory_space<hbm>>) target(%dma_start3A_1721 : memref<32x128xf32, #tpu.memory_space<vmem>>) target_semaphore(%arg20 : memref<!tpu.dma_semaphore, #tpu.memory_space<semaphore_mem>>)
      %slice3A_1724 = vector.extract_strided_slice %get3A_1691 {offsets = [2], sizes = [1], strides = [1]} : vector<16xi32> to vector<1xi32>
      %squeeze3A_1725 = vector.extract %slice3A_1724[0] : i32 from vector<1xi32>
      %multiple_of3A_1726 = tpu.assume_multiple %squeeze3A_1725, 128 : i32
      %dma_start3A_1727 = arith.constant 2 : i32
      %dma_start3A_1728 = arith.constant 0 : i32
      %dma_start3A_1729 = arith.constant 0 : i32
      %dma_start3A_1730 = tpu.memref_slice %arg14[%dma_start3A_1727, %dma_start3A_1728, %dma_start3A_1729] : memref<4x32x128xf32, #tpu.memory_space<vmem>> -> memref<1x32x128xf32, #tpu.memory_space<vmem>>
      %dma_start3A_1731 = tpu.memref_squeeze %dma_start3A_1730 : memref<1x32x128xf32, #tpu.memory_space<vmem>> -> memref<32x128xf32, #tpu.memory_space<vmem>>
      %dma_start3A_1732 = arith.constant 0 : i32
      %dma_start3A_1733 = tpu.memref_slice %arg2[%dma_start3A_1732, %multiple_of3A_1726] : memref<32x1000000xf32, #tpu.memory_space<hbm>> -> memref<32x128xf32, #tpu.memory_space<hbm>>
      %dma_start3A_1734 = arith.constant 0 : i32
      %dma_start3A_1735 = arith.constant 0 : i32
      %dma_start3A_1736 = tpu.memref_slice %arg14[%dma_start3A_1727, %dma_start3A_1734, %dma_start3A_1735] : memref<4x32x128xf32, #tpu.memory_space<vmem>> -> memref<1x32x128xf32, #tpu.memory_space<vmem>>
      %dma_start3A_1737 = tpu.memref_squeeze %dma_start3A_1736 : memref<1x32x128xf32, #tpu.memory_space<vmem>> -> memref<32x128xf32, #tpu.memory_space<vmem>>
      %dma_start3A_1738 = arith.constant 0 : i32
      %dma_start3A_1739 = tpu.memref_slice %arg2[%dma_start3A_1738, %multiple_of3A_1726] : memref<32x1000000xf32, #tpu.memory_space<hbm>> -> memref<32x128xf32, #tpu.memory_space<hbm>>
      tpu.enqueue_dma source(%dma_start3A_1739 : memref<32x128xf32, #tpu.memory_space<hbm>>) target(%dma_start3A_1737 : memref<32x128xf32, #tpu.memory_space<vmem>>) target_semaphore(%arg20 : memref<!tpu.dma_semaphore, #tpu.memory_space<semaphore_mem>>)
      %slice3A_1740 = vector.extract_strided_slice %get3A_1691 {offsets = [3], sizes = [1], strides = [1]} : vector<16xi32> to vector<1xi32>
      %squeeze3A_1741 = vector.extract %slice3A_1740[0] : i32 from vector<1xi32>
      %multiple_of3A_1742 = tpu.assume_multiple %squeeze3A_1741, 128 : i32
      %dma_start3A_1743 = arith.constant 3 : i32
      %dma_start3A_1744 = arith.constant 0 : i32
      %dma_start3A_1745 = arith.constant 0 : i32
      %dma_start3A_1746 = tpu.memref_slice %arg14[%dma_start3A_1743, %dma_start3A_1744, %dma_start3A_1745] : memref<4x32x128xf32, #tpu.memory_space<vmem>> -> memref<1x32x128xf32, #tpu.memory_space<vmem>>
      %dma_start3A_1747 = tpu.memref_squeeze %dma_start3A_1746 : memref<1x32x128xf32, #tpu.memory_space<vmem>> -> memref<32x128xf32, #tpu.memory_space<vmem>>
      %dma_start3A_1748 = arith.constant 0 : i32
      %dma_start3A_1749 = tpu.memref_slice %arg2[%dma_start3A_1748, %multiple_of3A_1742] : memref<32x1000000xf32, #tpu.memory_space<hbm>> -> memref<32x128xf32, #tpu.memory_space<hbm>>
      %dma_start3A_1750 = arith.constant 0 : i32
      %dma_start3A_1751 = arith.constant 0 : i32
      %dma_start3A_1752 = tpu.memref_slice %arg14[%dma_start3A_1743, %dma_start3A_1750, %dma_start3A_1751] : memref<4x32x128xf32, #tpu.memory_space<vmem>> -> memref<1x32x128xf32, #tpu.memory_space<vmem>>
      %dma_start3A_1753 = tpu.memref_squeeze %dma_start3A_1752 : memref<1x32x128xf32, #tpu.memory_space<vmem>> -> memref<32x128xf32, #tpu.memory_space<vmem>>
      %dma_start3A_1754 = arith.constant 0 : i32
      %dma_start3A_1755 = tpu.memref_slice %arg2[%dma_start3A_1754, %multiple_of3A_1742] : memref<32x1000000xf32, #tpu.memory_space<hbm>> -> memref<32x128xf32, #tpu.memory_space<hbm>>
      tpu.enqueue_dma source(%dma_start3A_1755 : memref<32x128xf32, #tpu.memory_space<hbm>>) target(%dma_start3A_1753 : memref<32x128xf32, #tpu.memory_space<vmem>>) target_semaphore(%arg20 : memref<!tpu.dma_semaphore, #tpu.memory_space<semaphore_mem>>)
      %dma_wait3A_1756 = arith.constant 0 : i32
      %dma_wait3A_1757 = arith.constant 0 : i32
      %dma_wait3A_1758 = arith.constant 0 : i32
      %dma_wait3A_1759 = tpu.memref_slice %arg15[%dma_wait3A_1756, %dma_wait3A_1757, %dma_wait3A_1758] : memref<4x32x128xf32, #tpu.memory_space<vmem>> -> memref<1x32x128xf32, #tpu.memory_space<vmem>>
      %dma_wait3A_1760 = tpu.memref_squeeze %dma_wait3A_1759 : memref<1x32x128xf32, #tpu.memory_space<vmem>> -> memref<32x128xf32, #tpu.memory_space<vmem>>
      %dma_wait3A_1761 = arith.constant 0 : i32
      %dma_wait3A_1762 = arith.constant 0 : i32
      %dma_wait3A_1763 = tpu.memref_slice %arg2[%dma_wait3A_1761, %dma_wait3A_1762] : memref<32x1000000xf32, #tpu.memory_space<hbm>> -> memref<32x128xf32, #tpu.memory_space<hbm>>
      %dma_wait3A_1764 = arith.constant 0 : i32
      %dma_wait3A_1765 = arith.constant 0 : i32
      %dma_wait3A_1766 = tpu.memref_slice %arg15[%dma_wait3A_1756, %dma_wait3A_1764, %dma_wait3A_1765] : memref<4x32x128xf32, #tpu.memory_space<vmem>> -> memref<1x32x128xf32, #tpu.memory_space<vmem>>
      %dma_wait3A_1767 = tpu.memref_squeeze %dma_wait3A_1766 : memref<1x32x128xf32, #tpu.memory_space<vmem>> -> memref<32x128xf32, #tpu.memory_space<vmem>>
      %dma_wait3A_1768 = arith.constant 0 : i32
      %dma_wait3A_1769 = arith.constant 0 : i32
      %dma_wait3A_1770 = tpu.memref_slice %arg2[%dma_wait3A_1768, %dma_wait3A_1769] : memref<32x1000000xf32, #tpu.memory_space<hbm>> -> memref<32x128xf32, #tpu.memory_space<hbm>>
      tpu.wait_dma2 semaphore(%arg21 : memref<!tpu.dma_semaphore, #tpu.memory_space<semaphore_mem>>) src(%dma_wait3A_1770 : memref<32x128xf32, #tpu.memory_space<hbm>>) dst(%dma_wait3A_1767 : memref<32x128xf32, #tpu.memory_space<vmem>>)
      %dma_wait3A_1771 = arith.constant 1 : i32
      %dma_wait3A_1772 = arith.constant 0 : i32
      %dma_wait3A_1773 = arith.constant 0 : i32
      %dma_wait3A_1774 = tpu.memref_slice %arg15[%dma_wait3A_1771, %dma_wait3A_1772, %dma_wait3A_1773] : memref<4x32x128xf32, #tpu.memory_space<vmem>> -> memref<1x32x128xf32, #tpu.memory_space<vmem>>
      %dma_wait3A_1775 = tpu.memref_squeeze %dma_wait3A_1774 : memref<1x32x128xf32, #tpu.memory_space<vmem>> -> memref<32x128xf32, #tpu.memory_space<vmem>>
      %dma_wait3A_1776 = arith.constant 0 : i32
      %dma_wait3A_1777 = arith.constant 0 : i32
      %dma_wait3A_1778 = tpu.memref_slice %arg2[%dma_wait3A_1776, %dma_wait3A_1777] : memref<32x1000000xf32, #tpu.memory_space<hbm>> -> memref<32x128xf32, #tpu.memory_space<hbm>>
      %dma_wait3A_1779 = arith.constant 0 : i32
      %dma_wait3A_1780 = arith.constant 0 : i32
      %dma_wait3A_1781 = tpu.memref_slice %arg15[%dma_wait3A_1771, %dma_wait3A_1779, %dma_wait3A_1780] : memref<4x32x128xf32, #tpu.memory_space<vmem>> -> memref<1x32x128xf32, #tpu.memory_space<vmem>>
      %dma_wait3A_1782 = tpu.memref_squeeze %dma_wait3A_1781 : memref<1x32x128xf32, #tpu.memory_space<vmem>> -> memref<32x128xf32, #tpu.memory_space<vmem>>
      %dma_wait3A_1783 = arith.constant 0 : i32
      %dma_wait3A_1784 = arith.constant 0 : i32
      %dma_wait3A_1785 = tpu.memref_slice %arg2[%dma_wait3A_1783, %dma_wait3A_1784] : memref<32x1000000xf32, #tpu.memory_space<hbm>> -> memref<32x128xf32, #tpu.memory_space<hbm>>
      tpu.wait_dma2 semaphore(%arg21 : memref<!tpu.dma_semaphore, #tpu.memory_space<semaphore_mem>>) src(%dma_wait3A_1785 : memref<32x128xf32, #tpu.memory_space<hbm>>) dst(%dma_wait3A_1782 : memref<32x128xf32, #tpu.memory_space<vmem>>)
      %dma_wait3A_1786 = arith.constant 2 : i32
      %dma_wait3A_1787 = arith.constant 0 : i32
      %dma_wait3A_1788 = arith.constant 0 : i32
      %dma_wait3A_1789 = tpu.memref_slice %arg15[%dma_wait3A_1786, %dma_wait3A_1787, %dma_wait3A_1788] : memref<4x32x128xf32, #tpu.memory_space<vmem>> -> memref<1x32x128xf32, #tpu.memory_space<vmem>>
      %dma_wait3A_1790 = tpu.memref_squeeze %dma_wait3A_1789 : memref<1x32x128xf32, #tpu.memory_space<vmem>> -> memref<32x128xf32, #tpu.memory_space<vmem>>
      %dma_wait3A_1791 = arith.constant 0 : i32
      %dma_wait3A_1792 = arith.constant 0 : i32
      %dma_wait3A_1793 = tpu.memref_slice %arg2[%dma_wait3A_1791, %dma_wait3A_1792] : memref<32x1000000xf32, #tpu.memory_space<hbm>> -> memref<32x128xf32, #tpu.memory_space<hbm>>
      %dma_wait3A_1794 = arith.constant 0 : i32
      %dma_wait3A_1795 = arith.constant 0 : i32
      %dma_wait3A_1796 = tpu.memref_slice %arg15[%dma_wait3A_1786, %dma_wait3A_1794, %dma_wait3A_1795] : memref<4x32x128xf32, #tpu.memory_space<vmem>> -> memref<1x32x128xf32, #tpu.memory_space<vmem>>
      %dma_wait3A_1797 = tpu.memref_squeeze %dma_wait3A_1796 : memref<1x32x128xf32, #tpu.memory_space<vmem>> -> memref<32x128xf32, #tpu.memory_space<vmem>>
      %dma_wait3A_1798 = arith.constant 0 : i32
      %dma_wait3A_1799 = arith.constant 0 : i32
      %dma_wait3A_1800 = tpu.memref_slice %arg2[%dma_wait3A_1798, %dma_wait3A_1799] : memref<32x1000000xf32, #tpu.memory_space<hbm>> -> memref<32x128xf32, #tpu.memory_space<hbm>>
      tpu.wait_dma2 semaphore(%arg21 : memref<!tpu.dma_semaphore, #tpu.memory_space<semaphore_mem>>) src(%dma_wait3A_1800 : memref<32x128xf32, #tpu.memory_space<hbm>>) dst(%dma_wait3A_1797 : memref<32x128xf32, #tpu.memory_space<vmem>>)
      %dma_wait3A_1801 = arith.constant 3 : i32
      %dma_wait3A_1802 = arith.constant 0 : i32
      %dma_wait3A_1803 = arith.constant 0 : i32
      %dma_wait3A_1804 = tpu.memref_slice %arg15[%dma_wait3A_1801, %dma_wait3A_1802, %dma_wait3A_1803] : memref<4x32x128xf32, #tpu.memory_space<vmem>> -> memref<1x32x128xf32, #tpu.memory_space<vmem>>
      %dma_wait3A_1805 = tpu.memref_squeeze %dma_wait3A_1804 : memref<1x32x128xf32, #tpu.memory_space<vmem>> -> memref<32x128xf32, #tpu.memory_space<vmem>>
      %dma_wait3A_1806 = arith.constant 0 : i32
      %dma_wait3A_1807 = arith.constant 0 : i32
      %dma_wait3A_1808 = tpu.memref_slice %arg2[%dma_wait3A_1806, %dma_wait3A_1807] : memref<32x1000000xf32, #tpu.memory_space<hbm>> -> memref<32x128xf32, #tpu.memory_space<hbm>>
      %dma_wait3A_1809 = arith.constant 0 : i32
      %dma_wait3A_1810 = arith.constant 0 : i32
      %dma_wait3A_1811 = tpu.memref_slice %arg15[%dma_wait3A_1801, %dma_wait3A_1809, %dma_wait3A_1810] : memref<4x32x128xf32, #tpu.memory_space<vmem>> -> memref<1x32x128xf32, #tpu.memory_space<vmem>>
      %dma_wait3A_1812 = tpu.memref_squeeze %dma_wait3A_1811 : memref<1x32x128xf32, #tpu.memory_space<vmem>> -> memref<32x128xf32, #tpu.memory_space<vmem>>
      %dma_wait3A_1813 = arith.constant 0 : i32
      %dma_wait3A_1814 = arith.constant 0 : i32
      %dma_wait3A_1815 = tpu.memref_slice %arg2[%dma_wait3A_1813, %dma_wait3A_1814] : memref<32x1000000xf32, #tpu.memory_space<hbm>> -> memref<32x128xf32, #tpu.memory_space<hbm>>
      tpu.wait_dma2 semaphore(%arg21 : memref<!tpu.dma_semaphore, #tpu.memory_space<semaphore_mem>>) src(%dma_wait3A_1815 : memref<32x128xf32, #tpu.memory_space<hbm>>) dst(%dma_wait3A_1812 : memref<32x128xf32, #tpu.memory_space<vmem>>)
      %add3A_1816 = arith.constant 1 : i32
      %add3A_1817 = arith.addi %mul3A_1561, %add3A_1816 : i32
      %iota3A_1818 = tpu.iota {dimensions = array<i32: 0>} : vector<16xi32>
      %add3A_1819 = arith.constant 16 : i32
      %add3A_1820 = vector.broadcast %add3A_1819 : i32 to vector<16xi32>
      %add3A_1821 = arith.addi %iota3A_1818, %add3A_1820 : vector<16xi32>
      %mul3A_1822 = arith.constant 4 : i32
      %mul3A_1823 = arith.muli %add3A_1817, %mul3A_1822 : i32
      %get3A_1824 = arith.index_cast %mul3A_1823 : i32 to index
      %get3A_1825 = tpu.vector_load %arg11[%get3A_1824] {strides = array<i32>} : memref<528xi32, #tpu.memory_space<vmem>>, vector<16xi32>,
      %slice3A_1826 = vector.extract_strided_slice %get3A_1825 {offsets = [0], sizes = [1], strides = [1]} : vector<16xi32> to vector<1xi32>
      %squeeze3A_1827 = vector.extract %slice3A_1826[0] : i32 from vector<1xi32>
      %broadcast_in_dim3A_1828 = vector.broadcast %squeeze3A_1827 : i32 to vector<16xi32>
      %broadcast_in_dim3A_1829 = arith.constant 0 : i32
      %broadcast_in_dim3A_1830 = vector.broadcast %broadcast_in_dim3A_1829 : i32 to vector<16xi32>
      %gather3A_1831 = tpu.vector_load_idx %arg15[%broadcast_in_dim3A_1830, %iota3A_1818, %broadcast_in_dim3A_1828] : memref<4x32x128xf32, #tpu.memory_space<vmem>>[vector<16xi32>, vector<16xi32>, vector<16xi32>], vector<16xf32>,
      %gather3A_1832 = tpu.vector_load_idx %arg15[%broadcast_in_dim3A_1830, %add3A_1821, %broadcast_in_dim3A_1828] : memref<4x32x128xf32, #tpu.memory_space<vmem>>[vector<16xi32>, vector<16xi32>, vector<16xi32>], vector<16xf32>,
      %swap3A_1833 = arith.index_cast %add3A_1817 : i32 to index
      %swap3A_1834 = arith.constant 0 : index
      %swap3A_1835 = tpu.vector_load %arg18[%swap3A_1833, %swap3A_1834] {strides = array<i32>} : memref<128x128xf32, #tpu.memory_space<vmem>>, vector<16xf32>,
      tpu.vector_store %arg18[%swap3A_1833, %swap3A_1834], %gather3A_1831 {strides = array<i32>} : memref<128x128xf32, #tpu.memory_space<vmem>>, vector<16xf32>,
      %swap3A_1836 = arith.index_cast %add3A_1817 : i32 to index
      %swap3A_1837 = arith.constant 16 : index
      %swap3A_1838 = tpu.vector_load %arg18[%swap3A_1836, %swap3A_1837] {strides = array<i32>} : memref<128x128xf32, #tpu.memory_space<vmem>>, vector<16xf32>,
      tpu.vector_store %arg18[%swap3A_1836, %swap3A_1837], %gather3A_1832 {strides = array<i32>} : memref<128x128xf32, #tpu.memory_space<vmem>>, vector<16xf32>,
      %slice3A_1839 = vector.extract_strided_slice %get3A_1825 {offsets = [1], sizes = [1], strides = [1]} : vector<16xi32> to vector<1xi32>
      %squeeze3A_1840 = vector.extract %slice3A_1839[0] : i32 from vector<1xi32>
      %broadcast_in_dim3A_1841 = vector.broadcast %squeeze3A_1840 : i32 to vector<16xi32>
      %broadcast_in_dim3A_1842 = arith.constant 1 : i32
      %broadcast_in_dim3A_1843 = vector.broadcast %broadcast_in_dim3A_1842 : i32 to vector<16xi32>
      %gather3A_1844 = tpu.vector_load_idx %arg15[%broadcast_in_dim3A_1843, %iota3A_1818, %broadcast_in_dim3A_1841] : memref<4x32x128xf32, #tpu.memory_space<vmem>>[vector<16xi32>, vector<16xi32>, vector<16xi32>], vector<16xf32>,
      %gather3A_1845 = tpu.vector_load_idx %arg15[%broadcast_in_dim3A_1843, %add3A_1821, %broadcast_in_dim3A_1841] : memref<4x32x128xf32, #tpu.memory_space<vmem>>[vector<16xi32>, vector<16xi32>, vector<16xi32>], vector<16xf32>,
      %swap3A_1846 = arith.index_cast %add3A_1817 : i32 to index
      %swap3A_1847 = arith.constant 32 : index
      %swap3A_1848 = tpu.vector_load %arg18[%swap3A_1846, %swap3A_1847] {strides = array<i32>} : memref<128x128xf32, #tpu.memory_space<vmem>>, vector<16xf32>,
      tpu.vector_store %arg18[%swap3A_1846, %swap3A_1847], %gather3A_1844 {strides = array<i32>} : memref<128x128xf32, #tpu.memory_space<vmem>>, vector<16xf32>,
      %swap3A_1849 = arith.index_cast %add3A_1817 : i32 to index
      %swap3A_1850 = arith.constant 48 : index
      %swap3A_1851 = tpu.vector_load %arg18[%swap3A_1849, %swap3A_1850] {strides = array<i32>} : memref<128x128xf32, #tpu.memory_space<vmem>>, vector<16xf32>,
      tpu.vector_store %arg18[%swap3A_1849, %swap3A_1850], %gather3A_1845 {strides = array<i32>} : memref<128x128xf32, #tpu.memory_space<vmem>>, vector<16xf32>,
      %slice3A_1852 = vector.extract_strided_slice %get3A_1825 {offsets = [2], sizes = [1], strides = [1]} : vector<16xi32> to vector<1xi32>
      %squeeze3A_1853 = vector.extract %slice3A_1852[0] : i32 from vector<1xi32>
      %broadcast_in_dim3A_1854 = vector.broadcast %squeeze3A_1853 : i32 to vector<16xi32>
      %broadcast_in_dim3A_1855 = arith.constant 2 : i32
      %broadcast_in_dim3A_1856 = vector.broadcast %broadcast_in_dim3A_1855 : i32 to vector<16xi32>
      %gather3A_1857 = tpu.vector_load_idx %arg15[%broadcast_in_dim3A_1856, %iota3A_1818, %broadcast_in_dim3A_1854] : memref<4x32x128xf32, #tpu.memory_space<vmem>>[vector<16xi32>, vector<16xi32>, vector<16xi32>], vector<16xf32>,
      %gather3A_1858 = tpu.vector_load_idx %arg15[%broadcast_in_dim3A_1856, %add3A_1821, %broadcast_in_dim3A_1854] : memref<4x32x128xf32, #tpu.memory_space<vmem>>[vector<16xi32>, vector<16xi32>, vector<16xi32>], vector<16xf32>,
      %swap3A_1859 = arith.index_cast %add3A_1817 : i32 to index
      %swap3A_1860 = arith.constant 64 : index
      %swap3A_1861 = tpu.vector_load %arg18[%swap3A_1859, %swap3A_1860] {strides = array<i32>} : memref<128x128xf32, #tpu.memory_space<vmem>>, vector<16xf32>,
      tpu.vector_store %arg18[%swap3A_1859, %swap3A_1860], %gather3A_1857 {strides = array<i32>} : memref<128x128xf32, #tpu.memory_space<vmem>>, vector<16xf32>,
      %swap3A_1862 = arith.index_cast %add3A_1817 : i32 to index
      %swap3A_1863 = arith.constant 80 : index
      %swap3A_1864 = tpu.vector_load %arg18[%swap3A_1862, %swap3A_1863] {strides = array<i32>} : memref<128x128xf32, #tpu.memory_space<vmem>>, vector<16xf32>,
      tpu.vector_store %arg18[%swap3A_1862, %swap3A_1863], %gather3A_1858 {strides = array<i32>} : memref<128x128xf32, #tpu.memory_space<vmem>>, vector<16xf32>,
      %slice3A_1865 = vector.extract_strided_slice %get3A_1825 {offsets = [3], sizes = [1], strides = [1]} : vector<16xi32> to vector<1xi32>
      %squeeze3A_1866 = vector.extract %slice3A_1865[0] : i32 from vector<1xi32>
      %broadcast_in_dim3A_1867 = vector.broadcast %squeeze3A_1866 : i32 to vector<16xi32>
      %broadcast_in_dim3A_1868 = arith.constant 3 : i32
      %broadcast_in_dim3A_1869 = vector.broadcast %broadcast_in_dim3A_1868 : i32 to vector<16xi32>
      %gather3A_1870 = tpu.vector_load_idx %arg15[%broadcast_in_dim3A_1869, %iota3A_1818, %broadcast_in_dim3A_1867] : memref<4x32x128xf32, #tpu.memory_space<vmem>>[vector<16xi32>, vector<16xi32>, vector<16xi32>], vector<16xf32>,
      %gather3A_1871 = tpu.vector_load_idx %arg15[%broadcast_in_dim3A_1869, %add3A_1821, %broadcast_in_dim3A_1867] : memref<4x32x128xf32, #tpu.memory_space<vmem>>[vector<16xi32>, vector<16xi32>, vector<16xi32>], vector<16xf32>,
      %swap3A_1872 = arith.index_cast %add3A_1817 : i32 to index
      %swap3A_1873 = arith.constant 96 : index
      %swap3A_1874 = tpu.vector_load %arg18[%swap3A_1872, %swap3A_1873] {strides = array<i32>} : memref<128x128xf32, #tpu.memory_space<vmem>>, vector<16xf32>,
      tpu.vector_store %arg18[%swap3A_1872, %swap3A_1873], %gather3A_1870 {strides = array<i32>} : memref<128x128xf32, #tpu.memory_space<vmem>>, vector<16xf32>,
      %swap3A_1875 = arith.index_cast %add3A_1817 : i32 to index
      %swap3A_1876 = arith.constant 112 : index
      %swap3A_1877 = tpu.vector_load %arg18[%swap3A_1875, %swap3A_1876] {strides = array<i32>} : memref<128x128xf32, #tpu.memory_space<vmem>>, vector<16xf32>,
      tpu.vector_store %arg18[%swap3A_1875, %swap3A_1876], %gather3A_1871 {strides = array<i32>} : memref<128x128xf32, #tpu.memory_space<vmem>>, vector<16xf32>,
      %add3A_1878 = arith.constant 4 : i32
      %add3A_1879 = arith.addi %mul3A_1561, %add3A_1878 : i32
      %add3A_1880 = arith.constant 1 : i32
      %add3A_1881 = arith.addi %add3A_1879, %add3A_1880 : i32
      %mul3A_1882 = arith.constant 4 : i32
      %mul3A_1883 = arith.muli %add3A_1881, %mul3A_1882 : i32
      %get3A_1884 = arith.index_cast %mul3A_1883 : i32 to index
      %get3A_1885 = tpu.vector_load %arg10[%get3A_1884] {strides = array<i32>} : memref<528xi32, #tpu.memory_space<vmem>>, vector<16xi32>,
      %slice3A_1886 = vector.extract_strided_slice %get3A_1885 {offsets = [0], sizes = [1], strides = [1]} : vector<16xi32> to vector<1xi32>
      %squeeze3A_1887 = vector.extract %slice3A_1886[0] : i32 from vector<1xi32>
      %multiple_of3A_1888 = tpu.assume_multiple %squeeze3A_1887, 128 : i32
      %dma_start3A_1889 = arith.constant 0 : i32
      %dma_start3A_1890 = arith.constant 0 : i32
      %dma_start3A_1891 = arith.constant 0 : i32
      %dma_start3A_1892 = tpu.memref_slice %arg15[%dma_start3A_1889, %dma_start3A_1890, %dma_start3A_1891] : memref<4x32x128xf32, #tpu.memory_space<vmem>> -> memref<1x32x128xf32, #tpu.memory_space<vmem>>
      %dma_start3A_1893 = tpu.memref_squeeze %dma_start3A_1892 : memref<1x32x128xf32, #tpu.memory_space<vmem>> -> memref<32x128xf32, #tpu.memory_space<vmem>>
      %dma_start3A_1894 = arith.constant 0 : i32
      %dma_start3A_1895 = tpu.memref_slice %arg2[%dma_start3A_1894, %multiple_of3A_1888] : memref<32x1000000xf32, #tpu.memory_space<hbm>> -> memref<32x128xf32, #tpu.memory_space<hbm>>
      %dma_start3A_1896 = arith.constant 0 : i32
      %dma_start3A_1897 = arith.constant 0 : i32
      %dma_start3A_1898 = tpu.memref_slice %arg15[%dma_start3A_1889, %dma_start3A_1896, %dma_start3A_1897] : memref<4x32x128xf32, #tpu.memory_space<vmem>> -> memref<1x32x128xf32, #tpu.memory_space<vmem>>
      %dma_start3A_1899 = tpu.memref_squeeze %dma_start3A_1898 : memref<1x32x128xf32, #tpu.memory_space<vmem>> -> memref<32x128xf32, #tpu.memory_space<vmem>>
      %dma_start3A_1900 = arith.constant 0 : i32
      %dma_start3A_1901 = tpu.memref_slice %arg2[%dma_start3A_1900, %multiple_of3A_1888] : memref<32x1000000xf32, #tpu.memory_space<hbm>> -> memref<32x128xf32, #tpu.memory_space<hbm>>
      tpu.enqueue_dma source(%dma_start3A_1901 : memref<32x128xf32, #tpu.memory_space<hbm>>) target(%dma_start3A_1899 : memref<32x128xf32, #tpu.memory_space<vmem>>) target_semaphore(%arg21 : memref<!tpu.dma_semaphore, #tpu.memory_space<semaphore_mem>>)
      %slice3A_1902 = vector.extract_strided_slice %get3A_1885 {offsets = [1], sizes = [1], strides = [1]} : vector<16xi32> to vector<1xi32>
      %squeeze3A_1903 = vector.extract %slice3A_1902[0] : i32 from vector<1xi32>
      %multiple_of3A_1904 = tpu.assume_multiple %squeeze3A_1903, 128 : i32
      %dma_start3A_1905 = arith.constant 1 : i32
      %dma_start3A_1906 = arith.constant 0 : i32
      %dma_start3A_1907 = arith.constant 0 : i32
      %dma_start3A_1908 = tpu.memref_slice %arg15[%dma_start3A_1905, %dma_start3A_1906, %dma_start3A_1907] : memref<4x32x128xf32, #tpu.memory_space<vmem>> -> memref<1x32x128xf32, #tpu.memory_space<vmem>>
      %dma_start3A_1909 = tpu.memref_squeeze %dma_start3A_1908 : memref<1x32x128xf32, #tpu.memory_space<vmem>> -> memref<32x128xf32, #tpu.memory_space<vmem>>
      %dma_start3A_1910 = arith.constant 0 : i32
      %dma_start3A_1911 = tpu.memref_slice %arg2[%dma_start3A_1910, %multiple_of3A_1904] : memref<32x1000000xf32, #tpu.memory_space<hbm>> -> memref<32x128xf32, #tpu.memory_space<hbm>>
      %dma_start3A_1912 = arith.constant 0 : i32
      %dma_start3A_1913 = arith.constant 0 : i32
      %dma_start3A_1914 = tpu.memref_slice %arg15[%dma_start3A_1905, %dma_start3A_1912, %dma_start3A_1913] : memref<4x32x128xf32, #tpu.memory_space<vmem>> -> memref<1x32x128xf32, #tpu.memory_space<vmem>>
      %dma_start3A_1915 = tpu.memref_squeeze %dma_start3A_1914 : memref<1x32x128xf32, #tpu.memory_space<vmem>> -> memref<32x128xf32, #tpu.memory_space<vmem>>
      %dma_start3A_1916 = arith.constant 0 : i32
      %dma_start3A_1917 = tpu.memref_slice %arg2[%dma_start3A_1916, %multiple_of3A_1904] : memref<32x1000000xf32, #tpu.memory_space<hbm>> -> memref<32x128xf32, #tpu.memory_space<hbm>>
      tpu.enqueue_dma source(%dma_start3A_1917 : memref<32x128xf32, #tpu.memory_space<hbm>>) target(%dma_start3A_1915 : memref<32x128xf32, #tpu.memory_space<vmem>>) target_semaphore(%arg21 : memref<!tpu.dma_semaphore, #tpu.memory_space<semaphore_mem>>)
      %slice3A_1918 = vector.extract_strided_slice %get3A_1885 {offsets = [2], sizes = [1], strides = [1]} : vector<16xi32> to vector<1xi32>
      %squeeze3A_1919 = vector.extract %slice3A_1918[0] : i32 from vector<1xi32>
      %multiple_of3A_1920 = tpu.assume_multiple %squeeze3A_1919, 128 : i32
      %dma_start3A_1921 = arith.constant 2 : i32
      %dma_start3A_1922 = arith.constant 0 : i32
      %dma_start3A_1923 = arith.constant 0 : i32
      %dma_start3A_1924 = tpu.memref_slice %arg15[%dma_start3A_1921, %dma_start3A_1922, %dma_start3A_1923] : memref<4x32x128xf32, #tpu.memory_space<vmem>> -> memref<1x32x128xf32, #tpu.memory_space<vmem>>
      %dma_start3A_1925 = tpu.memref_squeeze %dma_start3A_1924 : memref<1x32x128xf32, #tpu.memory_space<vmem>> -> memref<32x128xf32, #tpu.memory_space<vmem>>
      %dma_start3A_1926 = arith.constant 0 : i32
      %dma_start3A_1927 = tpu.memref_slice %arg2[%dma_start3A_1926, %multiple_of3A_1920] : memref<32x1000000xf32, #tpu.memory_space<hbm>> -> memref<32x128xf32, #tpu.memory_space<hbm>>
      %dma_start3A_1928 = arith.constant 0 : i32
      %dma_start3A_1929 = arith.constant 0 : i32
      %dma_start3A_1930 = tpu.memref_slice %arg15[%dma_start3A_1921, %dma_start3A_1928, %dma_start3A_1929] : memref<4x32x128xf32, #tpu.memory_space<vmem>> -> memref<1x32x128xf32, #tpu.memory_space<vmem>>
      %dma_start3A_1931 = tpu.memref_squeeze %dma_start3A_1930 : memref<1x32x128xf32, #tpu.memory_space<vmem>> -> memref<32x128xf32, #tpu.memory_space<vmem>>
      %dma_start3A_1932 = arith.constant 0 : i32
      %dma_start3A_1933 = tpu.memref_slice %arg2[%dma_start3A_1932, %multiple_of3A_1920] : memref<32x1000000xf32, #tpu.memory_space<hbm>> -> memref<32x128xf32, #tpu.memory_space<hbm>>
      tpu.enqueue_dma source(%dma_start3A_1933 : memref<32x128xf32, #tpu.memory_space<hbm>>) target(%dma_start3A_1931 : memref<32x128xf32, #tpu.memory_space<vmem>>) target_semaphore(%arg21 : memref<!tpu.dma_semaphore, #tpu.memory_space<semaphore_mem>>)
      %slice3A_1934 = vector.extract_strided_slice %get3A_1885 {offsets = [3], sizes = [1], strides = [1]} : vector<16xi32> to vector<1xi32>
      %squeeze3A_1935 = vector.extract %slice3A_1934[0] : i32 from vector<1xi32>
      %multiple_of3A_1936 = tpu.assume_multiple %squeeze3A_1935, 128 : i32
      %dma_start3A_1937 = arith.constant 3 : i32
      %dma_start3A_1938 = arith.constant 0 : i32
      %dma_start3A_1939 = arith.constant 0 : i32
      %dma_start3A_1940 = tpu.memref_slice %arg15[%dma_start3A_1937, %dma_start3A_1938, %dma_start3A_1939] : memref<4x32x128xf32, #tpu.memory_space<vmem>> -> memref<1x32x128xf32, #tpu.memory_space<vmem>>
      %dma_start3A_1941 = tpu.memref_squeeze %dma_start3A_1940 : memref<1x32x128xf32, #tpu.memory_space<vmem>> -> memref<32x128xf32, #tpu.memory_space<vmem>>
      %dma_start3A_1942 = arith.constant 0 : i32
      %dma_start3A_1943 = tpu.memref_slice %arg2[%dma_start3A_1942, %multiple_of3A_1936] : memref<32x1000000xf32, #tpu.memory_space<hbm>> -> memref<32x128xf32, #tpu.memory_space<hbm>>
      %dma_start3A_1944 = arith.constant 0 : i32
      %dma_start3A_1945 = arith.constant 0 : i32
      %dma_start3A_1946 = tpu.memref_slice %arg15[%dma_start3A_1937, %dma_start3A_1944, %dma_start3A_1945] : memref<4x32x128xf32, #tpu.memory_space<vmem>> -> memref<1x32x128xf32, #tpu.memory_space<vmem>>
      %dma_start3A_1947 = tpu.memref_squeeze %dma_start3A_1946 : memref<1x32x128xf32, #tpu.memory_space<vmem>> -> memref<32x128xf32, #tpu.memory_space<vmem>>
      %dma_start3A_1948 = arith.constant 0 : i32
      %dma_start3A_1949 = tpu.memref_slice %arg2[%dma_start3A_1948, %multiple_of3A_1936] : memref<32x1000000xf32, #tpu.memory_space<hbm>> -> memref<32x128xf32, #tpu.memory_space<hbm>>
      tpu.enqueue_dma source(%dma_start3A_1949 : memref<32x128xf32, #tpu.memory_space<hbm>>) target(%dma_start3A_1947 : memref<32x128xf32, #tpu.memory_space<vmem>>) target_semaphore(%arg21 : memref<!tpu.dma_semaphore, #tpu.memory_space<semaphore_mem>>)
      %dma_wait3A_1950 = arith.constant 0 : i32
      %dma_wait3A_1951 = arith.constant 0 : i32
      %dma_wait3A_1952 = arith.constant 0 : i32
      %dma_wait3A_1953 = tpu.memref_slice %arg16[%dma_wait3A_1950, %dma_wait3A_1951, %dma_wait3A_1952] : memref<4x32x128xf32, #tpu.memory_space<vmem>> -> memref<1x32x128xf32, #tpu.memory_space<vmem>>
      %dma_wait3A_1954 = tpu.memref_squeeze %dma_wait3A_1953 : memref<1x32x128xf32, #tpu.memory_space<vmem>> -> memref<32x128xf32, #tpu.memory_space<vmem>>
      %dma_wait3A_1955 = arith.constant 0 : i32
      %dma_wait3A_1956 = arith.constant 0 : i32
      %dma_wait3A_1957 = tpu.memref_slice %arg2[%dma_wait3A_1955, %dma_wait3A_1956] : memref<32x1000000xf32, #tpu.memory_space<hbm>> -> memref<32x128xf32, #tpu.memory_space<hbm>>
      %dma_wait3A_1958 = arith.constant 0 : i32
      %dma_wait3A_1959 = arith.constant 0 : i32
      %dma_wait3A_1960 = tpu.memref_slice %arg16[%dma_wait3A_1950, %dma_wait3A_1958, %dma_wait3A_1959] : memref<4x32x128xf32, #tpu.memory_space<vmem>> -> memref<1x32x128xf32, #tpu.memory_space<vmem>>
      %dma_wait3A_1961 = tpu.memref_squeeze %dma_wait3A_1960 : memref<1x32x128xf32, #tpu.memory_space<vmem>> -> memref<32x128xf32, #tpu.memory_space<vmem>>
      %dma_wait3A_1962 = arith.constant 0 : i32
      %dma_wait3A_1963 = arith.constant 0 : i32
      %dma_wait3A_1964 = tpu.memref_slice %arg2[%dma_wait3A_1962, %dma_wait3A_1963] : memref<32x1000000xf32, #tpu.memory_space<hbm>> -> memref<32x128xf32, #tpu.memory_space<hbm>>
      tpu.wait_dma2 semaphore(%arg22 : memref<!tpu.dma_semaphore, #tpu.memory_space<semaphore_mem>>) src(%dma_wait3A_1964 : memref<32x128xf32, #tpu.memory_space<hbm>>) dst(%dma_wait3A_1961 : memref<32x128xf32, #tpu.memory_space<vmem>>)
      %dma_wait3A_1965 = arith.constant 1 : i32
      %dma_wait3A_1966 = arith.constant 0 : i32
      %dma_wait3A_1967 = arith.constant 0 : i32
      %dma_wait3A_1968 = tpu.memref_slice %arg16[%dma_wait3A_1965, %dma_wait3A_1966, %dma_wait3A_1967] : memref<4x32x128xf32, #tpu.memory_space<vmem>> -> memref<1x32x128xf32, #tpu.memory_space<vmem>>
      %dma_wait3A_1969 = tpu.memref_squeeze %dma_wait3A_1968 : memref<1x32x128xf32, #tpu.memory_space<vmem>> -> memref<32x128xf32, #tpu.memory_space<vmem>>
      %dma_wait3A_1970 = arith.constant 0 : i32
      %dma_wait3A_1971 = arith.constant 0 : i32
      %dma_wait3A_1972 = tpu.memref_slice %arg2[%dma_wait3A_1970, %dma_wait3A_1971] : memref<32x1000000xf32, #tpu.memory_space<hbm>> -> memref<32x128xf32, #tpu.memory_space<hbm>>
      %dma_wait3A_1973 = arith.constant 0 : i32
      %dma_wait3A_1974 = arith.constant 0 : i32
      %dma_wait3A_1975 = tpu.memref_slice %arg16[%dma_wait3A_1965, %dma_wait3A_1973, %dma_wait3A_1974] : memref<4x32x128xf32, #tpu.memory_space<vmem>> -> memref<1x32x128xf32, #tpu.memory_space<vmem>>
      %dma_wait3A_1976 = tpu.memref_squeeze %dma_wait3A_1975 : memref<1x32x128xf32, #tpu.memory_space<vmem>> -> memref<32x128xf32, #tpu.memory_space<vmem>>
      %dma_wait3A_1977 = arith.constant 0 : i32
      %dma_wait3A_1978 = arith.constant 0 : i32
      %dma_wait3A_1979 = tpu.memref_slice %arg2[%dma_wait3A_1977, %dma_wait3A_1978] : memref<32x1000000xf32, #tpu.memory_space<hbm>> -> memref<32x128xf32, #tpu.memory_space<hbm>>
      tpu.wait_dma2 semaphore(%arg22 : memref<!tpu.dma_semaphore, #tpu.memory_space<semaphore_mem>>) src(%dma_wait3A_1979 : memref<32x128xf32, #tpu.memory_space<hbm>>) dst(%dma_wait3A_1976 : memref<32x128xf32, #tpu.memory_space<vmem>>)
      %dma_wait3A_1980 = arith.constant 2 : i32
      %dma_wait3A_1981 = arith.constant 0 : i32
      %dma_wait3A_1982 = arith.constant 0 : i32
      %dma_wait3A_1983 = tpu.memref_slice %arg16[%dma_wait3A_1980, %dma_wait3A_1981, %dma_wait3A_1982] : memref<4x32x128xf32, #tpu.memory_space<vmem>> -> memref<1x32x128xf32, #tpu.memory_space<vmem>>
      %dma_wait3A_1984 = tpu.memref_squeeze %dma_wait3A_1983 : memref<1x32x128xf32, #tpu.memory_space<vmem>> -> memref<32x128xf32, #tpu.memory_space<vmem>>
      %dma_wait3A_1985 = arith.constant 0 : i32
      %dma_wait3A_1986 = arith.constant 0 : i32
      %dma_wait3A_1987 = tpu.memref_slice %arg2[%dma_wait3A_1985, %dma_wait3A_1986] : memref<32x1000000xf32, #tpu.memory_space<hbm>> -> memref<32x128xf32, #tpu.memory_space<hbm>>
      %dma_wait3A_1988 = arith.constant 0 : i32
      %dma_wait3A_1989 = arith.constant 0 : i32
      %dma_wait3A_1990 = tpu.memref_slice %arg16[%dma_wait3A_1980, %dma_wait3A_1988, %dma_wait3A_1989] : memref<4x32x128xf32, #tpu.memory_space<vmem>> -> memref<1x32x128xf32, #tpu.memory_space<vmem>>
      %dma_wait3A_1991 = tpu.memref_squeeze %dma_wait3A_1990 : memref<1x32x128xf32, #tpu.memory_space<vmem>> -> memref<32x128xf32, #tpu.memory_space<vmem>>
      %dma_wait3A_1992 = arith.constant 0 : i32
      %dma_wait3A_1993 = arith.constant 0 : i32
      %dma_wait3A_1994 = tpu.memref_slice %arg2[%dma_wait3A_1992, %dma_wait3A_1993] : memref<32x1000000xf32, #tpu.memory_space<hbm>> -> memref<32x128xf32, #tpu.memory_space<hbm>>
      tpu.wait_dma2 semaphore(%arg22 : memref<!tpu.dma_semaphore, #tpu.memory_space<semaphore_mem>>) src(%dma_wait3A_1994 : memref<32x128xf32, #tpu.memory_space<hbm>>) dst(%dma_wait3A_1991 : memref<32x128xf32, #tpu.memory_space<vmem>>)
      %dma_wait3A_1995 = arith.constant 3 : i32
      %dma_wait3A_1996 = arith.constant 0 : i32
      %dma_wait3A_1997 = arith.constant 0 : i32
      %dma_wait3A_1998 = tpu.memref_slice %arg16[%dma_wait3A_1995, %dma_wait3A_1996, %dma_wait3A_1997] : memref<4x32x128xf32, #tpu.memory_space<vmem>> -> memref<1x32x128xf32, #tpu.memory_space<vmem>>
      %dma_wait3A_1999 = tpu.memref_squeeze %dma_wait3A_1998 : memref<1x32x128xf32, #tpu.memory_space<vmem>> -> memref<32x128xf32, #tpu.memory_space<vmem>>
      %dma_wait3A_2000 = arith.constant 0 : i32
      %dma_wait3A_2001 = arith.constant 0 : i32
      %dma_wait3A_2002 = tpu.memref_slice %arg2[%dma_wait3A_2000, %dma_wait3A_2001] : memref<32x1000000xf32, #tpu.memory_space<hbm>> -> memref<32x128xf32, #tpu.memory_space<hbm>>
      %dma_wait3A_2003 = arith.constant 0 : i32
      %dma_wait3A_2004 = arith.constant 0 : i32
      %dma_wait3A_2005 = tpu.memref_slice %arg16[%dma_wait3A_1995, %dma_wait3A_2003, %dma_wait3A_2004] : memref<4x32x128xf32, #tpu.memory_space<vmem>> -> memref<1x32x128xf32, #tpu.memory_space<vmem>>
      %dma_wait3A_2006 = tpu.memref_squeeze %dma_wait3A_2005 : memref<1x32x128xf32, #tpu.memory_space<vmem>> -> memref<32x128xf32, #tpu.memory_space<vmem>>
      %dma_wait3A_2007 = arith.constant 0 : i32
      %dma_wait3A_2008 = arith.constant 0 : i32
      %dma_wait3A_2009 = tpu.memref_slice %arg2[%dma_wait3A_2007, %dma_wait3A_2008] : memref<32x1000000xf32, #tpu.memory_space<hbm>> -> memref<32x128xf32, #tpu.memory_space<hbm>>
      tpu.wait_dma2 semaphore(%arg22 : memref<!tpu.dma_semaphore, #tpu.memory_space<semaphore_mem>>) src(%dma_wait3A_2009 : memref<32x128xf32, #tpu.memory_space<hbm>>) dst(%dma_wait3A_2006 : memref<32x128xf32, #tpu.memory_space<vmem>>)
      %add3A_2010 = arith.constant 2 : i32
      %add3A_2011 = arith.addi %mul3A_1561, %add3A_2010 : i32
      %iota3A_2012 = tpu.iota {dimensions = array<i32: 0>} : vector<16xi32>
      %add3A_2013 = arith.constant 16 : i32
      %add3A_2014 = vector.broadcast %add3A_2013 : i32 to vector<16xi32>
      %add3A_2015 = arith.addi %iota3A_2012, %add3A_2014 : vector<16xi32>
      %mul3A_2016 = arith.constant 4 : i32
      %mul3A_2017 = arith.muli %add3A_2011, %mul3A_2016 : i32
      %get3A_2018 = arith.index_cast %mul3A_2017 : i32 to index
      %get3A_2019 = tpu.vector_load %arg11[%get3A_2018] {strides = array<i32>} : memref<528xi32, #tpu.memory_space<vmem>>, vector<16xi32>,
      %slice3A_2020 = vector.extract_strided_slice %get3A_2019 {offsets = [0], sizes = [1], strides = [1]} : vector<16xi32> to vector<1xi32>
      %squeeze3A_2021 = vector.extract %slice3A_2020[0] : i32 from vector<1xi32>
      %broadcast_in_dim3A_2022 = vector.broadcast %squeeze3A_2021 : i32 to vector<16xi32>
      %broadcast_in_dim3A_2023 = arith.constant 0 : i32
      %broadcast_in_dim3A_2024 = vector.broadcast %broadcast_in_dim3A_2023 : i32 to vector<16xi32>
      %gather3A_2025 = tpu.vector_load_idx %arg16[%broadcast_in_dim3A_2024, %iota3A_2012, %broadcast_in_dim3A_2022] : memref<4x32x128xf32, #tpu.memory_space<vmem>>[vector<16xi32>, vector<16xi32>, vector<16xi32>], vector<16xf32>,
      %gather3A_2026 = tpu.vector_load_idx %arg16[%broadcast_in_dim3A_2024, %add3A_2015, %broadcast_in_dim3A_2022] : memref<4x32x128xf32, #tpu.memory_space<vmem>>[vector<16xi32>, vector<16xi32>, vector<16xi32>], vector<16xf32>,
      %swap3A_2027 = arith.index_cast %add3A_2011 : i32 to index
      %swap3A_2028 = arith.constant 0 : index
      %swap3A_2029 = tpu.vector_load %arg18[%swap3A_2027, %swap3A_2028] {strides = array<i32>} : memref<128x128xf32, #tpu.memory_space<vmem>>, vector<16xf32>,
      tpu.vector_store %arg18[%swap3A_2027, %swap3A_2028], %gather3A_2025 {strides = array<i32>} : memref<128x128xf32, #tpu.memory_space<vmem>>, vector<16xf32>,
      %swap3A_2030 = arith.index_cast %add3A_2011 : i32 to index
      %swap3A_2031 = arith.constant 16 : index
      %swap3A_2032 = tpu.vector_load %arg18[%swap3A_2030, %swap3A_2031] {strides = array<i32>} : memref<128x128xf32, #tpu.memory_space<vmem>>, vector<16xf32>,
      tpu.vector_store %arg18[%swap3A_2030, %swap3A_2031], %gather3A_2026 {strides = array<i32>} : memref<128x128xf32, #tpu.memory_space<vmem>>, vector<16xf32>,
      %slice3A_2033 = vector.extract_strided_slice %get3A_2019 {offsets = [1], sizes = [1], strides = [1]} : vector<16xi32> to vector<1xi32>
      %squeeze3A_2034 = vector.extract %slice3A_2033[0] : i32 from vector<1xi32>
      %broadcast_in_dim3A_2035 = vector.broadcast %squeeze3A_2034 : i32 to vector<16xi32>
      %broadcast_in_dim3A_2036 = arith.constant 1 : i32
      %broadcast_in_dim3A_2037 = vector.broadcast %broadcast_in_dim3A_2036 : i32 to vector<16xi32>
      %gather3A_2038 = tpu.vector_load_idx %arg16[%broadcast_in_dim3A_2037, %iota3A_2012, %broadcast_in_dim3A_2035] : memref<4x32x128xf32, #tpu.memory_space<vmem>>[vector<16xi32>, vector<16xi32>, vector<16xi32>], vector<16xf32>,
      %gather3A_2039 = tpu.vector_load_idx %arg16[%broadcast_in_dim3A_2037, %add3A_2015, %broadcast_in_dim3A_2035] : memref<4x32x128xf32, #tpu.memory_space<vmem>>[vector<16xi32>, vector<16xi32>, vector<16xi32>], vector<16xf32>,
      %swap3A_2040 = arith.index_cast %add3A_2011 : i32 to index
      %swap3A_2041 = arith.constant 32 : index
      %swap3A_2042 = tpu.vector_load %arg18[%swap3A_2040, %swap3A_2041] {strides = array<i32>} : memref<128x128xf32, #tpu.memory_space<vmem>>, vector<16xf32>,
      tpu.vector_store %arg18[%swap3A_2040, %swap3A_2041], %gather3A_2038 {strides = array<i32>} : memref<128x128xf32, #tpu.memory_space<vmem>>, vector<16xf32>,
      %swap3A_2043 = arith.index_cast %add3A_2011 : i32 to index
      %swap3A_2044 = arith.constant 48 : index
      %swap3A_2045 = tpu.vector_load %arg18[%swap3A_2043, %swap3A_2044] {strides = array<i32>} : memref<128x128xf32, #tpu.memory_space<vmem>>, vector<16xf32>,
      tpu.vector_store %arg18[%swap3A_2043, %swap3A_2044], %gather3A_2039 {strides = array<i32>} : memref<128x128xf32, #tpu.memory_space<vmem>>, vector<16xf32>,
      %slice3A_2046 = vector.extract_strided_slice %get3A_2019 {offsets = [2], sizes = [1], strides = [1]} : vector<16xi32> to vector<1xi32>
      %squeeze3A_2047 = vector.extract %slice3A_2046[0] : i32 from vector<1xi32>
      %broadcast_in_dim3A_2048 = vector.broadcast %squeeze3A_2047 : i32 to vector<16xi32>
      %broadcast_in_dim3A_2049 = arith.constant 2 : i32
      %broadcast_in_dim3A_2050 = vector.broadcast %broadcast_in_dim3A_2049 : i32 to vector<16xi32>
      %gather3A_2051 = tpu.vector_load_idx %arg16[%broadcast_in_dim3A_2050, %iota3A_2012, %broadcast_in_dim3A_2048] : memref<4x32x128xf32, #tpu.memory_space<vmem>>[vector<16xi32>, vector<16xi32>, vector<16xi32>], vector<16xf32>,
      %gather3A_2052 = tpu.vector_load_idx %arg16[%broadcast_in_dim3A_2050, %add3A_2015, %broadcast_in_dim3A_2048] : memref<4x32x128xf32, #tpu.memory_space<vmem>>[vector<16xi32>, vector<16xi32>, vector<16xi32>], vector<16xf32>,
      %swap3A_2053 = arith.index_cast %add3A_2011 : i32 to index
      %swap3A_2054 = arith.constant 64 : index
      %swap3A_2055 = tpu.vector_load %arg18[%swap3A_2053, %swap3A_2054] {strides = array<i32>} : memref<128x128xf32, #tpu.memory_space<vmem>>, vector<16xf32>,
      tpu.vector_store %arg18[%swap3A_2053, %swap3A_2054], %gather3A_2051 {strides = array<i32>} : memref<128x128xf32, #tpu.memory_space<vmem>>, vector<16xf32>,
      %swap3A_2056 = arith.index_cast %add3A_2011 : i32 to index
      %swap3A_2057 = arith.constant 80 : index
      %swap3A_2058 = tpu.vector_load %arg18[%swap3A_2056, %swap3A_2057] {strides = array<i32>} : memref<128x128xf32, #tpu.memory_space<vmem>>, vector<16xf32>,
      tpu.vector_store %arg18[%swap3A_2056, %swap3A_2057], %gather3A_2052 {strides = array<i32>} : memref<128x128xf32, #tpu.memory_space<vmem>>, vector<16xf32>,
      %slice3A_2059 = vector.extract_strided_slice %get3A_2019 {offsets = [3], sizes = [1], strides = [1]} : vector<16xi32> to vector<1xi32>
      %squeeze3A_2060 = vector.extract %slice3A_2059[0] : i32 from vector<1xi32>
      %broadcast_in_dim3A_2061 = vector.broadcast %squeeze3A_2060 : i32 to vector<16xi32>
      %broadcast_in_dim3A_2062 = arith.constant 3 : i32
      %broadcast_in_dim3A_2063 = vector.broadcast %broadcast_in_dim3A_2062 : i32 to vector<16xi32>
      %gather3A_2064 = tpu.vector_load_idx %arg16[%broadcast_in_dim3A_2063, %iota3A_2012, %broadcast_in_dim3A_2061] : memref<4x32x128xf32, #tpu.memory_space<vmem>>[vector<16xi32>, vector<16xi32>, vector<16xi32>], vector<16xf32>,
      %gather3A_2065 = tpu.vector_load_idx %arg16[%broadcast_in_dim3A_2063, %add3A_2015, %broadcast_in_dim3A_2061] : memref<4x32x128xf32, #tpu.memory_space<vmem>>[vector<16xi32>, vector<16xi32>, vector<16xi32>], vector<16xf32>,
      %swap3A_2066 = arith.index_cast %add3A_2011 : i32 to index
      %swap3A_2067 = arith.constant 96 : index
      %swap3A_2068 = tpu.vector_load %arg18[%swap3A_2066, %swap3A_2067] {strides = array<i32>} : memref<128x128xf32, #tpu.memory_space<vmem>>, vector<16xf32>,
      tpu.vector_store %arg18[%swap3A_2066, %swap3A_2067], %gather3A_2064 {strides = array<i32>} : memref<128x128xf32, #tpu.memory_space<vmem>>, vector<16xf32>,
      %swap3A_2069 = arith.index_cast %add3A_2011 : i32 to index
      %swap3A_2070 = arith.constant 112 : index
      %swap3A_2071 = tpu.vector_load %arg18[%swap3A_2069, %swap3A_2070] {strides = array<i32>} : memref<128x128xf32, #tpu.memory_space<vmem>>, vector<16xf32>,
      tpu.vector_store %arg18[%swap3A_2069, %swap3A_2070], %gather3A_2065 {strides = array<i32>} : memref<128x128xf32, #tpu.memory_space<vmem>>, vector<16xf32>,
      %add3A_2072 = arith.constant 4 : i32
      %add3A_2073 = arith.addi %mul3A_1561, %add3A_2072 : i32
      %add3A_2074 = arith.constant 2 : i32
      %add3A_2075 = arith.addi %add3A_2073, %add3A_2074 : i32
      %mul3A_2076 = arith.constant 4 : i32
      %mul3A_2077 = arith.muli %add3A_2075, %mul3A_2076 : i32
      %get3A_2078 = arith.index_cast %mul3A_2077 : i32 to index
      %get3A_2079 = tpu.vector_load %arg10[%get3A_2078] {strides = array<i32>} : memref<528xi32, #tpu.memory_space<vmem>>, vector<16xi32>,
      %slice3A_2080 = vector.extract_strided_slice %get3A_2079 {offsets = [0], sizes = [1], strides = [1]} : vector<16xi32> to vector<1xi32>
      %squeeze3A_2081 = vector.extract %slice3A_2080[0] : i32 from vector<1xi32>
      %multiple_of3A_2082 = tpu.assume_multiple %squeeze3A_2081, 128 : i32
      %dma_start3A_2083 = arith.constant 0 : i32
      %dma_start3A_2084 = arith.constant 0 : i32
      %dma_start3A_2085 = arith.constant 0 : i32
      %dma_start3A_2086 = tpu.memref_slice %arg16[%dma_start3A_2083, %dma_start3A_2084, %dma_start3A_2085] : memref<4x32x128xf32, #tpu.memory_space<vmem>> -> memref<1x32x128xf32, #tpu.memory_space<vmem>>
      %dma_start3A_2087 = tpu.memref_squeeze %dma_start3A_2086 : memref<1x32x128xf32, #tpu.memory_space<vmem>> -> memref<32x128xf32, #tpu.memory_space<vmem>>
      %dma_start3A_2088 = arith.constant 0 : i32
      %dma_start3A_2089 = tpu.memref_slice %arg2[%dma_start3A_2088, %multiple_of3A_2082] : memref<32x1000000xf32, #tpu.memory_space<hbm>> -> memref<32x128xf32, #tpu.memory_space<hbm>>
      %dma_start3A_2090 = arith.constant 0 : i32
      %dma_start3A_2091 = arith.constant 0 : i32
      %dma_start3A_2092 = tpu.memref_slice %arg16[%dma_start3A_2083, %dma_start3A_2090, %dma_start3A_2091] : memref<4x32x128xf32, #tpu.memory_space<vmem>> -> memref<1x32x128xf32, #tpu.memory_space<vmem>>
      %dma_start3A_2093 = tpu.memref_squeeze %dma_start3A_2092 : memref<1x32x128xf32, #tpu.memory_space<vmem>> -> memref<32x128xf32, #tpu.memory_space<vmem>>
      %dma_start3A_2094 = arith.constant 0 : i32
      %dma_start3A_2095 = tpu.memref_slice %arg2[%dma_start3A_2094, %multiple_of3A_2082] : memref<32x1000000xf32, #tpu.memory_space<hbm>> -> memref<32x128xf32, #tpu.memory_space<hbm>>
      tpu.enqueue_dma source(%dma_start3A_2095 : memref<32x128xf32, #tpu.memory_space<hbm>>) target(%dma_start3A_2093 : memref<32x128xf32, #tpu.memory_space<vmem>>) target_semaphore(%arg22 : memref<!tpu.dma_semaphore, #tpu.memory_space<semaphore_mem>>)
      %slice3A_2096 = vector.extract_strided_slice %get3A_2079 {offsets = [1], sizes = [1], strides = [1]} : vector<16xi32> to vector<1xi32>
      %squeeze3A_2097 = vector.extract %slice3A_2096[0] : i32 from vector<1xi32>
      %multiple_of3A_2098 = tpu.assume_multiple %squeeze3A_2097, 128 : i32
      %dma_start3A_2099 = arith.constant 1 : i32
      %dma_start3A_2100 = arith.constant 0 : i32
      %dma_start3A_2101 = arith.constant 0 : i32
      %dma_start3A_2102 = tpu.memref_slice %arg16[%dma_start3A_2099, %dma_start3A_2100, %dma_start3A_2101] : memref<4x32x128xf32, #tpu.memory_space<vmem>> -> memref<1x32x128xf32, #tpu.memory_space<vmem>>
      %dma_start3A_2103 = tpu.memref_squeeze %dma_start3A_2102 : memref<1x32x128xf32, #tpu.memory_space<vmem>> -> memref<32x128xf32, #tpu.memory_space<vmem>>
      %dma_start3A_2104 = arith.constant 0 : i32
      %dma_start3A_2105 = tpu.memref_slice %arg2[%dma_start3A_2104, %multiple_of3A_2098] : memref<32x1000000xf32, #tpu.memory_space<hbm>> -> memref<32x128xf32, #tpu.memory_space<hbm>>
      %dma_start3A_2106 = arith.constant 0 : i32
      %dma_start3A_2107 = arith.constant 0 : i32
      %dma_start3A_2108 = tpu.memref_slice %arg16[%dma_start3A_2099, %dma_start3A_2106, %dma_start3A_2107] : memref<4x32x128xf32, #tpu.memory_space<vmem>> -> memref<1x32x128xf32, #tpu.memory_space<vmem>>
      %dma_start3A_2109 = tpu.memref_squeeze %dma_start3A_2108 : memref<1x32x128xf32, #tpu.memory_space<vmem>> -> memref<32x128xf32, #tpu.memory_space<vmem>>
      %dma_start3A_2110 = arith.constant 0 : i32
      %dma_start3A_2111 = tpu.memref_slice %arg2[%dma_start3A_2110, %multiple_of3A_2098] : memref<32x1000000xf32, #tpu.memory_space<hbm>> -> memref<32x128xf32, #tpu.memory_space<hbm>>
      tpu.enqueue_dma source(%dma_start3A_2111 : memref<32x128xf32, #tpu.memory_space<hbm>>) target(%dma_start3A_2109 : memref<32x128xf32, #tpu.memory_space<vmem>>) target_semaphore(%arg22 : memref<!tpu.dma_semaphore, #tpu.memory_space<semaphore_mem>>)
      %slice3A_2112 = vector.extract_strided_slice %get3A_2079 {offsets = [2], sizes = [1], strides = [1]} : vector<16xi32> to vector<1xi32>
      %squeeze3A_2113 = vector.extract %slice3A_2112[0] : i32 from vector<1xi32>
      %multiple_of3A_2114 = tpu.assume_multiple %squeeze3A_2113, 128 : i32
      %dma_start3A_2115 = arith.constant 2 : i32
      %dma_start3A_2116 = arith.constant 0 : i32
      %dma_start3A_2117 = arith.constant 0 : i32
      %dma_start3A_2118 = tpu.memref_slice %arg16[%dma_start3A_2115, %dma_start3A_2116, %dma_start3A_2117] : memref<4x32x128xf32, #tpu.memory_space<vmem>> -> memref<1x32x128xf32, #tpu.memory_space<vmem>>
      %dma_start3A_2119 = tpu.memref_squeeze %dma_start3A_2118 : memref<1x32x128xf32, #tpu.memory_space<vmem>> -> memref<32x128xf32, #tpu.memory_space<vmem>>
      %dma_start3A_2120 = arith.constant 0 : i32
      %dma_start3A_2121 = tpu.memref_slice %arg2[%dma_start3A_2120, %multiple_of3A_2114] : memref<32x1000000xf32, #tpu.memory_space<hbm>> -> memref<32x128xf32, #tpu.memory_space<hbm>>
      %dma_start3A_2122 = arith.constant 0 : i32
      %dma_start3A_2123 = arith.constant 0 : i32
      %dma_start3A_2124 = tpu.memref_slice %arg16[%dma_start3A_2115, %dma_start3A_2122, %dma_start3A_2123] : memref<4x32x128xf32, #tpu.memory_space<vmem>> -> memref<1x32x128xf32, #tpu.memory_space<vmem>>
      %dma_start3A_2125 = tpu.memref_squeeze %dma_start3A_2124 : memref<1x32x128xf32, #tpu.memory_space<vmem>> -> memref<32x128xf32, #tpu.memory_space<vmem>>
      %dma_start3A_2126 = arith.constant 0 : i32
      %dma_start3A_2127 = tpu.memref_slice %arg2[%dma_start3A_2126, %multiple_of3A_2114] : memref<32x1000000xf32, #tpu.memory_space<hbm>> -> memref<32x128xf32, #tpu.memory_space<hbm>>
      tpu.enqueue_dma source(%dma_start3A_2127 : memref<32x128xf32, #tpu.memory_space<hbm>>) target(%dma_start3A_2125 : memref<32x128xf32, #tpu.memory_space<vmem>>) target_semaphore(%arg22 : memref<!tpu.dma_semaphore, #tpu.memory_space<semaphore_mem>>)
      %slice3A_2128 = vector.extract_strided_slice %get3A_2079 {offsets = [3], sizes = [1], strides = [1]} : vector<16xi32> to vector<1xi32>
      %squeeze3A_2129 = vector.extract %slice3A_2128[0] : i32 from vector<1xi32>
      %multiple_of3A_2130 = tpu.assume_multiple %squeeze3A_2129, 128 : i32
      %dma_start3A_2131 = arith.constant 3 : i32
      %dma_start3A_2132 = arith.constant 0 : i32
      %dma_start3A_2133 = arith.constant 0 : i32
      %dma_start3A_2134 = tpu.memref_slice %arg16[%dma_start3A_2131, %dma_start3A_2132, %dma_start3A_2133] : memref<4x32x128xf32, #tpu.memory_space<vmem>> -> memref<1x32x128xf32, #tpu.memory_space<vmem>>
      %dma_start3A_2135 = tpu.memref_squeeze %dma_start3A_2134 : memref<1x32x128xf32, #tpu.memory_space<vmem>> -> memref<32x128xf32, #tpu.memory_space<vmem>>
      %dma_start3A_2136 = arith.constant 0 : i32
      %dma_start3A_2137 = tpu.memref_slice %arg2[%dma_start3A_2136, %multiple_of3A_2130] : memref<32x1000000xf32, #tpu.memory_space<hbm>> -> memref<32x128xf32, #tpu.memory_space<hbm>>
      %dma_start3A_2138 = arith.constant 0 : i32
      %dma_start3A_2139 = arith.constant 0 : i32
      %dma_start3A_2140 = tpu.memref_slice %arg16[%dma_start3A_2131, %dma_start3A_2138, %dma_start3A_2139] : memref<4x32x128xf32, #tpu.memory_space<vmem>> -> memref<1x32x128xf32, #tpu.memory_space<vmem>>
      %dma_start3A_2141 = tpu.memref_squeeze %dma_start3A_2140 : memref<1x32x128xf32, #tpu.memory_space<vmem>> -> memref<32x128xf32, #tpu.memory_space<vmem>>
      %dma_start3A_2142 = arith.constant 0 : i32
      %dma_start3A_2143 = tpu.memref_slice %arg2[%dma_start3A_2142, %multiple_of3A_2130] : memref<32x1000000xf32, #tpu.memory_space<hbm>> -> memref<32x128xf32, #tpu.memory_space<hbm>>
      tpu.enqueue_dma source(%dma_start3A_2143 : memref<32x128xf32, #tpu.memory_space<hbm>>) target(%dma_start3A_2141 : memref<32x128xf32, #tpu.memory_space<vmem>>) target_semaphore(%arg22 : memref<!tpu.dma_semaphore, #tpu.memory_space<semaphore_mem>>)
      %dma_wait3A_2144 = arith.constant 0 : i32
      %dma_wait3A_2145 = arith.constant 0 : i32
      %dma_wait3A_2146 = arith.constant 0 : i32
      %dma_wait3A_2147 = tpu.memref_slice %arg17[%dma_wait3A_2144, %dma_wait3A_2145, %dma_wait3A_2146] : memref<4x32x128xf32, #tpu.memory_space<vmem>> -> memref<1x32x128xf32, #tpu.memory_space<vmem>>
      %dma_wait3A_2148 = tpu.memref_squeeze %dma_wait3A_2147 : memref<1x32x128xf32, #tpu.memory_space<vmem>> -> memref<32x128xf32, #tpu.memory_space<vmem>>
      %dma_wait3A_2149 = arith.constant 0 : i32
      %dma_wait3A_2150 = arith.constant 0 : i32
      %dma_wait3A_2151 = tpu.memref_slice %arg2[%dma_wait3A_2149, %dma_wait3A_2150] : memref<32x1000000xf32, #tpu.memory_space<hbm>> -> memref<32x128xf32, #tpu.memory_space<hbm>>
      %dma_wait3A_2152 = arith.constant 0 : i32
      %dma_wait3A_2153 = arith.constant 0 : i32
      %dma_wait3A_2154 = tpu.memref_slice %arg17[%dma_wait3A_2144, %dma_wait3A_2152, %dma_wait3A_2153] : memref<4x32x128xf32, #tpu.memory_space<vmem>> -> memref<1x32x128xf32, #tpu.memory_space<vmem>>
      %dma_wait3A_2155 = tpu.memref_squeeze %dma_wait3A_2154 : memref<1x32x128xf32, #tpu.memory_space<vmem>> -> memref<32x128xf32, #tpu.memory_space<vmem>>
      %dma_wait3A_2156 = arith.constant 0 : i32
      %dma_wait3A_2157 = arith.constant 0 : i32
      %dma_wait3A_2158 = tpu.memref_slice %arg2[%dma_wait3A_2156, %dma_wait3A_2157] : memref<32x1000000xf32, #tpu.memory_space<hbm>> -> memref<32x128xf32, #tpu.memory_space<hbm>>
      tpu.wait_dma2 semaphore(%arg23 : memref<!tpu.dma_semaphore, #tpu.memory_space<semaphore_mem>>) src(%dma_wait3A_2158 : memref<32x128xf32, #tpu.memory_space<hbm>>) dst(%dma_wait3A_2155 : memref<32x128xf32, #tpu.memory_space<vmem>>)
      %dma_wait3A_2159 = arith.constant 1 : i32
      %dma_wait3A_2160 = arith.constant 0 : i32
      %dma_wait3A_2161 = arith.constant 0 : i32
      %dma_wait3A_2162 = tpu.memref_slice %arg17[%dma_wait3A_2159, %dma_wait3A_2160, %dma_wait3A_2161] : memref<4x32x128xf32, #tpu.memory_space<vmem>> -> memref<1x32x128xf32, #tpu.memory_space<vmem>>
      %dma_wait3A_2163 = tpu.memref_squeeze %dma_wait3A_2162 : memref<1x32x128xf32, #tpu.memory_space<vmem>> -> memref<32x128xf32, #tpu.memory_space<vmem>>
      %dma_wait3A_2164 = arith.constant 0 : i32
      %dma_wait3A_2165 = arith.constant 0 : i32
      %dma_wait3A_2166 = tpu.memref_slice %arg2[%dma_wait3A_2164, %dma_wait3A_2165] : memref<32x1000000xf32, #tpu.memory_space<hbm>> -> memref<32x128xf32, #tpu.memory_space<hbm>>
      %dma_wait3A_2167 = arith.constant 0 : i32
      %dma_wait3A_2168 = arith.constant 0 : i32
      %dma_wait3A_2169 = tpu.memref_slice %arg17[%dma_wait3A_2159, %dma_wait3A_2167, %dma_wait3A_2168] : memref<4x32x128xf32, #tpu.memory_space<vmem>> -> memref<1x32x128xf32, #tpu.memory_space<vmem>>
      %dma_wait3A_2170 = tpu.memref_squeeze %dma_wait3A_2169 : memref<1x32x128xf32, #tpu.memory_space<vmem>> -> memref<32x128xf32, #tpu.memory_space<vmem>>
      %dma_wait3A_2171 = arith.constant 0 : i32
      %dma_wait3A_2172 = arith.constant 0 : i32
      %dma_wait3A_2173 = tpu.memref_slice %arg2[%dma_wait3A_2171, %dma_wait3A_2172] : memref<32x1000000xf32, #tpu.memory_space<hbm>> -> memref<32x128xf32, #tpu.memory_space<hbm>>
      tpu.wait_dma2 semaphore(%arg23 : memref<!tpu.dma_semaphore, #tpu.memory_space<semaphore_mem>>) src(%dma_wait3A_2173 : memref<32x128xf32, #tpu.memory_space<hbm>>) dst(%dma_wait3A_2170 : memref<32x128xf32, #tpu.memory_space<vmem>>)
      %dma_wait3A_2174 = arith.constant 2 : i32
      %dma_wait3A_2175 = arith.constant 0 : i32
      %dma_wait3A_2176 = arith.constant 0 : i32
      %dma_wait3A_2177 = tpu.memref_slice %arg17[%dma_wait3A_2174, %dma_wait3A_2175, %dma_wait3A_2176] : memref<4x32x128xf32, #tpu.memory_space<vmem>> -> memref<1x32x128xf32, #tpu.memory_space<vmem>>
      %dma_wait3A_2178 = tpu.memref_squeeze %dma_wait3A_2177 : memref<1x32x128xf32, #tpu.memory_space<vmem>> -> memref<32x128xf32, #tpu.memory_space<vmem>>
      %dma_wait3A_2179 = arith.constant 0 : i32
      %dma_wait3A_2180 = arith.constant 0 : i32
      %dma_wait3A_2181 = tpu.memref_slice %arg2[%dma_wait3A_2179, %dma_wait3A_2180] : memref<32x1000000xf32, #tpu.memory_space<hbm>> -> memref<32x128xf32, #tpu.memory_space<hbm>>
      %dma_wait3A_2182 = arith.constant 0 : i32
      %dma_wait3A_2183 = arith.constant 0 : i32
      %dma_wait3A_2184 = tpu.memref_slice %arg17[%dma_wait3A_2174, %dma_wait3A_2182, %dma_wait3A_2183] : memref<4x32x128xf32, #tpu.memory_space<vmem>> -> memref<1x32x128xf32, #tpu.memory_space<vmem>>
      %dma_wait3A_2185 = tpu.memref_squeeze %dma_wait3A_2184 : memref<1x32x128xf32, #tpu.memory_space<vmem>> -> memref<32x128xf32, #tpu.memory_space<vmem>>
      %dma_wait3A_2186 = arith.constant 0 : i32
      %dma_wait3A_2187 = arith.constant 0 : i32
      %dma_wait3A_2188 = tpu.memref_slice %arg2[%dma_wait3A_2186, %dma_wait3A_2187] : memref<32x1000000xf32, #tpu.memory_space<hbm>> -> memref<32x128xf32, #tpu.memory_space<hbm>>
      tpu.wait_dma2 semaphore(%arg23 : memref<!tpu.dma_semaphore, #tpu.memory_space<semaphore_mem>>) src(%dma_wait3A_2188 : memref<32x128xf32, #tpu.memory_space<hbm>>) dst(%dma_wait3A_2185 : memref<32x128xf32, #tpu.memory_space<vmem>>)
      %dma_wait3A_2189 = arith.constant 3 : i32
      %dma_wait3A_2190 = arith.constant 0 : i32
      %dma_wait3A_2191 = arith.constant 0 : i32
      %dma_wait3A_2192 = tpu.memref_slice %arg17[%dma_wait3A_2189, %dma_wait3A_2190, %dma_wait3A_2191] : memref<4x32x128xf32, #tpu.memory_space<vmem>> -> memref<1x32x128xf32, #tpu.memory_space<vmem>>
      %dma_wait3A_2193 = tpu.memref_squeeze %dma_wait3A_2192 : memref<1x32x128xf32, #tpu.memory_space<vmem>> -> memref<32x128xf32, #tpu.memory_space<vmem>>
      %dma_wait3A_2194 = arith.constant 0 : i32
      %dma_wait3A_2195 = arith.constant 0 : i32
      %dma_wait3A_2196 = tpu.memref_slice %arg2[%dma_wait3A_2194, %dma_wait3A_2195] : memref<32x1000000xf32, #tpu.memory_space<hbm>> -> memref<32x128xf32, #tpu.memory_space<hbm>>
      %dma_wait3A_2197 = arith.constant 0 : i32
      %dma_wait3A_2198 = arith.constant 0 : i32
      %dma_wait3A_2199 = tpu.memref_slice %arg17[%dma_wait3A_2189, %dma_wait3A_2197, %dma_wait3A_2198] : memref<4x32x128xf32, #tpu.memory_space<vmem>> -> memref<1x32x128xf32, #tpu.memory_space<vmem>>
      %dma_wait3A_2200 = tpu.memref_squeeze %dma_wait3A_2199 : memref<1x32x128xf32, #tpu.memory_space<vmem>> -> memref<32x128xf32, #tpu.memory_space<vmem>>
      %dma_wait3A_2201 = arith.constant 0 : i32
      %dma_wait3A_2202 = arith.constant 0 : i32
      %dma_wait3A_2203 = tpu.memref_slice %arg2[%dma_wait3A_2201, %dma_wait3A_2202] : memref<32x1000000xf32, #tpu.memory_space<hbm>> -> memref<32x128xf32, #tpu.memory_space<hbm>>
      tpu.wait_dma2 semaphore(%arg23 : memref<!tpu.dma_semaphore, #tpu.memory_space<semaphore_mem>>) src(%dma_wait3A_2203 : memref<32x128xf32, #tpu.memory_space<hbm>>) dst(%dma_wait3A_2200 : memref<32x128xf32, #tpu.memory_space<vmem>>)
      %add3A_2204 = arith.constant 3 : i32
      %add3A_2205 = arith.addi %mul3A_1561, %add3A_2204 : i32
      %iota3A_2206 = tpu.iota {dimensions = array<i32: 0>} : vector<16xi32>
      %add3A_2207 = arith.constant 16 : i32
      %add3A_2208 = vector.broadcast %add3A_2207 : i32 to vector<16xi32>
      %add3A_2209 = arith.addi %iota3A_2206, %add3A_2208 : vector<16xi32>
      %mul3A_2210 = arith.constant 4 : i32
      %mul3A_2211 = arith.muli %add3A_2205, %mul3A_2210 : i32
      %get3A_2212 = arith.index_cast %mul3A_2211 : i32 to index
      %get3A_2213 = tpu.vector_load %arg11[%get3A_2212] {strides = array<i32>} : memref<528xi32, #tpu.memory_space<vmem>>, vector<16xi32>,
      %slice3A_2214 = vector.extract_strided_slice %get3A_2213 {offsets = [0], sizes = [1], strides = [1]} : vector<16xi32> to vector<1xi32>
      %squeeze3A_2215 = vector.extract %slice3A_2214[0] : i32 from vector<1xi32>
      %broadcast_in_dim3A_2216 = vector.broadcast %squeeze3A_2215 : i32 to vector<16xi32>
      %broadcast_in_dim3A_2217 = arith.constant 0 : i32
      %broadcast_in_dim3A_2218 = vector.broadcast %broadcast_in_dim3A_2217 : i32 to vector<16xi32>
      %gather3A_2219 = tpu.vector_load_idx %arg17[%broadcast_in_dim3A_2218, %iota3A_2206, %broadcast_in_dim3A_2216] : memref<4x32x128xf32, #tpu.memory_space<vmem>>[vector<16xi32>, vector<16xi32>, vector<16xi32>], vector<16xf32>,
      %gather3A_2220 = tpu.vector_load_idx %arg17[%broadcast_in_dim3A_2218, %add3A_2209, %broadcast_in_dim3A_2216] : memref<4x32x128xf32, #tpu.memory_space<vmem>>[vector<16xi32>, vector<16xi32>, vector<16xi32>], vector<16xf32>,
      %swap3A_2221 = arith.index_cast %add3A_2205 : i32 to index
      %swap3A_2222 = arith.constant 0 : index
      %swap3A_2223 = tpu.vector_load %arg18[%swap3A_2221, %swap3A_2222] {strides = array<i32>} : memref<128x128xf32, #tpu.memory_space<vmem>>, vector<16xf32>,
      tpu.vector_store %arg18[%swap3A_2221, %swap3A_2222], %gather3A_2219 {strides = array<i32>} : memref<128x128xf32, #tpu.memory_space<vmem>>, vector<16xf32>,
      %swap3A_2224 = arith.index_cast %add3A_2205 : i32 to index
      %swap3A_2225 = arith.constant 16 : index
      %swap3A_2226 = tpu.vector_load %arg18[%swap3A_2224, %swap3A_2225] {strides = array<i32>} : memref<128x128xf32, #tpu.memory_space<vmem>>, vector<16xf32>,
      tpu.vector_store %arg18[%swap3A_2224, %swap3A_2225], %gather3A_2220 {strides = array<i32>} : memref<128x128xf32, #tpu.memory_space<vmem>>, vector<16xf32>,
      %slice3A_2227 = vector.extract_strided_slice %get3A_2213 {offsets = [1], sizes = [1], strides = [1]} : vector<16xi32> to vector<1xi32>
      %squeeze3A_2228 = vector.extract %slice3A_2227[0] : i32 from vector<1xi32>
      %broadcast_in_dim3A_2229 = vector.broadcast %squeeze3A_2228 : i32 to vector<16xi32>
      %broadcast_in_dim3A_2230 = arith.constant 1 : i32
      %broadcast_in_dim3A_2231 = vector.broadcast %broadcast_in_dim3A_2230 : i32 to vector<16xi32>
      %gather3A_2232 = tpu.vector_load_idx %arg17[%broadcast_in_dim3A_2231, %iota3A_2206, %broadcast_in_dim3A_2229] : memref<4x32x128xf32, #tpu.memory_space<vmem>>[vector<16xi32>, vector<16xi32>, vector<16xi32>], vector<16xf32>,
      %gather3A_2233 = tpu.vector_load_idx %arg17[%broadcast_in_dim3A_2231, %add3A_2209, %broadcast_in_dim3A_2229] : memref<4x32x128xf32, #tpu.memory_space<vmem>>[vector<16xi32>, vector<16xi32>, vector<16xi32>], vector<16xf32>,
      %swap3A_2234 = arith.index_cast %add3A_2205 : i32 to index
      %swap3A_2235 = arith.constant 32 : index
      %swap3A_2236 = tpu.vector_load %arg18[%swap3A_2234, %swap3A_2235] {strides = array<i32>} : memref<128x128xf32, #tpu.memory_space<vmem>>, vector<16xf32>,
      tpu.vector_store %arg18[%swap3A_2234, %swap3A_2235], %gather3A_2232 {strides = array<i32>} : memref<128x128xf32, #tpu.memory_space<vmem>>, vector<16xf32>,
      %swap3A_2237 = arith.index_cast %add3A_2205 : i32 to index
      %swap3A_2238 = arith.constant 48 : index
      %swap3A_2239 = tpu.vector_load %arg18[%swap3A_2237, %swap3A_2238] {strides = array<i32>} : memref<128x128xf32, #tpu.memory_space<vmem>>, vector<16xf32>,
      tpu.vector_store %arg18[%swap3A_2237, %swap3A_2238], %gather3A_2233 {strides = array<i32>} : memref<128x128xf32, #tpu.memory_space<vmem>>, vector<16xf32>,
      %slice3A_2240 = vector.extract_strided_slice %get3A_2213 {offsets = [2], sizes = [1], strides = [1]} : vector<16xi32> to vector<1xi32>
      %squeeze3A_2241 = vector.extract %slice3A_2240[0] : i32 from vector<1xi32>
      %broadcast_in_dim3A_2242 = vector.broadcast %squeeze3A_2241 : i32 to vector<16xi32>
      %broadcast_in_dim3A_2243 = arith.constant 2 : i32
      %broadcast_in_dim3A_2244 = vector.broadcast %broadcast_in_dim3A_2243 : i32 to vector<16xi32>
      %gather3A_2245 = tpu.vector_load_idx %arg17[%broadcast_in_dim3A_2244, %iota3A_2206, %broadcast_in_dim3A_2242] : memref<4x32x128xf32, #tpu.memory_space<vmem>>[vector<16xi32>, vector<16xi32>, vector<16xi32>], vector<16xf32>,
      %gather3A_2246 = tpu.vector_load_idx %arg17[%broadcast_in_dim3A_2244, %add3A_2209, %broadcast_in_dim3A_2242] : memref<4x32x128xf32, #tpu.memory_space<vmem>>[vector<16xi32>, vector<16xi32>, vector<16xi32>], vector<16xf32>,
      %swap3A_2247 = arith.index_cast %add3A_2205 : i32 to index
      %swap3A_2248 = arith.constant 64 : index
      %swap3A_2249 = tpu.vector_load %arg18[%swap3A_2247, %swap3A_2248] {strides = array<i32>} : memref<128x128xf32, #tpu.memory_space<vmem>>, vector<16xf32>,
      tpu.vector_store %arg18[%swap3A_2247, %swap3A_2248], %gather3A_2245 {strides = array<i32>} : memref<128x128xf32, #tpu.memory_space<vmem>>, vector<16xf32>,
      %swap3A_2250 = arith.index_cast %add3A_2205 : i32 to index
      %swap3A_2251 = arith.constant 80 : index
      %swap3A_2252 = tpu.vector_load %arg18[%swap3A_2250, %swap3A_2251] {strides = array<i32>} : memref<128x128xf32, #tpu.memory_space<vmem>>, vector<16xf32>,
      tpu.vector_store %arg18[%swap3A_2250, %swap3A_2251], %gather3A_2246 {strides = array<i32>} : memref<128x128xf32, #tpu.memory_space<vmem>>, vector<16xf32>,
      %slice3A_2253 = vector.extract_strided_slice %get3A_2213 {offsets = [3], sizes = [1], strides = [1]} : vector<16xi32> to vector<1xi32>
      %squeeze3A_2254 = vector.extract %slice3A_2253[0] : i32 from vector<1xi32>
      %broadcast_in_dim3A_2255 = vector.broadcast %squeeze3A_2254 : i32 to vector<16xi32>
      %broadcast_in_dim3A_2256 = arith.constant 3 : i32
      %broadcast_in_dim3A_2257 = vector.broadcast %broadcast_in_dim3A_2256 : i32 to vector<16xi32>
      %gather3A_2258 = tpu.vector_load_idx %arg17[%broadcast_in_dim3A_2257, %iota3A_2206, %broadcast_in_dim3A_2255] : memref<4x32x128xf32, #tpu.memory_space<vmem>>[vector<16xi32>, vector<16xi32>, vector<16xi32>], vector<16xf32>,
      %gather3A_2259 = tpu.vector_load_idx %arg17[%broadcast_in_dim3A_2257, %add3A_2209, %broadcast_in_dim3A_2255] : memref<4x32x128xf32, #tpu.memory_space<vmem>>[vector<16xi32>, vector<16xi32>, vector<16xi32>], vector<16xf32>,
      %swap3A_2260 = arith.index_cast %add3A_2205 : i32 to index
      %swap3A_2261 = arith.constant 96 : index
      %swap3A_2262 = tpu.vector_load %arg18[%swap3A_2260, %swap3A_2261] {strides = array<i32>} : memref<128x128xf32, #tpu.memory_space<vmem>>, vector<16xf32>,
      tpu.vector_store %arg18[%swap3A_2260, %swap3A_2261], %gather3A_2258 {strides = array<i32>} : memref<128x128xf32, #tpu.memory_space<vmem>>, vector<16xf32>,
      %swap3A_2263 = arith.index_cast %add3A_2205 : i32 to index
      %swap3A_2264 = arith.constant 112 : index
      %swap3A_2265 = tpu.vector_load %arg18[%swap3A_2263, %swap3A_2264] {strides = array<i32>} : memref<128x128xf32, #tpu.memory_space<vmem>>, vector<16xf32>,
      tpu.vector_store %arg18[%swap3A_2263, %swap3A_2264], %gather3A_2259 {strides = array<i32>} : memref<128x128xf32, #tpu.memory_space<vmem>>, vector<16xf32>,
      %add3A_2266 = arith.constant 4 : i32
      %add3A_2267 = arith.addi %mul3A_1561, %add3A_2266 : i32
      %add3A_2268 = arith.constant 3 : i32
      %add3A_2269 = arith.addi %add3A_2267, %add3A_2268 : i32
      %mul3A_2270 = arith.constant 4 : i32
      %mul3A_2271 = arith.muli %add3A_2269, %mul3A_2270 : i32
      %get3A_2272 = arith.index_cast %mul3A_2271 : i32 to index
      %get3A_2273 = tpu.vector_load %arg10[%get3A_2272] {strides = array<i32>} : memref<528xi32, #tpu.memory_space<vmem>>, vector<16xi32>,
      %slice3A_2274 = vector.extract_strided_slice %get3A_2273 {offsets = [0], sizes = [1], strides = [1]} : vector<16xi32> to vector<1xi32>
      %squeeze3A_2275 = vector.extract %slice3A_2274[0] : i32 from vector<1xi32>
      %multiple_of3A_2276 = tpu.assume_multiple %squeeze3A_2275, 128 : i32
      %dma_start3A_2277 = arith.constant 0 : i32
      %dma_start3A_2278 = arith.constant 0 : i32
      %dma_start3A_2279 = arith.constant 0 : i32
      %dma_start3A_2280 = tpu.memref_slice %arg17[%dma_start3A_2277, %dma_start3A_2278, %dma_start3A_2279] : memref<4x32x128xf32, #tpu.memory_space<vmem>> -> memref<1x32x128xf32, #tpu.memory_space<vmem>>
      %dma_start3A_2281 = tpu.memref_squeeze %dma_start3A_2280 : memref<1x32x128xf32, #tpu.memory_space<vmem>> -> memref<32x128xf32, #tpu.memory_space<vmem>>
      %dma_start3A_2282 = arith.constant 0 : i32
      %dma_start3A_2283 = tpu.memref_slice %arg2[%dma_start3A_2282, %multiple_of3A_2276] : memref<32x1000000xf32, #tpu.memory_space<hbm>> -> memref<32x128xf32, #tpu.memory_space<hbm>>
      %dma_start3A_2284 = arith.constant 0 : i32
      %dma_start3A_2285 = arith.constant 0 : i32
      %dma_start3A_2286 = tpu.memref_slice %arg17[%dma_start3A_2277, %dma_start3A_2284, %dma_start3A_2285] : memref<4x32x128xf32, #tpu.memory_space<vmem>> -> memref<1x32x128xf32, #tpu.memory_space<vmem>>
      %dma_start3A_2287 = tpu.memref_squeeze %dma_start3A_2286 : memref<1x32x128xf32, #tpu.memory_space<vmem>> -> memref<32x128xf32, #tpu.memory_space<vmem>>
      %dma_start3A_2288 = arith.constant 0 : i32
      %dma_start3A_2289 = tpu.memref_slice %arg2[%dma_start3A_2288, %multiple_of3A_2276] : memref<32x1000000xf32, #tpu.memory_space<hbm>> -> memref<32x128xf32, #tpu.memory_space<hbm>>
      tpu.enqueue_dma source(%dma_start3A_2289 : memref<32x128xf32, #tpu.memory_space<hbm>>) target(%dma_start3A_2287 : memref<32x128xf32, #tpu.memory_space<vmem>>) target_semaphore(%arg23 : memref<!tpu.dma_semaphore, #tpu.memory_space<semaphore_mem>>)
      %slice3A_2290 = vector.extract_strided_slice %get3A_2273 {offsets = [1], sizes = [1], strides = [1]} : vector<16xi32> to vector<1xi32>
      %squeeze3A_2291 = vector.extract %slice3A_2290[0] : i32 from vector<1xi32>
      %multiple_of3A_2292 = tpu.assume_multiple %squeeze3A_2291, 128 : i32
      %dma_start3A_2293 = arith.constant 1 : i32
      %dma_start3A_2294 = arith.constant 0 : i32
      %dma_start3A_2295 = arith.constant 0 : i32
      %dma_start3A_2296 = tpu.memref_slice %arg17[%dma_start3A_2293, %dma_start3A_2294, %dma_start3A_2295] : memref<4x32x128xf32, #tpu.memory_space<vmem>> -> memref<1x32x128xf32, #tpu.memory_space<vmem>>
      %dma_start3A_2297 = tpu.memref_squeeze %dma_start3A_2296 : memref<1x32x128xf32, #tpu.memory_space<vmem>> -> memref<32x128xf32, #tpu.memory_space<vmem>>
      %dma_start3A_2298 = arith.constant 0 : i32
      %dma_start3A_2299 = tpu.memref_slice %arg2[%dma_start3A_2298, %multiple_of3A_2292] : memref<32x1000000xf32, #tpu.memory_space<hbm>> -> memref<32x128xf32, #tpu.memory_space<hbm>>
      %dma_start3A_2300 = arith.constant 0 : i32
      %dma_start3A_2301 = arith.constant 0 : i32
      %dma_start3A_2302 = tpu.memref_slice %arg17[%dma_start3A_2293, %dma_start3A_2300, %dma_start3A_2301] : memref<4x32x128xf32, #tpu.memory_space<vmem>> -> memref<1x32x128xf32, #tpu.memory_space<vmem>>
      %dma_start3A_2303 = tpu.memref_squeeze %dma_start3A_2302 : memref<1x32x128xf32, #tpu.memory_space<vmem>> -> memref<32x128xf32, #tpu.memory_space<vmem>>
      %dma_start3A_2304 = arith.constant 0 : i32
      %dma_start3A_2305 = tpu.memref_slice %arg2[%dma_start3A_2304, %multiple_of3A_2292] : memref<32x1000000xf32, #tpu.memory_space<hbm>> -> memref<32x128xf32, #tpu.memory_space<hbm>>
      tpu.enqueue_dma source(%dma_start3A_2305 : memref<32x128xf32, #tpu.memory_space<hbm>>) target(%dma_start3A_2303 : memref<32x128xf32, #tpu.memory_space<vmem>>) target_semaphore(%arg23 : memref<!tpu.dma_semaphore, #tpu.memory_space<semaphore_mem>>)
      %slice3A_2306 = vector.extract_strided_slice %get3A_2273 {offsets = [2], sizes = [1], strides = [1]} : vector<16xi32> to vector<1xi32>
      %squeeze3A_2307 = vector.extract %slice3A_2306[0] : i32 from vector<1xi32>
      %multiple_of3A_2308 = tpu.assume_multiple %squeeze3A_2307, 128 : i32
      %dma_start3A_2309 = arith.constant 2 : i32
      %dma_start3A_2310 = arith.constant 0 : i32
      %dma_start3A_2311 = arith.constant 0 : i32
      %dma_start3A_2312 = tpu.memref_slice %arg17[%dma_start3A_2309, %dma_start3A_2310, %dma_start3A_2311] : memref<4x32x128xf32, #tpu.memory_space<vmem>> -> memref<1x32x128xf32, #tpu.memory_space<vmem>>
      %dma_start3A_2313 = tpu.memref_squeeze %dma_start3A_2312 : memref<1x32x128xf32, #tpu.memory_space<vmem>> -> memref<32x128xf32, #tpu.memory_space<vmem>>
      %dma_start3A_2314 = arith.constant 0 : i32
      %dma_start3A_2315 = tpu.memref_slice %arg2[%dma_start3A_2314, %multiple_of3A_2308] : memref<32x1000000xf32, #tpu.memory_space<hbm>> -> memref<32x128xf32, #tpu.memory_space<hbm>>
      %dma_start3A_2316 = arith.constant 0 : i32
      %dma_start3A_2317 = arith.constant 0 : i32
      %dma_start3A_2318 = tpu.memref_slice %arg17[%dma_start3A_2309, %dma_start3A_2316, %dma_start3A_2317] : memref<4x32x128xf32, #tpu.memory_space<vmem>> -> memref<1x32x128xf32, #tpu.memory_space<vmem>>
      %dma_start3A_2319 = tpu.memref_squeeze %dma_start3A_2318 : memref<1x32x128xf32, #tpu.memory_space<vmem>> -> memref<32x128xf32, #tpu.memory_space<vmem>>
      %dma_start3A_2320 = arith.constant 0 : i32
      %dma_start3A_2321 = tpu.memref_slice %arg2[%dma_start3A_2320, %multiple_of3A_2308] : memref<32x1000000xf32, #tpu.memory_space<hbm>> -> memref<32x128xf32, #tpu.memory_space<hbm>>
      tpu.enqueue_dma source(%dma_start3A_2321 : memref<32x128xf32, #tpu.memory_space<hbm>>) target(%dma_start3A_2319 : memref<32x128xf32, #tpu.memory_space<vmem>>) target_semaphore(%arg23 : memref<!tpu.dma_semaphore, #tpu.memory_space<semaphore_mem>>)
      %slice3A_2322 = vector.extract_strided_slice %get3A_2273 {offsets = [3], sizes = [1], strides = [1]} : vector<16xi32> to vector<1xi32>
      %squeeze3A_2323 = vector.extract %slice3A_2322[0] : i32 from vector<1xi32>
      %multiple_of3A_2324 = tpu.assume_multiple %squeeze3A_2323, 128 : i32
      %dma_start3A_2325 = arith.constant 3 : i32
      %dma_start3A_2326 = arith.constant 0 : i32
      %dma_start3A_2327 = arith.constant 0 : i32
      %dma_start3A_2328 = tpu.memref_slice %arg17[%dma_start3A_2325, %dma_start3A_2326, %dma_start3A_2327] : memref<4x32x128xf32, #tpu.memory_space<vmem>> -> memref<1x32x128xf32, #tpu.memory_space<vmem>>
      %dma_start3A_2329 = tpu.memref_squeeze %dma_start3A_2328 : memref<1x32x128xf32, #tpu.memory_space<vmem>> -> memref<32x128xf32, #tpu.memory_space<vmem>>
      %dma_start3A_2330 = arith.constant 0 : i32
      %dma_start3A_2331 = tpu.memref_slice %arg2[%dma_start3A_2330, %multiple_of3A_2324] : memref<32x1000000xf32, #tpu.memory_space<hbm>> -> memref<32x128xf32, #tpu.memory_space<hbm>>
      %dma_start3A_2332 = arith.constant 0 : i32
      %dma_start3A_2333 = arith.constant 0 : i32
      %dma_start3A_2334 = tpu.memref_slice %arg17[%dma_start3A_2325, %dma_start3A_2332, %dma_start3A_2333] : memref<4x32x128xf32, #tpu.memory_space<vmem>> -> memref<1x32x128xf32, #tpu.memory_space<vmem>>
      %dma_start3A_2335 = tpu.memref_squeeze %dma_start3A_2334 : memref<1x32x128xf32, #tpu.memory_space<vmem>> -> memref<32x128xf32, #tpu.memory_space<vmem>>
      %dma_start3A_2336 = arith.constant 0 : i32
      %dma_start3A_2337 = tpu.memref_slice %arg2[%dma_start3A_2336, %multiple_of3A_2324] : memref<32x1000000xf32, #tpu.memory_space<hbm>> -> memref<32x128xf32, #tpu.memory_space<hbm>>
      tpu.enqueue_dma source(%dma_start3A_2337 : memref<32x128xf32, #tpu.memory_space<hbm>>) target(%dma_start3A_2335 : memref<32x128xf32, #tpu.memory_space<vmem>>) target_semaphore(%arg23 : memref<!tpu.dma_semaphore, #tpu.memory_space<semaphore_mem>>)
      %scan3A_2338 = arith.constant 0 : i32
      scf.yield %scan3A_2338 : i32
    }
    %scan3A_279 = arith.constant 31 : i32
    %dma_wait3A = arith.constant 0 : i32
    %dma_wait3A_280 = arith.constant 0 : i32
    %dma_wait3A_281 = arith.constant 0 : i32
    %dma_wait3A_282 = tpu.memref_slice %arg14[%dma_wait3A, %dma_wait3A_280, %dma_wait3A_281] : memref<4x32x128xf32, #tpu.memory_space<vmem>> -> memref<1x32x128xf32, #tpu.memory_space<vmem>>
    %dma_wait3A_283 = tpu.memref_squeeze %dma_wait3A_282 : memref<1x32x128xf32, #tpu.memory_space<vmem>> -> memref<32x128xf32, #tpu.memory_space<vmem>>
    %dma_wait3A_284 = arith.constant 0 : i32
    %dma_wait3A_285 = arith.constant 0 : i32
    %dma_wait3A_286 = tpu.memref_slice %arg2[%dma_wait3A_284, %dma_wait3A_285] : memref<32x1000000xf32, #tpu.memory_space<hbm>> -> memref<32x128xf32, #tpu.memory_space<hbm>>
    %dma_wait3A_287 = arith.constant 0 : i32
    %dma_wait3A_288 = arith.constant 0 : i32
    %dma_wait3A_289 = tpu.memref_slice %arg14[%dma_wait3A, %dma_wait3A_287, %dma_wait3A_288] : memref<4x32x128xf32, #tpu.memory_space<vmem>> -> memref<1x32x128xf32, #tpu.memory_space<vmem>>
    %dma_wait3A_290 = tpu.memref_squeeze %dma_wait3A_289 : memref<1x32x128xf32, #tpu.memory_space<vmem>> -> memref<32x128xf32, #tpu.memory_space<vmem>>
    %dma_wait3A_291 = arith.constant 0 : i32
    %dma_wait3A_292 = arith.constant 0 : i32
    %dma_wait3A_293 = tpu.memref_slice %arg2[%dma_wait3A_291, %dma_wait3A_292] : memref<32x1000000xf32, #tpu.memory_space<hbm>> -> memref<32x128xf32, #tpu.memory_space<hbm>>
    tpu.wait_dma2 semaphore(%arg20 : memref<!tpu.dma_semaphore, #tpu.memory_space<semaphore_mem>>) src(%dma_wait3A_293 : memref<32x128xf32, #tpu.memory_space<hbm>>) dst(%dma_wait3A_290 : memref<32x128xf32, #tpu.memory_space<vmem>>)
    %dma_wait3A_294 = arith.constant 1 : i32
    %dma_wait3A_295 = arith.constant 0 : i32
    %dma_wait3A_296 = arith.constant 0 : i32
    %dma_wait3A_297 = tpu.memref_slice %arg14[%dma_wait3A_294, %dma_wait3A_295, %dma_wait3A_296] : memref<4x32x128xf32, #tpu.memory_space<vmem>> -> memref<1x32x128xf32, #tpu.memory_space<vmem>>
    %dma_wait3A_298 = tpu.memref_squeeze %dma_wait3A_297 : memref<1x32x128xf32, #tpu.memory_space<vmem>> -> memref<32x128xf32, #tpu.memory_space<vmem>>
    %dma_wait3A_299 = arith.constant 0 : i32
    %dma_wait3A_300 = arith.constant 0 : i32
    %dma_wait3A_301 = tpu.memref_slice %arg2[%dma_wait3A_299, %dma_wait3A_300] : memref<32x1000000xf32, #tpu.memory_space<hbm>> -> memref<32x128xf32, #tpu.memory_space<hbm>>
    %dma_wait3A_302 = arith.constant 0 : i32
    %dma_wait3A_303 = arith.constant 0 : i32
    %dma_wait3A_304 = tpu.memref_slice %arg14[%dma_wait3A_294, %dma_wait3A_302, %dma_wait3A_303] : memref<4x32x128xf32, #tpu.memory_space<vmem>> -> memref<1x32x128xf32, #tpu.memory_space<vmem>>
    %dma_wait3A_305 = tpu.memref_squeeze %dma_wait3A_304 : memref<1x32x128xf32, #tpu.memory_space<vmem>> -> memref<32x128xf32, #tpu.memory_space<vmem>>
    %dma_wait3A_306 = arith.constant 0 : i32
    %dma_wait3A_307 = arith.constant 0 : i32
    %dma_wait3A_308 = tpu.memref_slice %arg2[%dma_wait3A_306, %dma_wait3A_307] : memref<32x1000000xf32, #tpu.memory_space<hbm>> -> memref<32x128xf32, #tpu.memory_space<hbm>>
    tpu.wait_dma2 semaphore(%arg20 : memref<!tpu.dma_semaphore, #tpu.memory_space<semaphore_mem>>) src(%dma_wait3A_308 : memref<32x128xf32, #tpu.memory_space<hbm>>) dst(%dma_wait3A_305 : memref<32x128xf32, #tpu.memory_space<vmem>>)
    %dma_wait3A_309 = arith.constant 2 : i32
    %dma_wait3A_310 = arith.constant 0 : i32
    %dma_wait3A_311 = arith.constant 0 : i32
    %dma_wait3A_312 = tpu.memref_slice %arg14[%dma_wait3A_309, %dma_wait3A_310, %dma_wait3A_311] : memref<4x32x128xf32, #tpu.memory_space<vmem>> -> memref<1x32x128xf32, #tpu.memory_space<vmem>>
    %dma_wait3A_313 = tpu.memref_squeeze %dma_wait3A_312 : memref<1x32x128xf32, #tpu.memory_space<vmem>> -> memref<32x128xf32, #tpu.memory_space<vmem>>
    %dma_wait3A_314 = arith.constant 0 : i32
    %dma_wait3A_315 = arith.constant 0 : i32
    %dma_wait3A_316 = tpu.memref_slice %arg2[%dma_wait3A_314, %dma_wait3A_315] : memref<32x1000000xf32, #tpu.memory_space<hbm>> -> memref<32x128xf32, #tpu.memory_space<hbm>>
    %dma_wait3A_317 = arith.constant 0 : i32
    %dma_wait3A_318 = arith.constant 0 : i32
    %dma_wait3A_319 = tpu.memref_slice %arg14[%dma_wait3A_309, %dma_wait3A_317, %dma_wait3A_318] : memref<4x32x128xf32, #tpu.memory_space<vmem>> -> memref<1x32x128xf32, #tpu.memory_space<vmem>>
    %dma_wait3A_320 = tpu.memref_squeeze %dma_wait3A_319 : memref<1x32x128xf32, #tpu.memory_space<vmem>> -> memref<32x128xf32, #tpu.memory_space<vmem>>
    %dma_wait3A_321 = arith.constant 0 : i32
    %dma_wait3A_322 = arith.constant 0 : i32
    %dma_wait3A_323 = tpu.memref_slice %arg2[%dma_wait3A_321, %dma_wait3A_322] : memref<32x1000000xf32, #tpu.memory_space<hbm>> -> memref<32x128xf32, #tpu.memory_space<hbm>>
    tpu.wait_dma2 semaphore(%arg20 : memref<!tpu.dma_semaphore, #tpu.memory_space<semaphore_mem>>) src(%dma_wait3A_323 : memref<32x128xf32, #tpu.memory_space<hbm>>) dst(%dma_wait3A_320 : memref<32x128xf32, #tpu.memory_space<vmem>>)
    %dma_wait3A_324 = arith.constant 3 : i32
    %dma_wait3A_325 = arith.constant 0 : i32
    %dma_wait3A_326 = arith.constant 0 : i32
    %dma_wait3A_327 = tpu.memref_slice %arg14[%dma_wait3A_324, %dma_wait3A_325, %dma_wait3A_326] : memref<4x32x128xf32, #tpu.memory_space<vmem>> -> memref<1x32x128xf32, #tpu.memory_space<vmem>>
    %dma_wait3A_328 = tpu.memref_squeeze %dma_wait3A_327 : memref<1x32x128xf32, #tpu.memory_space<vmem>> -> memref<32x128xf32, #tpu.memory_space<vmem>>
    %dma_wait3A_329 = arith.constant 0 : i32
    %dma_wait3A_330 = arith.constant 0 : i32
    %dma_wait3A_331 = tpu.memref_slice %arg2[%dma_wait3A_329, %dma_wait3A_330] : memref<32x1000000xf32, #tpu.memory_space<hbm>> -> memref<32x128xf32, #tpu.memory_space<hbm>>
    %dma_wait3A_332 = arith.constant 0 : i32
    %dma_wait3A_333 = arith.constant 0 : i32
    %dma_wait3A_334 = tpu.memref_slice %arg14[%dma_wait3A_324, %dma_wait3A_332, %dma_wait3A_333] : memref<4x32x128xf32, #tpu.memory_space<vmem>> -> memref<1x32x128xf32, #tpu.memory_space<vmem>>
    %dma_wait3A_335 = tpu.memref_squeeze %dma_wait3A_334 : memref<1x32x128xf32, #tpu.memory_space<vmem>> -> memref<32x128xf32, #tpu.memory_space<vmem>>
    %dma_wait3A_336 = arith.constant 0 : i32
    %dma_wait3A_337 = arith.constant 0 : i32
    %dma_wait3A_338 = tpu.memref_slice %arg2[%dma_wait3A_336, %dma_wait3A_337] : memref<32x1000000xf32, #tpu.memory_space<hbm>> -> memref<32x128xf32, #tpu.memory_space<hbm>>
    tpu.wait_dma2 semaphore(%arg20 : memref<!tpu.dma_semaphore, #tpu.memory_space<semaphore_mem>>) src(%dma_wait3A_338 : memref<32x128xf32, #tpu.memory_space<hbm>>) dst(%dma_wait3A_335 : memref<32x128xf32, #tpu.memory_space<vmem>>)
    %iota3A = tpu.iota {dimensions = array<i32: 0>} : vector<16xi32>
    %add3A_339 = arith.constant 16 : i32
    %add3A_340 = vector.broadcast %add3A_339 : i32 to vector<16xi32>
    %add3A_341 = arith.addi %iota3A, %add3A_340 : vector<16xi32>
    %get3A_342 = arith.constant 496 : index
    %get3A_343 = tpu.vector_load %arg11[%get3A_342] {strides = array<i32>} : memref<528xi32, #tpu.memory_space<vmem>>, vector<16xi32>,
    %slice3A_344 = vector.extract_strided_slice %get3A_343 {offsets = [0], sizes = [1], strides = [1]} : vector<16xi32> to vector<1xi32>
    %squeeze3A_345 = vector.extract %slice3A_344[0] : i32 from vector<1xi32>
    %broadcast_in_dim3A = vector.broadcast %squeeze3A_345 : i32 to vector<16xi32>
    %broadcast_in_dim3A_346 = arith.constant 0 : i32
    %broadcast_in_dim3A_347 = vector.broadcast %broadcast_in_dim3A_346 : i32 to vector<16xi32>
    %gather3A = tpu.vector_load_idx %arg14[%broadcast_in_dim3A_347, %iota3A, %broadcast_in_dim3A] : memref<4x32x128xf32, #tpu.memory_space<vmem>>[vector<16xi32>, vector<16xi32>, vector<16xi32>], vector<16xf32>,
    %gather3A_348 = tpu.vector_load_idx %arg14[%broadcast_in_dim3A_347, %add3A_341, %broadcast_in_dim3A] : memref<4x32x128xf32, #tpu.memory_space<vmem>>[vector<16xi32>, vector<16xi32>, vector<16xi32>], vector<16xf32>,
    %swap3A = arith.constant 124 : i32
    %swap3A_349 = arith.index_cast %swap3A : i32 to index
    %swap3A_350 = arith.constant 0 : index
    %swap3A_351 = tpu.vector_load %arg18[%swap3A_349, %swap3A_350] {strides = array<i32>} : memref<128x128xf32, #tpu.memory_space<vmem>>, vector<16xf32>,
    tpu.vector_store %arg18[%swap3A_349, %swap3A_350], %gather3A {strides = array<i32>} : memref<128x128xf32, #tpu.memory_space<vmem>>, vector<16xf32>,
    %swap3A_352 = arith.constant 124 : i32
    %swap3A_353 = arith.index_cast %swap3A_352 : i32 to index
    %swap3A_354 = arith.constant 16 : index
    %swap3A_355 = tpu.vector_load %arg18[%swap3A_353, %swap3A_354] {strides = array<i32>} : memref<128x128xf32, #tpu.memory_space<vmem>>, vector<16xf32>,
    tpu.vector_store %arg18[%swap3A_353, %swap3A_354], %gather3A_348 {strides = array<i32>} : memref<128x128xf32, #tpu.memory_space<vmem>>, vector<16xf32>,
    %slice3A_356 = vector.extract_strided_slice %get3A_343 {offsets = [1], sizes = [1], strides = [1]} : vector<16xi32> to vector<1xi32>
    %squeeze3A_357 = vector.extract %slice3A_356[0] : i32 from vector<1xi32>
    %broadcast_in_dim3A_358 = vector.broadcast %squeeze3A_357 : i32 to vector<16xi32>
    %broadcast_in_dim3A_359 = arith.constant 1 : i32
    %broadcast_in_dim3A_360 = vector.broadcast %broadcast_in_dim3A_359 : i32 to vector<16xi32>
    %gather3A_361 = tpu.vector_load_idx %arg14[%broadcast_in_dim3A_360, %iota3A, %broadcast_in_dim3A_358] : memref<4x32x128xf32, #tpu.memory_space<vmem>>[vector<16xi32>, vector<16xi32>, vector<16xi32>], vector<16xf32>,
    %gather3A_362 = tpu.vector_load_idx %arg14[%broadcast_in_dim3A_360, %add3A_341, %broadcast_in_dim3A_358] : memref<4x32x128xf32, #tpu.memory_space<vmem>>[vector<16xi32>, vector<16xi32>, vector<16xi32>], vector<16xf32>,
    %swap3A_363 = arith.constant 124 : i32
    %swap3A_364 = arith.index_cast %swap3A_363 : i32 to index
    %swap3A_365 = arith.constant 32 : index
    %swap3A_366 = tpu.vector_load %arg18[%swap3A_364, %swap3A_365] {strides = array<i32>} : memref<128x128xf32, #tpu.memory_space<vmem>>, vector<16xf32>,
    tpu.vector_store %arg18[%swap3A_364, %swap3A_365], %gather3A_361 {strides = array<i32>} : memref<128x128xf32, #tpu.memory_space<vmem>>, vector<16xf32>,
    %swap3A_367 = arith.constant 124 : i32
    %swap3A_368 = arith.index_cast %swap3A_367 : i32 to index
    %swap3A_369 = arith.constant 48 : index
    %swap3A_370 = tpu.vector_load %arg18[%swap3A_368, %swap3A_369] {strides = array<i32>} : memref<128x128xf32, #tpu.memory_space<vmem>>, vector<16xf32>,
    tpu.vector_store %arg18[%swap3A_368, %swap3A_369], %gather3A_362 {strides = array<i32>} : memref<128x128xf32, #tpu.memory_space<vmem>>, vector<16xf32>,
    %slice3A_371 = vector.extract_strided_slice %get3A_343 {offsets = [2], sizes = [1], strides = [1]} : vector<16xi32> to vector<1xi32>
    %squeeze3A_372 = vector.extract %slice3A_371[0] : i32 from vector<1xi32>
    %broadcast_in_dim3A_373 = vector.broadcast %squeeze3A_372 : i32 to vector<16xi32>
    %broadcast_in_dim3A_374 = arith.constant 2 : i32
    %broadcast_in_dim3A_375 = vector.broadcast %broadcast_in_dim3A_374 : i32 to vector<16xi32>
    %gather3A_376 = tpu.vector_load_idx %arg14[%broadcast_in_dim3A_375, %iota3A, %broadcast_in_dim3A_373] : memref<4x32x128xf32, #tpu.memory_space<vmem>>[vector<16xi32>, vector<16xi32>, vector<16xi32>], vector<16xf32>,
    %gather3A_377 = tpu.vector_load_idx %arg14[%broadcast_in_dim3A_375, %add3A_341, %broadcast_in_dim3A_373] : memref<4x32x128xf32, #tpu.memory_space<vmem>>[vector<16xi32>, vector<16xi32>, vector<16xi32>], vector<16xf32>,
    %swap3A_378 = arith.constant 124 : i32
    %swap3A_379 = arith.index_cast %swap3A_378 : i32 to index
    %swap3A_380 = arith.constant 64 : index
    %swap3A_381 = tpu.vector_load %arg18[%swap3A_379, %swap3A_380] {strides = array<i32>} : memref<128x128xf32, #tpu.memory_space<vmem>>, vector<16xf32>,
    tpu.vector_store %arg18[%swap3A_379, %swap3A_380], %gather3A_376 {strides = array<i32>} : memref<128x128xf32, #tpu.memory_space<vmem>>, vector<16xf32>,
    %swap3A_382 = arith.constant 124 : i32
    %swap3A_383 = arith.index_cast %swap3A_382 : i32 to index
    %swap3A_384 = arith.constant 80 : index
    %swap3A_385 = tpu.vector_load %arg18[%swap3A_383, %swap3A_384] {strides = array<i32>} : memref<128x128xf32, #tpu.memory_space<vmem>>, vector<16xf32>,
    tpu.vector_store %arg18[%swap3A_383, %swap3A_384], %gather3A_377 {strides = array<i32>} : memref<128x128xf32, #tpu.memory_space<vmem>>, vector<16xf32>,
    %slice3A_386 = vector.extract_strided_slice %get3A_343 {offsets = [3], sizes = [1], strides = [1]} : vector<16xi32> to vector<1xi32>
    %squeeze3A_387 = vector.extract %slice3A_386[0] : i32 from vector<1xi32>
    %broadcast_in_dim3A_388 = vector.broadcast %squeeze3A_387 : i32 to vector<16xi32>
    %broadcast_in_dim3A_389 = arith.constant 3 : i32
    %broadcast_in_dim3A_390 = vector.broadcast %broadcast_in_dim3A_389 : i32 to vector<16xi32>
    %gather3A_391 = tpu.vector_load_idx %arg14[%broadcast_in_dim3A_390, %iota3A, %broadcast_in_dim3A_388] : memref<4x32x128xf32, #tpu.memory_space<vmem>>[vector<16xi32>, vector<16xi32>, vector<16xi32>], vector<16xf32>,
    %gather3A_392 = tpu.vector_load_idx %arg14[%broadcast_in_dim3A_390, %add3A_341, %broadcast_in_dim3A_388] : memref<4x32x128xf32, #tpu.memory_space<vmem>>[vector<16xi32>, vector<16xi32>, vector<16xi32>], vector<16xf32>,
    %swap3A_393 = arith.constant 124 : i32
    %swap3A_394 = arith.index_cast %swap3A_393 : i32 to index
    %swap3A_395 = arith.constant 96 : index
    %swap3A_396 = tpu.vector_load %arg18[%swap3A_394, %swap3A_395] {strides = array<i32>} : memref<128x128xf32, #tpu.memory_space<vmem>>, vector<16xf32>,
    tpu.vector_store %arg18[%swap3A_394, %swap3A_395], %gather3A_391 {strides = array<i32>} : memref<128x128xf32, #tpu.memory_space<vmem>>, vector<16xf32>,
    %swap3A_397 = arith.constant 124 : i32
    %swap3A_398 = arith.index_cast %swap3A_397 : i32 to index
    %swap3A_399 = arith.constant 112 : index
    %swap3A_400 = tpu.vector_load %arg18[%swap3A_398, %swap3A_399] {strides = array<i32>} : memref<128x128xf32, #tpu.memory_space<vmem>>, vector<16xf32>,
    tpu.vector_store %arg18[%swap3A_398, %swap3A_399], %gather3A_392 {strides = array<i32>} : memref<128x128xf32, #tpu.memory_space<vmem>>, vector<16xf32>,
    %dma_wait3A_401 = arith.constant 0 : i32
    %dma_wait3A_402 = arith.constant 0 : i32
    %dma_wait3A_403 = arith.constant 0 : i32
    %dma_wait3A_404 = tpu.memref_slice %arg15[%dma_wait3A_401, %dma_wait3A_402, %dma_wait3A_403] : memref<4x32x128xf32, #tpu.memory_space<vmem>> -> memref<1x32x128xf32, #tpu.memory_space<vmem>>
    %dma_wait3A_405 = tpu.memref_squeeze %dma_wait3A_404 : memref<1x32x128xf32, #tpu.memory_space<vmem>> -> memref<32x128xf32, #tpu.memory_space<vmem>>
    %dma_wait3A_406 = arith.constant 0 : i32
    %dma_wait3A_407 = arith.constant 0 : i32
    %dma_wait3A_408 = tpu.memref_slice %arg2[%dma_wait3A_406, %dma_wait3A_407] : memref<32x1000000xf32, #tpu.memory_space<hbm>> -> memref<32x128xf32, #tpu.memory_space<hbm>>
    %dma_wait3A_409 = arith.constant 0 : i32
    %dma_wait3A_410 = arith.constant 0 : i32
    %dma_wait3A_411 = tpu.memref_slice %arg15[%dma_wait3A_401, %dma_wait3A_409, %dma_wait3A_410] : memref<4x32x128xf32, #tpu.memory_space<vmem>> -> memref<1x32x128xf32, #tpu.memory_space<vmem>>
    %dma_wait3A_412 = tpu.memref_squeeze %dma_wait3A_411 : memref<1x32x128xf32, #tpu.memory_space<vmem>> -> memref<32x128xf32, #tpu.memory_space<vmem>>
    %dma_wait3A_413 = arith.constant 0 : i32
    %dma_wait3A_414 = arith.constant 0 : i32
    %dma_wait3A_415 = tpu.memref_slice %arg2[%dma_wait3A_413, %dma_wait3A_414] : memref<32x1000000xf32, #tpu.memory_space<hbm>> -> memref<32x128xf32, #tpu.memory_space<hbm>>
    tpu.wait_dma2 semaphore(%arg21 : memref<!tpu.dma_semaphore, #tpu.memory_space<semaphore_mem>>) src(%dma_wait3A_415 : memref<32x128xf32, #tpu.memory_space<hbm>>) dst(%dma_wait3A_412 : memref<32x128xf32, #tpu.memory_space<vmem>>)
    %dma_wait3A_416 = arith.constant 1 : i32
    %dma_wait3A_417 = arith.constant 0 : i32
    %dma_wait3A_418 = arith.constant 0 : i32
    %dma_wait3A_419 = tpu.memref_slice %arg15[%dma_wait3A_416, %dma_wait3A_417, %dma_wait3A_418] : memref<4x32x128xf32, #tpu.memory_space<vmem>> -> memref<1x32x128xf32, #tpu.memory_space<vmem>>
    %dma_wait3A_420 = tpu.memref_squeeze %dma_wait3A_419 : memref<1x32x128xf32, #tpu.memory_space<vmem>> -> memref<32x128xf32, #tpu.memory_space<vmem>>
    %dma_wait3A_421 = arith.constant 0 : i32
    %dma_wait3A_422 = arith.constant 0 : i32
    %dma_wait3A_423 = tpu.memref_slice %arg2[%dma_wait3A_421, %dma_wait3A_422] : memref<32x1000000xf32, #tpu.memory_space<hbm>> -> memref<32x128xf32, #tpu.memory_space<hbm>>
    %dma_wait3A_424 = arith.constant 0 : i32
    %dma_wait3A_425 = arith.constant 0 : i32
    %dma_wait3A_426 = tpu.memref_slice %arg15[%dma_wait3A_416, %dma_wait3A_424, %dma_wait3A_425] : memref<4x32x128xf32, #tpu.memory_space<vmem>> -> memref<1x32x128xf32, #tpu.memory_space<vmem>>
    %dma_wait3A_427 = tpu.memref_squeeze %dma_wait3A_426 : memref<1x32x128xf32, #tpu.memory_space<vmem>> -> memref<32x128xf32, #tpu.memory_space<vmem>>
    %dma_wait3A_428 = arith.constant 0 : i32
    %dma_wait3A_429 = arith.constant 0 : i32
    %dma_wait3A_430 = tpu.memref_slice %arg2[%dma_wait3A_428, %dma_wait3A_429] : memref<32x1000000xf32, #tpu.memory_space<hbm>> -> memref<32x128xf32, #tpu.memory_space<hbm>>
    tpu.wait_dma2 semaphore(%arg21 : memref<!tpu.dma_semaphore, #tpu.memory_space<semaphore_mem>>) src(%dma_wait3A_430 : memref<32x128xf32, #tpu.memory_space<hbm>>) dst(%dma_wait3A_427 : memref<32x128xf32, #tpu.memory_space<vmem>>)
    %dma_wait3A_431 = arith.constant 2 : i32
    %dma_wait3A_432 = arith.constant 0 : i32
    %dma_wait3A_433 = arith.constant 0 : i32
    %dma_wait3A_434 = tpu.memref_slice %arg15[%dma_wait3A_431, %dma_wait3A_432, %dma_wait3A_433] : memref<4x32x128xf32, #tpu.memory_space<vmem>> -> memref<1x32x128xf32, #tpu.memory_space<vmem>>
    %dma_wait3A_435 = tpu.memref_squeeze %dma_wait3A_434 : memref<1x32x128xf32, #tpu.memory_space<vmem>> -> memref<32x128xf32, #tpu.memory_space<vmem>>
    %dma_wait3A_436 = arith.constant 0 : i32
    %dma_wait3A_437 = arith.constant 0 : i32
    %dma_wait3A_438 = tpu.memref_slice %arg2[%dma_wait3A_436, %dma_wait3A_437] : memref<32x1000000xf32, #tpu.memory_space<hbm>> -> memref<32x128xf32, #tpu.memory_space<hbm>>
    %dma_wait3A_439 = arith.constant 0 : i32
    %dma_wait3A_440 = arith.constant 0 : i32
    %dma_wait3A_441 = tpu.memref_slice %arg15[%dma_wait3A_431, %dma_wait3A_439, %dma_wait3A_440] : memref<4x32x128xf32, #tpu.memory_space<vmem>> -> memref<1x32x128xf32, #tpu.memory_space<vmem>>
    %dma_wait3A_442 = tpu.memref_squeeze %dma_wait3A_441 : memref<1x32x128xf32, #tpu.memory_space<vmem>> -> memref<32x128xf32, #tpu.memory_space<vmem>>
    %dma_wait3A_443 = arith.constant 0 : i32
    %dma_wait3A_444 = arith.constant 0 : i32
    %dma_wait3A_445 = tpu.memref_slice %arg2[%dma_wait3A_443, %dma_wait3A_444] : memref<32x1000000xf32, #tpu.memory_space<hbm>> -> memref<32x128xf32, #tpu.memory_space<hbm>>
    tpu.wait_dma2 semaphore(%arg21 : memref<!tpu.dma_semaphore, #tpu.memory_space<semaphore_mem>>) src(%dma_wait3A_445 : memref<32x128xf32, #tpu.memory_space<hbm>>) dst(%dma_wait3A_442 : memref<32x128xf32, #tpu.memory_space<vmem>>)
    %dma_wait3A_446 = arith.constant 3 : i32
    %dma_wait3A_447 = arith.constant 0 : i32
    %dma_wait3A_448 = arith.constant 0 : i32
    %dma_wait3A_449 = tpu.memref_slice %arg15[%dma_wait3A_446, %dma_wait3A_447, %dma_wait3A_448] : memref<4x32x128xf32, #tpu.memory_space<vmem>> -> memref<1x32x128xf32, #tpu.memory_space<vmem>>
    %dma_wait3A_450 = tpu.memref_squeeze %dma_wait3A_449 : memref<1x32x128xf32, #tpu.memory_space<vmem>> -> memref<32x128xf32, #tpu.memory_space<vmem>>
    %dma_wait3A_451 = arith.constant 0 : i32
    %dma_wait3A_452 = arith.constant 0 : i32
    %dma_wait3A_453 = tpu.memref_slice %arg2[%dma_wait3A_451, %dma_wait3A_452] : memref<32x1000000xf32, #tpu.memory_space<hbm>> -> memref<32x128xf32, #tpu.memory_space<hbm>>
    %dma_wait3A_454 = arith.constant 0 : i32
    %dma_wait3A_455 = arith.constant 0 : i32
    %dma_wait3A_456 = tpu.memref_slice %arg15[%dma_wait3A_446, %dma_wait3A_454, %dma_wait3A_455] : memref<4x32x128xf32, #tpu.memory_space<vmem>> -> memref<1x32x128xf32, #tpu.memory_space<vmem>>
    %dma_wait3A_457 = tpu.memref_squeeze %dma_wait3A_456 : memref<1x32x128xf32, #tpu.memory_space<vmem>> -> memref<32x128xf32, #tpu.memory_space<vmem>>
    %dma_wait3A_458 = arith.constant 0 : i32
    %dma_wait3A_459 = arith.constant 0 : i32
    %dma_wait3A_460 = tpu.memref_slice %arg2[%dma_wait3A_458, %dma_wait3A_459] : memref<32x1000000xf32, #tpu.memory_space<hbm>> -> memref<32x128xf32, #tpu.memory_space<hbm>>
    tpu.wait_dma2 semaphore(%arg21 : memref<!tpu.dma_semaphore, #tpu.memory_space<semaphore_mem>>) src(%dma_wait3A_460 : memref<32x128xf32, #tpu.memory_space<hbm>>) dst(%dma_wait3A_457 : memref<32x128xf32, #tpu.memory_space<vmem>>)
    %iota3A_461 = tpu.iota {dimensions = array<i32: 0>} : vector<16xi32>
    %add3A_462 = arith.constant 16 : i32
    %add3A_463 = vector.broadcast %add3A_462 : i32 to vector<16xi32>
    %add3A_464 = arith.addi %iota3A_461, %add3A_463 : vector<16xi32>
    %get3A_465 = arith.constant 500 : index
    %get3A_466 = tpu.vector_load %arg11[%get3A_465] {strides = array<i32>} : memref<528xi32, #tpu.memory_space<vmem>>, vector<16xi32>,
    %slice3A_467 = vector.extract_strided_slice %get3A_466 {offsets = [0], sizes = [1], strides = [1]} : vector<16xi32> to vector<1xi32>
    %squeeze3A_468 = vector.extract %slice3A_467[0] : i32 from vector<1xi32>
    %broadcast_in_dim3A_469 = vector.broadcast %squeeze3A_468 : i32 to vector<16xi32>
    %broadcast_in_dim3A_470 = arith.constant 0 : i32
    %broadcast_in_dim3A_471 = vector.broadcast %broadcast_in_dim3A_470 : i32 to vector<16xi32>
    %gather3A_472 = tpu.vector_load_idx %arg15[%broadcast_in_dim3A_471, %iota3A_461, %broadcast_in_dim3A_469] : memref<4x32x128xf32, #tpu.memory_space<vmem>>[vector<16xi32>, vector<16xi32>, vector<16xi32>], vector<16xf32>,
    %gather3A_473 = tpu.vector_load_idx %arg15[%broadcast_in_dim3A_471, %add3A_464, %broadcast_in_dim3A_469] : memref<4x32x128xf32, #tpu.memory_space<vmem>>[vector<16xi32>, vector<16xi32>, vector<16xi32>], vector<16xf32>,
    %swap3A_474 = arith.constant 125 : i32
    %swap3A_475 = arith.index_cast %swap3A_474 : i32 to index
    %swap3A_476 = arith.constant 0 : index
    %swap3A_477 = tpu.vector_load %arg18[%swap3A_475, %swap3A_476] {strides = array<i32>} : memref<128x128xf32, #tpu.memory_space<vmem>>, vector<16xf32>,
    tpu.vector_store %arg18[%swap3A_475, %swap3A_476], %gather3A_472 {strides = array<i32>} : memref<128x128xf32, #tpu.memory_space<vmem>>, vector<16xf32>,
    %swap3A_478 = arith.constant 125 : i32
    %swap3A_479 = arith.index_cast %swap3A_478 : i32 to index
    %swap3A_480 = arith.constant 16 : index
    %swap3A_481 = tpu.vector_load %arg18[%swap3A_479, %swap3A_480] {strides = array<i32>} : memref<128x128xf32, #tpu.memory_space<vmem>>, vector<16xf32>,
    tpu.vector_store %arg18[%swap3A_479, %swap3A_480], %gather3A_473 {strides = array<i32>} : memref<128x128xf32, #tpu.memory_space<vmem>>, vector<16xf32>,
    %slice3A_482 = vector.extract_strided_slice %get3A_466 {offsets = [1], sizes = [1], strides = [1]} : vector<16xi32> to vector<1xi32>
    %squeeze3A_483 = vector.extract %slice3A_482[0] : i32 from vector<1xi32>
    %broadcast_in_dim3A_484 = vector.broadcast %squeeze3A_483 : i32 to vector<16xi32>
    %broadcast_in_dim3A_485 = arith.constant 1 : i32
    %broadcast_in_dim3A_486 = vector.broadcast %broadcast_in_dim3A_485 : i32 to vector<16xi32>
    %gather3A_487 = tpu.vector_load_idx %arg15[%broadcast_in_dim3A_486, %iota3A_461, %broadcast_in_dim3A_484] : memref<4x32x128xf32, #tpu.memory_space<vmem>>[vector<16xi32>, vector<16xi32>, vector<16xi32>], vector<16xf32>,
    %gather3A_488 = tpu.vector_load_idx %arg15[%broadcast_in_dim3A_486, %add3A_464, %broadcast_in_dim3A_484] : memref<4x32x128xf32, #tpu.memory_space<vmem>>[vector<16xi32>, vector<16xi32>, vector<16xi32>], vector<16xf32>,
    %swap3A_489 = arith.constant 125 : i32
    %swap3A_490 = arith.index_cast %swap3A_489 : i32 to index
    %swap3A_491 = arith.constant 32 : index
    %swap3A_492 = tpu.vector_load %arg18[%swap3A_490, %swap3A_491] {strides = array<i32>} : memref<128x128xf32, #tpu.memory_space<vmem>>, vector<16xf32>,
    tpu.vector_store %arg18[%swap3A_490, %swap3A_491], %gather3A_487 {strides = array<i32>} : memref<128x128xf32, #tpu.memory_space<vmem>>, vector<16xf32>,
    %swap3A_493 = arith.constant 125 : i32
    %swap3A_494 = arith.index_cast %swap3A_493 : i32 to index
    %swap3A_495 = arith.constant 48 : index
    %swap3A_496 = tpu.vector_load %arg18[%swap3A_494, %swap3A_495] {strides = array<i32>} : memref<128x128xf32, #tpu.memory_space<vmem>>, vector<16xf32>,
    tpu.vector_store %arg18[%swap3A_494, %swap3A_495], %gather3A_488 {strides = array<i32>} : memref<128x128xf32, #tpu.memory_space<vmem>>, vector<16xf32>,
    %slice3A_497 = vector.extract_strided_slice %get3A_466 {offsets = [2], sizes = [1], strides = [1]} : vector<16xi32> to vector<1xi32>
    %squeeze3A_498 = vector.extract %slice3A_497[0] : i32 from vector<1xi32>
    %broadcast_in_dim3A_499 = vector.broadcast %squeeze3A_498 : i32 to vector<16xi32>
    %broadcast_in_dim3A_500 = arith.constant 2 : i32
    %broadcast_in_dim3A_501 = vector.broadcast %broadcast_in_dim3A_500 : i32 to vector<16xi32>
    %gather3A_502 = tpu.vector_load_idx %arg15[%broadcast_in_dim3A_501, %iota3A_461, %broadcast_in_dim3A_499] : memref<4x32x128xf32, #tpu.memory_space<vmem>>[vector<16xi32>, vector<16xi32>, vector<16xi32>], vector<16xf32>,
    %gather3A_503 = tpu.vector_load_idx %arg15[%broadcast_in_dim3A_501, %add3A_464, %broadcast_in_dim3A_499] : memref<4x32x128xf32, #tpu.memory_space<vmem>>[vector<16xi32>, vector<16xi32>, vector<16xi32>], vector<16xf32>,
    %swap3A_504 = arith.constant 125 : i32
    %swap3A_505 = arith.index_cast %swap3A_504 : i32 to index
    %swap3A_506 = arith.constant 64 : index
    %swap3A_507 = tpu.vector_load %arg18[%swap3A_505, %swap3A_506] {strides = array<i32>} : memref<128x128xf32, #tpu.memory_space<vmem>>, vector<16xf32>,
    tpu.vector_store %arg18[%swap3A_505, %swap3A_506], %gather3A_502 {strides = array<i32>} : memref<128x128xf32, #tpu.memory_space<vmem>>, vector<16xf32>,
    %swap3A_508 = arith.constant 125 : i32
    %swap3A_509 = arith.index_cast %swap3A_508 : i32 to index
    %swap3A_510 = arith.constant 80 : index
    %swap3A_511 = tpu.vector_load %arg18[%swap3A_509, %swap3A_510] {strides = array<i32>} : memref<128x128xf32, #tpu.memory_space<vmem>>, vector<16xf32>,
    tpu.vector_store %arg18[%swap3A_509, %swap3A_510], %gather3A_503 {strides = array<i32>} : memref<128x128xf32, #tpu.memory_space<vmem>>, vector<16xf32>,
    %slice3A_512 = vector.extract_strided_slice %get3A_466 {offsets = [3], sizes = [1], strides = [1]} : vector<16xi32> to vector<1xi32>
    %squeeze3A_513 = vector.extract %slice3A_512[0] : i32 from vector<1xi32>
    %broadcast_in_dim3A_514 = vector.broadcast %squeeze3A_513 : i32 to vector<16xi32>
    %broadcast_in_dim3A_515 = arith.constant 3 : i32
    %broadcast_in_dim3A_516 = vector.broadcast %broadcast_in_dim3A_515 : i32 to vector<16xi32>
    %gather3A_517 = tpu.vector_load_idx %arg15[%broadcast_in_dim3A_516, %iota3A_461, %broadcast_in_dim3A_514] : memref<4x32x128xf32, #tpu.memory_space<vmem>>[vector<16xi32>, vector<16xi32>, vector<16xi32>], vector<16xf32>,
    %gather3A_518 = tpu.vector_load_idx %arg15[%broadcast_in_dim3A_516, %add3A_464, %broadcast_in_dim3A_514] : memref<4x32x128xf32, #tpu.memory_space<vmem>>[vector<16xi32>, vector<16xi32>, vector<16xi32>], vector<16xf32>,
    %swap3A_519 = arith.constant 125 : i32
    %swap3A_520 = arith.index_cast %swap3A_519 : i32 to index
    %swap3A_521 = arith.constant 96 : index
    %swap3A_522 = tpu.vector_load %arg18[%swap3A_520, %swap3A_521] {strides = array<i32>} : memref<128x128xf32, #tpu.memory_space<vmem>>, vector<16xf32>,
    tpu.vector_store %arg18[%swap3A_520, %swap3A_521], %gather3A_517 {strides = array<i32>} : memref<128x128xf32, #tpu.memory_space<vmem>>, vector<16xf32>,
    %swap3A_523 = arith.constant 125 : i32
    %swap3A_524 = arith.index_cast %swap3A_523 : i32 to index
    %swap3A_525 = arith.constant 112 : index
    %swap3A_526 = tpu.vector_load %arg18[%swap3A_524, %swap3A_525] {strides = array<i32>} : memref<128x128xf32, #tpu.memory_space<vmem>>, vector<16xf32>,
    tpu.vector_store %arg18[%swap3A_524, %swap3A_525], %gather3A_518 {strides = array<i32>} : memref<128x128xf32, #tpu.memory_space<vmem>>, vector<16xf32>,
    %dma_wait3A_527 = arith.constant 0 : i32
    %dma_wait3A_528 = arith.constant 0 : i32
    %dma_wait3A_529 = arith.constant 0 : i32
    %dma_wait3A_530 = tpu.memref_slice %arg16[%dma_wait3A_527, %dma_wait3A_528, %dma_wait3A_529] : memref<4x32x128xf32, #tpu.memory_space<vmem>> -> memref<1x32x128xf32, #tpu.memory_space<vmem>>
    %dma_wait3A_531 = tpu.memref_squeeze %dma_wait3A_530 : memref<1x32x128xf32, #tpu.memory_space<vmem>> -> memref<32x128xf32, #tpu.memory_space<vmem>>
    %dma_wait3A_532 = arith.constant 0 : i32
    %dma_wait3A_533 = arith.constant 0 : i32
    %dma_wait3A_534 = tpu.memref_slice %arg2[%dma_wait3A_532, %dma_wait3A_533] : memref<32x1000000xf32, #tpu.memory_space<hbm>> -> memref<32x128xf32, #tpu.memory_space<hbm>>
    %dma_wait3A_535 = arith.constant 0 : i32
    %dma_wait3A_536 = arith.constant 0 : i32
    %dma_wait3A_537 = tpu.memref_slice %arg16[%dma_wait3A_527, %dma_wait3A_535, %dma_wait3A_536] : memref<4x32x128xf32, #tpu.memory_space<vmem>> -> memref<1x32x128xf32, #tpu.memory_space<vmem>>
    %dma_wait3A_538 = tpu.memref_squeeze %dma_wait3A_537 : memref<1x32x128xf32, #tpu.memory_space<vmem>> -> memref<32x128xf32, #tpu.memory_space<vmem>>
    %dma_wait3A_539 = arith.constant 0 : i32
    %dma_wait3A_540 = arith.constant 0 : i32
    %dma_wait3A_541 = tpu.memref_slice %arg2[%dma_wait3A_539, %dma_wait3A_540] : memref<32x1000000xf32, #tpu.memory_space<hbm>> -> memref<32x128xf32, #tpu.memory_space<hbm>>
    tpu.wait_dma2 semaphore(%arg22 : memref<!tpu.dma_semaphore, #tpu.memory_space<semaphore_mem>>) src(%dma_wait3A_541 : memref<32x128xf32, #tpu.memory_space<hbm>>) dst(%dma_wait3A_538 : memref<32x128xf32, #tpu.memory_space<vmem>>)
    %dma_wait3A_542 = arith.constant 1 : i32
    %dma_wait3A_543 = arith.constant 0 : i32
    %dma_wait3A_544 = arith.constant 0 : i32
    %dma_wait3A_545 = tpu.memref_slice %arg16[%dma_wait3A_542, %dma_wait3A_543, %dma_wait3A_544] : memref<4x32x128xf32, #tpu.memory_space<vmem>> -> memref<1x32x128xf32, #tpu.memory_space<vmem>>
    %dma_wait3A_546 = tpu.memref_squeeze %dma_wait3A_545 : memref<1x32x128xf32, #tpu.memory_space<vmem>> -> memref<32x128xf32, #tpu.memory_space<vmem>>
    %dma_wait3A_547 = arith.constant 0 : i32
    %dma_wait3A_548 = arith.constant 0 : i32
    %dma_wait3A_549 = tpu.memref_slice %arg2[%dma_wait3A_547, %dma_wait3A_548] : memref<32x1000000xf32, #tpu.memory_space<hbm>> -> memref<32x128xf32, #tpu.memory_space<hbm>>
    %dma_wait3A_550 = arith.constant 0 : i32
    %dma_wait3A_551 = arith.constant 0 : i32
    %dma_wait3A_552 = tpu.memref_slice %arg16[%dma_wait3A_542, %dma_wait3A_550, %dma_wait3A_551] : memref<4x32x128xf32, #tpu.memory_space<vmem>> -> memref<1x32x128xf32, #tpu.memory_space<vmem>>
    %dma_wait3A_553 = tpu.memref_squeeze %dma_wait3A_552 : memref<1x32x128xf32, #tpu.memory_space<vmem>> -> memref<32x128xf32, #tpu.memory_space<vmem>>
    %dma_wait3A_554 = arith.constant 0 : i32
    %dma_wait3A_555 = arith.constant 0 : i32
    %dma_wait3A_556 = tpu.memref_slice %arg2[%dma_wait3A_554, %dma_wait3A_555] : memref<32x1000000xf32, #tpu.memory_space<hbm>> -> memref<32x128xf32, #tpu.memory_space<hbm>>
    tpu.wait_dma2 semaphore(%arg22 : memref<!tpu.dma_semaphore, #tpu.memory_space<semaphore_mem>>) src(%dma_wait3A_556 : memref<32x128xf32, #tpu.memory_space<hbm>>) dst(%dma_wait3A_553 : memref<32x128xf32, #tpu.memory_space<vmem>>)
    %dma_wait3A_557 = arith.constant 2 : i32
    %dma_wait3A_558 = arith.constant 0 : i32
    %dma_wait3A_559 = arith.constant 0 : i32
    %dma_wait3A_560 = tpu.memref_slice %arg16[%dma_wait3A_557, %dma_wait3A_558, %dma_wait3A_559] : memref<4x32x128xf32, #tpu.memory_space<vmem>> -> memref<1x32x128xf32, #tpu.memory_space<vmem>>
    %dma_wait3A_561 = tpu.memref_squeeze %dma_wait3A_560 : memref<1x32x128xf32, #tpu.memory_space<vmem>> -> memref<32x128xf32, #tpu.memory_space<vmem>>
    %dma_wait3A_562 = arith.constant 0 : i32
    %dma_wait3A_563 = arith.constant 0 : i32
    %dma_wait3A_564 = tpu.memref_slice %arg2[%dma_wait3A_562, %dma_wait3A_563] : memref<32x1000000xf32, #tpu.memory_space<hbm>> -> memref<32x128xf32, #tpu.memory_space<hbm>>
    %dma_wait3A_565 = arith.constant 0 : i32
    %dma_wait3A_566 = arith.constant 0 : i32
    %dma_wait3A_567 = tpu.memref_slice %arg16[%dma_wait3A_557, %dma_wait3A_565, %dma_wait3A_566] : memref<4x32x128xf32, #tpu.memory_space<vmem>> -> memref<1x32x128xf32, #tpu.memory_space<vmem>>
    %dma_wait3A_568 = tpu.memref_squeeze %dma_wait3A_567 : memref<1x32x128xf32, #tpu.memory_space<vmem>> -> memref<32x128xf32, #tpu.memory_space<vmem>>
    %dma_wait3A_569 = arith.constant 0 : i32
    %dma_wait3A_570 = arith.constant 0 : i32
    %dma_wait3A_571 = tpu.memref_slice %arg2[%dma_wait3A_569, %dma_wait3A_570] : memref<32x1000000xf32, #tpu.memory_space<hbm>> -> memref<32x128xf32, #tpu.memory_space<hbm>>
    tpu.wait_dma2 semaphore(%arg22 : memref<!tpu.dma_semaphore, #tpu.memory_space<semaphore_mem>>) src(%dma_wait3A_571 : memref<32x128xf32, #tpu.memory_space<hbm>>) dst(%dma_wait3A_568 : memref<32x128xf32, #tpu.memory_space<vmem>>)
    %dma_wait3A_572 = arith.constant 3 : i32
    %dma_wait3A_573 = arith.constant 0 : i32
    %dma_wait3A_574 = arith.constant 0 : i32
    %dma_wait3A_575 = tpu.memref_slice %arg16[%dma_wait3A_572, %dma_wait3A_573, %dma_wait3A_574] : memref<4x32x128xf32, #tpu.memory_space<vmem>> -> memref<1x32x128xf32, #tpu.memory_space<vmem>>
    %dma_wait3A_576 = tpu.memref_squeeze %dma_wait3A_575 : memref<1x32x128xf32, #tpu.memory_space<vmem>> -> memref<32x128xf32, #tpu.memory_space<vmem>>
    %dma_wait3A_577 = arith.constant 0 : i32
    %dma_wait3A_578 = arith.constant 0 : i32
    %dma_wait3A_579 = tpu.memref_slice %arg2[%dma_wait3A_577, %dma_wait3A_578] : memref<32x1000000xf32, #tpu.memory_space<hbm>> -> memref<32x128xf32, #tpu.memory_space<hbm>>
    %dma_wait3A_580 = arith.constant 0 : i32
    %dma_wait3A_581 = arith.constant 0 : i32
    %dma_wait3A_582 = tpu.memref_slice %arg16[%dma_wait3A_572, %dma_wait3A_580, %dma_wait3A_581] : memref<4x32x128xf32, #tpu.memory_space<vmem>> -> memref<1x32x128xf32, #tpu.memory_space<vmem>>
    %dma_wait3A_583 = tpu.memref_squeeze %dma_wait3A_582 : memref<1x32x128xf32, #tpu.memory_space<vmem>> -> memref<32x128xf32, #tpu.memory_space<vmem>>
    %dma_wait3A_584 = arith.constant 0 : i32
    %dma_wait3A_585 = arith.constant 0 : i32
    %dma_wait3A_586 = tpu.memref_slice %arg2[%dma_wait3A_584, %dma_wait3A_585] : memref<32x1000000xf32, #tpu.memory_space<hbm>> -> memref<32x128xf32, #tpu.memory_space<hbm>>
    tpu.wait_dma2 semaphore(%arg22 : memref<!tpu.dma_semaphore, #tpu.memory_space<semaphore_mem>>) src(%dma_wait3A_586 : memref<32x128xf32, #tpu.memory_space<hbm>>) dst(%dma_wait3A_583 : memref<32x128xf32, #tpu.memory_space<vmem>>)
    %iota3A_587 = tpu.iota {dimensions = array<i32: 0>} : vector<16xi32>
    %add3A_588 = arith.constant 16 : i32
    %add3A_589 = vector.broadcast %add3A_588 : i32 to vector<16xi32>
    %add3A_590 = arith.addi %iota3A_587, %add3A_589 : vector<16xi32>
    %get3A_591 = arith.constant 504 : index
    %get3A_592 = tpu.vector_load %arg11[%get3A_591] {strides = array<i32>} : memref<528xi32, #tpu.memory_space<vmem>>, vector<16xi32>,
    %slice3A_593 = vector.extract_strided_slice %get3A_592 {offsets = [0], sizes = [1], strides = [1]} : vector<16xi32> to vector<1xi32>
    %squeeze3A_594 = vector.extract %slice3A_593[0] : i32 from vector<1xi32>
    %broadcast_in_dim3A_595 = vector.broadcast %squeeze3A_594 : i32 to vector<16xi32>
    %broadcast_in_dim3A_596 = arith.constant 0 : i32
    %broadcast_in_dim3A_597 = vector.broadcast %broadcast_in_dim3A_596 : i32 to vector<16xi32>
    %gather3A_598 = tpu.vector_load_idx %arg16[%broadcast_in_dim3A_597, %iota3A_587, %broadcast_in_dim3A_595] : memref<4x32x128xf32, #tpu.memory_space<vmem>>[vector<16xi32>, vector<16xi32>, vector<16xi32>], vector<16xf32>,
    %gather3A_599 = tpu.vector_load_idx %arg16[%broadcast_in_dim3A_597, %add3A_590, %broadcast_in_dim3A_595] : memref<4x32x128xf32, #tpu.memory_space<vmem>>[vector<16xi32>, vector<16xi32>, vector<16xi32>], vector<16xf32>,
    %swap3A_600 = arith.constant 126 : i32
    %swap3A_601 = arith.index_cast %swap3A_600 : i32 to index
    %swap3A_602 = arith.constant 0 : index
    %swap3A_603 = tpu.vector_load %arg18[%swap3A_601, %swap3A_602] {strides = array<i32>} : memref<128x128xf32, #tpu.memory_space<vmem>>, vector<16xf32>,
    tpu.vector_store %arg18[%swap3A_601, %swap3A_602], %gather3A_598 {strides = array<i32>} : memref<128x128xf32, #tpu.memory_space<vmem>>, vector<16xf32>,
    %swap3A_604 = arith.constant 126 : i32
    %swap3A_605 = arith.index_cast %swap3A_604 : i32 to index
    %swap3A_606 = arith.constant 16 : index
    %swap3A_607 = tpu.vector_load %arg18[%swap3A_605, %swap3A_606] {strides = array<i32>} : memref<128x128xf32, #tpu.memory_space<vmem>>, vector<16xf32>,
    tpu.vector_store %arg18[%swap3A_605, %swap3A_606], %gather3A_599 {strides = array<i32>} : memref<128x128xf32, #tpu.memory_space<vmem>>, vector<16xf32>,
    %slice3A_608 = vector.extract_strided_slice %get3A_592 {offsets = [1], sizes = [1], strides = [1]} : vector<16xi32> to vector<1xi32>
    %squeeze3A_609 = vector.extract %slice3A_608[0] : i32 from vector<1xi32>
    %broadcast_in_dim3A_610 = vector.broadcast %squeeze3A_609 : i32 to vector<16xi32>
    %broadcast_in_dim3A_611 = arith.constant 1 : i32
    %broadcast_in_dim3A_612 = vector.broadcast %broadcast_in_dim3A_611 : i32 to vector<16xi32>
    %gather3A_613 = tpu.vector_load_idx %arg16[%broadcast_in_dim3A_612, %iota3A_587, %broadcast_in_dim3A_610] : memref<4x32x128xf32, #tpu.memory_space<vmem>>[vector<16xi32>, vector<16xi32>, vector<16xi32>], vector<16xf32>,
    %gather3A_614 = tpu.vector_load_idx %arg16[%broadcast_in_dim3A_612, %add3A_590, %broadcast_in_dim3A_610] : memref<4x32x128xf32, #tpu.memory_space<vmem>>[vector<16xi32>, vector<16xi32>, vector<16xi32>], vector<16xf32>,
    %swap3A_615 = arith.constant 126 : i32
    %swap3A_616 = arith.index_cast %swap3A_615 : i32 to index
    %swap3A_617 = arith.constant 32 : index
    %swap3A_618 = tpu.vector_load %arg18[%swap3A_616, %swap3A_617] {strides = array<i32>} : memref<128x128xf32, #tpu.memory_space<vmem>>, vector<16xf32>,
    tpu.vector_store %arg18[%swap3A_616, %swap3A_617], %gather3A_613 {strides = array<i32>} : memref<128x128xf32, #tpu.memory_space<vmem>>, vector<16xf32>,
    %swap3A_619 = arith.constant 126 : i32
    %swap3A_620 = arith.index_cast %swap3A_619 : i32 to index
    %swap3A_621 = arith.constant 48 : index
    %swap3A_622 = tpu.vector_load %arg18[%swap3A_620, %swap3A_621] {strides = array<i32>} : memref<128x128xf32, #tpu.memory_space<vmem>>, vector<16xf32>,
    tpu.vector_store %arg18[%swap3A_620, %swap3A_621], %gather3A_614 {strides = array<i32>} : memref<128x128xf32, #tpu.memory_space<vmem>>, vector<16xf32>,
    %slice3A_623 = vector.extract_strided_slice %get3A_592 {offsets = [2], sizes = [1], strides = [1]} : vector<16xi32> to vector<1xi32>
    %squeeze3A_624 = vector.extract %slice3A_623[0] : i32 from vector<1xi32>
    %broadcast_in_dim3A_625 = vector.broadcast %squeeze3A_624 : i32 to vector<16xi32>
    %broadcast_in_dim3A_626 = arith.constant 2 : i32
    %broadcast_in_dim3A_627 = vector.broadcast %broadcast_in_dim3A_626 : i32 to vector<16xi32>
    %gather3A_628 = tpu.vector_load_idx %arg16[%broadcast_in_dim3A_627, %iota3A_587, %broadcast_in_dim3A_625] : memref<4x32x128xf32, #tpu.memory_space<vmem>>[vector<16xi32>, vector<16xi32>, vector<16xi32>], vector<16xf32>,
    %gather3A_629 = tpu.vector_load_idx %arg16[%broadcast_in_dim3A_627, %add3A_590, %broadcast_in_dim3A_625] : memref<4x32x128xf32, #tpu.memory_space<vmem>>[vector<16xi32>, vector<16xi32>, vector<16xi32>], vector<16xf32>,
    %swap3A_630 = arith.constant 126 : i32
    %swap3A_631 = arith.index_cast %swap3A_630 : i32 to index
    %swap3A_632 = arith.constant 64 : index
    %swap3A_633 = tpu.vector_load %arg18[%swap3A_631, %swap3A_632] {strides = array<i32>} : memref<128x128xf32, #tpu.memory_space<vmem>>, vector<16xf32>,
    tpu.vector_store %arg18[%swap3A_631, %swap3A_632], %gather3A_628 {strides = array<i32>} : memref<128x128xf32, #tpu.memory_space<vmem>>, vector<16xf32>,
    %swap3A_634 = arith.constant 126 : i32
    %swap3A_635 = arith.index_cast %swap3A_634 : i32 to index
    %swap3A_636 = arith.constant 80 : index
    %swap3A_637 = tpu.vector_load %arg18[%swap3A_635, %swap3A_636] {strides = array<i32>} : memref<128x128xf32, #tpu.memory_space<vmem>>, vector<16xf32>,
    tpu.vector_store %arg18[%swap3A_635, %swap3A_636], %gather3A_629 {strides = array<i32>} : memref<128x128xf32, #tpu.memory_space<vmem>>, vector<16xf32>,
    %slice3A_638 = vector.extract_strided_slice %get3A_592 {offsets = [3], sizes = [1], strides = [1]} : vector<16xi32> to vector<1xi32>
    %squeeze3A_639 = vector.extract %slice3A_638[0] : i32 from vector<1xi32>
    %broadcast_in_dim3A_640 = vector.broadcast %squeeze3A_639 : i32 to vector<16xi32>
    %broadcast_in_dim3A_641 = arith.constant 3 : i32
    %broadcast_in_dim3A_642 = vector.broadcast %broadcast_in_dim3A_641 : i32 to vector<16xi32>
    %gather3A_643 = tpu.vector_load_idx %arg16[%broadcast_in_dim3A_642, %iota3A_587, %broadcast_in_dim3A_640] : memref<4x32x128xf32, #tpu.memory_space<vmem>>[vector<16xi32>, vector<16xi32>, vector<16xi32>], vector<16xf32>,
    %gather3A_644 = tpu.vector_load_idx %arg16[%broadcast_in_dim3A_642, %add3A_590, %broadcast_in_dim3A_640] : memref<4x32x128xf32, #tpu.memory_space<vmem>>[vector<16xi32>, vector<16xi32>, vector<16xi32>], vector<16xf32>,
    %swap3A_645 = arith.constant 126 : i32
    %swap3A_646 = arith.index_cast %swap3A_645 : i32 to index
    %swap3A_647 = arith.constant 96 : index
    %swap3A_648 = tpu.vector_load %arg18[%swap3A_646, %swap3A_647] {strides = array<i32>} : memref<128x128xf32, #tpu.memory_space<vmem>>, vector<16xf32>,
    tpu.vector_store %arg18[%swap3A_646, %swap3A_647], %gather3A_643 {strides = array<i32>} : memref<128x128xf32, #tpu.memory_space<vmem>>, vector<16xf32>,
    %swap3A_649 = arith.constant 126 : i32
    %swap3A_650 = arith.index_cast %swap3A_649 : i32 to index
    %swap3A_651 = arith.constant 112 : index
    %swap3A_652 = tpu.vector_load %arg18[%swap3A_650, %swap3A_651] {strides = array<i32>} : memref<128x128xf32, #tpu.memory_space<vmem>>, vector<16xf32>,
    tpu.vector_store %arg18[%swap3A_650, %swap3A_651], %gather3A_644 {strides = array<i32>} : memref<128x128xf32, #tpu.memory_space<vmem>>, vector<16xf32>,
    %dma_wait3A_653 = arith.constant 0 : i32
    %dma_wait3A_654 = arith.constant 0 : i32
    %dma_wait3A_655 = arith.constant 0 : i32
    %dma_wait3A_656 = tpu.memref_slice %arg17[%dma_wait3A_653, %dma_wait3A_654, %dma_wait3A_655] : memref<4x32x128xf32, #tpu.memory_space<vmem>> -> memref<1x32x128xf32, #tpu.memory_space<vmem>>
    %dma_wait3A_657 = tpu.memref_squeeze %dma_wait3A_656 : memref<1x32x128xf32, #tpu.memory_space<vmem>> -> memref<32x128xf32, #tpu.memory_space<vmem>>
    %dma_wait3A_658 = arith.constant 0 : i32
    %dma_wait3A_659 = arith.constant 0 : i32
    %dma_wait3A_660 = tpu.memref_slice %arg2[%dma_wait3A_658, %dma_wait3A_659] : memref<32x1000000xf32, #tpu.memory_space<hbm>> -> memref<32x128xf32, #tpu.memory_space<hbm>>
    %dma_wait3A_661 = arith.constant 0 : i32
    %dma_wait3A_662 = arith.constant 0 : i32
    %dma_wait3A_663 = tpu.memref_slice %arg17[%dma_wait3A_653, %dma_wait3A_661, %dma_wait3A_662] : memref<4x32x128xf32, #tpu.memory_space<vmem>> -> memref<1x32x128xf32, #tpu.memory_space<vmem>>
    %dma_wait3A_664 = tpu.memref_squeeze %dma_wait3A_663 : memref<1x32x128xf32, #tpu.memory_space<vmem>> -> memref<32x128xf32, #tpu.memory_space<vmem>>
    %dma_wait3A_665 = arith.constant 0 : i32
    %dma_wait3A_666 = arith.constant 0 : i32
    %dma_wait3A_667 = tpu.memref_slice %arg2[%dma_wait3A_665, %dma_wait3A_666] : memref<32x1000000xf32, #tpu.memory_space<hbm>> -> memref<32x128xf32, #tpu.memory_space<hbm>>
    tpu.wait_dma2 semaphore(%arg23 : memref<!tpu.dma_semaphore, #tpu.memory_space<semaphore_mem>>) src(%dma_wait3A_667 : memref<32x128xf32, #tpu.memory_space<hbm>>) dst(%dma_wait3A_664 : memref<32x128xf32, #tpu.memory_space<vmem>>)
    %dma_wait3A_668 = arith.constant 1 : i32
    %dma_wait3A_669 = arith.constant 0 : i32
    %dma_wait3A_670 = arith.constant 0 : i32
    %dma_wait3A_671 = tpu.memref_slice %arg17[%dma_wait3A_668, %dma_wait3A_669, %dma_wait3A_670] : memref<4x32x128xf32, #tpu.memory_space<vmem>> -> memref<1x32x128xf32, #tpu.memory_space<vmem>>
    %dma_wait3A_672 = tpu.memref_squeeze %dma_wait3A_671 : memref<1x32x128xf32, #tpu.memory_space<vmem>> -> memref<32x128xf32, #tpu.memory_space<vmem>>
    %dma_wait3A_673 = arith.constant 0 : i32
    %dma_wait3A_674 = arith.constant 0 : i32
    %dma_wait3A_675 = tpu.memref_slice %arg2[%dma_wait3A_673, %dma_wait3A_674] : memref<32x1000000xf32, #tpu.memory_space<hbm>> -> memref<32x128xf32, #tpu.memory_space<hbm>>
    %dma_wait3A_676 = arith.constant 0 : i32
    %dma_wait3A_677 = arith.constant 0 : i32
    %dma_wait3A_678 = tpu.memref_slice %arg17[%dma_wait3A_668, %dma_wait3A_676, %dma_wait3A_677] : memref<4x32x128xf32, #tpu.memory_space<vmem>> -> memref<1x32x128xf32, #tpu.memory_space<vmem>>
    %dma_wait3A_679 = tpu.memref_squeeze %dma_wait3A_678 : memref<1x32x128xf32, #tpu.memory_space<vmem>> -> memref<32x128xf32, #tpu.memory_space<vmem>>
    %dma_wait3A_680 = arith.constant 0 : i32
    %dma_wait3A_681 = arith.constant 0 : i32
    %dma_wait3A_682 = tpu.memref_slice %arg2[%dma_wait3A_680, %dma_wait3A_681] : memref<32x1000000xf32, #tpu.memory_space<hbm>> -> memref<32x128xf32, #tpu.memory_space<hbm>>
    tpu.wait_dma2 semaphore(%arg23 : memref<!tpu.dma_semaphore, #tpu.memory_space<semaphore_mem>>) src(%dma_wait3A_682 : memref<32x128xf32, #tpu.memory_space<hbm>>) dst(%dma_wait3A_679 : memref<32x128xf32, #tpu.memory_space<vmem>>)
    %dma_wait3A_683 = arith.constant 2 : i32
    %dma_wait3A_684 = arith.constant 0 : i32
    %dma_wait3A_685 = arith.constant 0 : i32
    %dma_wait3A_686 = tpu.memref_slice %arg17[%dma_wait3A_683, %dma_wait3A_684, %dma_wait3A_685] : memref<4x32x128xf32, #tpu.memory_space<vmem>> -> memref<1x32x128xf32, #tpu.memory_space<vmem>>
    %dma_wait3A_687 = tpu.memref_squeeze %dma_wait3A_686 : memref<1x32x128xf32, #tpu.memory_space<vmem>> -> memref<32x128xf32, #tpu.memory_space<vmem>>
    %dma_wait3A_688 = arith.constant 0 : i32
    %dma_wait3A_689 = arith.constant 0 : i32
    %dma_wait3A_690 = tpu.memref_slice %arg2[%dma_wait3A_688, %dma_wait3A_689] : memref<32x1000000xf32, #tpu.memory_space<hbm>> -> memref<32x128xf32, #tpu.memory_space<hbm>>
    %dma_wait3A_691 = arith.constant 0 : i32
    %dma_wait3A_692 = arith.constant 0 : i32
    %dma_wait3A_693 = tpu.memref_slice %arg17[%dma_wait3A_683, %dma_wait3A_691, %dma_wait3A_692] : memref<4x32x128xf32, #tpu.memory_space<vmem>> -> memref<1x32x128xf32, #tpu.memory_space<vmem>>
    %dma_wait3A_694 = tpu.memref_squeeze %dma_wait3A_693 : memref<1x32x128xf32, #tpu.memory_space<vmem>> -> memref<32x128xf32, #tpu.memory_space<vmem>>
    %dma_wait3A_695 = arith.constant 0 : i32
    %dma_wait3A_696 = arith.constant 0 : i32
    %dma_wait3A_697 = tpu.memref_slice %arg2[%dma_wait3A_695, %dma_wait3A_696] : memref<32x1000000xf32, #tpu.memory_space<hbm>> -> memref<32x128xf32, #tpu.memory_space<hbm>>
    tpu.wait_dma2 semaphore(%arg23 : memref<!tpu.dma_semaphore, #tpu.memory_space<semaphore_mem>>) src(%dma_wait3A_697 : memref<32x128xf32, #tpu.memory_space<hbm>>) dst(%dma_wait3A_694 : memref<32x128xf32, #tpu.memory_space<vmem>>)
    %dma_wait3A_698 = arith.constant 3 : i32
    %dma_wait3A_699 = arith.constant 0 : i32
    %dma_wait3A_700 = arith.constant 0 : i32
    %dma_wait3A_701 = tpu.memref_slice %arg17[%dma_wait3A_698, %dma_wait3A_699, %dma_wait3A_700] : memref<4x32x128xf32, #tpu.memory_space<vmem>> -> memref<1x32x128xf32, #tpu.memory_space<vmem>>
    %dma_wait3A_702 = tpu.memref_squeeze %dma_wait3A_701 : memref<1x32x128xf32, #tpu.memory_space<vmem>> -> memref<32x128xf32, #tpu.memory_space<vmem>>
    %dma_wait3A_703 = arith.constant 0 : i32
    %dma_wait3A_704 = arith.constant 0 : i32
    %dma_wait3A_705 = tpu.memref_slice %arg2[%dma_wait3A_703, %dma_wait3A_704] : memref<32x1000000xf32, #tpu.memory_space<hbm>> -> memref<32x128xf32, #tpu.memory_space<hbm>>
    %dma_wait3A_706 = arith.constant 0 : i32
    %dma_wait3A_707 = arith.constant 0 : i32
    %dma_wait3A_708 = tpu.memref_slice %arg17[%dma_wait3A_698, %dma_wait3A_706, %dma_wait3A_707] : memref<4x32x128xf32, #tpu.memory_space<vmem>> -> memref<1x32x128xf32, #tpu.memory_space<vmem>>
    %dma_wait3A_709 = tpu.memref_squeeze %dma_wait3A_708 : memref<1x32x128xf32, #tpu.memory_space<vmem>> -> memref<32x128xf32, #tpu.memory_space<vmem>>
    %dma_wait3A_710 = arith.constant 0 : i32
    %dma_wait3A_711 = arith.constant 0 : i32
    %dma_wait3A_712 = tpu.memref_slice %arg2[%dma_wait3A_710, %dma_wait3A_711] : memref<32x1000000xf32, #tpu.memory_space<hbm>> -> memref<32x128xf32, #tpu.memory_space<hbm>>
    tpu.wait_dma2 semaphore(%arg23 : memref<!tpu.dma_semaphore, #tpu.memory_space<semaphore_mem>>) src(%dma_wait3A_712 : memref<32x128xf32, #tpu.memory_space<hbm>>) dst(%dma_wait3A_709 : memref<32x128xf32, #tpu.memory_space<vmem>>)
    %iota3A_713 = tpu.iota {dimensions = array<i32: 0>} : vector<16xi32>
    %add3A_714 = arith.constant 16 : i32
    %add3A_715 = vector.broadcast %add3A_714 : i32 to vector<16xi32>
    %add3A_716 = arith.addi %iota3A_713, %add3A_715 : vector<16xi32>
    %get3A_717 = arith.constant 508 : index
    %get3A_718 = tpu.vector_load %arg11[%get3A_717] {strides = array<i32>} : memref<528xi32, #tpu.memory_space<vmem>>, vector<16xi32>,
    %slice3A_719 = vector.extract_strided_slice %get3A_718 {offsets = [0], sizes = [1], strides = [1]} : vector<16xi32> to vector<1xi32>
    %squeeze3A_720 = vector.extract %slice3A_719[0] : i32 from vector<1xi32>
    %broadcast_in_dim3A_721 = vector.broadcast %squeeze3A_720 : i32 to vector<16xi32>
    %broadcast_in_dim3A_722 = arith.constant 0 : i32
    %broadcast_in_dim3A_723 = vector.broadcast %broadcast_in_dim3A_722 : i32 to vector<16xi32>
    %gather3A_724 = tpu.vector_load_idx %arg17[%broadcast_in_dim3A_723, %iota3A_713, %broadcast_in_dim3A_721] : memref<4x32x128xf32, #tpu.memory_space<vmem>>[vector<16xi32>, vector<16xi32>, vector<16xi32>], vector<16xf32>,
    %gather3A_725 = tpu.vector_load_idx %arg17[%broadcast_in_dim3A_723, %add3A_716, %broadcast_in_dim3A_721] : memref<4x32x128xf32, #tpu.memory_space<vmem>>[vector<16xi32>, vector<16xi32>, vector<16xi32>], vector<16xf32>,
    %swap3A_726 = arith.constant 127 : i32
    %swap3A_727 = arith.index_cast %swap3A_726 : i32 to index
    %swap3A_728 = arith.constant 0 : index
    %swap3A_729 = tpu.vector_load %arg18[%swap3A_727, %swap3A_728] {strides = array<i32>} : memref<128x128xf32, #tpu.memory_space<vmem>>, vector<16xf32>,
    tpu.vector_store %arg18[%swap3A_727, %swap3A_728], %gather3A_724 {strides = array<i32>} : memref<128x128xf32, #tpu.memory_space<vmem>>, vector<16xf32>,
    %swap3A_730 = arith.constant 127 : i32
    %swap3A_731 = arith.index_cast %swap3A_730 : i32 to index
    %swap3A_732 = arith.constant 16 : index
    %swap3A_733 = tpu.vector_load %arg18[%swap3A_731, %swap3A_732] {strides = array<i32>} : memref<128x128xf32, #tpu.memory_space<vmem>>, vector<16xf32>,
    tpu.vector_store %arg18[%swap3A_731, %swap3A_732], %gather3A_725 {strides = array<i32>} : memref<128x128xf32, #tpu.memory_space<vmem>>, vector<16xf32>,
    %slice3A_734 = vector.extract_strided_slice %get3A_718 {offsets = [1], sizes = [1], strides = [1]} : vector<16xi32> to vector<1xi32>
    %squeeze3A_735 = vector.extract %slice3A_734[0] : i32 from vector<1xi32>
    %broadcast_in_dim3A_736 = vector.broadcast %squeeze3A_735 : i32 to vector<16xi32>
    %broadcast_in_dim3A_737 = arith.constant 1 : i32
    %broadcast_in_dim3A_738 = vector.broadcast %broadcast_in_dim3A_737 : i32 to vector<16xi32>
    %gather3A_739 = tpu.vector_load_idx %arg17[%broadcast_in_dim3A_738, %iota3A_713, %broadcast_in_dim3A_736] : memref<4x32x128xf32, #tpu.memory_space<vmem>>[vector<16xi32>, vector<16xi32>, vector<16xi32>], vector<16xf32>,
    %gather3A_740 = tpu.vector_load_idx %arg17[%broadcast_in_dim3A_738, %add3A_716, %broadcast_in_dim3A_736] : memref<4x32x128xf32, #tpu.memory_space<vmem>>[vector<16xi32>, vector<16xi32>, vector<16xi32>], vector<16xf32>,
    %swap3A_741 = arith.constant 127 : i32
    %swap3A_742 = arith.index_cast %swap3A_741 : i32 to index
    %swap3A_743 = arith.constant 32 : index
    %swap3A_744 = tpu.vector_load %arg18[%swap3A_742, %swap3A_743] {strides = array<i32>} : memref<128x128xf32, #tpu.memory_space<vmem>>, vector<16xf32>,
    tpu.vector_store %arg18[%swap3A_742, %swap3A_743], %gather3A_739 {strides = array<i32>} : memref<128x128xf32, #tpu.memory_space<vmem>>, vector<16xf32>,
    %swap3A_745 = arith.constant 127 : i32
    %swap3A_746 = arith.index_cast %swap3A_745 : i32 to index
    %swap3A_747 = arith.constant 48 : index
    %swap3A_748 = tpu.vector_load %arg18[%swap3A_746, %swap3A_747] {strides = array<i32>} : memref<128x128xf32, #tpu.memory_space<vmem>>, vector<16xf32>,
    tpu.vector_store %arg18[%swap3A_746, %swap3A_747], %gather3A_740 {strides = array<i32>} : memref<128x128xf32, #tpu.memory_space<vmem>>, vector<16xf32>,
    %slice3A_749 = vector.extract_strided_slice %get3A_718 {offsets = [2], sizes = [1], strides = [1]} : vector<16xi32> to vector<1xi32>
    %squeeze3A_750 = vector.extract %slice3A_749[0] : i32 from vector<1xi32>
    %broadcast_in_dim3A_751 = vector.broadcast %squeeze3A_750 : i32 to vector<16xi32>
    %broadcast_in_dim3A_752 = arith.constant 2 : i32
    %broadcast_in_dim3A_753 = vector.broadcast %broadcast_in_dim3A_752 : i32 to vector<16xi32>
    %gather3A_754 = tpu.vector_load_idx %arg17[%broadcast_in_dim3A_753, %iota3A_713, %broadcast_in_dim3A_751] : memref<4x32x128xf32, #tpu.memory_space<vmem>>[vector<16xi32>, vector<16xi32>, vector<16xi32>], vector<16xf32>,
    %gather3A_755 = tpu.vector_load_idx %arg17[%broadcast_in_dim3A_753, %add3A_716, %broadcast_in_dim3A_751] : memref<4x32x128xf32, #tpu.memory_space<vmem>>[vector<16xi32>, vector<16xi32>, vector<16xi32>], vector<16xf32>,
    %swap3A_756 = arith.constant 127 : i32
    %swap3A_757 = arith.index_cast %swap3A_756 : i32 to index
    %swap3A_758 = arith.constant 64 : index
    %swap3A_759 = tpu.vector_load %arg18[%swap3A_757, %swap3A_758] {strides = array<i32>} : memref<128x128xf32, #tpu.memory_space<vmem>>, vector<16xf32>,
    tpu.vector_store %arg18[%swap3A_757, %swap3A_758], %gather3A_754 {strides = array<i32>} : memref<128x128xf32, #tpu.memory_space<vmem>>, vector<16xf32>,
    %swap3A_760 = arith.constant 127 : i32
    %swap3A_761 = arith.index_cast %swap3A_760 : i32 to index
    %swap3A_762 = arith.constant 80 : index
    %swap3A_763 = tpu.vector_load %arg18[%swap3A_761, %swap3A_762] {strides = array<i32>} : memref<128x128xf32, #tpu.memory_space<vmem>>, vector<16xf32>,
    tpu.vector_store %arg18[%swap3A_761, %swap3A_762], %gather3A_755 {strides = array<i32>} : memref<128x128xf32, #tpu.memory_space<vmem>>, vector<16xf32>,
    %slice3A_764 = vector.extract_strided_slice %get3A_718 {offsets = [3], sizes = [1], strides = [1]} : vector<16xi32> to vector<1xi32>
    %squeeze3A_765 = vector.extract %slice3A_764[0] : i32 from vector<1xi32>
    %broadcast_in_dim3A_766 = vector.broadcast %squeeze3A_765 : i32 to vector<16xi32>
    %broadcast_in_dim3A_767 = arith.constant 3 : i32
    %broadcast_in_dim3A_768 = vector.broadcast %broadcast_in_dim3A_767 : i32 to vector<16xi32>
    %gather3A_769 = tpu.vector_load_idx %arg17[%broadcast_in_dim3A_768, %iota3A_713, %broadcast_in_dim3A_766] : memref<4x32x128xf32, #tpu.memory_space<vmem>>[vector<16xi32>, vector<16xi32>, vector<16xi32>], vector<16xf32>,
    %gather3A_770 = tpu.vector_load_idx %arg17[%broadcast_in_dim3A_768, %add3A_716, %broadcast_in_dim3A_766] : memref<4x32x128xf32, #tpu.memory_space<vmem>>[vector<16xi32>, vector<16xi32>, vector<16xi32>], vector<16xf32>,
    %swap3A_771 = arith.constant 127 : i32
    %swap3A_772 = arith.index_cast %swap3A_771 : i32 to index
    %swap3A_773 = arith.constant 96 : index
    %swap3A_774 = tpu.vector_load %arg18[%swap3A_772, %swap3A_773] {strides = array<i32>} : memref<128x128xf32, #tpu.memory_space<vmem>>, vector<16xf32>,
    tpu.vector_store %arg18[%swap3A_772, %swap3A_773], %gather3A_769 {strides = array<i32>} : memref<128x128xf32, #tpu.memory_space<vmem>>, vector<16xf32>,
    %swap3A_775 = arith.constant 127 : i32
    %swap3A_776 = arith.index_cast %swap3A_775 : i32 to index
    %swap3A_777 = arith.constant 112 : index
    %swap3A_778 = tpu.vector_load %arg18[%swap3A_776, %swap3A_777] {strides = array<i32>} : memref<128x128xf32, #tpu.memory_space<vmem>>, vector<16xf32>,
    tpu.vector_store %arg18[%swap3A_776, %swap3A_777], %gather3A_770 {strides = array<i32>} : memref<128x128xf32, #tpu.memory_space<vmem>>, vector<16xf32>,
    %mul3A_779 = arith.constant 128 : i32
    %mul3A_780 = arith.muli %add3A, %mul3A_779 : i32
    "tpu.region"() ({
      %run_scoped3A = tpu.sem_alloc : memref<!tpu.dma_semaphore, #tpu.memory_space<semaphore_mem>>
      %dma_start3A_1558 = arith.constant 0 : i32
      %dma_start3A_1559 = tpu.memref_slice %arg6[%mul3A_780, %dma_start3A_1558] : memref<4096x128xf32, #tpu.memory_space<hbm>> -> memref<128x128xf32, #tpu.memory_space<hbm>>
      %dma_start3A_1560 = arith.constant 0 : i32
      %dma_start3A_1561 = tpu.memref_slice %arg6[%mul3A_780, %dma_start3A_1560] : memref<4096x128xf32, #tpu.memory_space<hbm>> -> memref<128x128xf32, #tpu.memory_space<hbm>>
      tpu.enqueue_dma source(%arg18 : memref<128x128xf32, #tpu.memory_space<vmem>>) target(%dma_start3A_1561 : memref<128x128xf32, #tpu.memory_space<hbm>>) target_semaphore(%run_scoped3A : memref<!tpu.dma_semaphore, #tpu.memory_space<semaphore_mem>>)
      %dma_wait3A_1562 = arith.constant 0 : i32
      %dma_wait3A_1563 = tpu.memref_slice %arg6[%mul3A_780, %dma_wait3A_1562] : memref<4096x128xf32, #tpu.memory_space<hbm>> -> memref<128x128xf32, #tpu.memory_space<hbm>>
      %dma_wait3A_1564 = arith.constant 0 : i32
      %dma_wait3A_1565 = tpu.memref_slice %arg6[%mul3A_780, %dma_wait3A_1564] : memref<4096x128xf32, #tpu.memory_space<hbm>> -> memref<128x128xf32, #tpu.memory_space<hbm>>
      tpu.wait_dma2 semaphore(%run_scoped3A : memref<!tpu.dma_semaphore, #tpu.memory_space<semaphore_mem>>) src(%arg18 : memref<128x128xf32, #tpu.memory_space<vmem>>) dst(%dma_wait3A_1565 : memref<128x128xf32, #tpu.memory_space<hbm>>)
      tpu.yield
    }) : () -> ()
    %get3A_781 = arith.constant 0 : index
    %get3A_782 = tpu.vector_load %arg12[%get3A_781] {strides = array<i32>} : memref<528xi32, #tpu.memory_space<vmem>>, vector<16xi32>,
    %slice3A_783 = vector.extract_strided_slice %get3A_782 {offsets = [0], sizes = [1], strides = [1]} : vector<16xi32> to vector<1xi32>
    %squeeze3A_784 = vector.extract %slice3A_783[0] : i32 from vector<1xi32>
    %multiple_of3A_785 = tpu.assume_multiple %squeeze3A_784, 128 : i32
    %dma_start3A_786 = arith.constant 0 : i32
    %dma_start3A_787 = arith.constant 0 : i32
    %dma_start3A_788 = arith.constant 0 : i32
    %dma_start3A_789 = tpu.memref_slice %arg14[%dma_start3A_786, %dma_start3A_787, %dma_start3A_788] : memref<4x32x128xf32, #tpu.memory_space<vmem>> -> memref<1x32x128xf32, #tpu.memory_space<vmem>>
    %dma_start3A_790 = tpu.memref_squeeze %dma_start3A_789 : memref<1x32x128xf32, #tpu.memory_space<vmem>> -> memref<32x128xf32, #tpu.memory_space<vmem>>
    %dma_start3A_791 = arith.constant 0 : i32
    %dma_start3A_792 = tpu.memref_slice %arg3[%dma_start3A_791, %multiple_of3A_785] : memref<32x1000000xf32, #tpu.memory_space<hbm>> -> memref<32x128xf32, #tpu.memory_space<hbm>>
    %dma_start3A_793 = arith.constant 0 : i32
    %dma_start3A_794 = arith.constant 0 : i32
    %dma_start3A_795 = tpu.memref_slice %arg14[%dma_start3A_786, %dma_start3A_793, %dma_start3A_794] : memref<4x32x128xf32, #tpu.memory_space<vmem>> -> memref<1x32x128xf32, #tpu.memory_space<vmem>>
    %dma_start3A_796 = tpu.memref_squeeze %dma_start3A_795 : memref<1x32x128xf32, #tpu.memory_space<vmem>> -> memref<32x128xf32, #tpu.memory_space<vmem>>
    %dma_start3A_797 = arith.constant 0 : i32
    %dma_start3A_798 = tpu.memref_slice %arg3[%dma_start3A_797, %multiple_of3A_785] : memref<32x1000000xf32, #tpu.memory_space<hbm>> -> memref<32x128xf32, #tpu.memory_space<hbm>>
    tpu.enqueue_dma source(%dma_start3A_798 : memref<32x128xf32, #tpu.memory_space<hbm>>) target(%dma_start3A_796 : memref<32x128xf32, #tpu.memory_space<vmem>>) target_semaphore(%arg20 : memref<!tpu.dma_semaphore, #tpu.memory_space<semaphore_mem>>)
    %slice3A_799 = vector.extract_strided_slice %get3A_782 {offsets = [1], sizes = [1], strides = [1]} : vector<16xi32> to vector<1xi32>
    %squeeze3A_800 = vector.extract %slice3A_799[0] : i32 from vector<1xi32>
    %multiple_of3A_801 = tpu.assume_multiple %squeeze3A_800, 128 : i32
    %dma_start3A_802 = arith.constant 1 : i32
    %dma_start3A_803 = arith.constant 0 : i32
    %dma_start3A_804 = arith.constant 0 : i32
    %dma_start3A_805 = tpu.memref_slice %arg14[%dma_start3A_802, %dma_start3A_803, %dma_start3A_804] : memref<4x32x128xf32, #tpu.memory_space<vmem>> -> memref<1x32x128xf32, #tpu.memory_space<vmem>>
    %dma_start3A_806 = tpu.memref_squeeze %dma_start3A_805 : memref<1x32x128xf32, #tpu.memory_space<vmem>> -> memref<32x128xf32, #tpu.memory_space<vmem>>
    %dma_start3A_807 = arith.constant 0 : i32
    %dma_start3A_808 = tpu.memref_slice %arg3[%dma_start3A_807, %multiple_of3A_801] : memref<32x1000000xf32, #tpu.memory_space<hbm>> -> memref<32x128xf32, #tpu.memory_space<hbm>>
    %dma_start3A_809 = arith.constant 0 : i32
    %dma_start3A_810 = arith.constant 0 : i32
    %dma_start3A_811 = tpu.memref_slice %arg14[%dma_start3A_802, %dma_start3A_809, %dma_start3A_810] : memref<4x32x128xf32, #tpu.memory_space<vmem>> -> memref<1x32x128xf32, #tpu.memory_space<vmem>>
    %dma_start3A_812 = tpu.memref_squeeze %dma_start3A_811 : memref<1x32x128xf32, #tpu.memory_space<vmem>> -> memref<32x128xf32, #tpu.memory_space<vmem>>
    %dma_start3A_813 = arith.constant 0 : i32
    %dma_start3A_814 = tpu.memref_slice %arg3[%dma_start3A_813, %multiple_of3A_801] : memref<32x1000000xf32, #tpu.memory_space<hbm>> -> memref<32x128xf32, #tpu.memory_space<hbm>>
    tpu.enqueue_dma source(%dma_start3A_814 : memref<32x128xf32, #tpu.memory_space<hbm>>) target(%dma_start3A_812 : memref<32x128xf32, #tpu.memory_space<vmem>>) target_semaphore(%arg20 : memref<!tpu.dma_semaphore, #tpu.memory_space<semaphore_mem>>)
    %slice3A_815 = vector.extract_strided_slice %get3A_782 {offsets = [2], sizes = [1], strides = [1]} : vector<16xi32> to vector<1xi32>
    %squeeze3A_816 = vector.extract %slice3A_815[0] : i32 from vector<1xi32>
    %multiple_of3A_817 = tpu.assume_multiple %squeeze3A_816, 128 : i32
    %dma_start3A_818 = arith.constant 2 : i32
    %dma_start3A_819 = arith.constant 0 : i32
    %dma_start3A_820 = arith.constant 0 : i32
    %dma_start3A_821 = tpu.memref_slice %arg14[%dma_start3A_818, %dma_start3A_819, %dma_start3A_820] : memref<4x32x128xf32, #tpu.memory_space<vmem>> -> memref<1x32x128xf32, #tpu.memory_space<vmem>>
    %dma_start3A_822 = tpu.memref_squeeze %dma_start3A_821 : memref<1x32x128xf32, #tpu.memory_space<vmem>> -> memref<32x128xf32, #tpu.memory_space<vmem>>
    %dma_start3A_823 = arith.constant 0 : i32
    %dma_start3A_824 = tpu.memref_slice %arg3[%dma_start3A_823, %multiple_of3A_817] : memref<32x1000000xf32, #tpu.memory_space<hbm>> -> memref<32x128xf32, #tpu.memory_space<hbm>>
    %dma_start3A_825 = arith.constant 0 : i32
    %dma_start3A_826 = arith.constant 0 : i32
    %dma_start3A_827 = tpu.memref_slice %arg14[%dma_start3A_818, %dma_start3A_825, %dma_start3A_826] : memref<4x32x128xf32, #tpu.memory_space<vmem>> -> memref<1x32x128xf32, #tpu.memory_space<vmem>>
    %dma_start3A_828 = tpu.memref_squeeze %dma_start3A_827 : memref<1x32x128xf32, #tpu.memory_space<vmem>> -> memref<32x128xf32, #tpu.memory_space<vmem>>
    %dma_start3A_829 = arith.constant 0 : i32
    %dma_start3A_830 = tpu.memref_slice %arg3[%dma_start3A_829, %multiple_of3A_817] : memref<32x1000000xf32, #tpu.memory_space<hbm>> -> memref<32x128xf32, #tpu.memory_space<hbm>>
    tpu.enqueue_dma source(%dma_start3A_830 : memref<32x128xf32, #tpu.memory_space<hbm>>) target(%dma_start3A_828 : memref<32x128xf32, #tpu.memory_space<vmem>>) target_semaphore(%arg20 : memref<!tpu.dma_semaphore, #tpu.memory_space<semaphore_mem>>)
    %slice3A_831 = vector.extract_strided_slice %get3A_782 {offsets = [3], sizes = [1], strides = [1]} : vector<16xi32> to vector<1xi32>
    %squeeze3A_832 = vector.extract %slice3A_831[0] : i32 from vector<1xi32>
    %multiple_of3A_833 = tpu.assume_multiple %squeeze3A_832, 128 : i32
    %dma_start3A_834 = arith.constant 3 : i32
    %dma_start3A_835 = arith.constant 0 : i32
    %dma_start3A_836 = arith.constant 0 : i32
    %dma_start3A_837 = tpu.memref_slice %arg14[%dma_start3A_834, %dma_start3A_835, %dma_start3A_836] : memref<4x32x128xf32, #tpu.memory_space<vmem>> -> memref<1x32x128xf32, #tpu.memory_space<vmem>>
    %dma_start3A_838 = tpu.memref_squeeze %dma_start3A_837 : memref<1x32x128xf32, #tpu.memory_space<vmem>> -> memref<32x128xf32, #tpu.memory_space<vmem>>
    %dma_start3A_839 = arith.constant 0 : i32
    %dma_start3A_840 = tpu.memref_slice %arg3[%dma_start3A_839, %multiple_of3A_833] : memref<32x1000000xf32, #tpu.memory_space<hbm>> -> memref<32x128xf32, #tpu.memory_space<hbm>>
    %dma_start3A_841 = arith.constant 0 : i32
    %dma_start3A_842 = arith.constant 0 : i32
    %dma_start3A_843 = tpu.memref_slice %arg14[%dma_start3A_834, %dma_start3A_841, %dma_start3A_842] : memref<4x32x128xf32, #tpu.memory_space<vmem>> -> memref<1x32x128xf32, #tpu.memory_space<vmem>>
    %dma_start3A_844 = tpu.memref_squeeze %dma_start3A_843 : memref<1x32x128xf32, #tpu.memory_space<vmem>> -> memref<32x128xf32, #tpu.memory_space<vmem>>
    %dma_start3A_845 = arith.constant 0 : i32
    %dma_start3A_846 = tpu.memref_slice %arg3[%dma_start3A_845, %multiple_of3A_833] : memref<32x1000000xf32, #tpu.memory_space<hbm>> -> memref<32x128xf32, #tpu.memory_space<hbm>>
    tpu.enqueue_dma source(%dma_start3A_846 : memref<32x128xf32, #tpu.memory_space<hbm>>) target(%dma_start3A_844 : memref<32x128xf32, #tpu.memory_space<vmem>>) target_semaphore(%arg20 : memref<!tpu.dma_semaphore, #tpu.memory_space<semaphore_mem>>)
    %get3A_847 = arith.constant 4 : index
    %get3A_848 = tpu.vector_load %arg12[%get3A_847] {strides = array<i32>} : memref<528xi32, #tpu.memory_space<vmem>>, vector<16xi32>,
    %slice3A_849 = vector.extract_strided_slice %get3A_848 {offsets = [0], sizes = [1], strides = [1]} : vector<16xi32> to vector<1xi32>
    %squeeze3A_850 = vector.extract %slice3A_849[0] : i32 from vector<1xi32>
    %multiple_of3A_851 = tpu.assume_multiple %squeeze3A_850, 128 : i32
    %dma_start3A_852 = arith.constant 0 : i32
    %dma_start3A_853 = arith.constant 0 : i32
    %dma_start3A_854 = arith.constant 0 : i32
    %dma_start3A_855 = tpu.memref_slice %arg15[%dma_start3A_852, %dma_start3A_853, %dma_start3A_854] : memref<4x32x128xf32, #tpu.memory_space<vmem>> -> memref<1x32x128xf32, #tpu.memory_space<vmem>>
    %dma_start3A_856 = tpu.memref_squeeze %dma_start3A_855 : memref<1x32x128xf32, #tpu.memory_space<vmem>> -> memref<32x128xf32, #tpu.memory_space<vmem>>
    %dma_start3A_857 = arith.constant 0 : i32
    %dma_start3A_858 = tpu.memref_slice %arg3[%dma_start3A_857, %multiple_of3A_851] : memref<32x1000000xf32, #tpu.memory_space<hbm>> -> memref<32x128xf32, #tpu.memory_space<hbm>>
    %dma_start3A_859 = arith.constant 0 : i32
    %dma_start3A_860 = arith.constant 0 : i32
    %dma_start3A_861 = tpu.memref_slice %arg15[%dma_start3A_852, %dma_start3A_859, %dma_start3A_860] : memref<4x32x128xf32, #tpu.memory_space<vmem>> -> memref<1x32x128xf32, #tpu.memory_space<vmem>>
    %dma_start3A_862 = tpu.memref_squeeze %dma_start3A_861 : memref<1x32x128xf32, #tpu.memory_space<vmem>> -> memref<32x128xf32, #tpu.memory_space<vmem>>
    %dma_start3A_863 = arith.constant 0 : i32
    %dma_start3A_864 = tpu.memref_slice %arg3[%dma_start3A_863, %multiple_of3A_851] : memref<32x1000000xf32, #tpu.memory_space<hbm>> -> memref<32x128xf32, #tpu.memory_space<hbm>>
    tpu.enqueue_dma source(%dma_start3A_864 : memref<32x128xf32, #tpu.memory_space<hbm>>) target(%dma_start3A_862 : memref<32x128xf32, #tpu.memory_space<vmem>>) target_semaphore(%arg21 : memref<!tpu.dma_semaphore, #tpu.memory_space<semaphore_mem>>)
    %slice3A_865 = vector.extract_strided_slice %get3A_848 {offsets = [1], sizes = [1], strides = [1]} : vector<16xi32> to vector<1xi32>
    %squeeze3A_866 = vector.extract %slice3A_865[0] : i32 from vector<1xi32>
    %multiple_of3A_867 = tpu.assume_multiple %squeeze3A_866, 128 : i32
    %dma_start3A_868 = arith.constant 1 : i32
    %dma_start3A_869 = arith.constant 0 : i32
    %dma_start3A_870 = arith.constant 0 : i32
    %dma_start3A_871 = tpu.memref_slice %arg15[%dma_start3A_868, %dma_start3A_869, %dma_start3A_870] : memref<4x32x128xf32, #tpu.memory_space<vmem>> -> memref<1x32x128xf32, #tpu.memory_space<vmem>>
    %dma_start3A_872 = tpu.memref_squeeze %dma_start3A_871 : memref<1x32x128xf32, #tpu.memory_space<vmem>> -> memref<32x128xf32, #tpu.memory_space<vmem>>
    %dma_start3A_873 = arith.constant 0 : i32
    %dma_start3A_874 = tpu.memref_slice %arg3[%dma_start3A_873, %multiple_of3A_867] : memref<32x1000000xf32, #tpu.memory_space<hbm>> -> memref<32x128xf32, #tpu.memory_space<hbm>>
    %dma_start3A_875 = arith.constant 0 : i32
    %dma_start3A_876 = arith.constant 0 : i32
    %dma_start3A_877 = tpu.memref_slice %arg15[%dma_start3A_868, %dma_start3A_875, %dma_start3A_876] : memref<4x32x128xf32, #tpu.memory_space<vmem>> -> memref<1x32x128xf32, #tpu.memory_space<vmem>>
    %dma_start3A_878 = tpu.memref_squeeze %dma_start3A_877 : memref<1x32x128xf32, #tpu.memory_space<vmem>> -> memref<32x128xf32, #tpu.memory_space<vmem>>
    %dma_start3A_879 = arith.constant 0 : i32
    %dma_start3A_880 = tpu.memref_slice %arg3[%dma_start3A_879, %multiple_of3A_867] : memref<32x1000000xf32, #tpu.memory_space<hbm>> -> memref<32x128xf32, #tpu.memory_space<hbm>>
    tpu.enqueue_dma source(%dma_start3A_880 : memref<32x128xf32, #tpu.memory_space<hbm>>) target(%dma_start3A_878 : memref<32x128xf32, #tpu.memory_space<vmem>>) target_semaphore(%arg21 : memref<!tpu.dma_semaphore, #tpu.memory_space<semaphore_mem>>)
    %slice3A_881 = vector.extract_strided_slice %get3A_848 {offsets = [2], sizes = [1], strides = [1]} : vector<16xi32> to vector<1xi32>
    %squeeze3A_882 = vector.extract %slice3A_881[0] : i32 from vector<1xi32>
    %multiple_of3A_883 = tpu.assume_multiple %squeeze3A_882, 128 : i32
    %dma_start3A_884 = arith.constant 2 : i32
    %dma_start3A_885 = arith.constant 0 : i32
    %dma_start3A_886 = arith.constant 0 : i32
    %dma_start3A_887 = tpu.memref_slice %arg15[%dma_start3A_884, %dma_start3A_885, %dma_start3A_886] : memref<4x32x128xf32, #tpu.memory_space<vmem>> -> memref<1x32x128xf32, #tpu.memory_space<vmem>>
    %dma_start3A_888 = tpu.memref_squeeze %dma_start3A_887 : memref<1x32x128xf32, #tpu.memory_space<vmem>> -> memref<32x128xf32, #tpu.memory_space<vmem>>
    %dma_start3A_889 = arith.constant 0 : i32
    %dma_start3A_890 = tpu.memref_slice %arg3[%dma_start3A_889, %multiple_of3A_883] : memref<32x1000000xf32, #tpu.memory_space<hbm>> -> memref<32x128xf32, #tpu.memory_space<hbm>>
    %dma_start3A_891 = arith.constant 0 : i32
    %dma_start3A_892 = arith.constant 0 : i32
    %dma_start3A_893 = tpu.memref_slice %arg15[%dma_start3A_884, %dma_start3A_891, %dma_start3A_892] : memref<4x32x128xf32, #tpu.memory_space<vmem>> -> memref<1x32x128xf32, #tpu.memory_space<vmem>>
    %dma_start3A_894 = tpu.memref_squeeze %dma_start3A_893 : memref<1x32x128xf32, #tpu.memory_space<vmem>> -> memref<32x128xf32, #tpu.memory_space<vmem>>
    %dma_start3A_895 = arith.constant 0 : i32
    %dma_start3A_896 = tpu.memref_slice %arg3[%dma_start3A_895, %multiple_of3A_883] : memref<32x1000000xf32, #tpu.memory_space<hbm>> -> memref<32x128xf32, #tpu.memory_space<hbm>>
    tpu.enqueue_dma source(%dma_start3A_896 : memref<32x128xf32, #tpu.memory_space<hbm>>) target(%dma_start3A_894 : memref<32x128xf32, #tpu.memory_space<vmem>>) target_semaphore(%arg21 : memref<!tpu.dma_semaphore, #tpu.memory_space<semaphore_mem>>)
    %slice3A_897 = vector.extract_strided_slice %get3A_848 {offsets = [3], sizes = [1], strides = [1]} : vector<16xi32> to vector<1xi32>
    %squeeze3A_898 = vector.extract %slice3A_897[0] : i32 from vector<1xi32>
    %multiple_of3A_899 = tpu.assume_multiple %squeeze3A_898, 128 : i32
    %dma_start3A_900 = arith.constant 3 : i32
    %dma_start3A_901 = arith.constant 0 : i32
    %dma_start3A_902 = arith.constant 0 : i32
    %dma_start3A_903 = tpu.memref_slice %arg15[%dma_start3A_900, %dma_start3A_901, %dma_start3A_902] : memref<4x32x128xf32, #tpu.memory_space<vmem>> -> memref<1x32x128xf32, #tpu.memory_space<vmem>>
    %dma_start3A_904 = tpu.memref_squeeze %dma_start3A_903 : memref<1x32x128xf32, #tpu.memory_space<vmem>> -> memref<32x128xf32, #tpu.memory_space<vmem>>
    %dma_start3A_905 = arith.constant 0 : i32
    %dma_start3A_906 = tpu.memref_slice %arg3[%dma_start3A_905, %multiple_of3A_899] : memref<32x1000000xf32, #tpu.memory_space<hbm>> -> memref<32x128xf32, #tpu.memory_space<hbm>>
    %dma_start3A_907 = arith.constant 0 : i32
    %dma_start3A_908 = arith.constant 0 : i32
    %dma_start3A_909 = tpu.memref_slice %arg15[%dma_start3A_900, %dma_start3A_907, %dma_start3A_908] : memref<4x32x128xf32, #tpu.memory_space<vmem>> -> memref<1x32x128xf32, #tpu.memory_space<vmem>>
    %dma_start3A_910 = tpu.memref_squeeze %dma_start3A_909 : memref<1x32x128xf32, #tpu.memory_space<vmem>> -> memref<32x128xf32, #tpu.memory_space<vmem>>
    %dma_start3A_911 = arith.constant 0 : i32
    %dma_start3A_912 = tpu.memref_slice %arg3[%dma_start3A_911, %multiple_of3A_899] : memref<32x1000000xf32, #tpu.memory_space<hbm>> -> memref<32x128xf32, #tpu.memory_space<hbm>>
    tpu.enqueue_dma source(%dma_start3A_912 : memref<32x128xf32, #tpu.memory_space<hbm>>) target(%dma_start3A_910 : memref<32x128xf32, #tpu.memory_space<vmem>>) target_semaphore(%arg21 : memref<!tpu.dma_semaphore, #tpu.memory_space<semaphore_mem>>)
    %get3A_913 = arith.constant 8 : index
    %get3A_914 = tpu.vector_load %arg12[%get3A_913] {strides = array<i32>} : memref<528xi32, #tpu.memory_space<vmem>>, vector<16xi32>,
    %slice3A_915 = vector.extract_strided_slice %get3A_914 {offsets = [0], sizes = [1], strides = [1]} : vector<16xi32> to vector<1xi32>
    %squeeze3A_916 = vector.extract %slice3A_915[0] : i32 from vector<1xi32>
    %multiple_of3A_917 = tpu.assume_multiple %squeeze3A_916, 128 : i32
    %dma_start3A_918 = arith.constant 0 : i32
    %dma_start3A_919 = arith.constant 0 : i32
    %dma_start3A_920 = arith.constant 0 : i32
    %dma_start3A_921 = tpu.memref_slice %arg16[%dma_start3A_918, %dma_start3A_919, %dma_start3A_920] : memref<4x32x128xf32, #tpu.memory_space<vmem>> -> memref<1x32x128xf32, #tpu.memory_space<vmem>>
    %dma_start3A_922 = tpu.memref_squeeze %dma_start3A_921 : memref<1x32x128xf32, #tpu.memory_space<vmem>> -> memref<32x128xf32, #tpu.memory_space<vmem>>
    %dma_start3A_923 = arith.constant 0 : i32
    %dma_start3A_924 = tpu.memref_slice %arg3[%dma_start3A_923, %multiple_of3A_917] : memref<32x1000000xf32, #tpu.memory_space<hbm>> -> memref<32x128xf32, #tpu.memory_space<hbm>>
    %dma_start3A_925 = arith.constant 0 : i32
    %dma_start3A_926 = arith.constant 0 : i32
    %dma_start3A_927 = tpu.memref_slice %arg16[%dma_start3A_918, %dma_start3A_925, %dma_start3A_926] : memref<4x32x128xf32, #tpu.memory_space<vmem>> -> memref<1x32x128xf32, #tpu.memory_space<vmem>>
    %dma_start3A_928 = tpu.memref_squeeze %dma_start3A_927 : memref<1x32x128xf32, #tpu.memory_space<vmem>> -> memref<32x128xf32, #tpu.memory_space<vmem>>
    %dma_start3A_929 = arith.constant 0 : i32
    %dma_start3A_930 = tpu.memref_slice %arg3[%dma_start3A_929, %multiple_of3A_917] : memref<32x1000000xf32, #tpu.memory_space<hbm>> -> memref<32x128xf32, #tpu.memory_space<hbm>>
    tpu.enqueue_dma source(%dma_start3A_930 : memref<32x128xf32, #tpu.memory_space<hbm>>) target(%dma_start3A_928 : memref<32x128xf32, #tpu.memory_space<vmem>>) target_semaphore(%arg22 : memref<!tpu.dma_semaphore, #tpu.memory_space<semaphore_mem>>)
    %slice3A_931 = vector.extract_strided_slice %get3A_914 {offsets = [1], sizes = [1], strides = [1]} : vector<16xi32> to vector<1xi32>
    %squeeze3A_932 = vector.extract %slice3A_931[0] : i32 from vector<1xi32>
    %multiple_of3A_933 = tpu.assume_multiple %squeeze3A_932, 128 : i32
    %dma_start3A_934 = arith.constant 1 : i32
    %dma_start3A_935 = arith.constant 0 : i32
    %dma_start3A_936 = arith.constant 0 : i32
    %dma_start3A_937 = tpu.memref_slice %arg16[%dma_start3A_934, %dma_start3A_935, %dma_start3A_936] : memref<4x32x128xf32, #tpu.memory_space<vmem>> -> memref<1x32x128xf32, #tpu.memory_space<vmem>>
    %dma_start3A_938 = tpu.memref_squeeze %dma_start3A_937 : memref<1x32x128xf32, #tpu.memory_space<vmem>> -> memref<32x128xf32, #tpu.memory_space<vmem>>
    %dma_start3A_939 = arith.constant 0 : i32
    %dma_start3A_940 = tpu.memref_slice %arg3[%dma_start3A_939, %multiple_of3A_933] : memref<32x1000000xf32, #tpu.memory_space<hbm>> -> memref<32x128xf32, #tpu.memory_space<hbm>>
    %dma_start3A_941 = arith.constant 0 : i32
    %dma_start3A_942 = arith.constant 0 : i32
    %dma_start3A_943 = tpu.memref_slice %arg16[%dma_start3A_934, %dma_start3A_941, %dma_start3A_942] : memref<4x32x128xf32, #tpu.memory_space<vmem>> -> memref<1x32x128xf32, #tpu.memory_space<vmem>>
    %dma_start3A_944 = tpu.memref_squeeze %dma_start3A_943 : memref<1x32x128xf32, #tpu.memory_space<vmem>> -> memref<32x128xf32, #tpu.memory_space<vmem>>
    %dma_start3A_945 = arith.constant 0 : i32
    %dma_start3A_946 = tpu.memref_slice %arg3[%dma_start3A_945, %multiple_of3A_933] : memref<32x1000000xf32, #tpu.memory_space<hbm>> -> memref<32x128xf32, #tpu.memory_space<hbm>>
    tpu.enqueue_dma source(%dma_start3A_946 : memref<32x128xf32, #tpu.memory_space<hbm>>) target(%dma_start3A_944 : memref<32x128xf32, #tpu.memory_space<vmem>>) target_semaphore(%arg22 : memref<!tpu.dma_semaphore, #tpu.memory_space<semaphore_mem>>)
    %slice3A_947 = vector.extract_strided_slice %get3A_914 {offsets = [2], sizes = [1], strides = [1]} : vector<16xi32> to vector<1xi32>
    %squeeze3A_948 = vector.extract %slice3A_947[0] : i32 from vector<1xi32>
    %multiple_of3A_949 = tpu.assume_multiple %squeeze3A_948, 128 : i32
    %dma_start3A_950 = arith.constant 2 : i32
    %dma_start3A_951 = arith.constant 0 : i32
    %dma_start3A_952 = arith.constant 0 : i32
    %dma_start3A_953 = tpu.memref_slice %arg16[%dma_start3A_950, %dma_start3A_951, %dma_start3A_952] : memref<4x32x128xf32, #tpu.memory_space<vmem>> -> memref<1x32x128xf32, #tpu.memory_space<vmem>>
    %dma_start3A_954 = tpu.memref_squeeze %dma_start3A_953 : memref<1x32x128xf32, #tpu.memory_space<vmem>> -> memref<32x128xf32, #tpu.memory_space<vmem>>
    %dma_start3A_955 = arith.constant 0 : i32
    %dma_start3A_956 = tpu.memref_slice %arg3[%dma_start3A_955, %multiple_of3A_949] : memref<32x1000000xf32, #tpu.memory_space<hbm>> -> memref<32x128xf32, #tpu.memory_space<hbm>>
    %dma_start3A_957 = arith.constant 0 : i32
    %dma_start3A_958 = arith.constant 0 : i32
    %dma_start3A_959 = tpu.memref_slice %arg16[%dma_start3A_950, %dma_start3A_957, %dma_start3A_958] : memref<4x32x128xf32, #tpu.memory_space<vmem>> -> memref<1x32x128xf32, #tpu.memory_space<vmem>>
    %dma_start3A_960 = tpu.memref_squeeze %dma_start3A_959 : memref<1x32x128xf32, #tpu.memory_space<vmem>> -> memref<32x128xf32, #tpu.memory_space<vmem>>
    %dma_start3A_961 = arith.constant 0 : i32
    %dma_start3A_962 = tpu.memref_slice %arg3[%dma_start3A_961, %multiple_of3A_949] : memref<32x1000000xf32, #tpu.memory_space<hbm>> -> memref<32x128xf32, #tpu.memory_space<hbm>>
    tpu.enqueue_dma source(%dma_start3A_962 : memref<32x128xf32, #tpu.memory_space<hbm>>) target(%dma_start3A_960 : memref<32x128xf32, #tpu.memory_space<vmem>>) target_semaphore(%arg22 : memref<!tpu.dma_semaphore, #tpu.memory_space<semaphore_mem>>)
    %slice3A_963 = vector.extract_strided_slice %get3A_914 {offsets = [3], sizes = [1], strides = [1]} : vector<16xi32> to vector<1xi32>
    %squeeze3A_964 = vector.extract %slice3A_963[0] : i32 from vector<1xi32>
    %multiple_of3A_965 = tpu.assume_multiple %squeeze3A_964, 128 : i32
    %dma_start3A_966 = arith.constant 3 : i32
    %dma_start3A_967 = arith.constant 0 : i32
    %dma_start3A_968 = arith.constant 0 : i32
    %dma_start3A_969 = tpu.memref_slice %arg16[%dma_start3A_966, %dma_start3A_967, %dma_start3A_968] : memref<4x32x128xf32, #tpu.memory_space<vmem>> -> memref<1x32x128xf32, #tpu.memory_space<vmem>>
    %dma_start3A_970 = tpu.memref_squeeze %dma_start3A_969 : memref<1x32x128xf32, #tpu.memory_space<vmem>> -> memref<32x128xf32, #tpu.memory_space<vmem>>
    %dma_start3A_971 = arith.constant 0 : i32
    %dma_start3A_972 = tpu.memref_slice %arg3[%dma_start3A_971, %multiple_of3A_965] : memref<32x1000000xf32, #tpu.memory_space<hbm>> -> memref<32x128xf32, #tpu.memory_space<hbm>>
    %dma_start3A_973 = arith.constant 0 : i32
    %dma_start3A_974 = arith.constant 0 : i32
    %dma_start3A_975 = tpu.memref_slice %arg16[%dma_start3A_966, %dma_start3A_973, %dma_start3A_974] : memref<4x32x128xf32, #tpu.memory_space<vmem>> -> memref<1x32x128xf32, #tpu.memory_space<vmem>>
    %dma_start3A_976 = tpu.memref_squeeze %dma_start3A_975 : memref<1x32x128xf32, #tpu.memory_space<vmem>> -> memref<32x128xf32, #tpu.memory_space<vmem>>
    %dma_start3A_977 = arith.constant 0 : i32
    %dma_start3A_978 = tpu.memref_slice %arg3[%dma_start3A_977, %multiple_of3A_965] : memref<32x1000000xf32, #tpu.memory_space<hbm>> -> memref<32x128xf32, #tpu.memory_space<hbm>>
    tpu.enqueue_dma source(%dma_start3A_978 : memref<32x128xf32, #tpu.memory_space<hbm>>) target(%dma_start3A_976 : memref<32x128xf32, #tpu.memory_space<vmem>>) target_semaphore(%arg22 : memref<!tpu.dma_semaphore, #tpu.memory_space<semaphore_mem>>)
    %get3A_979 = arith.constant 12 : index
    %get3A_980 = tpu.vector_load %arg12[%get3A_979] {strides = array<i32>} : memref<528xi32, #tpu.memory_space<vmem>>, vector<16xi32>,
    %slice3A_981 = vector.extract_strided_slice %get3A_980 {offsets = [0], sizes = [1], strides = [1]} : vector<16xi32> to vector<1xi32>
    %squeeze3A_982 = vector.extract %slice3A_981[0] : i32 from vector<1xi32>
    %multiple_of3A_983 = tpu.assume_multiple %squeeze3A_982, 128 : i32
    %dma_start3A_984 = arith.constant 0 : i32
    %dma_start3A_985 = arith.constant 0 : i32
    %dma_start3A_986 = arith.constant 0 : i32
    %dma_start3A_987 = tpu.memref_slice %arg17[%dma_start3A_984, %dma_start3A_985, %dma_start3A_986] : memref<4x32x128xf32, #tpu.memory_space<vmem>> -> memref<1x32x128xf32, #tpu.memory_space<vmem>>
    %dma_start3A_988 = tpu.memref_squeeze %dma_start3A_987 : memref<1x32x128xf32, #tpu.memory_space<vmem>> -> memref<32x128xf32, #tpu.memory_space<vmem>>
    %dma_start3A_989 = arith.constant 0 : i32
    %dma_start3A_990 = tpu.memref_slice %arg3[%dma_start3A_989, %multiple_of3A_983] : memref<32x1000000xf32, #tpu.memory_space<hbm>> -> memref<32x128xf32, #tpu.memory_space<hbm>>
    %dma_start3A_991 = arith.constant 0 : i32
    %dma_start3A_992 = arith.constant 0 : i32
    %dma_start3A_993 = tpu.memref_slice %arg17[%dma_start3A_984, %dma_start3A_991, %dma_start3A_992] : memref<4x32x128xf32, #tpu.memory_space<vmem>> -> memref<1x32x128xf32, #tpu.memory_space<vmem>>
    %dma_start3A_994 = tpu.memref_squeeze %dma_start3A_993 : memref<1x32x128xf32, #tpu.memory_space<vmem>> -> memref<32x128xf32, #tpu.memory_space<vmem>>
    %dma_start3A_995 = arith.constant 0 : i32
    %dma_start3A_996 = tpu.memref_slice %arg3[%dma_start3A_995, %multiple_of3A_983] : memref<32x1000000xf32, #tpu.memory_space<hbm>> -> memref<32x128xf32, #tpu.memory_space<hbm>>
    tpu.enqueue_dma source(%dma_start3A_996 : memref<32x128xf32, #tpu.memory_space<hbm>>) target(%dma_start3A_994 : memref<32x128xf32, #tpu.memory_space<vmem>>) target_semaphore(%arg23 : memref<!tpu.dma_semaphore, #tpu.memory_space<semaphore_mem>>)
    %slice3A_997 = vector.extract_strided_slice %get3A_980 {offsets = [1], sizes = [1], strides = [1]} : vector<16xi32> to vector<1xi32>
    %squeeze3A_998 = vector.extract %slice3A_997[0] : i32 from vector<1xi32>
    %multiple_of3A_999 = tpu.assume_multiple %squeeze3A_998, 128 : i32
    %dma_start3A_1000 = arith.constant 1 : i32
    %dma_start3A_1001 = arith.constant 0 : i32
    %dma_start3A_1002 = arith.constant 0 : i32
    %dma_start3A_1003 = tpu.memref_slice %arg17[%dma_start3A_1000, %dma_start3A_1001, %dma_start3A_1002] : memref<4x32x128xf32, #tpu.memory_space<vmem>> -> memref<1x32x128xf32, #tpu.memory_space<vmem>>
    %dma_start3A_1004 = tpu.memref_squeeze %dma_start3A_1003 : memref<1x32x128xf32, #tpu.memory_space<vmem>> -> memref<32x128xf32, #tpu.memory_space<vmem>>
    %dma_start3A_1005 = arith.constant 0 : i32
    %dma_start3A_1006 = tpu.memref_slice %arg3[%dma_start3A_1005, %multiple_of3A_999] : memref<32x1000000xf32, #tpu.memory_space<hbm>> -> memref<32x128xf32, #tpu.memory_space<hbm>>
    %dma_start3A_1007 = arith.constant 0 : i32
    %dma_start3A_1008 = arith.constant 0 : i32
    %dma_start3A_1009 = tpu.memref_slice %arg17[%dma_start3A_1000, %dma_start3A_1007, %dma_start3A_1008] : memref<4x32x128xf32, #tpu.memory_space<vmem>> -> memref<1x32x128xf32, #tpu.memory_space<vmem>>
    %dma_start3A_1010 = tpu.memref_squeeze %dma_start3A_1009 : memref<1x32x128xf32, #tpu.memory_space<vmem>> -> memref<32x128xf32, #tpu.memory_space<vmem>>
    %dma_start3A_1011 = arith.constant 0 : i32
    %dma_start3A_1012 = tpu.memref_slice %arg3[%dma_start3A_1011, %multiple_of3A_999] : memref<32x1000000xf32, #tpu.memory_space<hbm>> -> memref<32x128xf32, #tpu.memory_space<hbm>>
    tpu.enqueue_dma source(%dma_start3A_1012 : memref<32x128xf32, #tpu.memory_space<hbm>>) target(%dma_start3A_1010 : memref<32x128xf32, #tpu.memory_space<vmem>>) target_semaphore(%arg23 : memref<!tpu.dma_semaphore, #tpu.memory_space<semaphore_mem>>)
    %slice3A_1013 = vector.extract_strided_slice %get3A_980 {offsets = [2], sizes = [1], strides = [1]} : vector<16xi32> to vector<1xi32>
    %squeeze3A_1014 = vector.extract %slice3A_1013[0] : i32 from vector<1xi32>
    %multiple_of3A_1015 = tpu.assume_multiple %squeeze3A_1014, 128 : i32
    %dma_start3A_1016 = arith.constant 2 : i32
    %dma_start3A_1017 = arith.constant 0 : i32
    %dma_start3A_1018 = arith.constant 0 : i32
    %dma_start3A_1019 = tpu.memref_slice %arg17[%dma_start3A_1016, %dma_start3A_1017, %dma_start3A_1018] : memref<4x32x128xf32, #tpu.memory_space<vmem>> -> memref<1x32x128xf32, #tpu.memory_space<vmem>>
    %dma_start3A_1020 = tpu.memref_squeeze %dma_start3A_1019 : memref<1x32x128xf32, #tpu.memory_space<vmem>> -> memref<32x128xf32, #tpu.memory_space<vmem>>
    %dma_start3A_1021 = arith.constant 0 : i32
    %dma_start3A_1022 = tpu.memref_slice %arg3[%dma_start3A_1021, %multiple_of3A_1015] : memref<32x1000000xf32, #tpu.memory_space<hbm>> -> memref<32x128xf32, #tpu.memory_space<hbm>>
    %dma_start3A_1023 = arith.constant 0 : i32
    %dma_start3A_1024 = arith.constant 0 : i32
    %dma_start3A_1025 = tpu.memref_slice %arg17[%dma_start3A_1016, %dma_start3A_1023, %dma_start3A_1024] : memref<4x32x128xf32, #tpu.memory_space<vmem>> -> memref<1x32x128xf32, #tpu.memory_space<vmem>>
    %dma_start3A_1026 = tpu.memref_squeeze %dma_start3A_1025 : memref<1x32x128xf32, #tpu.memory_space<vmem>> -> memref<32x128xf32, #tpu.memory_space<vmem>>
    %dma_start3A_1027 = arith.constant 0 : i32
    %dma_start3A_1028 = tpu.memref_slice %arg3[%dma_start3A_1027, %multiple_of3A_1015] : memref<32x1000000xf32, #tpu.memory_space<hbm>> -> memref<32x128xf32, #tpu.memory_space<hbm>>
    tpu.enqueue_dma source(%dma_start3A_1028 : memref<32x128xf32, #tpu.memory_space<hbm>>) target(%dma_start3A_1026 : memref<32x128xf32, #tpu.memory_space<vmem>>) target_semaphore(%arg23 : memref<!tpu.dma_semaphore, #tpu.memory_space<semaphore_mem>>)
    %slice3A_1029 = vector.extract_strided_slice %get3A_980 {offsets = [3], sizes = [1], strides = [1]} : vector<16xi32> to vector<1xi32>
    %squeeze3A_1030 = vector.extract %slice3A_1029[0] : i32 from vector<1xi32>
    %multiple_of3A_1031 = tpu.assume_multiple %squeeze3A_1030, 128 : i32
    %dma_start3A_1032 = arith.constant 3 : i32
    %dma_start3A_1033 = arith.constant 0 : i32
    %dma_start3A_1034 = arith.constant 0 : i32
    %dma_start3A_1035 = tpu.memref_slice %arg17[%dma_start3A_1032, %dma_start3A_1033, %dma_start3A_1034] : memref<4x32x128xf32, #tpu.memory_space<vmem>> -> memref<1x32x128xf32, #tpu.memory_space<vmem>>
    %dma_start3A_1036 = tpu.memref_squeeze %dma_start3A_1035 : memref<1x32x128xf32, #tpu.memory_space<vmem>> -> memref<32x128xf32, #tpu.memory_space<vmem>>
    %dma_start3A_1037 = arith.constant 0 : i32
    %dma_start3A_1038 = tpu.memref_slice %arg3[%dma_start3A_1037, %multiple_of3A_1031] : memref<32x1000000xf32, #tpu.memory_space<hbm>> -> memref<32x128xf32, #tpu.memory_space<hbm>>
    %dma_start3A_1039 = arith.constant 0 : i32
    %dma_start3A_1040 = arith.constant 0 : i32
    %dma_start3A_1041 = tpu.memref_slice %arg17[%dma_start3A_1032, %dma_start3A_1039, %dma_start3A_1040] : memref<4x32x128xf32, #tpu.memory_space<vmem>> -> memref<1x32x128xf32, #tpu.memory_space<vmem>>
    %dma_start3A_1042 = tpu.memref_squeeze %dma_start3A_1041 : memref<1x32x128xf32, #tpu.memory_space<vmem>> -> memref<32x128xf32, #tpu.memory_space<vmem>>
    %dma_start3A_1043 = arith.constant 0 : i32
    %dma_start3A_1044 = tpu.memref_slice %arg3[%dma_start3A_1043, %multiple_of3A_1031] : memref<32x1000000xf32, #tpu.memory_space<hbm>> -> memref<32x128xf32, #tpu.memory_space<hbm>>
    tpu.enqueue_dma source(%dma_start3A_1044 : memref<32x128xf32, #tpu.memory_space<hbm>>) target(%dma_start3A_1042 : memref<32x128xf32, #tpu.memory_space<vmem>>) target_semaphore(%arg23 : memref<!tpu.dma_semaphore, #tpu.memory_space<semaphore_mem>>)
    %scan3A_1045 = arith.constant 0 : i32
    %scan3A_1046 = arith.constant 0 : i32
    %scan3A_1047 = arith.constant 31 : i32
    %scan3A_1048 = arith.addi %scan3A_1046, %scan3A_1047 : i32
    %scan3A_1049 = arith.constant 1 : i32
    %scan3A_1050 = scf.for %scan3A_1558 = %scan3A_1046 to %scan3A_1048 step %scan3A_1049 iter_args(%scan3A_1559 = %scan3A_1045) -> (i32)  : i32 {
      %mul3A_1560 = arith.constant 4 : i32
      %mul3A_1561 = arith.muli %mul3A_1560, %scan3A_1558 : i32
      %dma_wait3A_1562 = arith.constant 0 : i32
      %dma_wait3A_1563 = arith.constant 0 : i32
      %dma_wait3A_1564 = arith.constant 0 : i32
      %dma_wait3A_1565 = tpu.memref_slice %arg14[%dma_wait3A_1562, %dma_wait3A_1563, %dma_wait3A_1564] : memref<4x32x128xf32, #tpu.memory_space<vmem>> -> memref<1x32x128xf32, #tpu.memory_space<vmem>>
      %dma_wait3A_1566 = tpu.memref_squeeze %dma_wait3A_1565 : memref<1x32x128xf32, #tpu.memory_space<vmem>> -> memref<32x128xf32, #tpu.memory_space<vmem>>
      %dma_wait3A_1567 = arith.constant 0 : i32
      %dma_wait3A_1568 = arith.constant 0 : i32
      %dma_wait3A_1569 = tpu.memref_slice %arg3[%dma_wait3A_1567, %dma_wait3A_1568] : memref<32x1000000xf32, #tpu.memory_space<hbm>> -> memref<32x128xf32, #tpu.memory_space<hbm>>
      %dma_wait3A_1570 = arith.constant 0 : i32
      %dma_wait3A_1571 = arith.constant 0 : i32
      %dma_wait3A_1572 = tpu.memref_slice %arg14[%dma_wait3A_1562, %dma_wait3A_1570, %dma_wait3A_1571] : memref<4x32x128xf32, #tpu.memory_space<vmem>> -> memref<1x32x128xf32, #tpu.memory_space<vmem>>
      %dma_wait3A_1573 = tpu.memref_squeeze %dma_wait3A_1572 : memref<1x32x128xf32, #tpu.memory_space<vmem>> -> memref<32x128xf32, #tpu.memory_space<vmem>>
      %dma_wait3A_1574 = arith.constant 0 : i32
      %dma_wait3A_1575 = arith.constant 0 : i32
      %dma_wait3A_1576 = tpu.memref_slice %arg3[%dma_wait3A_1574, %dma_wait3A_1575] : memref<32x1000000xf32, #tpu.memory_space<hbm>> -> memref<32x128xf32, #tpu.memory_space<hbm>>
      tpu.wait_dma2 semaphore(%arg20 : memref<!tpu.dma_semaphore, #tpu.memory_space<semaphore_mem>>) src(%dma_wait3A_1576 : memref<32x128xf32, #tpu.memory_space<hbm>>) dst(%dma_wait3A_1573 : memref<32x128xf32, #tpu.memory_space<vmem>>)
      %dma_wait3A_1577 = arith.constant 1 : i32
      %dma_wait3A_1578 = arith.constant 0 : i32
      %dma_wait3A_1579 = arith.constant 0 : i32
      %dma_wait3A_1580 = tpu.memref_slice %arg14[%dma_wait3A_1577, %dma_wait3A_1578, %dma_wait3A_1579] : memref<4x32x128xf32, #tpu.memory_space<vmem>> -> memref<1x32x128xf32, #tpu.memory_space<vmem>>
      %dma_wait3A_1581 = tpu.memref_squeeze %dma_wait3A_1580 : memref<1x32x128xf32, #tpu.memory_space<vmem>> -> memref<32x128xf32, #tpu.memory_space<vmem>>
      %dma_wait3A_1582 = arith.constant 0 : i32
      %dma_wait3A_1583 = arith.constant 0 : i32
      %dma_wait3A_1584 = tpu.memref_slice %arg3[%dma_wait3A_1582, %dma_wait3A_1583] : memref<32x1000000xf32, #tpu.memory_space<hbm>> -> memref<32x128xf32, #tpu.memory_space<hbm>>
      %dma_wait3A_1585 = arith.constant 0 : i32
      %dma_wait3A_1586 = arith.constant 0 : i32
      %dma_wait3A_1587 = tpu.memref_slice %arg14[%dma_wait3A_1577, %dma_wait3A_1585, %dma_wait3A_1586] : memref<4x32x128xf32, #tpu.memory_space<vmem>> -> memref<1x32x128xf32, #tpu.memory_space<vmem>>
      %dma_wait3A_1588 = tpu.memref_squeeze %dma_wait3A_1587 : memref<1x32x128xf32, #tpu.memory_space<vmem>> -> memref<32x128xf32, #tpu.memory_space<vmem>>
      %dma_wait3A_1589 = arith.constant 0 : i32
      %dma_wait3A_1590 = arith.constant 0 : i32
      %dma_wait3A_1591 = tpu.memref_slice %arg3[%dma_wait3A_1589, %dma_wait3A_1590] : memref<32x1000000xf32, #tpu.memory_space<hbm>> -> memref<32x128xf32, #tpu.memory_space<hbm>>
      tpu.wait_dma2 semaphore(%arg20 : memref<!tpu.dma_semaphore, #tpu.memory_space<semaphore_mem>>) src(%dma_wait3A_1591 : memref<32x128xf32, #tpu.memory_space<hbm>>) dst(%dma_wait3A_1588 : memref<32x128xf32, #tpu.memory_space<vmem>>)
      %dma_wait3A_1592 = arith.constant 2 : i32
      %dma_wait3A_1593 = arith.constant 0 : i32
      %dma_wait3A_1594 = arith.constant 0 : i32
      %dma_wait3A_1595 = tpu.memref_slice %arg14[%dma_wait3A_1592, %dma_wait3A_1593, %dma_wait3A_1594] : memref<4x32x128xf32, #tpu.memory_space<vmem>> -> memref<1x32x128xf32, #tpu.memory_space<vmem>>
      %dma_wait3A_1596 = tpu.memref_squeeze %dma_wait3A_1595 : memref<1x32x128xf32, #tpu.memory_space<vmem>> -> memref<32x128xf32, #tpu.memory_space<vmem>>
      %dma_wait3A_1597 = arith.constant 0 : i32
      %dma_wait3A_1598 = arith.constant 0 : i32
      %dma_wait3A_1599 = tpu.memref_slice %arg3[%dma_wait3A_1597, %dma_wait3A_1598] : memref<32x1000000xf32, #tpu.memory_space<hbm>> -> memref<32x128xf32, #tpu.memory_space<hbm>>
      %dma_wait3A_1600 = arith.constant 0 : i32
      %dma_wait3A_1601 = arith.constant 0 : i32
      %dma_wait3A_1602 = tpu.memref_slice %arg14[%dma_wait3A_1592, %dma_wait3A_1600, %dma_wait3A_1601] : memref<4x32x128xf32, #tpu.memory_space<vmem>> -> memref<1x32x128xf32, #tpu.memory_space<vmem>>
      %dma_wait3A_1603 = tpu.memref_squeeze %dma_wait3A_1602 : memref<1x32x128xf32, #tpu.memory_space<vmem>> -> memref<32x128xf32, #tpu.memory_space<vmem>>
      %dma_wait3A_1604 = arith.constant 0 : i32
      %dma_wait3A_1605 = arith.constant 0 : i32
      %dma_wait3A_1606 = tpu.memref_slice %arg3[%dma_wait3A_1604, %dma_wait3A_1605] : memref<32x1000000xf32, #tpu.memory_space<hbm>> -> memref<32x128xf32, #tpu.memory_space<hbm>>
      tpu.wait_dma2 semaphore(%arg20 : memref<!tpu.dma_semaphore, #tpu.memory_space<semaphore_mem>>) src(%dma_wait3A_1606 : memref<32x128xf32, #tpu.memory_space<hbm>>) dst(%dma_wait3A_1603 : memref<32x128xf32, #tpu.memory_space<vmem>>)
      %dma_wait3A_1607 = arith.constant 3 : i32
      %dma_wait3A_1608 = arith.constant 0 : i32
      %dma_wait3A_1609 = arith.constant 0 : i32
      %dma_wait3A_1610 = tpu.memref_slice %arg14[%dma_wait3A_1607, %dma_wait3A_1608, %dma_wait3A_1609] : memref<4x32x128xf32, #tpu.memory_space<vmem>> -> memref<1x32x128xf32, #tpu.memory_space<vmem>>
      %dma_wait3A_1611 = tpu.memref_squeeze %dma_wait3A_1610 : memref<1x32x128xf32, #tpu.memory_space<vmem>> -> memref<32x128xf32, #tpu.memory_space<vmem>>
      %dma_wait3A_1612 = arith.constant 0 : i32
      %dma_wait3A_1613 = arith.constant 0 : i32
      %dma_wait3A_1614 = tpu.memref_slice %arg3[%dma_wait3A_1612, %dma_wait3A_1613] : memref<32x1000000xf32, #tpu.memory_space<hbm>> -> memref<32x128xf32, #tpu.memory_space<hbm>>
      %dma_wait3A_1615 = arith.constant 0 : i32
      %dma_wait3A_1616 = arith.constant 0 : i32
      %dma_wait3A_1617 = tpu.memref_slice %arg14[%dma_wait3A_1607, %dma_wait3A_1615, %dma_wait3A_1616] : memref<4x32x128xf32, #tpu.memory_space<vmem>> -> memref<1x32x128xf32, #tpu.memory_space<vmem>>
      %dma_wait3A_1618 = tpu.memref_squeeze %dma_wait3A_1617 : memref<1x32x128xf32, #tpu.memory_space<vmem>> -> memref<32x128xf32, #tpu.memory_space<vmem>>
      %dma_wait3A_1619 = arith.constant 0 : i32
      %dma_wait3A_1620 = arith.constant 0 : i32
      %dma_wait3A_1621 = tpu.memref_slice %arg3[%dma_wait3A_1619, %dma_wait3A_1620] : memref<32x1000000xf32, #tpu.memory_space<hbm>> -> memref<32x128xf32, #tpu.memory_space<hbm>>
      tpu.wait_dma2 semaphore(%arg20 : memref<!tpu.dma_semaphore, #tpu.memory_space<semaphore_mem>>) src(%dma_wait3A_1621 : memref<32x128xf32, #tpu.memory_space<hbm>>) dst(%dma_wait3A_1618 : memref<32x128xf32, #tpu.memory_space<vmem>>)
      %add3A_1622 = arith.constant 0 : i32
      %add3A_1623 = arith.addi %mul3A_1561, %add3A_1622 : i32
      %iota3A_1624 = tpu.iota {dimensions = array<i32: 0>} : vector<16xi32>
      %add3A_1625 = arith.constant 16 : i32
      %add3A_1626 = vector.broadcast %add3A_1625 : i32 to vector<16xi32>
      %add3A_1627 = arith.addi %iota3A_1624, %add3A_1626 : vector<16xi32>
      %mul3A_1628 = arith.constant 4 : i32
      %mul3A_1629 = arith.muli %add3A_1623, %mul3A_1628 : i32
      %get3A_1630 = arith.index_cast %mul3A_1629 : i32 to index
      %get3A_1631 = tpu.vector_load %arg13[%get3A_1630] {strides = array<i32>} : memref<528xi32, #tpu.memory_space<vmem>>, vector<16xi32>,
      %slice3A_1632 = vector.extract_strided_slice %get3A_1631 {offsets = [0], sizes = [1], strides = [1]} : vector<16xi32> to vector<1xi32>
      %squeeze3A_1633 = vector.extract %slice3A_1632[0] : i32 from vector<1xi32>
      %broadcast_in_dim3A_1634 = vector.broadcast %squeeze3A_1633 : i32 to vector<16xi32>
      %broadcast_in_dim3A_1635 = arith.constant 0 : i32
      %broadcast_in_dim3A_1636 = vector.broadcast %broadcast_in_dim3A_1635 : i32 to vector<16xi32>
      %gather3A_1637 = tpu.vector_load_idx %arg14[%broadcast_in_dim3A_1636, %iota3A_1624, %broadcast_in_dim3A_1634] : memref<4x32x128xf32, #tpu.memory_space<vmem>>[vector<16xi32>, vector<16xi32>, vector<16xi32>], vector<16xf32>,
      %gather3A_1638 = tpu.vector_load_idx %arg14[%broadcast_in_dim3A_1636, %add3A_1627, %broadcast_in_dim3A_1634] : memref<4x32x128xf32, #tpu.memory_space<vmem>>[vector<16xi32>, vector<16xi32>, vector<16xi32>], vector<16xf32>,
      %swap3A_1639 = arith.index_cast %add3A_1623 : i32 to index
      %swap3A_1640 = arith.constant 0 : index
      %swap3A_1641 = tpu.vector_load %arg19[%swap3A_1639, %swap3A_1640] {strides = array<i32>} : memref<128x128xf32, #tpu.memory_space<vmem>>, vector<16xf32>,
      tpu.vector_store %arg19[%swap3A_1639, %swap3A_1640], %gather3A_1637 {strides = array<i32>} : memref<128x128xf32, #tpu.memory_space<vmem>>, vector<16xf32>,
      %swap3A_1642 = arith.index_cast %add3A_1623 : i32 to index
      %swap3A_1643 = arith.constant 16 : index
      %swap3A_1644 = tpu.vector_load %arg19[%swap3A_1642, %swap3A_1643] {strides = array<i32>} : memref<128x128xf32, #tpu.memory_space<vmem>>, vector<16xf32>,
      tpu.vector_store %arg19[%swap3A_1642, %swap3A_1643], %gather3A_1638 {strides = array<i32>} : memref<128x128xf32, #tpu.memory_space<vmem>>, vector<16xf32>,
      %slice3A_1645 = vector.extract_strided_slice %get3A_1631 {offsets = [1], sizes = [1], strides = [1]} : vector<16xi32> to vector<1xi32>
      %squeeze3A_1646 = vector.extract %slice3A_1645[0] : i32 from vector<1xi32>
      %broadcast_in_dim3A_1647 = vector.broadcast %squeeze3A_1646 : i32 to vector<16xi32>
      %broadcast_in_dim3A_1648 = arith.constant 1 : i32
      %broadcast_in_dim3A_1649 = vector.broadcast %broadcast_in_dim3A_1648 : i32 to vector<16xi32>
      %gather3A_1650 = tpu.vector_load_idx %arg14[%broadcast_in_dim3A_1649, %iota3A_1624, %broadcast_in_dim3A_1647] : memref<4x32x128xf32, #tpu.memory_space<vmem>>[vector<16xi32>, vector<16xi32>, vector<16xi32>], vector<16xf32>,
      %gather3A_1651 = tpu.vector_load_idx %arg14[%broadcast_in_dim3A_1649, %add3A_1627, %broadcast_in_dim3A_1647] : memref<4x32x128xf32, #tpu.memory_space<vmem>>[vector<16xi32>, vector<16xi32>, vector<16xi32>], vector<16xf32>,
      %swap3A_1652 = arith.index_cast %add3A_1623 : i32 to index
      %swap3A_1653 = arith.constant 32 : index
      %swap3A_1654 = tpu.vector_load %arg19[%swap3A_1652, %swap3A_1653] {strides = array<i32>} : memref<128x128xf32, #tpu.memory_space<vmem>>, vector<16xf32>,
      tpu.vector_store %arg19[%swap3A_1652, %swap3A_1653], %gather3A_1650 {strides = array<i32>} : memref<128x128xf32, #tpu.memory_space<vmem>>, vector<16xf32>,
      %swap3A_1655 = arith.index_cast %add3A_1623 : i32 to index
      %swap3A_1656 = arith.constant 48 : index
      %swap3A_1657 = tpu.vector_load %arg19[%swap3A_1655, %swap3A_1656] {strides = array<i32>} : memref<128x128xf32, #tpu.memory_space<vmem>>, vector<16xf32>,
      tpu.vector_store %arg19[%swap3A_1655, %swap3A_1656], %gather3A_1651 {strides = array<i32>} : memref<128x128xf32, #tpu.memory_space<vmem>>, vector<16xf32>,
      %slice3A_1658 = vector.extract_strided_slice %get3A_1631 {offsets = [2], sizes = [1], strides = [1]} : vector<16xi32> to vector<1xi32>
      %squeeze3A_1659 = vector.extract %slice3A_1658[0] : i32 from vector<1xi32>
      %broadcast_in_dim3A_1660 = vector.broadcast %squeeze3A_1659 : i32 to vector<16xi32>
      %broadcast_in_dim3A_1661 = arith.constant 2 : i32
      %broadcast_in_dim3A_1662 = vector.broadcast %broadcast_in_dim3A_1661 : i32 to vector<16xi32>
      %gather3A_1663 = tpu.vector_load_idx %arg14[%broadcast_in_dim3A_1662, %iota3A_1624, %broadcast_in_dim3A_1660] : memref<4x32x128xf32, #tpu.memory_space<vmem>>[vector<16xi32>, vector<16xi32>, vector<16xi32>], vector<16xf32>,
      %gather3A_1664 = tpu.vector_load_idx %arg14[%broadcast_in_dim3A_1662, %add3A_1627, %broadcast_in_dim3A_1660] : memref<4x32x128xf32, #tpu.memory_space<vmem>>[vector<16xi32>, vector<16xi32>, vector<16xi32>], vector<16xf32>,
      %swap3A_1665 = arith.index_cast %add3A_1623 : i32 to index
      %swap3A_1666 = arith.constant 64 : index
      %swap3A_1667 = tpu.vector_load %arg19[%swap3A_1665, %swap3A_1666] {strides = array<i32>} : memref<128x128xf32, #tpu.memory_space<vmem>>, vector<16xf32>,
      tpu.vector_store %arg19[%swap3A_1665, %swap3A_1666], %gather3A_1663 {strides = array<i32>} : memref<128x128xf32, #tpu.memory_space<vmem>>, vector<16xf32>,
      %swap3A_1668 = arith.index_cast %add3A_1623 : i32 to index
      %swap3A_1669 = arith.constant 80 : index
      %swap3A_1670 = tpu.vector_load %arg19[%swap3A_1668, %swap3A_1669] {strides = array<i32>} : memref<128x128xf32, #tpu.memory_space<vmem>>, vector<16xf32>,
      tpu.vector_store %arg19[%swap3A_1668, %swap3A_1669], %gather3A_1664 {strides = array<i32>} : memref<128x128xf32, #tpu.memory_space<vmem>>, vector<16xf32>,
      %slice3A_1671 = vector.extract_strided_slice %get3A_1631 {offsets = [3], sizes = [1], strides = [1]} : vector<16xi32> to vector<1xi32>
      %squeeze3A_1672 = vector.extract %slice3A_1671[0] : i32 from vector<1xi32>
      %broadcast_in_dim3A_1673 = vector.broadcast %squeeze3A_1672 : i32 to vector<16xi32>
      %broadcast_in_dim3A_1674 = arith.constant 3 : i32
      %broadcast_in_dim3A_1675 = vector.broadcast %broadcast_in_dim3A_1674 : i32 to vector<16xi32>
      %gather3A_1676 = tpu.vector_load_idx %arg14[%broadcast_in_dim3A_1675, %iota3A_1624, %broadcast_in_dim3A_1673] : memref<4x32x128xf32, #tpu.memory_space<vmem>>[vector<16xi32>, vector<16xi32>, vector<16xi32>], vector<16xf32>,
      %gather3A_1677 = tpu.vector_load_idx %arg14[%broadcast_in_dim3A_1675, %add3A_1627, %broadcast_in_dim3A_1673] : memref<4x32x128xf32, #tpu.memory_space<vmem>>[vector<16xi32>, vector<16xi32>, vector<16xi32>], vector<16xf32>,
      %swap3A_1678 = arith.index_cast %add3A_1623 : i32 to index
      %swap3A_1679 = arith.constant 96 : index
      %swap3A_1680 = tpu.vector_load %arg19[%swap3A_1678, %swap3A_1679] {strides = array<i32>} : memref<128x128xf32, #tpu.memory_space<vmem>>, vector<16xf32>,
      tpu.vector_store %arg19[%swap3A_1678, %swap3A_1679], %gather3A_1676 {strides = array<i32>} : memref<128x128xf32, #tpu.memory_space<vmem>>, vector<16xf32>,
      %swap3A_1681 = arith.index_cast %add3A_1623 : i32 to index
      %swap3A_1682 = arith.constant 112 : index
      %swap3A_1683 = tpu.vector_load %arg19[%swap3A_1681, %swap3A_1682] {strides = array<i32>} : memref<128x128xf32, #tpu.memory_space<vmem>>, vector<16xf32>,
      tpu.vector_store %arg19[%swap3A_1681, %swap3A_1682], %gather3A_1677 {strides = array<i32>} : memref<128x128xf32, #tpu.memory_space<vmem>>, vector<16xf32>,
      %add3A_1684 = arith.constant 4 : i32
      %add3A_1685 = arith.addi %mul3A_1561, %add3A_1684 : i32
      %add3A_1686 = arith.constant 0 : i32
      %add3A_1687 = arith.addi %add3A_1685, %add3A_1686 : i32
      %mul3A_1688 = arith.constant 4 : i32
      %mul3A_1689 = arith.muli %add3A_1687, %mul3A_1688 : i32
      %get3A_1690 = arith.index_cast %mul3A_1689 : i32 to index
      %get3A_1691 = tpu.vector_load %arg12[%get3A_1690] {strides = array<i32>} : memref<528xi32, #tpu.memory_space<vmem>>, vector<16xi32>,
      %slice3A_1692 = vector.extract_strided_slice %get3A_1691 {offsets = [0], sizes = [1], strides = [1]} : vector<16xi32> to vector<1xi32>
      %squeeze3A_1693 = vector.extract %slice3A_1692[0] : i32 from vector<1xi32>
      %multiple_of3A_1694 = tpu.assume_multiple %squeeze3A_1693, 128 : i32
      %dma_start3A_1695 = arith.constant 0 : i32
      %dma_start3A_1696 = arith.constant 0 : i32
      %dma_start3A_1697 = arith.constant 0 : i32
      %dma_start3A_1698 = tpu.memref_slice %arg14[%dma_start3A_1695, %dma_start3A_1696, %dma_start3A_1697] : memref<4x32x128xf32, #tpu.memory_space<vmem>> -> memref<1x32x128xf32, #tpu.memory_space<vmem>>
      %dma_start3A_1699 = tpu.memref_squeeze %dma_start3A_1698 : memref<1x32x128xf32, #tpu.memory_space<vmem>> -> memref<32x128xf32, #tpu.memory_space<vmem>>
      %dma_start3A_1700 = arith.constant 0 : i32
      %dma_start3A_1701 = tpu.memref_slice %arg3[%dma_start3A_1700, %multiple_of3A_1694] : memref<32x1000000xf32, #tpu.memory_space<hbm>> -> memref<32x128xf32, #tpu.memory_space<hbm>>
      %dma_start3A_1702 = arith.constant 0 : i32
      %dma_start3A_1703 = arith.constant 0 : i32
      %dma_start3A_1704 = tpu.memref_slice %arg14[%dma_start3A_1695, %dma_start3A_1702, %dma_start3A_1703] : memref<4x32x128xf32, #tpu.memory_space<vmem>> -> memref<1x32x128xf32, #tpu.memory_space<vmem>>
      %dma_start3A_1705 = tpu.memref_squeeze %dma_start3A_1704 : memref<1x32x128xf32, #tpu.memory_space<vmem>> -> memref<32x128xf32, #tpu.memory_space<vmem>>
      %dma_start3A_1706 = arith.constant 0 : i32
      %dma_start3A_1707 = tpu.memref_slice %arg3[%dma_start3A_1706, %multiple_of3A_1694] : memref<32x1000000xf32, #tpu.memory_space<hbm>> -> memref<32x128xf32, #tpu.memory_space<hbm>>
      tpu.enqueue_dma source(%dma_start3A_1707 : memref<32x128xf32, #tpu.memory_space<hbm>>) target(%dma_start3A_1705 : memref<32x128xf32, #tpu.memory_space<vmem>>) target_semaphore(%arg20 : memref<!tpu.dma_semaphore, #tpu.memory_space<semaphore_mem>>)
      %slice3A_1708 = vector.extract_strided_slice %get3A_1691 {offsets = [1], sizes = [1], strides = [1]} : vector<16xi32> to vector<1xi32>
      %squeeze3A_1709 = vector.extract %slice3A_1708[0] : i32 from vector<1xi32>
      %multiple_of3A_1710 = tpu.assume_multiple %squeeze3A_1709, 128 : i32
      %dma_start3A_1711 = arith.constant 1 : i32
      %dma_start3A_1712 = arith.constant 0 : i32
      %dma_start3A_1713 = arith.constant 0 : i32
      %dma_start3A_1714 = tpu.memref_slice %arg14[%dma_start3A_1711, %dma_start3A_1712, %dma_start3A_1713] : memref<4x32x128xf32, #tpu.memory_space<vmem>> -> memref<1x32x128xf32, #tpu.memory_space<vmem>>
      %dma_start3A_1715 = tpu.memref_squeeze %dma_start3A_1714 : memref<1x32x128xf32, #tpu.memory_space<vmem>> -> memref<32x128xf32, #tpu.memory_space<vmem>>
      %dma_start3A_1716 = arith.constant 0 : i32
      %dma_start3A_1717 = tpu.memref_slice %arg3[%dma_start3A_1716, %multiple_of3A_1710] : memref<32x1000000xf32, #tpu.memory_space<hbm>> -> memref<32x128xf32, #tpu.memory_space<hbm>>
      %dma_start3A_1718 = arith.constant 0 : i32
      %dma_start3A_1719 = arith.constant 0 : i32
      %dma_start3A_1720 = tpu.memref_slice %arg14[%dma_start3A_1711, %dma_start3A_1718, %dma_start3A_1719] : memref<4x32x128xf32, #tpu.memory_space<vmem>> -> memref<1x32x128xf32, #tpu.memory_space<vmem>>
      %dma_start3A_1721 = tpu.memref_squeeze %dma_start3A_1720 : memref<1x32x128xf32, #tpu.memory_space<vmem>> -> memref<32x128xf32, #tpu.memory_space<vmem>>
      %dma_start3A_1722 = arith.constant 0 : i32
      %dma_start3A_1723 = tpu.memref_slice %arg3[%dma_start3A_1722, %multiple_of3A_1710] : memref<32x1000000xf32, #tpu.memory_space<hbm>> -> memref<32x128xf32, #tpu.memory_space<hbm>>
      tpu.enqueue_dma source(%dma_start3A_1723 : memref<32x128xf32, #tpu.memory_space<hbm>>) target(%dma_start3A_1721 : memref<32x128xf32, #tpu.memory_space<vmem>>) target_semaphore(%arg20 : memref<!tpu.dma_semaphore, #tpu.memory_space<semaphore_mem>>)
      %slice3A_1724 = vector.extract_strided_slice %get3A_1691 {offsets = [2], sizes = [1], strides = [1]} : vector<16xi32> to vector<1xi32>
      %squeeze3A_1725 = vector.extract %slice3A_1724[0] : i32 from vector<1xi32>
      %multiple_of3A_1726 = tpu.assume_multiple %squeeze3A_1725, 128 : i32
      %dma_start3A_1727 = arith.constant 2 : i32
      %dma_start3A_1728 = arith.constant 0 : i32
      %dma_start3A_1729 = arith.constant 0 : i32
      %dma_start3A_1730 = tpu.memref_slice %arg14[%dma_start3A_1727, %dma_start3A_1728, %dma_start3A_1729] : memref<4x32x128xf32, #tpu.memory_space<vmem>> -> memref<1x32x128xf32, #tpu.memory_space<vmem>>
      %dma_start3A_1731 = tpu.memref_squeeze %dma_start3A_1730 : memref<1x32x128xf32, #tpu.memory_space<vmem>> -> memref<32x128xf32, #tpu.memory_space<vmem>>
      %dma_start3A_1732 = arith.constant 0 : i32
      %dma_start3A_1733 = tpu.memref_slice %arg3[%dma_start3A_1732, %multiple_of3A_1726] : memref<32x1000000xf32, #tpu.memory_space<hbm>> -> memref<32x128xf32, #tpu.memory_space<hbm>>
      %dma_start3A_1734 = arith.constant 0 : i32
      %dma_start3A_1735 = arith.constant 0 : i32
      %dma_start3A_1736 = tpu.memref_slice %arg14[%dma_start3A_1727, %dma_start3A_1734, %dma_start3A_1735] : memref<4x32x128xf32, #tpu.memory_space<vmem>> -> memref<1x32x128xf32, #tpu.memory_space<vmem>>
      %dma_start3A_1737 = tpu.memref_squeeze %dma_start3A_1736 : memref<1x32x128xf32, #tpu.memory_space<vmem>> -> memref<32x128xf32, #tpu.memory_space<vmem>>
      %dma_start3A_1738 = arith.constant 0 : i32
      %dma_start3A_1739 = tpu.memref_slice %arg3[%dma_start3A_1738, %multiple_of3A_1726] : memref<32x1000000xf32, #tpu.memory_space<hbm>> -> memref<32x128xf32, #tpu.memory_space<hbm>>
      tpu.enqueue_dma source(%dma_start3A_1739 : memref<32x128xf32, #tpu.memory_space<hbm>>) target(%dma_start3A_1737 : memref<32x128xf32, #tpu.memory_space<vmem>>) target_semaphore(%arg20 : memref<!tpu.dma_semaphore, #tpu.memory_space<semaphore_mem>>)
      %slice3A_1740 = vector.extract_strided_slice %get3A_1691 {offsets = [3], sizes = [1], strides = [1]} : vector<16xi32> to vector<1xi32>
      %squeeze3A_1741 = vector.extract %slice3A_1740[0] : i32 from vector<1xi32>
      %multiple_of3A_1742 = tpu.assume_multiple %squeeze3A_1741, 128 : i32
      %dma_start3A_1743 = arith.constant 3 : i32
      %dma_start3A_1744 = arith.constant 0 : i32
      %dma_start3A_1745 = arith.constant 0 : i32
      %dma_start3A_1746 = tpu.memref_slice %arg14[%dma_start3A_1743, %dma_start3A_1744, %dma_start3A_1745] : memref<4x32x128xf32, #tpu.memory_space<vmem>> -> memref<1x32x128xf32, #tpu.memory_space<vmem>>
      %dma_start3A_1747 = tpu.memref_squeeze %dma_start3A_1746 : memref<1x32x128xf32, #tpu.memory_space<vmem>> -> memref<32x128xf32, #tpu.memory_space<vmem>>
      %dma_start3A_1748 = arith.constant 0 : i32
      %dma_start3A_1749 = tpu.memref_slice %arg3[%dma_start3A_1748, %multiple_of3A_1742] : memref<32x1000000xf32, #tpu.memory_space<hbm>> -> memref<32x128xf32, #tpu.memory_space<hbm>>
      %dma_start3A_1750 = arith.constant 0 : i32
      %dma_start3A_1751 = arith.constant 0 : i32
      %dma_start3A_1752 = tpu.memref_slice %arg14[%dma_start3A_1743, %dma_start3A_1750, %dma_start3A_1751] : memref<4x32x128xf32, #tpu.memory_space<vmem>> -> memref<1x32x128xf32, #tpu.memory_space<vmem>>
      %dma_start3A_1753 = tpu.memref_squeeze %dma_start3A_1752 : memref<1x32x128xf32, #tpu.memory_space<vmem>> -> memref<32x128xf32, #tpu.memory_space<vmem>>
      %dma_start3A_1754 = arith.constant 0 : i32
      %dma_start3A_1755 = tpu.memref_slice %arg3[%dma_start3A_1754, %multiple_of3A_1742] : memref<32x1000000xf32, #tpu.memory_space<hbm>> -> memref<32x128xf32, #tpu.memory_space<hbm>>
      tpu.enqueue_dma source(%dma_start3A_1755 : memref<32x128xf32, #tpu.memory_space<hbm>>) target(%dma_start3A_1753 : memref<32x128xf32, #tpu.memory_space<vmem>>) target_semaphore(%arg20 : memref<!tpu.dma_semaphore, #tpu.memory_space<semaphore_mem>>)
      %dma_wait3A_1756 = arith.constant 0 : i32
      %dma_wait3A_1757 = arith.constant 0 : i32
      %dma_wait3A_1758 = arith.constant 0 : i32
      %dma_wait3A_1759 = tpu.memref_slice %arg15[%dma_wait3A_1756, %dma_wait3A_1757, %dma_wait3A_1758] : memref<4x32x128xf32, #tpu.memory_space<vmem>> -> memref<1x32x128xf32, #tpu.memory_space<vmem>>
      %dma_wait3A_1760 = tpu.memref_squeeze %dma_wait3A_1759 : memref<1x32x128xf32, #tpu.memory_space<vmem>> -> memref<32x128xf32, #tpu.memory_space<vmem>>
      %dma_wait3A_1761 = arith.constant 0 : i32
      %dma_wait3A_1762 = arith.constant 0 : i32
      %dma_wait3A_1763 = tpu.memref_slice %arg3[%dma_wait3A_1761, %dma_wait3A_1762] : memref<32x1000000xf32, #tpu.memory_space<hbm>> -> memref<32x128xf32, #tpu.memory_space<hbm>>
      %dma_wait3A_1764 = arith.constant 0 : i32
      %dma_wait3A_1765 = arith.constant 0 : i32
      %dma_wait3A_1766 = tpu.memref_slice %arg15[%dma_wait3A_1756, %dma_wait3A_1764, %dma_wait3A_1765] : memref<4x32x128xf32, #tpu.memory_space<vmem>> -> memref<1x32x128xf32, #tpu.memory_space<vmem>>
      %dma_wait3A_1767 = tpu.memref_squeeze %dma_wait3A_1766 : memref<1x32x128xf32, #tpu.memory_space<vmem>> -> memref<32x128xf32, #tpu.memory_space<vmem>>
      %dma_wait3A_1768 = arith.constant 0 : i32
      %dma_wait3A_1769 = arith.constant 0 : i32
      %dma_wait3A_1770 = tpu.memref_slice %arg3[%dma_wait3A_1768, %dma_wait3A_1769] : memref<32x1000000xf32, #tpu.memory_space<hbm>> -> memref<32x128xf32, #tpu.memory_space<hbm>>
      tpu.wait_dma2 semaphore(%arg21 : memref<!tpu.dma_semaphore, #tpu.memory_space<semaphore_mem>>) src(%dma_wait3A_1770 : memref<32x128xf32, #tpu.memory_space<hbm>>) dst(%dma_wait3A_1767 : memref<32x128xf32, #tpu.memory_space<vmem>>)
      %dma_wait3A_1771 = arith.constant 1 : i32
      %dma_wait3A_1772 = arith.constant 0 : i32
      %dma_wait3A_1773 = arith.constant 0 : i32
      %dma_wait3A_1774 = tpu.memref_slice %arg15[%dma_wait3A_1771, %dma_wait3A_1772, %dma_wait3A_1773] : memref<4x32x128xf32, #tpu.memory_space<vmem>> -> memref<1x32x128xf32, #tpu.memory_space<vmem>>
      %dma_wait3A_1775 = tpu.memref_squeeze %dma_wait3A_1774 : memref<1x32x128xf32, #tpu.memory_space<vmem>> -> memref<32x128xf32, #tpu.memory_space<vmem>>
      %dma_wait3A_1776 = arith.constant 0 : i32
      %dma_wait3A_1777 = arith.constant 0 : i32
      %dma_wait3A_1778 = tpu.memref_slice %arg3[%dma_wait3A_1776, %dma_wait3A_1777] : memref<32x1000000xf32, #tpu.memory_space<hbm>> -> memref<32x128xf32, #tpu.memory_space<hbm>>
      %dma_wait3A_1779 = arith.constant 0 : i32
      %dma_wait3A_1780 = arith.constant 0 : i32
      %dma_wait3A_1781 = tpu.memref_slice %arg15[%dma_wait3A_1771, %dma_wait3A_1779, %dma_wait3A_1780] : memref<4x32x128xf32, #tpu.memory_space<vmem>> -> memref<1x32x128xf32, #tpu.memory_space<vmem>>
      %dma_wait3A_1782 = tpu.memref_squeeze %dma_wait3A_1781 : memref<1x32x128xf32, #tpu.memory_space<vmem>> -> memref<32x128xf32, #tpu.memory_space<vmem>>
      %dma_wait3A_1783 = arith.constant 0 : i32
      %dma_wait3A_1784 = arith.constant 0 : i32
      %dma_wait3A_1785 = tpu.memref_slice %arg3[%dma_wait3A_1783, %dma_wait3A_1784] : memref<32x1000000xf32, #tpu.memory_space<hbm>> -> memref<32x128xf32, #tpu.memory_space<hbm>>
      tpu.wait_dma2 semaphore(%arg21 : memref<!tpu.dma_semaphore, #tpu.memory_space<semaphore_mem>>) src(%dma_wait3A_1785 : memref<32x128xf32, #tpu.memory_space<hbm>>) dst(%dma_wait3A_1782 : memref<32x128xf32, #tpu.memory_space<vmem>>)
      %dma_wait3A_1786 = arith.constant 2 : i32
      %dma_wait3A_1787 = arith.constant 0 : i32
      %dma_wait3A_1788 = arith.constant 0 : i32
      %dma_wait3A_1789 = tpu.memref_slice %arg15[%dma_wait3A_1786, %dma_wait3A_1787, %dma_wait3A_1788] : memref<4x32x128xf32, #tpu.memory_space<vmem>> -> memref<1x32x128xf32, #tpu.memory_space<vmem>>
      %dma_wait3A_1790 = tpu.memref_squeeze %dma_wait3A_1789 : memref<1x32x128xf32, #tpu.memory_space<vmem>> -> memref<32x128xf32, #tpu.memory_space<vmem>>
      %dma_wait3A_1791 = arith.constant 0 : i32
      %dma_wait3A_1792 = arith.constant 0 : i32
      %dma_wait3A_1793 = tpu.memref_slice %arg3[%dma_wait3A_1791, %dma_wait3A_1792] : memref<32x1000000xf32, #tpu.memory_space<hbm>> -> memref<32x128xf32, #tpu.memory_space<hbm>>
      %dma_wait3A_1794 = arith.constant 0 : i32
      %dma_wait3A_1795 = arith.constant 0 : i32
      %dma_wait3A_1796 = tpu.memref_slice %arg15[%dma_wait3A_1786, %dma_wait3A_1794, %dma_wait3A_1795] : memref<4x32x128xf32, #tpu.memory_space<vmem>> -> memref<1x32x128xf32, #tpu.memory_space<vmem>>
      %dma_wait3A_1797 = tpu.memref_squeeze %dma_wait3A_1796 : memref<1x32x128xf32, #tpu.memory_space<vmem>> -> memref<32x128xf32, #tpu.memory_space<vmem>>
      %dma_wait3A_1798 = arith.constant 0 : i32
      %dma_wait3A_1799 = arith.constant 0 : i32
      %dma_wait3A_1800 = tpu.memref_slice %arg3[%dma_wait3A_1798, %dma_wait3A_1799] : memref<32x1000000xf32, #tpu.memory_space<hbm>> -> memref<32x128xf32, #tpu.memory_space<hbm>>
      tpu.wait_dma2 semaphore(%arg21 : memref<!tpu.dma_semaphore, #tpu.memory_space<semaphore_mem>>) src(%dma_wait3A_1800 : memref<32x128xf32, #tpu.memory_space<hbm>>) dst(%dma_wait3A_1797 : memref<32x128xf32, #tpu.memory_space<vmem>>)
      %dma_wait3A_1801 = arith.constant 3 : i32
      %dma_wait3A_1802 = arith.constant 0 : i32
      %dma_wait3A_1803 = arith.constant 0 : i32
      %dma_wait3A_1804 = tpu.memref_slice %arg15[%dma_wait3A_1801, %dma_wait3A_1802, %dma_wait3A_1803] : memref<4x32x128xf32, #tpu.memory_space<vmem>> -> memref<1x32x128xf32, #tpu.memory_space<vmem>>
      %dma_wait3A_1805 = tpu.memref_squeeze %dma_wait3A_1804 : memref<1x32x128xf32, #tpu.memory_space<vmem>> -> memref<32x128xf32, #tpu.memory_space<vmem>>
      %dma_wait3A_1806 = arith.constant 0 : i32
      %dma_wait3A_1807 = arith.constant 0 : i32
      %dma_wait3A_1808 = tpu.memref_slice %arg3[%dma_wait3A_1806, %dma_wait3A_1807] : memref<32x1000000xf32, #tpu.memory_space<hbm>> -> memref<32x128xf32, #tpu.memory_space<hbm>>
      %dma_wait3A_1809 = arith.constant 0 : i32
      %dma_wait3A_1810 = arith.constant 0 : i32
      %dma_wait3A_1811 = tpu.memref_slice %arg15[%dma_wait3A_1801, %dma_wait3A_1809, %dma_wait3A_1810] : memref<4x32x128xf32, #tpu.memory_space<vmem>> -> memref<1x32x128xf32, #tpu.memory_space<vmem>>
      %dma_wait3A_1812 = tpu.memref_squeeze %dma_wait3A_1811 : memref<1x32x128xf32, #tpu.memory_space<vmem>> -> memref<32x128xf32, #tpu.memory_space<vmem>>
      %dma_wait3A_1813 = arith.constant 0 : i32
      %dma_wait3A_1814 = arith.constant 0 : i32
      %dma_wait3A_1815 = tpu.memref_slice %arg3[%dma_wait3A_1813, %dma_wait3A_1814] : memref<32x1000000xf32, #tpu.memory_space<hbm>> -> memref<32x128xf32, #tpu.memory_space<hbm>>
      tpu.wait_dma2 semaphore(%arg21 : memref<!tpu.dma_semaphore, #tpu.memory_space<semaphore_mem>>) src(%dma_wait3A_1815 : memref<32x128xf32, #tpu.memory_space<hbm>>) dst(%dma_wait3A_1812 : memref<32x128xf32, #tpu.memory_space<vmem>>)
      %add3A_1816 = arith.constant 1 : i32
      %add3A_1817 = arith.addi %mul3A_1561, %add3A_1816 : i32
      %iota3A_1818 = tpu.iota {dimensions = array<i32: 0>} : vector<16xi32>
      %add3A_1819 = arith.constant 16 : i32
      %add3A_1820 = vector.broadcast %add3A_1819 : i32 to vector<16xi32>
      %add3A_1821 = arith.addi %iota3A_1818, %add3A_1820 : vector<16xi32>
      %mul3A_1822 = arith.constant 4 : i32
      %mul3A_1823 = arith.muli %add3A_1817, %mul3A_1822 : i32
      %get3A_1824 = arith.index_cast %mul3A_1823 : i32 to index
      %get3A_1825 = tpu.vector_load %arg13[%get3A_1824] {strides = array<i32>} : memref<528xi32, #tpu.memory_space<vmem>>, vector<16xi32>,
      %slice3A_1826 = vector.extract_strided_slice %get3A_1825 {offsets = [0], sizes = [1], strides = [1]} : vector<16xi32> to vector<1xi32>
      %squeeze3A_1827 = vector.extract %slice3A_1826[0] : i32 from vector<1xi32>
      %broadcast_in_dim3A_1828 = vector.broadcast %squeeze3A_1827 : i32 to vector<16xi32>
      %broadcast_in_dim3A_1829 = arith.constant 0 : i32
      %broadcast_in_dim3A_1830 = vector.broadcast %broadcast_in_dim3A_1829 : i32 to vector<16xi32>
      %gather3A_1831 = tpu.vector_load_idx %arg15[%broadcast_in_dim3A_1830, %iota3A_1818, %broadcast_in_dim3A_1828] : memref<4x32x128xf32, #tpu.memory_space<vmem>>[vector<16xi32>, vector<16xi32>, vector<16xi32>], vector<16xf32>,
      %gather3A_1832 = tpu.vector_load_idx %arg15[%broadcast_in_dim3A_1830, %add3A_1821, %broadcast_in_dim3A_1828] : memref<4x32x128xf32, #tpu.memory_space<vmem>>[vector<16xi32>, vector<16xi32>, vector<16xi32>], vector<16xf32>,
      %swap3A_1833 = arith.index_cast %add3A_1817 : i32 to index
      %swap3A_1834 = arith.constant 0 : index
      %swap3A_1835 = tpu.vector_load %arg19[%swap3A_1833, %swap3A_1834] {strides = array<i32>} : memref<128x128xf32, #tpu.memory_space<vmem>>, vector<16xf32>,
      tpu.vector_store %arg19[%swap3A_1833, %swap3A_1834], %gather3A_1831 {strides = array<i32>} : memref<128x128xf32, #tpu.memory_space<vmem>>, vector<16xf32>,
      %swap3A_1836 = arith.index_cast %add3A_1817 : i32 to index
      %swap3A_1837 = arith.constant 16 : index
      %swap3A_1838 = tpu.vector_load %arg19[%swap3A_1836, %swap3A_1837] {strides = array<i32>} : memref<128x128xf32, #tpu.memory_space<vmem>>, vector<16xf32>,
      tpu.vector_store %arg19[%swap3A_1836, %swap3A_1837], %gather3A_1832 {strides = array<i32>} : memref<128x128xf32, #tpu.memory_space<vmem>>, vector<16xf32>,
      %slice3A_1839 = vector.extract_strided_slice %get3A_1825 {offsets = [1], sizes = [1], strides = [1]} : vector<16xi32> to vector<1xi32>
      %squeeze3A_1840 = vector.extract %slice3A_1839[0] : i32 from vector<1xi32>
      %broadcast_in_dim3A_1841 = vector.broadcast %squeeze3A_1840 : i32 to vector<16xi32>
      %broadcast_in_dim3A_1842 = arith.constant 1 : i32
      %broadcast_in_dim3A_1843 = vector.broadcast %broadcast_in_dim3A_1842 : i32 to vector<16xi32>
      %gather3A_1844 = tpu.vector_load_idx %arg15[%broadcast_in_dim3A_1843, %iota3A_1818, %broadcast_in_dim3A_1841] : memref<4x32x128xf32, #tpu.memory_space<vmem>>[vector<16xi32>, vector<16xi32>, vector<16xi32>], vector<16xf32>,
      %gather3A_1845 = tpu.vector_load_idx %arg15[%broadcast_in_dim3A_1843, %add3A_1821, %broadcast_in_dim3A_1841] : memref<4x32x128xf32, #tpu.memory_space<vmem>>[vector<16xi32>, vector<16xi32>, vector<16xi32>], vector<16xf32>,
      %swap3A_1846 = arith.index_cast %add3A_1817 : i32 to index
      %swap3A_1847 = arith.constant 32 : index
      %swap3A_1848 = tpu.vector_load %arg19[%swap3A_1846, %swap3A_1847] {strides = array<i32>} : memref<128x128xf32, #tpu.memory_space<vmem>>, vector<16xf32>,
      tpu.vector_store %arg19[%swap3A_1846, %swap3A_1847], %gather3A_1844 {strides = array<i32>} : memref<128x128xf32, #tpu.memory_space<vmem>>, vector<16xf32>,
      %swap3A_1849 = arith.index_cast %add3A_1817 : i32 to index
      %swap3A_1850 = arith.constant 48 : index
      %swap3A_1851 = tpu.vector_load %arg19[%swap3A_1849, %swap3A_1850] {strides = array<i32>} : memref<128x128xf32, #tpu.memory_space<vmem>>, vector<16xf32>,
      tpu.vector_store %arg19[%swap3A_1849, %swap3A_1850], %gather3A_1845 {strides = array<i32>} : memref<128x128xf32, #tpu.memory_space<vmem>>, vector<16xf32>,
      %slice3A_1852 = vector.extract_strided_slice %get3A_1825 {offsets = [2], sizes = [1], strides = [1]} : vector<16xi32> to vector<1xi32>
      %squeeze3A_1853 = vector.extract %slice3A_1852[0] : i32 from vector<1xi32>
      %broadcast_in_dim3A_1854 = vector.broadcast %squeeze3A_1853 : i32 to vector<16xi32>
      %broadcast_in_dim3A_1855 = arith.constant 2 : i32
      %broadcast_in_dim3A_1856 = vector.broadcast %broadcast_in_dim3A_1855 : i32 to vector<16xi32>
      %gather3A_1857 = tpu.vector_load_idx %arg15[%broadcast_in_dim3A_1856, %iota3A_1818, %broadcast_in_dim3A_1854] : memref<4x32x128xf32, #tpu.memory_space<vmem>>[vector<16xi32>, vector<16xi32>, vector<16xi32>], vector<16xf32>,
      %gather3A_1858 = tpu.vector_load_idx %arg15[%broadcast_in_dim3A_1856, %add3A_1821, %broadcast_in_dim3A_1854] : memref<4x32x128xf32, #tpu.memory_space<vmem>>[vector<16xi32>, vector<16xi32>, vector<16xi32>], vector<16xf32>,
      %swap3A_1859 = arith.index_cast %add3A_1817 : i32 to index
      %swap3A_1860 = arith.constant 64 : index
      %swap3A_1861 = tpu.vector_load %arg19[%swap3A_1859, %swap3A_1860] {strides = array<i32>} : memref<128x128xf32, #tpu.memory_space<vmem>>, vector<16xf32>,
      tpu.vector_store %arg19[%swap3A_1859, %swap3A_1860], %gather3A_1857 {strides = array<i32>} : memref<128x128xf32, #tpu.memory_space<vmem>>, vector<16xf32>,
      %swap3A_1862 = arith.index_cast %add3A_1817 : i32 to index
      %swap3A_1863 = arith.constant 80 : index
      %swap3A_1864 = tpu.vector_load %arg19[%swap3A_1862, %swap3A_1863] {strides = array<i32>} : memref<128x128xf32, #tpu.memory_space<vmem>>, vector<16xf32>,
      tpu.vector_store %arg19[%swap3A_1862, %swap3A_1863], %gather3A_1858 {strides = array<i32>} : memref<128x128xf32, #tpu.memory_space<vmem>>, vector<16xf32>,
      %slice3A_1865 = vector.extract_strided_slice %get3A_1825 {offsets = [3], sizes = [1], strides = [1]} : vector<16xi32> to vector<1xi32>
      %squeeze3A_1866 = vector.extract %slice3A_1865[0] : i32 from vector<1xi32>
      %broadcast_in_dim3A_1867 = vector.broadcast %squeeze3A_1866 : i32 to vector<16xi32>
      %broadcast_in_dim3A_1868 = arith.constant 3 : i32
      %broadcast_in_dim3A_1869 = vector.broadcast %broadcast_in_dim3A_1868 : i32 to vector<16xi32>
      %gather3A_1870 = tpu.vector_load_idx %arg15[%broadcast_in_dim3A_1869, %iota3A_1818, %broadcast_in_dim3A_1867] : memref<4x32x128xf32, #tpu.memory_space<vmem>>[vector<16xi32>, vector<16xi32>, vector<16xi32>], vector<16xf32>,
      %gather3A_1871 = tpu.vector_load_idx %arg15[%broadcast_in_dim3A_1869, %add3A_1821, %broadcast_in_dim3A_1867] : memref<4x32x128xf32, #tpu.memory_space<vmem>>[vector<16xi32>, vector<16xi32>, vector<16xi32>], vector<16xf32>,
      %swap3A_1872 = arith.index_cast %add3A_1817 : i32 to index
      %swap3A_1873 = arith.constant 96 : index
      %swap3A_1874 = tpu.vector_load %arg19[%swap3A_1872, %swap3A_1873] {strides = array<i32>} : memref<128x128xf32, #tpu.memory_space<vmem>>, vector<16xf32>,
      tpu.vector_store %arg19[%swap3A_1872, %swap3A_1873], %gather3A_1870 {strides = array<i32>} : memref<128x128xf32, #tpu.memory_space<vmem>>, vector<16xf32>,
      %swap3A_1875 = arith.index_cast %add3A_1817 : i32 to index
      %swap3A_1876 = arith.constant 112 : index
      %swap3A_1877 = tpu.vector_load %arg19[%swap3A_1875, %swap3A_1876] {strides = array<i32>} : memref<128x128xf32, #tpu.memory_space<vmem>>, vector<16xf32>,
      tpu.vector_store %arg19[%swap3A_1875, %swap3A_1876], %gather3A_1871 {strides = array<i32>} : memref<128x128xf32, #tpu.memory_space<vmem>>, vector<16xf32>,
      %add3A_1878 = arith.constant 4 : i32
      %add3A_1879 = arith.addi %mul3A_1561, %add3A_1878 : i32
      %add3A_1880 = arith.constant 1 : i32
      %add3A_1881 = arith.addi %add3A_1879, %add3A_1880 : i32
      %mul3A_1882 = arith.constant 4 : i32
      %mul3A_1883 = arith.muli %add3A_1881, %mul3A_1882 : i32
      %get3A_1884 = arith.index_cast %mul3A_1883 : i32 to index
      %get3A_1885 = tpu.vector_load %arg12[%get3A_1884] {strides = array<i32>} : memref<528xi32, #tpu.memory_space<vmem>>, vector<16xi32>,
      %slice3A_1886 = vector.extract_strided_slice %get3A_1885 {offsets = [0], sizes = [1], strides = [1]} : vector<16xi32> to vector<1xi32>
      %squeeze3A_1887 = vector.extract %slice3A_1886[0] : i32 from vector<1xi32>
      %multiple_of3A_1888 = tpu.assume_multiple %squeeze3A_1887, 128 : i32
      %dma_start3A_1889 = arith.constant 0 : i32
      %dma_start3A_1890 = arith.constant 0 : i32
      %dma_start3A_1891 = arith.constant 0 : i32
      %dma_start3A_1892 = tpu.memref_slice %arg15[%dma_start3A_1889, %dma_start3A_1890, %dma_start3A_1891] : memref<4x32x128xf32, #tpu.memory_space<vmem>> -> memref<1x32x128xf32, #tpu.memory_space<vmem>>
      %dma_start3A_1893 = tpu.memref_squeeze %dma_start3A_1892 : memref<1x32x128xf32, #tpu.memory_space<vmem>> -> memref<32x128xf32, #tpu.memory_space<vmem>>
      %dma_start3A_1894 = arith.constant 0 : i32
      %dma_start3A_1895 = tpu.memref_slice %arg3[%dma_start3A_1894, %multiple_of3A_1888] : memref<32x1000000xf32, #tpu.memory_space<hbm>> -> memref<32x128xf32, #tpu.memory_space<hbm>>
      %dma_start3A_1896 = arith.constant 0 : i32
      %dma_start3A_1897 = arith.constant 0 : i32
      %dma_start3A_1898 = tpu.memref_slice %arg15[%dma_start3A_1889, %dma_start3A_1896, %dma_start3A_1897] : memref<4x32x128xf32, #tpu.memory_space<vmem>> -> memref<1x32x128xf32, #tpu.memory_space<vmem>>
      %dma_start3A_1899 = tpu.memref_squeeze %dma_start3A_1898 : memref<1x32x128xf32, #tpu.memory_space<vmem>> -> memref<32x128xf32, #tpu.memory_space<vmem>>
      %dma_start3A_1900 = arith.constant 0 : i32
      %dma_start3A_1901 = tpu.memref_slice %arg3[%dma_start3A_1900, %multiple_of3A_1888] : memref<32x1000000xf32, #tpu.memory_space<hbm>> -> memref<32x128xf32, #tpu.memory_space<hbm>>
      tpu.enqueue_dma source(%dma_start3A_1901 : memref<32x128xf32, #tpu.memory_space<hbm>>) target(%dma_start3A_1899 : memref<32x128xf32, #tpu.memory_space<vmem>>) target_semaphore(%arg21 : memref<!tpu.dma_semaphore, #tpu.memory_space<semaphore_mem>>)
      %slice3A_1902 = vector.extract_strided_slice %get3A_1885 {offsets = [1], sizes = [1], strides = [1]} : vector<16xi32> to vector<1xi32>
      %squeeze3A_1903 = vector.extract %slice3A_1902[0] : i32 from vector<1xi32>
      %multiple_of3A_1904 = tpu.assume_multiple %squeeze3A_1903, 128 : i32
      %dma_start3A_1905 = arith.constant 1 : i32
      %dma_start3A_1906 = arith.constant 0 : i32
      %dma_start3A_1907 = arith.constant 0 : i32
      %dma_start3A_1908 = tpu.memref_slice %arg15[%dma_start3A_1905, %dma_start3A_1906, %dma_start3A_1907] : memref<4x32x128xf32, #tpu.memory_space<vmem>> -> memref<1x32x128xf32, #tpu.memory_space<vmem>>
      %dma_start3A_1909 = tpu.memref_squeeze %dma_start3A_1908 : memref<1x32x128xf32, #tpu.memory_space<vmem>> -> memref<32x128xf32, #tpu.memory_space<vmem>>
      %dma_start3A_1910 = arith.constant 0 : i32
      %dma_start3A_1911 = tpu.memref_slice %arg3[%dma_start3A_1910, %multiple_of3A_1904] : memref<32x1000000xf32, #tpu.memory_space<hbm>> -> memref<32x128xf32, #tpu.memory_space<hbm>>
      %dma_start3A_1912 = arith.constant 0 : i32
      %dma_start3A_1913 = arith.constant 0 : i32
      %dma_start3A_1914 = tpu.memref_slice %arg15[%dma_start3A_1905, %dma_start3A_1912, %dma_start3A_1913] : memref<4x32x128xf32, #tpu.memory_space<vmem>> -> memref<1x32x128xf32, #tpu.memory_space<vmem>>
      %dma_start3A_1915 = tpu.memref_squeeze %dma_start3A_1914 : memref<1x32x128xf32, #tpu.memory_space<vmem>> -> memref<32x128xf32, #tpu.memory_space<vmem>>
      %dma_start3A_1916 = arith.constant 0 : i32
      %dma_start3A_1917 = tpu.memref_slice %arg3[%dma_start3A_1916, %multiple_of3A_1904] : memref<32x1000000xf32, #tpu.memory_space<hbm>> -> memref<32x128xf32, #tpu.memory_space<hbm>>
      tpu.enqueue_dma source(%dma_start3A_1917 : memref<32x128xf32, #tpu.memory_space<hbm>>) target(%dma_start3A_1915 : memref<32x128xf32, #tpu.memory_space<vmem>>) target_semaphore(%arg21 : memref<!tpu.dma_semaphore, #tpu.memory_space<semaphore_mem>>)
      %slice3A_1918 = vector.extract_strided_slice %get3A_1885 {offsets = [2], sizes = [1], strides = [1]} : vector<16xi32> to vector<1xi32>
      %squeeze3A_1919 = vector.extract %slice3A_1918[0] : i32 from vector<1xi32>
      %multiple_of3A_1920 = tpu.assume_multiple %squeeze3A_1919, 128 : i32
      %dma_start3A_1921 = arith.constant 2 : i32
      %dma_start3A_1922 = arith.constant 0 : i32
      %dma_start3A_1923 = arith.constant 0 : i32
      %dma_start3A_1924 = tpu.memref_slice %arg15[%dma_start3A_1921, %dma_start3A_1922, %dma_start3A_1923] : memref<4x32x128xf32, #tpu.memory_space<vmem>> -> memref<1x32x128xf32, #tpu.memory_space<vmem>>
      %dma_start3A_1925 = tpu.memref_squeeze %dma_start3A_1924 : memref<1x32x128xf32, #tpu.memory_space<vmem>> -> memref<32x128xf32, #tpu.memory_space<vmem>>
      %dma_start3A_1926 = arith.constant 0 : i32
      %dma_start3A_1927 = tpu.memref_slice %arg3[%dma_start3A_1926, %multiple_of3A_1920] : memref<32x1000000xf32, #tpu.memory_space<hbm>> -> memref<32x128xf32, #tpu.memory_space<hbm>>
      %dma_start3A_1928 = arith.constant 0 : i32
      %dma_start3A_1929 = arith.constant 0 : i32
      %dma_start3A_1930 = tpu.memref_slice %arg15[%dma_start3A_1921, %dma_start3A_1928, %dma_start3A_1929] : memref<4x32x128xf32, #tpu.memory_space<vmem>> -> memref<1x32x128xf32, #tpu.memory_space<vmem>>
      %dma_start3A_1931 = tpu.memref_squeeze %dma_start3A_1930 : memref<1x32x128xf32, #tpu.memory_space<vmem>> -> memref<32x128xf32, #tpu.memory_space<vmem>>
      %dma_start3A_1932 = arith.constant 0 : i32
      %dma_start3A_1933 = tpu.memref_slice %arg3[%dma_start3A_1932, %multiple_of3A_1920] : memref<32x1000000xf32, #tpu.memory_space<hbm>> -> memref<32x128xf32, #tpu.memory_space<hbm>>
      tpu.enqueue_dma source(%dma_start3A_1933 : memref<32x128xf32, #tpu.memory_space<hbm>>) target(%dma_start3A_1931 : memref<32x128xf32, #tpu.memory_space<vmem>>) target_semaphore(%arg21 : memref<!tpu.dma_semaphore, #tpu.memory_space<semaphore_mem>>)
      %slice3A_1934 = vector.extract_strided_slice %get3A_1885 {offsets = [3], sizes = [1], strides = [1]} : vector<16xi32> to vector<1xi32>
      %squeeze3A_1935 = vector.extract %slice3A_1934[0] : i32 from vector<1xi32>
      %multiple_of3A_1936 = tpu.assume_multiple %squeeze3A_1935, 128 : i32
      %dma_start3A_1937 = arith.constant 3 : i32
      %dma_start3A_1938 = arith.constant 0 : i32
      %dma_start3A_1939 = arith.constant 0 : i32
      %dma_start3A_1940 = tpu.memref_slice %arg15[%dma_start3A_1937, %dma_start3A_1938, %dma_start3A_1939] : memref<4x32x128xf32, #tpu.memory_space<vmem>> -> memref<1x32x128xf32, #tpu.memory_space<vmem>>
      %dma_start3A_1941 = tpu.memref_squeeze %dma_start3A_1940 : memref<1x32x128xf32, #tpu.memory_space<vmem>> -> memref<32x128xf32, #tpu.memory_space<vmem>>
      %dma_start3A_1942 = arith.constant 0 : i32
      %dma_start3A_1943 = tpu.memref_slice %arg3[%dma_start3A_1942, %multiple_of3A_1936] : memref<32x1000000xf32, #tpu.memory_space<hbm>> -> memref<32x128xf32, #tpu.memory_space<hbm>>
      %dma_start3A_1944 = arith.constant 0 : i32
      %dma_start3A_1945 = arith.constant 0 : i32
      %dma_start3A_1946 = tpu.memref_slice %arg15[%dma_start3A_1937, %dma_start3A_1944, %dma_start3A_1945] : memref<4x32x128xf32, #tpu.memory_space<vmem>> -> memref<1x32x128xf32, #tpu.memory_space<vmem>>
      %dma_start3A_1947 = tpu.memref_squeeze %dma_start3A_1946 : memref<1x32x128xf32, #tpu.memory_space<vmem>> -> memref<32x128xf32, #tpu.memory_space<vmem>>
      %dma_start3A_1948 = arith.constant 0 : i32
      %dma_start3A_1949 = tpu.memref_slice %arg3[%dma_start3A_1948, %multiple_of3A_1936] : memref<32x1000000xf32, #tpu.memory_space<hbm>> -> memref<32x128xf32, #tpu.memory_space<hbm>>
      tpu.enqueue_dma source(%dma_start3A_1949 : memref<32x128xf32, #tpu.memory_space<hbm>>) target(%dma_start3A_1947 : memref<32x128xf32, #tpu.memory_space<vmem>>) target_semaphore(%arg21 : memref<!tpu.dma_semaphore, #tpu.memory_space<semaphore_mem>>)
      %dma_wait3A_1950 = arith.constant 0 : i32
      %dma_wait3A_1951 = arith.constant 0 : i32
      %dma_wait3A_1952 = arith.constant 0 : i32
      %dma_wait3A_1953 = tpu.memref_slice %arg16[%dma_wait3A_1950, %dma_wait3A_1951, %dma_wait3A_1952] : memref<4x32x128xf32, #tpu.memory_space<vmem>> -> memref<1x32x128xf32, #tpu.memory_space<vmem>>
      %dma_wait3A_1954 = tpu.memref_squeeze %dma_wait3A_1953 : memref<1x32x128xf32, #tpu.memory_space<vmem>> -> memref<32x128xf32, #tpu.memory_space<vmem>>
      %dma_wait3A_1955 = arith.constant 0 : i32
      %dma_wait3A_1956 = arith.constant 0 : i32
      %dma_wait3A_1957 = tpu.memref_slice %arg3[%dma_wait3A_1955, %dma_wait3A_1956] : memref<32x1000000xf32, #tpu.memory_space<hbm>> -> memref<32x128xf32, #tpu.memory_space<hbm>>
      %dma_wait3A_1958 = arith.constant 0 : i32
      %dma_wait3A_1959 = arith.constant 0 : i32
      %dma_wait3A_1960 = tpu.memref_slice %arg16[%dma_wait3A_1950, %dma_wait3A_1958, %dma_wait3A_1959] : memref<4x32x128xf32, #tpu.memory_space<vmem>> -> memref<1x32x128xf32, #tpu.memory_space<vmem>>
      %dma_wait3A_1961 = tpu.memref_squeeze %dma_wait3A_1960 : memref<1x32x128xf32, #tpu.memory_space<vmem>> -> memref<32x128xf32, #tpu.memory_space<vmem>>
      %dma_wait3A_1962 = arith.constant 0 : i32
      %dma_wait3A_1963 = arith.constant 0 : i32
      %dma_wait3A_1964 = tpu.memref_slice %arg3[%dma_wait3A_1962, %dma_wait3A_1963] : memref<32x1000000xf32, #tpu.memory_space<hbm>> -> memref<32x128xf32, #tpu.memory_space<hbm>>
      tpu.wait_dma2 semaphore(%arg22 : memref<!tpu.dma_semaphore, #tpu.memory_space<semaphore_mem>>) src(%dma_wait3A_1964 : memref<32x128xf32, #tpu.memory_space<hbm>>) dst(%dma_wait3A_1961 : memref<32x128xf32, #tpu.memory_space<vmem>>)
      %dma_wait3A_1965 = arith.constant 1 : i32
      %dma_wait3A_1966 = arith.constant 0 : i32
      %dma_wait3A_1967 = arith.constant 0 : i32
      %dma_wait3A_1968 = tpu.memref_slice %arg16[%dma_wait3A_1965, %dma_wait3A_1966, %dma_wait3A_1967] : memref<4x32x128xf32, #tpu.memory_space<vmem>> -> memref<1x32x128xf32, #tpu.memory_space<vmem>>
      %dma_wait3A_1969 = tpu.memref_squeeze %dma_wait3A_1968 : memref<1x32x128xf32, #tpu.memory_space<vmem>> -> memref<32x128xf32, #tpu.memory_space<vmem>>
      %dma_wait3A_1970 = arith.constant 0 : i32
      %dma_wait3A_1971 = arith.constant 0 : i32
      %dma_wait3A_1972 = tpu.memref_slice %arg3[%dma_wait3A_1970, %dma_wait3A_1971] : memref<32x1000000xf32, #tpu.memory_space<hbm>> -> memref<32x128xf32, #tpu.memory_space<hbm>>
      %dma_wait3A_1973 = arith.constant 0 : i32
      %dma_wait3A_1974 = arith.constant 0 : i32
      %dma_wait3A_1975 = tpu.memref_slice %arg16[%dma_wait3A_1965, %dma_wait3A_1973, %dma_wait3A_1974] : memref<4x32x128xf32, #tpu.memory_space<vmem>> -> memref<1x32x128xf32, #tpu.memory_space<vmem>>
      %dma_wait3A_1976 = tpu.memref_squeeze %dma_wait3A_1975 : memref<1x32x128xf32, #tpu.memory_space<vmem>> -> memref<32x128xf32, #tpu.memory_space<vmem>>
      %dma_wait3A_1977 = arith.constant 0 : i32
      %dma_wait3A_1978 = arith.constant 0 : i32
      %dma_wait3A_1979 = tpu.memref_slice %arg3[%dma_wait3A_1977, %dma_wait3A_1978] : memref<32x1000000xf32, #tpu.memory_space<hbm>> -> memref<32x128xf32, #tpu.memory_space<hbm>>
      tpu.wait_dma2 semaphore(%arg22 : memref<!tpu.dma_semaphore, #tpu.memory_space<semaphore_mem>>) src(%dma_wait3A_1979 : memref<32x128xf32, #tpu.memory_space<hbm>>) dst(%dma_wait3A_1976 : memref<32x128xf32, #tpu.memory_space<vmem>>)
      %dma_wait3A_1980 = arith.constant 2 : i32
      %dma_wait3A_1981 = arith.constant 0 : i32
      %dma_wait3A_1982 = arith.constant 0 : i32
      %dma_wait3A_1983 = tpu.memref_slice %arg16[%dma_wait3A_1980, %dma_wait3A_1981, %dma_wait3A_1982] : memref<4x32x128xf32, #tpu.memory_space<vmem>> -> memref<1x32x128xf32, #tpu.memory_space<vmem>>
      %dma_wait3A_1984 = tpu.memref_squeeze %dma_wait3A_1983 : memref<1x32x128xf32, #tpu.memory_space<vmem>> -> memref<32x128xf32, #tpu.memory_space<vmem>>
      %dma_wait3A_1985 = arith.constant 0 : i32
      %dma_wait3A_1986 = arith.constant 0 : i32
      %dma_wait3A_1987 = tpu.memref_slice %arg3[%dma_wait3A_1985, %dma_wait3A_1986] : memref<32x1000000xf32, #tpu.memory_space<hbm>> -> memref<32x128xf32, #tpu.memory_space<hbm>>
      %dma_wait3A_1988 = arith.constant 0 : i32
      %dma_wait3A_1989 = arith.constant 0 : i32
      %dma_wait3A_1990 = tpu.memref_slice %arg16[%dma_wait3A_1980, %dma_wait3A_1988, %dma_wait3A_1989] : memref<4x32x128xf32, #tpu.memory_space<vmem>> -> memref<1x32x128xf32, #tpu.memory_space<vmem>>
      %dma_wait3A_1991 = tpu.memref_squeeze %dma_wait3A_1990 : memref<1x32x128xf32, #tpu.memory_space<vmem>> -> memref<32x128xf32, #tpu.memory_space<vmem>>
      %dma_wait3A_1992 = arith.constant 0 : i32
      %dma_wait3A_1993 = arith.constant 0 : i32
      %dma_wait3A_1994 = tpu.memref_slice %arg3[%dma_wait3A_1992, %dma_wait3A_1993] : memref<32x1000000xf32, #tpu.memory_space<hbm>> -> memref<32x128xf32, #tpu.memory_space<hbm>>
      tpu.wait_dma2 semaphore(%arg22 : memref<!tpu.dma_semaphore, #tpu.memory_space<semaphore_mem>>) src(%dma_wait3A_1994 : memref<32x128xf32, #tpu.memory_space<hbm>>) dst(%dma_wait3A_1991 : memref<32x128xf32, #tpu.memory_space<vmem>>)
      %dma_wait3A_1995 = arith.constant 3 : i32
      %dma_wait3A_1996 = arith.constant 0 : i32
      %dma_wait3A_1997 = arith.constant 0 : i32
      %dma_wait3A_1998 = tpu.memref_slice %arg16[%dma_wait3A_1995, %dma_wait3A_1996, %dma_wait3A_1997] : memref<4x32x128xf32, #tpu.memory_space<vmem>> -> memref<1x32x128xf32, #tpu.memory_space<vmem>>
      %dma_wait3A_1999 = tpu.memref_squeeze %dma_wait3A_1998 : memref<1x32x128xf32, #tpu.memory_space<vmem>> -> memref<32x128xf32, #tpu.memory_space<vmem>>
      %dma_wait3A_2000 = arith.constant 0 : i32
      %dma_wait3A_2001 = arith.constant 0 : i32
      %dma_wait3A_2002 = tpu.memref_slice %arg3[%dma_wait3A_2000, %dma_wait3A_2001] : memref<32x1000000xf32, #tpu.memory_space<hbm>> -> memref<32x128xf32, #tpu.memory_space<hbm>>
      %dma_wait3A_2003 = arith.constant 0 : i32
      %dma_wait3A_2004 = arith.constant 0 : i32
      %dma_wait3A_2005 = tpu.memref_slice %arg16[%dma_wait3A_1995, %dma_wait3A_2003, %dma_wait3A_2004] : memref<4x32x128xf32, #tpu.memory_space<vmem>> -> memref<1x32x128xf32, #tpu.memory_space<vmem>>
      %dma_wait3A_2006 = tpu.memref_squeeze %dma_wait3A_2005 : memref<1x32x128xf32, #tpu.memory_space<vmem>> -> memref<32x128xf32, #tpu.memory_space<vmem>>
      %dma_wait3A_2007 = arith.constant 0 : i32
      %dma_wait3A_2008 = arith.constant 0 : i32
      %dma_wait3A_2009 = tpu.memref_slice %arg3[%dma_wait3A_2007, %dma_wait3A_2008] : memref<32x1000000xf32, #tpu.memory_space<hbm>> -> memref<32x128xf32, #tpu.memory_space<hbm>>
      tpu.wait_dma2 semaphore(%arg22 : memref<!tpu.dma_semaphore, #tpu.memory_space<semaphore_mem>>) src(%dma_wait3A_2009 : memref<32x128xf32, #tpu.memory_space<hbm>>) dst(%dma_wait3A_2006 : memref<32x128xf32, #tpu.memory_space<vmem>>)
      %add3A_2010 = arith.constant 2 : i32
      %add3A_2011 = arith.addi %mul3A_1561, %add3A_2010 : i32
      %iota3A_2012 = tpu.iota {dimensions = array<i32: 0>} : vector<16xi32>
      %add3A_2013 = arith.constant 16 : i32
      %add3A_2014 = vector.broadcast %add3A_2013 : i32 to vector<16xi32>
      %add3A_2015 = arith.addi %iota3A_2012, %add3A_2014 : vector<16xi32>
      %mul3A_2016 = arith.constant 4 : i32
      %mul3A_2017 = arith.muli %add3A_2011, %mul3A_2016 : i32
      %get3A_2018 = arith.index_cast %mul3A_2017 : i32 to index
      %get3A_2019 = tpu.vector_load %arg13[%get3A_2018] {strides = array<i32>} : memref<528xi32, #tpu.memory_space<vmem>>, vector<16xi32>,
      %slice3A_2020 = vector.extract_strided_slice %get3A_2019 {offsets = [0], sizes = [1], strides = [1]} : vector<16xi32> to vector<1xi32>
      %squeeze3A_2021 = vector.extract %slice3A_2020[0] : i32 from vector<1xi32>
      %broadcast_in_dim3A_2022 = vector.broadcast %squeeze3A_2021 : i32 to vector<16xi32>
      %broadcast_in_dim3A_2023 = arith.constant 0 : i32
      %broadcast_in_dim3A_2024 = vector.broadcast %broadcast_in_dim3A_2023 : i32 to vector<16xi32>
      %gather3A_2025 = tpu.vector_load_idx %arg16[%broadcast_in_dim3A_2024, %iota3A_2012, %broadcast_in_dim3A_2022] : memref<4x32x128xf32, #tpu.memory_space<vmem>>[vector<16xi32>, vector<16xi32>, vector<16xi32>], vector<16xf32>,
      %gather3A_2026 = tpu.vector_load_idx %arg16[%broadcast_in_dim3A_2024, %add3A_2015, %broadcast_in_dim3A_2022] : memref<4x32x128xf32, #tpu.memory_space<vmem>>[vector<16xi32>, vector<16xi32>, vector<16xi32>], vector<16xf32>,
      %swap3A_2027 = arith.index_cast %add3A_2011 : i32 to index
      %swap3A_2028 = arith.constant 0 : index
      %swap3A_2029 = tpu.vector_load %arg19[%swap3A_2027, %swap3A_2028] {strides = array<i32>} : memref<128x128xf32, #tpu.memory_space<vmem>>, vector<16xf32>,
      tpu.vector_store %arg19[%swap3A_2027, %swap3A_2028], %gather3A_2025 {strides = array<i32>} : memref<128x128xf32, #tpu.memory_space<vmem>>, vector<16xf32>,
      %swap3A_2030 = arith.index_cast %add3A_2011 : i32 to index
      %swap3A_2031 = arith.constant 16 : index
      %swap3A_2032 = tpu.vector_load %arg19[%swap3A_2030, %swap3A_2031] {strides = array<i32>} : memref<128x128xf32, #tpu.memory_space<vmem>>, vector<16xf32>,
      tpu.vector_store %arg19[%swap3A_2030, %swap3A_2031], %gather3A_2026 {strides = array<i32>} : memref<128x128xf32, #tpu.memory_space<vmem>>, vector<16xf32>,
      %slice3A_2033 = vector.extract_strided_slice %get3A_2019 {offsets = [1], sizes = [1], strides = [1]} : vector<16xi32> to vector<1xi32>
      %squeeze3A_2034 = vector.extract %slice3A_2033[0] : i32 from vector<1xi32>
      %broadcast_in_dim3A_2035 = vector.broadcast %squeeze3A_2034 : i32 to vector<16xi32>
      %broadcast_in_dim3A_2036 = arith.constant 1 : i32
      %broadcast_in_dim3A_2037 = vector.broadcast %broadcast_in_dim3A_2036 : i32 to vector<16xi32>
      %gather3A_2038 = tpu.vector_load_idx %arg16[%broadcast_in_dim3A_2037, %iota3A_2012, %broadcast_in_dim3A_2035] : memref<4x32x128xf32, #tpu.memory_space<vmem>>[vector<16xi32>, vector<16xi32>, vector<16xi32>], vector<16xf32>,
      %gather3A_2039 = tpu.vector_load_idx %arg16[%broadcast_in_dim3A_2037, %add3A_2015, %broadcast_in_dim3A_2035] : memref<4x32x128xf32, #tpu.memory_space<vmem>>[vector<16xi32>, vector<16xi32>, vector<16xi32>], vector<16xf32>,
      %swap3A_2040 = arith.index_cast %add3A_2011 : i32 to index
      %swap3A_2041 = arith.constant 32 : index
      %swap3A_2042 = tpu.vector_load %arg19[%swap3A_2040, %swap3A_2041] {strides = array<i32>} : memref<128x128xf32, #tpu.memory_space<vmem>>, vector<16xf32>,
      tpu.vector_store %arg19[%swap3A_2040, %swap3A_2041], %gather3A_2038 {strides = array<i32>} : memref<128x128xf32, #tpu.memory_space<vmem>>, vector<16xf32>,
      %swap3A_2043 = arith.index_cast %add3A_2011 : i32 to index
      %swap3A_2044 = arith.constant 48 : index
      %swap3A_2045 = tpu.vector_load %arg19[%swap3A_2043, %swap3A_2044] {strides = array<i32>} : memref<128x128xf32, #tpu.memory_space<vmem>>, vector<16xf32>,
      tpu.vector_store %arg19[%swap3A_2043, %swap3A_2044], %gather3A_2039 {strides = array<i32>} : memref<128x128xf32, #tpu.memory_space<vmem>>, vector<16xf32>,
      %slice3A_2046 = vector.extract_strided_slice %get3A_2019 {offsets = [2], sizes = [1], strides = [1]} : vector<16xi32> to vector<1xi32>
      %squeeze3A_2047 = vector.extract %slice3A_2046[0] : i32 from vector<1xi32>
      %broadcast_in_dim3A_2048 = vector.broadcast %squeeze3A_2047 : i32 to vector<16xi32>
      %broadcast_in_dim3A_2049 = arith.constant 2 : i32
      %broadcast_in_dim3A_2050 = vector.broadcast %broadcast_in_dim3A_2049 : i32 to vector<16xi32>
      %gather3A_2051 = tpu.vector_load_idx %arg16[%broadcast_in_dim3A_2050, %iota3A_2012, %broadcast_in_dim3A_2048] : memref<4x32x128xf32, #tpu.memory_space<vmem>>[vector<16xi32>, vector<16xi32>, vector<16xi32>], vector<16xf32>,
      %gather3A_2052 = tpu.vector_load_idx %arg16[%broadcast_in_dim3A_2050, %add3A_2015, %broadcast_in_dim3A_2048] : memref<4x32x128xf32, #tpu.memory_space<vmem>>[vector<16xi32>, vector<16xi32>, vector<16xi32>], vector<16xf32>,
      %swap3A_2053 = arith.index_cast %add3A_2011 : i32 to index
      %swap3A_2054 = arith.constant 64 : index
      %swap3A_2055 = tpu.vector_load %arg19[%swap3A_2053, %swap3A_2054] {strides = array<i32>} : memref<128x128xf32, #tpu.memory_space<vmem>>, vector<16xf32>,
      tpu.vector_store %arg19[%swap3A_2053, %swap3A_2054], %gather3A_2051 {strides = array<i32>} : memref<128x128xf32, #tpu.memory_space<vmem>>, vector<16xf32>,
      %swap3A_2056 = arith.index_cast %add3A_2011 : i32 to index
      %swap3A_2057 = arith.constant 80 : index
      %swap3A_2058 = tpu.vector_load %arg19[%swap3A_2056, %swap3A_2057] {strides = array<i32>} : memref<128x128xf32, #tpu.memory_space<vmem>>, vector<16xf32>,
      tpu.vector_store %arg19[%swap3A_2056, %swap3A_2057], %gather3A_2052 {strides = array<i32>} : memref<128x128xf32, #tpu.memory_space<vmem>>, vector<16xf32>,
      %slice3A_2059 = vector.extract_strided_slice %get3A_2019 {offsets = [3], sizes = [1], strides = [1]} : vector<16xi32> to vector<1xi32>
      %squeeze3A_2060 = vector.extract %slice3A_2059[0] : i32 from vector<1xi32>
      %broadcast_in_dim3A_2061 = vector.broadcast %squeeze3A_2060 : i32 to vector<16xi32>
      %broadcast_in_dim3A_2062 = arith.constant 3 : i32
      %broadcast_in_dim3A_2063 = vector.broadcast %broadcast_in_dim3A_2062 : i32 to vector<16xi32>
      %gather3A_2064 = tpu.vector_load_idx %arg16[%broadcast_in_dim3A_2063, %iota3A_2012, %broadcast_in_dim3A_2061] : memref<4x32x128xf32, #tpu.memory_space<vmem>>[vector<16xi32>, vector<16xi32>, vector<16xi32>], vector<16xf32>,
      %gather3A_2065 = tpu.vector_load_idx %arg16[%broadcast_in_dim3A_2063, %add3A_2015, %broadcast_in_dim3A_2061] : memref<4x32x128xf32, #tpu.memory_space<vmem>>[vector<16xi32>, vector<16xi32>, vector<16xi32>], vector<16xf32>,
      %swap3A_2066 = arith.index_cast %add3A_2011 : i32 to index
      %swap3A_2067 = arith.constant 96 : index
      %swap3A_2068 = tpu.vector_load %arg19[%swap3A_2066, %swap3A_2067] {strides = array<i32>} : memref<128x128xf32, #tpu.memory_space<vmem>>, vector<16xf32>,
      tpu.vector_store %arg19[%swap3A_2066, %swap3A_2067], %gather3A_2064 {strides = array<i32>} : memref<128x128xf32, #tpu.memory_space<vmem>>, vector<16xf32>,
      %swap3A_2069 = arith.index_cast %add3A_2011 : i32 to index
      %swap3A_2070 = arith.constant 112 : index
      %swap3A_2071 = tpu.vector_load %arg19[%swap3A_2069, %swap3A_2070] {strides = array<i32>} : memref<128x128xf32, #tpu.memory_space<vmem>>, vector<16xf32>,
      tpu.vector_store %arg19[%swap3A_2069, %swap3A_2070], %gather3A_2065 {strides = array<i32>} : memref<128x128xf32, #tpu.memory_space<vmem>>, vector<16xf32>,
      %add3A_2072 = arith.constant 4 : i32
      %add3A_2073 = arith.addi %mul3A_1561, %add3A_2072 : i32
      %add3A_2074 = arith.constant 2 : i32
      %add3A_2075 = arith.addi %add3A_2073, %add3A_2074 : i32
      %mul3A_2076 = arith.constant 4 : i32
      %mul3A_2077 = arith.muli %add3A_2075, %mul3A_2076 : i32
      %get3A_2078 = arith.index_cast %mul3A_2077 : i32 to index
      %get3A_2079 = tpu.vector_load %arg12[%get3A_2078] {strides = array<i32>} : memref<528xi32, #tpu.memory_space<vmem>>, vector<16xi32>,
      %slice3A_2080 = vector.extract_strided_slice %get3A_2079 {offsets = [0], sizes = [1], strides = [1]} : vector<16xi32> to vector<1xi32>
      %squeeze3A_2081 = vector.extract %slice3A_2080[0] : i32 from vector<1xi32>
      %multiple_of3A_2082 = tpu.assume_multiple %squeeze3A_2081, 128 : i32
      %dma_start3A_2083 = arith.constant 0 : i32
      %dma_start3A_2084 = arith.constant 0 : i32
      %dma_start3A_2085 = arith.constant 0 : i32
      %dma_start3A_2086 = tpu.memref_slice %arg16[%dma_start3A_2083, %dma_start3A_2084, %dma_start3A_2085] : memref<4x32x128xf32, #tpu.memory_space<vmem>> -> memref<1x32x128xf32, #tpu.memory_space<vmem>>
      %dma_start3A_2087 = tpu.memref_squeeze %dma_start3A_2086 : memref<1x32x128xf32, #tpu.memory_space<vmem>> -> memref<32x128xf32, #tpu.memory_space<vmem>>
      %dma_start3A_2088 = arith.constant 0 : i32
      %dma_start3A_2089 = tpu.memref_slice %arg3[%dma_start3A_2088, %multiple_of3A_2082] : memref<32x1000000xf32, #tpu.memory_space<hbm>> -> memref<32x128xf32, #tpu.memory_space<hbm>>
      %dma_start3A_2090 = arith.constant 0 : i32
      %dma_start3A_2091 = arith.constant 0 : i32
      %dma_start3A_2092 = tpu.memref_slice %arg16[%dma_start3A_2083, %dma_start3A_2090, %dma_start3A_2091] : memref<4x32x128xf32, #tpu.memory_space<vmem>> -> memref<1x32x128xf32, #tpu.memory_space<vmem>>
      %dma_start3A_2093 = tpu.memref_squeeze %dma_start3A_2092 : memref<1x32x128xf32, #tpu.memory_space<vmem>> -> memref<32x128xf32, #tpu.memory_space<vmem>>
      %dma_start3A_2094 = arith.constant 0 : i32
      %dma_start3A_2095 = tpu.memref_slice %arg3[%dma_start3A_2094, %multiple_of3A_2082] : memref<32x1000000xf32, #tpu.memory_space<hbm>> -> memref<32x128xf32, #tpu.memory_space<hbm>>
      tpu.enqueue_dma source(%dma_start3A_2095 : memref<32x128xf32, #tpu.memory_space<hbm>>) target(%dma_start3A_2093 : memref<32x128xf32, #tpu.memory_space<vmem>>) target_semaphore(%arg22 : memref<!tpu.dma_semaphore, #tpu.memory_space<semaphore_mem>>)
      %slice3A_2096 = vector.extract_strided_slice %get3A_2079 {offsets = [1], sizes = [1], strides = [1]} : vector<16xi32> to vector<1xi32>
      %squeeze3A_2097 = vector.extract %slice3A_2096[0] : i32 from vector<1xi32>
      %multiple_of3A_2098 = tpu.assume_multiple %squeeze3A_2097, 128 : i32
      %dma_start3A_2099 = arith.constant 1 : i32
      %dma_start3A_2100 = arith.constant 0 : i32
      %dma_start3A_2101 = arith.constant 0 : i32
      %dma_start3A_2102 = tpu.memref_slice %arg16[%dma_start3A_2099, %dma_start3A_2100, %dma_start3A_2101] : memref<4x32x128xf32, #tpu.memory_space<vmem>> -> memref<1x32x128xf32, #tpu.memory_space<vmem>>
      %dma_start3A_2103 = tpu.memref_squeeze %dma_start3A_2102 : memref<1x32x128xf32, #tpu.memory_space<vmem>> -> memref<32x128xf32, #tpu.memory_space<vmem>>
      %dma_start3A_2104 = arith.constant 0 : i32
      %dma_start3A_2105 = tpu.memref_slice %arg3[%dma_start3A_2104, %multiple_of3A_2098] : memref<32x1000000xf32, #tpu.memory_space<hbm>> -> memref<32x128xf32, #tpu.memory_space<hbm>>
      %dma_start3A_2106 = arith.constant 0 : i32
      %dma_start3A_2107 = arith.constant 0 : i32
      %dma_start3A_2108 = tpu.memref_slice %arg16[%dma_start3A_2099, %dma_start3A_2106, %dma_start3A_2107] : memref<4x32x128xf32, #tpu.memory_space<vmem>> -> memref<1x32x128xf32, #tpu.memory_space<vmem>>
      %dma_start3A_2109 = tpu.memref_squeeze %dma_start3A_2108 : memref<1x32x128xf32, #tpu.memory_space<vmem>> -> memref<32x128xf32, #tpu.memory_space<vmem>>
      %dma_start3A_2110 = arith.constant 0 : i32
      %dma_start3A_2111 = tpu.memref_slice %arg3[%dma_start3A_2110, %multiple_of3A_2098] : memref<32x1000000xf32, #tpu.memory_space<hbm>> -> memref<32x128xf32, #tpu.memory_space<hbm>>
      tpu.enqueue_dma source(%dma_start3A_2111 : memref<32x128xf32, #tpu.memory_space<hbm>>) target(%dma_start3A_2109 : memref<32x128xf32, #tpu.memory_space<vmem>>) target_semaphore(%arg22 : memref<!tpu.dma_semaphore, #tpu.memory_space<semaphore_mem>>)
      %slice3A_2112 = vector.extract_strided_slice %get3A_2079 {offsets = [2], sizes = [1], strides = [1]} : vector<16xi32> to vector<1xi32>
      %squeeze3A_2113 = vector.extract %slice3A_2112[0] : i32 from vector<1xi32>
      %multiple_of3A_2114 = tpu.assume_multiple %squeeze3A_2113, 128 : i32
      %dma_start3A_2115 = arith.constant 2 : i32
      %dma_start3A_2116 = arith.constant 0 : i32
      %dma_start3A_2117 = arith.constant 0 : i32
      %dma_start3A_2118 = tpu.memref_slice %arg16[%dma_start3A_2115, %dma_start3A_2116, %dma_start3A_2117] : memref<4x32x128xf32, #tpu.memory_space<vmem>> -> memref<1x32x128xf32, #tpu.memory_space<vmem>>
      %dma_start3A_2119 = tpu.memref_squeeze %dma_start3A_2118 : memref<1x32x128xf32, #tpu.memory_space<vmem>> -> memref<32x128xf32, #tpu.memory_space<vmem>>
      %dma_start3A_2120 = arith.constant 0 : i32
      %dma_start3A_2121 = tpu.memref_slice %arg3[%dma_start3A_2120, %multiple_of3A_2114] : memref<32x1000000xf32, #tpu.memory_space<hbm>> -> memref<32x128xf32, #tpu.memory_space<hbm>>
      %dma_start3A_2122 = arith.constant 0 : i32
      %dma_start3A_2123 = arith.constant 0 : i32
      %dma_start3A_2124 = tpu.memref_slice %arg16[%dma_start3A_2115, %dma_start3A_2122, %dma_start3A_2123] : memref<4x32x128xf32, #tpu.memory_space<vmem>> -> memref<1x32x128xf32, #tpu.memory_space<vmem>>
      %dma_start3A_2125 = tpu.memref_squeeze %dma_start3A_2124 : memref<1x32x128xf32, #tpu.memory_space<vmem>> -> memref<32x128xf32, #tpu.memory_space<vmem>>
      %dma_start3A_2126 = arith.constant 0 : i32
      %dma_start3A_2127 = tpu.memref_slice %arg3[%dma_start3A_2126, %multiple_of3A_2114] : memref<32x1000000xf32, #tpu.memory_space<hbm>> -> memref<32x128xf32, #tpu.memory_space<hbm>>
      tpu.enqueue_dma source(%dma_start3A_2127 : memref<32x128xf32, #tpu.memory_space<hbm>>) target(%dma_start3A_2125 : memref<32x128xf32, #tpu.memory_space<vmem>>) target_semaphore(%arg22 : memref<!tpu.dma_semaphore, #tpu.memory_space<semaphore_mem>>)
      %slice3A_2128 = vector.extract_strided_slice %get3A_2079 {offsets = [3], sizes = [1], strides = [1]} : vector<16xi32> to vector<1xi32>
      %squeeze3A_2129 = vector.extract %slice3A_2128[0] : i32 from vector<1xi32>
      %multiple_of3A_2130 = tpu.assume_multiple %squeeze3A_2129, 128 : i32
      %dma_start3A_2131 = arith.constant 3 : i32
      %dma_start3A_2132 = arith.constant 0 : i32
      %dma_start3A_2133 = arith.constant 0 : i32
      %dma_start3A_2134 = tpu.memref_slice %arg16[%dma_start3A_2131, %dma_start3A_2132, %dma_start3A_2133] : memref<4x32x128xf32, #tpu.memory_space<vmem>> -> memref<1x32x128xf32, #tpu.memory_space<vmem>>
      %dma_start3A_2135 = tpu.memref_squeeze %dma_start3A_2134 : memref<1x32x128xf32, #tpu.memory_space<vmem>> -> memref<32x128xf32, #tpu.memory_space<vmem>>
      %dma_start3A_2136 = arith.constant 0 : i32
      %dma_start3A_2137 = tpu.memref_slice %arg3[%dma_start3A_2136, %multiple_of3A_2130] : memref<32x1000000xf32, #tpu.memory_space<hbm>> -> memref<32x128xf32, #tpu.memory_space<hbm>>
      %dma_start3A_2138 = arith.constant 0 : i32
      %dma_start3A_2139 = arith.constant 0 : i32
      %dma_start3A_2140 = tpu.memref_slice %arg16[%dma_start3A_2131, %dma_start3A_2138, %dma_start3A_2139] : memref<4x32x128xf32, #tpu.memory_space<vmem>> -> memref<1x32x128xf32, #tpu.memory_space<vmem>>
      %dma_start3A_2141 = tpu.memref_squeeze %dma_start3A_2140 : memref<1x32x128xf32, #tpu.memory_space<vmem>> -> memref<32x128xf32, #tpu.memory_space<vmem>>
      %dma_start3A_2142 = arith.constant 0 : i32
      %dma_start3A_2143 = tpu.memref_slice %arg3[%dma_start3A_2142, %multiple_of3A_2130] : memref<32x1000000xf32, #tpu.memory_space<hbm>> -> memref<32x128xf32, #tpu.memory_space<hbm>>
      tpu.enqueue_dma source(%dma_start3A_2143 : memref<32x128xf32, #tpu.memory_space<hbm>>) target(%dma_start3A_2141 : memref<32x128xf32, #tpu.memory_space<vmem>>) target_semaphore(%arg22 : memref<!tpu.dma_semaphore, #tpu.memory_space<semaphore_mem>>)
      %dma_wait3A_2144 = arith.constant 0 : i32
      %dma_wait3A_2145 = arith.constant 0 : i32
      %dma_wait3A_2146 = arith.constant 0 : i32
      %dma_wait3A_2147 = tpu.memref_slice %arg17[%dma_wait3A_2144, %dma_wait3A_2145, %dma_wait3A_2146] : memref<4x32x128xf32, #tpu.memory_space<vmem>> -> memref<1x32x128xf32, #tpu.memory_space<vmem>>
      %dma_wait3A_2148 = tpu.memref_squeeze %dma_wait3A_2147 : memref<1x32x128xf32, #tpu.memory_space<vmem>> -> memref<32x128xf32, #tpu.memory_space<vmem>>
      %dma_wait3A_2149 = arith.constant 0 : i32
      %dma_wait3A_2150 = arith.constant 0 : i32
      %dma_wait3A_2151 = tpu.memref_slice %arg3[%dma_wait3A_2149, %dma_wait3A_2150] : memref<32x1000000xf32, #tpu.memory_space<hbm>> -> memref<32x128xf32, #tpu.memory_space<hbm>>
      %dma_wait3A_2152 = arith.constant 0 : i32
      %dma_wait3A_2153 = arith.constant 0 : i32
      %dma_wait3A_2154 = tpu.memref_slice %arg17[%dma_wait3A_2144, %dma_wait3A_2152, %dma_wait3A_2153] : memref<4x32x128xf32, #tpu.memory_space<vmem>> -> memref<1x32x128xf32, #tpu.memory_space<vmem>>
      %dma_wait3A_2155 = tpu.memref_squeeze %dma_wait3A_2154 : memref<1x32x128xf32, #tpu.memory_space<vmem>> -> memref<32x128xf32, #tpu.memory_space<vmem>>
      %dma_wait3A_2156 = arith.constant 0 : i32
      %dma_wait3A_2157 = arith.constant 0 : i32
      %dma_wait3A_2158 = tpu.memref_slice %arg3[%dma_wait3A_2156, %dma_wait3A_2157] : memref<32x1000000xf32, #tpu.memory_space<hbm>> -> memref<32x128xf32, #tpu.memory_space<hbm>>
      tpu.wait_dma2 semaphore(%arg23 : memref<!tpu.dma_semaphore, #tpu.memory_space<semaphore_mem>>) src(%dma_wait3A_2158 : memref<32x128xf32, #tpu.memory_space<hbm>>) dst(%dma_wait3A_2155 : memref<32x128xf32, #tpu.memory_space<vmem>>)
      %dma_wait3A_2159 = arith.constant 1 : i32
      %dma_wait3A_2160 = arith.constant 0 : i32
      %dma_wait3A_2161 = arith.constant 0 : i32
      %dma_wait3A_2162 = tpu.memref_slice %arg17[%dma_wait3A_2159, %dma_wait3A_2160, %dma_wait3A_2161] : memref<4x32x128xf32, #tpu.memory_space<vmem>> -> memref<1x32x128xf32, #tpu.memory_space<vmem>>
      %dma_wait3A_2163 = tpu.memref_squeeze %dma_wait3A_2162 : memref<1x32x128xf32, #tpu.memory_space<vmem>> -> memref<32x128xf32, #tpu.memory_space<vmem>>
      %dma_wait3A_2164 = arith.constant 0 : i32
      %dma_wait3A_2165 = arith.constant 0 : i32
      %dma_wait3A_2166 = tpu.memref_slice %arg3[%dma_wait3A_2164, %dma_wait3A_2165] : memref<32x1000000xf32, #tpu.memory_space<hbm>> -> memref<32x128xf32, #tpu.memory_space<hbm>>
      %dma_wait3A_2167 = arith.constant 0 : i32
      %dma_wait3A_2168 = arith.constant 0 : i32
      %dma_wait3A_2169 = tpu.memref_slice %arg17[%dma_wait3A_2159, %dma_wait3A_2167, %dma_wait3A_2168] : memref<4x32x128xf32, #tpu.memory_space<vmem>> -> memref<1x32x128xf32, #tpu.memory_space<vmem>>
      %dma_wait3A_2170 = tpu.memref_squeeze %dma_wait3A_2169 : memref<1x32x128xf32, #tpu.memory_space<vmem>> -> memref<32x128xf32, #tpu.memory_space<vmem>>
      %dma_wait3A_2171 = arith.constant 0 : i32
      %dma_wait3A_2172 = arith.constant 0 : i32
      %dma_wait3A_2173 = tpu.memref_slice %arg3[%dma_wait3A_2171, %dma_wait3A_2172] : memref<32x1000000xf32, #tpu.memory_space<hbm>> -> memref<32x128xf32, #tpu.memory_space<hbm>>
      tpu.wait_dma2 semaphore(%arg23 : memref<!tpu.dma_semaphore, #tpu.memory_space<semaphore_mem>>) src(%dma_wait3A_2173 : memref<32x128xf32, #tpu.memory_space<hbm>>) dst(%dma_wait3A_2170 : memref<32x128xf32, #tpu.memory_space<vmem>>)
      %dma_wait3A_2174 = arith.constant 2 : i32
      %dma_wait3A_2175 = arith.constant 0 : i32
      %dma_wait3A_2176 = arith.constant 0 : i32
      %dma_wait3A_2177 = tpu.memref_slice %arg17[%dma_wait3A_2174, %dma_wait3A_2175, %dma_wait3A_2176] : memref<4x32x128xf32, #tpu.memory_space<vmem>> -> memref<1x32x128xf32, #tpu.memory_space<vmem>>
      %dma_wait3A_2178 = tpu.memref_squeeze %dma_wait3A_2177 : memref<1x32x128xf32, #tpu.memory_space<vmem>> -> memref<32x128xf32, #tpu.memory_space<vmem>>
      %dma_wait3A_2179 = arith.constant 0 : i32
      %dma_wait3A_2180 = arith.constant 0 : i32
      %dma_wait3A_2181 = tpu.memref_slice %arg3[%dma_wait3A_2179, %dma_wait3A_2180] : memref<32x1000000xf32, #tpu.memory_space<hbm>> -> memref<32x128xf32, #tpu.memory_space<hbm>>
      %dma_wait3A_2182 = arith.constant 0 : i32
      %dma_wait3A_2183 = arith.constant 0 : i32
      %dma_wait3A_2184 = tpu.memref_slice %arg17[%dma_wait3A_2174, %dma_wait3A_2182, %dma_wait3A_2183] : memref<4x32x128xf32, #tpu.memory_space<vmem>> -> memref<1x32x128xf32, #tpu.memory_space<vmem>>
      %dma_wait3A_2185 = tpu.memref_squeeze %dma_wait3A_2184 : memref<1x32x128xf32, #tpu.memory_space<vmem>> -> memref<32x128xf32, #tpu.memory_space<vmem>>
      %dma_wait3A_2186 = arith.constant 0 : i32
      %dma_wait3A_2187 = arith.constant 0 : i32
      %dma_wait3A_2188 = tpu.memref_slice %arg3[%dma_wait3A_2186, %dma_wait3A_2187] : memref<32x1000000xf32, #tpu.memory_space<hbm>> -> memref<32x128xf32, #tpu.memory_space<hbm>>
      tpu.wait_dma2 semaphore(%arg23 : memref<!tpu.dma_semaphore, #tpu.memory_space<semaphore_mem>>) src(%dma_wait3A_2188 : memref<32x128xf32, #tpu.memory_space<hbm>>) dst(%dma_wait3A_2185 : memref<32x128xf32, #tpu.memory_space<vmem>>)
      %dma_wait3A_2189 = arith.constant 3 : i32
      %dma_wait3A_2190 = arith.constant 0 : i32
      %dma_wait3A_2191 = arith.constant 0 : i32
      %dma_wait3A_2192 = tpu.memref_slice %arg17[%dma_wait3A_2189, %dma_wait3A_2190, %dma_wait3A_2191] : memref<4x32x128xf32, #tpu.memory_space<vmem>> -> memref<1x32x128xf32, #tpu.memory_space<vmem>>
      %dma_wait3A_2193 = tpu.memref_squeeze %dma_wait3A_2192 : memref<1x32x128xf32, #tpu.memory_space<vmem>> -> memref<32x128xf32, #tpu.memory_space<vmem>>
      %dma_wait3A_2194 = arith.constant 0 : i32
      %dma_wait3A_2195 = arith.constant 0 : i32
      %dma_wait3A_2196 = tpu.memref_slice %arg3[%dma_wait3A_2194, %dma_wait3A_2195] : memref<32x1000000xf32, #tpu.memory_space<hbm>> -> memref<32x128xf32, #tpu.memory_space<hbm>>
      %dma_wait3A_2197 = arith.constant 0 : i32
      %dma_wait3A_2198 = arith.constant 0 : i32
      %dma_wait3A_2199 = tpu.memref_slice %arg17[%dma_wait3A_2189, %dma_wait3A_2197, %dma_wait3A_2198] : memref<4x32x128xf32, #tpu.memory_space<vmem>> -> memref<1x32x128xf32, #tpu.memory_space<vmem>>
      %dma_wait3A_2200 = tpu.memref_squeeze %dma_wait3A_2199 : memref<1x32x128xf32, #tpu.memory_space<vmem>> -> memref<32x128xf32, #tpu.memory_space<vmem>>
      %dma_wait3A_2201 = arith.constant 0 : i32
      %dma_wait3A_2202 = arith.constant 0 : i32
      %dma_wait3A_2203 = tpu.memref_slice %arg3[%dma_wait3A_2201, %dma_wait3A_2202] : memref<32x1000000xf32, #tpu.memory_space<hbm>> -> memref<32x128xf32, #tpu.memory_space<hbm>>
      tpu.wait_dma2 semaphore(%arg23 : memref<!tpu.dma_semaphore, #tpu.memory_space<semaphore_mem>>) src(%dma_wait3A_2203 : memref<32x128xf32, #tpu.memory_space<hbm>>) dst(%dma_wait3A_2200 : memref<32x128xf32, #tpu.memory_space<vmem>>)
      %add3A_2204 = arith.constant 3 : i32
      %add3A_2205 = arith.addi %mul3A_1561, %add3A_2204 : i32
      %iota3A_2206 = tpu.iota {dimensions = array<i32: 0>} : vector<16xi32>
      %add3A_2207 = arith.constant 16 : i32
      %add3A_2208 = vector.broadcast %add3A_2207 : i32 to vector<16xi32>
      %add3A_2209 = arith.addi %iota3A_2206, %add3A_2208 : vector<16xi32>
      %mul3A_2210 = arith.constant 4 : i32
      %mul3A_2211 = arith.muli %add3A_2205, %mul3A_2210 : i32
      %get3A_2212 = arith.index_cast %mul3A_2211 : i32 to index
      %get3A_2213 = tpu.vector_load %arg13[%get3A_2212] {strides = array<i32>} : memref<528xi32, #tpu.memory_space<vmem>>, vector<16xi32>,
      %slice3A_2214 = vector.extract_strided_slice %get3A_2213 {offsets = [0], sizes = [1], strides = [1]} : vector<16xi32> to vector<1xi32>
      %squeeze3A_2215 = vector.extract %slice3A_2214[0] : i32 from vector<1xi32>
      %broadcast_in_dim3A_2216 = vector.broadcast %squeeze3A_2215 : i32 to vector<16xi32>
      %broadcast_in_dim3A_2217 = arith.constant 0 : i32
      %broadcast_in_dim3A_2218 = vector.broadcast %broadcast_in_dim3A_2217 : i32 to vector<16xi32>
      %gather3A_2219 = tpu.vector_load_idx %arg17[%broadcast_in_dim3A_2218, %iota3A_2206, %broadcast_in_dim3A_2216] : memref<4x32x128xf32, #tpu.memory_space<vmem>>[vector<16xi32>, vector<16xi32>, vector<16xi32>], vector<16xf32>,
      %gather3A_2220 = tpu.vector_load_idx %arg17[%broadcast_in_dim3A_2218, %add3A_2209, %broadcast_in_dim3A_2216] : memref<4x32x128xf32, #tpu.memory_space<vmem>>[vector<16xi32>, vector<16xi32>, vector<16xi32>], vector<16xf32>,
      %swap3A_2221 = arith.index_cast %add3A_2205 : i32 to index
      %swap3A_2222 = arith.constant 0 : index
      %swap3A_2223 = tpu.vector_load %arg19[%swap3A_2221, %swap3A_2222] {strides = array<i32>} : memref<128x128xf32, #tpu.memory_space<vmem>>, vector<16xf32>,
      tpu.vector_store %arg19[%swap3A_2221, %swap3A_2222], %gather3A_2219 {strides = array<i32>} : memref<128x128xf32, #tpu.memory_space<vmem>>, vector<16xf32>,
      %swap3A_2224 = arith.index_cast %add3A_2205 : i32 to index
      %swap3A_2225 = arith.constant 16 : index
      %swap3A_2226 = tpu.vector_load %arg19[%swap3A_2224, %swap3A_2225] {strides = array<i32>} : memref<128x128xf32, #tpu.memory_space<vmem>>, vector<16xf32>,
      tpu.vector_store %arg19[%swap3A_2224, %swap3A_2225], %gather3A_2220 {strides = array<i32>} : memref<128x128xf32, #tpu.memory_space<vmem>>, vector<16xf32>,
      %slice3A_2227 = vector.extract_strided_slice %get3A_2213 {offsets = [1], sizes = [1], strides = [1]} : vector<16xi32> to vector<1xi32>
      %squeeze3A_2228 = vector.extract %slice3A_2227[0] : i32 from vector<1xi32>
      %broadcast_in_dim3A_2229 = vector.broadcast %squeeze3A_2228 : i32 to vector<16xi32>
      %broadcast_in_dim3A_2230 = arith.constant 1 : i32
      %broadcast_in_dim3A_2231 = vector.broadcast %broadcast_in_dim3A_2230 : i32 to vector<16xi32>
      %gather3A_2232 = tpu.vector_load_idx %arg17[%broadcast_in_dim3A_2231, %iota3A_2206, %broadcast_in_dim3A_2229] : memref<4x32x128xf32, #tpu.memory_space<vmem>>[vector<16xi32>, vector<16xi32>, vector<16xi32>], vector<16xf32>,
      %gather3A_2233 = tpu.vector_load_idx %arg17[%broadcast_in_dim3A_2231, %add3A_2209, %broadcast_in_dim3A_2229] : memref<4x32x128xf32, #tpu.memory_space<vmem>>[vector<16xi32>, vector<16xi32>, vector<16xi32>], vector<16xf32>,
      %swap3A_2234 = arith.index_cast %add3A_2205 : i32 to index
      %swap3A_2235 = arith.constant 32 : index
      %swap3A_2236 = tpu.vector_load %arg19[%swap3A_2234, %swap3A_2235] {strides = array<i32>} : memref<128x128xf32, #tpu.memory_space<vmem>>, vector<16xf32>,
      tpu.vector_store %arg19[%swap3A_2234, %swap3A_2235], %gather3A_2232 {strides = array<i32>} : memref<128x128xf32, #tpu.memory_space<vmem>>, vector<16xf32>,
      %swap3A_2237 = arith.index_cast %add3A_2205 : i32 to index
      %swap3A_2238 = arith.constant 48 : index
      %swap3A_2239 = tpu.vector_load %arg19[%swap3A_2237, %swap3A_2238] {strides = array<i32>} : memref<128x128xf32, #tpu.memory_space<vmem>>, vector<16xf32>,
      tpu.vector_store %arg19[%swap3A_2237, %swap3A_2238], %gather3A_2233 {strides = array<i32>} : memref<128x128xf32, #tpu.memory_space<vmem>>, vector<16xf32>,
      %slice3A_2240 = vector.extract_strided_slice %get3A_2213 {offsets = [2], sizes = [1], strides = [1]} : vector<16xi32> to vector<1xi32>
      %squeeze3A_2241 = vector.extract %slice3A_2240[0] : i32 from vector<1xi32>
      %broadcast_in_dim3A_2242 = vector.broadcast %squeeze3A_2241 : i32 to vector<16xi32>
      %broadcast_in_dim3A_2243 = arith.constant 2 : i32
      %broadcast_in_dim3A_2244 = vector.broadcast %broadcast_in_dim3A_2243 : i32 to vector<16xi32>
      %gather3A_2245 = tpu.vector_load_idx %arg17[%broadcast_in_dim3A_2244, %iota3A_2206, %broadcast_in_dim3A_2242] : memref<4x32x128xf32, #tpu.memory_space<vmem>>[vector<16xi32>, vector<16xi32>, vector<16xi32>], vector<16xf32>,
      %gather3A_2246 = tpu.vector_load_idx %arg17[%broadcast_in_dim3A_2244, %add3A_2209, %broadcast_in_dim3A_2242] : memref<4x32x128xf32, #tpu.memory_space<vmem>>[vector<16xi32>, vector<16xi32>, vector<16xi32>], vector<16xf32>,
      %swap3A_2247 = arith.index_cast %add3A_2205 : i32 to index
      %swap3A_2248 = arith.constant 64 : index
      %swap3A_2249 = tpu.vector_load %arg19[%swap3A_2247, %swap3A_2248] {strides = array<i32>} : memref<128x128xf32, #tpu.memory_space<vmem>>, vector<16xf32>,
      tpu.vector_store %arg19[%swap3A_2247, %swap3A_2248], %gather3A_2245 {strides = array<i32>} : memref<128x128xf32, #tpu.memory_space<vmem>>, vector<16xf32>,
      %swap3A_2250 = arith.index_cast %add3A_2205 : i32 to index
      %swap3A_2251 = arith.constant 80 : index
      %swap3A_2252 = tpu.vector_load %arg19[%swap3A_2250, %swap3A_2251] {strides = array<i32>} : memref<128x128xf32, #tpu.memory_space<vmem>>, vector<16xf32>,
      tpu.vector_store %arg19[%swap3A_2250, %swap3A_2251], %gather3A_2246 {strides = array<i32>} : memref<128x128xf32, #tpu.memory_space<vmem>>, vector<16xf32>,
      %slice3A_2253 = vector.extract_strided_slice %get3A_2213 {offsets = [3], sizes = [1], strides = [1]} : vector<16xi32> to vector<1xi32>
      %squeeze3A_2254 = vector.extract %slice3A_2253[0] : i32 from vector<1xi32>
      %broadcast_in_dim3A_2255 = vector.broadcast %squeeze3A_2254 : i32 to vector<16xi32>
      %broadcast_in_dim3A_2256 = arith.constant 3 : i32
      %broadcast_in_dim3A_2257 = vector.broadcast %broadcast_in_dim3A_2256 : i32 to vector<16xi32>
      %gather3A_2258 = tpu.vector_load_idx %arg17[%broadcast_in_dim3A_2257, %iota3A_2206, %broadcast_in_dim3A_2255] : memref<4x32x128xf32, #tpu.memory_space<vmem>>[vector<16xi32>, vector<16xi32>, vector<16xi32>], vector<16xf32>,
      %gather3A_2259 = tpu.vector_load_idx %arg17[%broadcast_in_dim3A_2257, %add3A_2209, %broadcast_in_dim3A_2255] : memref<4x32x128xf32, #tpu.memory_space<vmem>>[vector<16xi32>, vector<16xi32>, vector<16xi32>], vector<16xf32>,
      %swap3A_2260 = arith.index_cast %add3A_2205 : i32 to index
      %swap3A_2261 = arith.constant 96 : index
      %swap3A_2262 = tpu.vector_load %arg19[%swap3A_2260, %swap3A_2261] {strides = array<i32>} : memref<128x128xf32, #tpu.memory_space<vmem>>, vector<16xf32>,
      tpu.vector_store %arg19[%swap3A_2260, %swap3A_2261], %gather3A_2258 {strides = array<i32>} : memref<128x128xf32, #tpu.memory_space<vmem>>, vector<16xf32>,
      %swap3A_2263 = arith.index_cast %add3A_2205 : i32 to index
      %swap3A_2264 = arith.constant 112 : index
      %swap3A_2265 = tpu.vector_load %arg19[%swap3A_2263, %swap3A_2264] {strides = array<i32>} : memref<128x128xf32, #tpu.memory_space<vmem>>, vector<16xf32>,
      tpu.vector_store %arg19[%swap3A_2263, %swap3A_2264], %gather3A_2259 {strides = array<i32>} : memref<128x128xf32, #tpu.memory_space<vmem>>, vector<16xf32>,
      %add3A_2266 = arith.constant 4 : i32
      %add3A_2267 = arith.addi %mul3A_1561, %add3A_2266 : i32
      %add3A_2268 = arith.constant 3 : i32
      %add3A_2269 = arith.addi %add3A_2267, %add3A_2268 : i32
      %mul3A_2270 = arith.constant 4 : i32
      %mul3A_2271 = arith.muli %add3A_2269, %mul3A_2270 : i32
      %get3A_2272 = arith.index_cast %mul3A_2271 : i32 to index
      %get3A_2273 = tpu.vector_load %arg12[%get3A_2272] {strides = array<i32>} : memref<528xi32, #tpu.memory_space<vmem>>, vector<16xi32>,
      %slice3A_2274 = vector.extract_strided_slice %get3A_2273 {offsets = [0], sizes = [1], strides = [1]} : vector<16xi32> to vector<1xi32>
      %squeeze3A_2275 = vector.extract %slice3A_2274[0] : i32 from vector<1xi32>
      %multiple_of3A_2276 = tpu.assume_multiple %squeeze3A_2275, 128 : i32
      %dma_start3A_2277 = arith.constant 0 : i32
      %dma_start3A_2278 = arith.constant 0 : i32
      %dma_start3A_2279 = arith.constant 0 : i32
      %dma_start3A_2280 = tpu.memref_slice %arg17[%dma_start3A_2277, %dma_start3A_2278, %dma_start3A_2279] : memref<4x32x128xf32, #tpu.memory_space<vmem>> -> memref<1x32x128xf32, #tpu.memory_space<vmem>>
      %dma_start3A_2281 = tpu.memref_squeeze %dma_start3A_2280 : memref<1x32x128xf32, #tpu.memory_space<vmem>> -> memref<32x128xf32, #tpu.memory_space<vmem>>
      %dma_start3A_2282 = arith.constant 0 : i32
      %dma_start3A_2283 = tpu.memref_slice %arg3[%dma_start3A_2282, %multiple_of3A_2276] : memref<32x1000000xf32, #tpu.memory_space<hbm>> -> memref<32x128xf32, #tpu.memory_space<hbm>>
      %dma_start3A_2284 = arith.constant 0 : i32
      %dma_start3A_2285 = arith.constant 0 : i32
      %dma_start3A_2286 = tpu.memref_slice %arg17[%dma_start3A_2277, %dma_start3A_2284, %dma_start3A_2285] : memref<4x32x128xf32, #tpu.memory_space<vmem>> -> memref<1x32x128xf32, #tpu.memory_space<vmem>>
      %dma_start3A_2287 = tpu.memref_squeeze %dma_start3A_2286 : memref<1x32x128xf32, #tpu.memory_space<vmem>> -> memref<32x128xf32, #tpu.memory_space<vmem>>
      %dma_start3A_2288 = arith.constant 0 : i32
      %dma_start3A_2289 = tpu.memref_slice %arg3[%dma_start3A_2288, %multiple_of3A_2276] : memref<32x1000000xf32, #tpu.memory_space<hbm>> -> memref<32x128xf32, #tpu.memory_space<hbm>>
      tpu.enqueue_dma source(%dma_start3A_2289 : memref<32x128xf32, #tpu.memory_space<hbm>>) target(%dma_start3A_2287 : memref<32x128xf32, #tpu.memory_space<vmem>>) target_semaphore(%arg23 : memref<!tpu.dma_semaphore, #tpu.memory_space<semaphore_mem>>)
      %slice3A_2290 = vector.extract_strided_slice %get3A_2273 {offsets = [1], sizes = [1], strides = [1]} : vector<16xi32> to vector<1xi32>
      %squeeze3A_2291 = vector.extract %slice3A_2290[0] : i32 from vector<1xi32>
      %multiple_of3A_2292 = tpu.assume_multiple %squeeze3A_2291, 128 : i32
      %dma_start3A_2293 = arith.constant 1 : i32
      %dma_start3A_2294 = arith.constant 0 : i32
      %dma_start3A_2295 = arith.constant 0 : i32
      %dma_start3A_2296 = tpu.memref_slice %arg17[%dma_start3A_2293, %dma_start3A_2294, %dma_start3A_2295] : memref<4x32x128xf32, #tpu.memory_space<vmem>> -> memref<1x32x128xf32, #tpu.memory_space<vmem>>
      %dma_start3A_2297 = tpu.memref_squeeze %dma_start3A_2296 : memref<1x32x128xf32, #tpu.memory_space<vmem>> -> memref<32x128xf32, #tpu.memory_space<vmem>>
      %dma_start3A_2298 = arith.constant 0 : i32
      %dma_start3A_2299 = tpu.memref_slice %arg3[%dma_start3A_2298, %multiple_of3A_2292] : memref<32x1000000xf32, #tpu.memory_space<hbm>> -> memref<32x128xf32, #tpu.memory_space<hbm>>
      %dma_start3A_2300 = arith.constant 0 : i32
      %dma_start3A_2301 = arith.constant 0 : i32
      %dma_start3A_2302 = tpu.memref_slice %arg17[%dma_start3A_2293, %dma_start3A_2300, %dma_start3A_2301] : memref<4x32x128xf32, #tpu.memory_space<vmem>> -> memref<1x32x128xf32, #tpu.memory_space<vmem>>
      %dma_start3A_2303 = tpu.memref_squeeze %dma_start3A_2302 : memref<1x32x128xf32, #tpu.memory_space<vmem>> -> memref<32x128xf32, #tpu.memory_space<vmem>>
      %dma_start3A_2304 = arith.constant 0 : i32
      %dma_start3A_2305 = tpu.memref_slice %arg3[%dma_start3A_2304, %multiple_of3A_2292] : memref<32x1000000xf32, #tpu.memory_space<hbm>> -> memref<32x128xf32, #tpu.memory_space<hbm>>
      tpu.enqueue_dma source(%dma_start3A_2305 : memref<32x128xf32, #tpu.memory_space<hbm>>) target(%dma_start3A_2303 : memref<32x128xf32, #tpu.memory_space<vmem>>) target_semaphore(%arg23 : memref<!tpu.dma_semaphore, #tpu.memory_space<semaphore_mem>>)
      %slice3A_2306 = vector.extract_strided_slice %get3A_2273 {offsets = [2], sizes = [1], strides = [1]} : vector<16xi32> to vector<1xi32>
      %squeeze3A_2307 = vector.extract %slice3A_2306[0] : i32 from vector<1xi32>
      %multiple_of3A_2308 = tpu.assume_multiple %squeeze3A_2307, 128 : i32
      %dma_start3A_2309 = arith.constant 2 : i32
      %dma_start3A_2310 = arith.constant 0 : i32
      %dma_start3A_2311 = arith.constant 0 : i32
      %dma_start3A_2312 = tpu.memref_slice %arg17[%dma_start3A_2309, %dma_start3A_2310, %dma_start3A_2311] : memref<4x32x128xf32, #tpu.memory_space<vmem>> -> memref<1x32x128xf32, #tpu.memory_space<vmem>>
      %dma_start3A_2313 = tpu.memref_squeeze %dma_start3A_2312 : memref<1x32x128xf32, #tpu.memory_space<vmem>> -> memref<32x128xf32, #tpu.memory_space<vmem>>
      %dma_start3A_2314 = arith.constant 0 : i32
      %dma_start3A_2315 = tpu.memref_slice %arg3[%dma_start3A_2314, %multiple_of3A_2308] : memref<32x1000000xf32, #tpu.memory_space<hbm>> -> memref<32x128xf32, #tpu.memory_space<hbm>>
      %dma_start3A_2316 = arith.constant 0 : i32
      %dma_start3A_2317 = arith.constant 0 : i32
      %dma_start3A_2318 = tpu.memref_slice %arg17[%dma_start3A_2309, %dma_start3A_2316, %dma_start3A_2317] : memref<4x32x128xf32, #tpu.memory_space<vmem>> -> memref<1x32x128xf32, #tpu.memory_space<vmem>>
      %dma_start3A_2319 = tpu.memref_squeeze %dma_start3A_2318 : memref<1x32x128xf32, #tpu.memory_space<vmem>> -> memref<32x128xf32, #tpu.memory_space<vmem>>
      %dma_start3A_2320 = arith.constant 0 : i32
      %dma_start3A_2321 = tpu.memref_slice %arg3[%dma_start3A_2320, %multiple_of3A_2308] : memref<32x1000000xf32, #tpu.memory_space<hbm>> -> memref<32x128xf32, #tpu.memory_space<hbm>>
      tpu.enqueue_dma source(%dma_start3A_2321 : memref<32x128xf32, #tpu.memory_space<hbm>>) target(%dma_start3A_2319 : memref<32x128xf32, #tpu.memory_space<vmem>>) target_semaphore(%arg23 : memref<!tpu.dma_semaphore, #tpu.memory_space<semaphore_mem>>)
      %slice3A_2322 = vector.extract_strided_slice %get3A_2273 {offsets = [3], sizes = [1], strides = [1]} : vector<16xi32> to vector<1xi32>
      %squeeze3A_2323 = vector.extract %slice3A_2322[0] : i32 from vector<1xi32>
      %multiple_of3A_2324 = tpu.assume_multiple %squeeze3A_2323, 128 : i32
      %dma_start3A_2325 = arith.constant 3 : i32
      %dma_start3A_2326 = arith.constant 0 : i32
      %dma_start3A_2327 = arith.constant 0 : i32
      %dma_start3A_2328 = tpu.memref_slice %arg17[%dma_start3A_2325, %dma_start3A_2326, %dma_start3A_2327] : memref<4x32x128xf32, #tpu.memory_space<vmem>> -> memref<1x32x128xf32, #tpu.memory_space<vmem>>
      %dma_start3A_2329 = tpu.memref_squeeze %dma_start3A_2328 : memref<1x32x128xf32, #tpu.memory_space<vmem>> -> memref<32x128xf32, #tpu.memory_space<vmem>>
      %dma_start3A_2330 = arith.constant 0 : i32
      %dma_start3A_2331 = tpu.memref_slice %arg3[%dma_start3A_2330, %multiple_of3A_2324] : memref<32x1000000xf32, #tpu.memory_space<hbm>> -> memref<32x128xf32, #tpu.memory_space<hbm>>
      %dma_start3A_2332 = arith.constant 0 : i32
      %dma_start3A_2333 = arith.constant 0 : i32
      %dma_start3A_2334 = tpu.memref_slice %arg17[%dma_start3A_2325, %dma_start3A_2332, %dma_start3A_2333] : memref<4x32x128xf32, #tpu.memory_space<vmem>> -> memref<1x32x128xf32, #tpu.memory_space<vmem>>
      %dma_start3A_2335 = tpu.memref_squeeze %dma_start3A_2334 : memref<1x32x128xf32, #tpu.memory_space<vmem>> -> memref<32x128xf32, #tpu.memory_space<vmem>>
      %dma_start3A_2336 = arith.constant 0 : i32
      %dma_start3A_2337 = tpu.memref_slice %arg3[%dma_start3A_2336, %multiple_of3A_2324] : memref<32x1000000xf32, #tpu.memory_space<hbm>> -> memref<32x128xf32, #tpu.memory_space<hbm>>
      tpu.enqueue_dma source(%dma_start3A_2337 : memref<32x128xf32, #tpu.memory_space<hbm>>) target(%dma_start3A_2335 : memref<32x128xf32, #tpu.memory_space<vmem>>) target_semaphore(%arg23 : memref<!tpu.dma_semaphore, #tpu.memory_space<semaphore_mem>>)
      %scan3A_2338 = arith.constant 0 : i32
      scf.yield %scan3A_2338 : i32
    }
    %scan3A_1051 = arith.constant 31 : i32
    %dma_wait3A_1052 = arith.constant 0 : i32
    %dma_wait3A_1053 = arith.constant 0 : i32
    %dma_wait3A_1054 = arith.constant 0 : i32
    %dma_wait3A_1055 = tpu.memref_slice %arg14[%dma_wait3A_1052, %dma_wait3A_1053, %dma_wait3A_1054] : memref<4x32x128xf32, #tpu.memory_space<vmem>> -> memref<1x32x128xf32, #tpu.memory_space<vmem>>
    %dma_wait3A_1056 = tpu.memref_squeeze %dma_wait3A_1055 : memref<1x32x128xf32, #tpu.memory_space<vmem>> -> memref<32x128xf32, #tpu.memory_space<vmem>>
    %dma_wait3A_1057 = arith.constant 0 : i32
    %dma_wait3A_1058 = arith.constant 0 : i32
    %dma_wait3A_1059 = tpu.memref_slice %arg3[%dma_wait3A_1057, %dma_wait3A_1058] : memref<32x1000000xf32, #tpu.memory_space<hbm>> -> memref<32x128xf32, #tpu.memory_space<hbm>>
    %dma_wait3A_1060 = arith.constant 0 : i32
    %dma_wait3A_1061 = arith.constant 0 : i32
    %dma_wait3A_1062 = tpu.memref_slice %arg14[%dma_wait3A_1052, %dma_wait3A_1060, %dma_wait3A_1061] : memref<4x32x128xf32, #tpu.memory_space<vmem>> -> memref<1x32x128xf32, #tpu.memory_space<vmem>>
    %dma_wait3A_1063 = tpu.memref_squeeze %dma_wait3A_1062 : memref<1x32x128xf32, #tpu.memory_space<vmem>> -> memref<32x128xf32, #tpu.memory_space<vmem>>
    %dma_wait3A_1064 = arith.constant 0 : i32
    %dma_wait3A_1065 = arith.constant 0 : i32
    %dma_wait3A_1066 = tpu.memref_slice %arg3[%dma_wait3A_1064, %dma_wait3A_1065] : memref<32x1000000xf32, #tpu.memory_space<hbm>> -> memref<32x128xf32, #tpu.memory_space<hbm>>
    tpu.wait_dma2 semaphore(%arg20 : memref<!tpu.dma_semaphore, #tpu.memory_space<semaphore_mem>>) src(%dma_wait3A_1066 : memref<32x128xf32, #tpu.memory_space<hbm>>) dst(%dma_wait3A_1063 : memref<32x128xf32, #tpu.memory_space<vmem>>)
    %dma_wait3A_1067 = arith.constant 1 : i32
    %dma_wait3A_1068 = arith.constant 0 : i32
    %dma_wait3A_1069 = arith.constant 0 : i32
    %dma_wait3A_1070 = tpu.memref_slice %arg14[%dma_wait3A_1067, %dma_wait3A_1068, %dma_wait3A_1069] : memref<4x32x128xf32, #tpu.memory_space<vmem>> -> memref<1x32x128xf32, #tpu.memory_space<vmem>>
    %dma_wait3A_1071 = tpu.memref_squeeze %dma_wait3A_1070 : memref<1x32x128xf32, #tpu.memory_space<vmem>> -> memref<32x128xf32, #tpu.memory_space<vmem>>
    %dma_wait3A_1072 = arith.constant 0 : i32
    %dma_wait3A_1073 = arith.constant 0 : i32
    %dma_wait3A_1074 = tpu.memref_slice %arg3[%dma_wait3A_1072, %dma_wait3A_1073] : memref<32x1000000xf32, #tpu.memory_space<hbm>> -> memref<32x128xf32, #tpu.memory_space<hbm>>
    %dma_wait3A_1075 = arith.constant 0 : i32
    %dma_wait3A_1076 = arith.constant 0 : i32
    %dma_wait3A_1077 = tpu.memref_slice %arg14[%dma_wait3A_1067, %dma_wait3A_1075, %dma_wait3A_1076] : memref<4x32x128xf32, #tpu.memory_space<vmem>> -> memref<1x32x128xf32, #tpu.memory_space<vmem>>
    %dma_wait3A_1078 = tpu.memref_squeeze %dma_wait3A_1077 : memref<1x32x128xf32, #tpu.memory_space<vmem>> -> memref<32x128xf32, #tpu.memory_space<vmem>>
    %dma_wait3A_1079 = arith.constant 0 : i32
    %dma_wait3A_1080 = arith.constant 0 : i32
    %dma_wait3A_1081 = tpu.memref_slice %arg3[%dma_wait3A_1079, %dma_wait3A_1080] : memref<32x1000000xf32, #tpu.memory_space<hbm>> -> memref<32x128xf32, #tpu.memory_space<hbm>>
    tpu.wait_dma2 semaphore(%arg20 : memref<!tpu.dma_semaphore, #tpu.memory_space<semaphore_mem>>) src(%dma_wait3A_1081 : memref<32x128xf32, #tpu.memory_space<hbm>>) dst(%dma_wait3A_1078 : memref<32x128xf32, #tpu.memory_space<vmem>>)
    %dma_wait3A_1082 = arith.constant 2 : i32
    %dma_wait3A_1083 = arith.constant 0 : i32
    %dma_wait3A_1084 = arith.constant 0 : i32
    %dma_wait3A_1085 = tpu.memref_slice %arg14[%dma_wait3A_1082, %dma_wait3A_1083, %dma_wait3A_1084] : memref<4x32x128xf32, #tpu.memory_space<vmem>> -> memref<1x32x128xf32, #tpu.memory_space<vmem>>
    %dma_wait3A_1086 = tpu.memref_squeeze %dma_wait3A_1085 : memref<1x32x128xf32, #tpu.memory_space<vmem>> -> memref<32x128xf32, #tpu.memory_space<vmem>>
    %dma_wait3A_1087 = arith.constant 0 : i32
    %dma_wait3A_1088 = arith.constant 0 : i32
    %dma_wait3A_1089 = tpu.memref_slice %arg3[%dma_wait3A_1087, %dma_wait3A_1088] : memref<32x1000000xf32, #tpu.memory_space<hbm>> -> memref<32x128xf32, #tpu.memory_space<hbm>>
    %dma_wait3A_1090 = arith.constant 0 : i32
    %dma_wait3A_1091 = arith.constant 0 : i32
    %dma_wait3A_1092 = tpu.memref_slice %arg14[%dma_wait3A_1082, %dma_wait3A_1090, %dma_wait3A_1091] : memref<4x32x128xf32, #tpu.memory_space<vmem>> -> memref<1x32x128xf32, #tpu.memory_space<vmem>>
    %dma_wait3A_1093 = tpu.memref_squeeze %dma_wait3A_1092 : memref<1x32x128xf32, #tpu.memory_space<vmem>> -> memref<32x128xf32, #tpu.memory_space<vmem>>
    %dma_wait3A_1094 = arith.constant 0 : i32
    %dma_wait3A_1095 = arith.constant 0 : i32
    %dma_wait3A_1096 = tpu.memref_slice %arg3[%dma_wait3A_1094, %dma_wait3A_1095] : memref<32x1000000xf32, #tpu.memory_space<hbm>> -> memref<32x128xf32, #tpu.memory_space<hbm>>
    tpu.wait_dma2 semaphore(%arg20 : memref<!tpu.dma_semaphore, #tpu.memory_space<semaphore_mem>>) src(%dma_wait3A_1096 : memref<32x128xf32, #tpu.memory_space<hbm>>) dst(%dma_wait3A_1093 : memref<32x128xf32, #tpu.memory_space<vmem>>)
    %dma_wait3A_1097 = arith.constant 3 : i32
    %dma_wait3A_1098 = arith.constant 0 : i32
    %dma_wait3A_1099 = arith.constant 0 : i32
    %dma_wait3A_1100 = tpu.memref_slice %arg14[%dma_wait3A_1097, %dma_wait3A_1098, %dma_wait3A_1099] : memref<4x32x128xf32, #tpu.memory_space<vmem>> -> memref<1x32x128xf32, #tpu.memory_space<vmem>>
    %dma_wait3A_1101 = tpu.memref_squeeze %dma_wait3A_1100 : memref<1x32x128xf32, #tpu.memory_space<vmem>> -> memref<32x128xf32, #tpu.memory_space<vmem>>
    %dma_wait3A_1102 = arith.constant 0 : i32
    %dma_wait3A_1103 = arith.constant 0 : i32
    %dma_wait3A_1104 = tpu.memref_slice %arg3[%dma_wait3A_1102, %dma_wait3A_1103] : memref<32x1000000xf32, #tpu.memory_space<hbm>> -> memref<32x128xf32, #tpu.memory_space<hbm>>
    %dma_wait3A_1105 = arith.constant 0 : i32
    %dma_wait3A_1106 = arith.constant 0 : i32
    %dma_wait3A_1107 = tpu.memref_slice %arg14[%dma_wait3A_1097, %dma_wait3A_1105, %dma_wait3A_1106] : memref<4x32x128xf32, #tpu.memory_space<vmem>> -> memref<1x32x128xf32, #tpu.memory_space<vmem>>
    %dma_wait3A_1108 = tpu.memref_squeeze %dma_wait3A_1107 : memref<1x32x128xf32, #tpu.memory_space<vmem>> -> memref<32x128xf32, #tpu.memory_space<vmem>>
    %dma_wait3A_1109 = arith.constant 0 : i32
    %dma_wait3A_1110 = arith.constant 0 : i32
    %dma_wait3A_1111 = tpu.memref_slice %arg3[%dma_wait3A_1109, %dma_wait3A_1110] : memref<32x1000000xf32, #tpu.memory_space<hbm>> -> memref<32x128xf32, #tpu.memory_space<hbm>>
    tpu.wait_dma2 semaphore(%arg20 : memref<!tpu.dma_semaphore, #tpu.memory_space<semaphore_mem>>) src(%dma_wait3A_1111 : memref<32x128xf32, #tpu.memory_space<hbm>>) dst(%dma_wait3A_1108 : memref<32x128xf32, #tpu.memory_space<vmem>>)
    %iota3A_1112 = tpu.iota {dimensions = array<i32: 0>} : vector<16xi32>
    %add3A_1113 = arith.constant 16 : i32
    %add3A_1114 = vector.broadcast %add3A_1113 : i32 to vector<16xi32>
    %add3A_1115 = arith.addi %iota3A_1112, %add3A_1114 : vector<16xi32>
    %get3A_1116 = arith.constant 496 : index
    %get3A_1117 = tpu.vector_load %arg13[%get3A_1116] {strides = array<i32>} : memref<528xi32, #tpu.memory_space<vmem>>, vector<16xi32>,
    %slice3A_1118 = vector.extract_strided_slice %get3A_1117 {offsets = [0], sizes = [1], strides = [1]} : vector<16xi32> to vector<1xi32>
    %squeeze3A_1119 = vector.extract %slice3A_1118[0] : i32 from vector<1xi32>
    %broadcast_in_dim3A_1120 = vector.broadcast %squeeze3A_1119 : i32 to vector<16xi32>
    %broadcast_in_dim3A_1121 = arith.constant 0 : i32
    %broadcast_in_dim3A_1122 = vector.broadcast %broadcast_in_dim3A_1121 : i32 to vector<16xi32>
    %gather3A_1123 = tpu.vector_load_idx %arg14[%broadcast_in_dim3A_1122, %iota3A_1112, %broadcast_in_dim3A_1120] : memref<4x32x128xf32, #tpu.memory_space<vmem>>[vector<16xi32>, vector<16xi32>, vector<16xi32>], vector<16xf32>,
    %gather3A_1124 = tpu.vector_load_idx %arg14[%broadcast_in_dim3A_1122, %add3A_1115, %broadcast_in_dim3A_1120] : memref<4x32x128xf32, #tpu.memory_space<vmem>>[vector<16xi32>, vector<16xi32>, vector<16xi32>], vector<16xf32>,
    %swap3A_1125 = arith.constant 124 : i32
    %swap3A_1126 = arith.index_cast %swap3A_1125 : i32 to index
    %swap3A_1127 = arith.constant 0 : index
    %swap3A_1128 = tpu.vector_load %arg19[%swap3A_1126, %swap3A_1127] {strides = array<i32>} : memref<128x128xf32, #tpu.memory_space<vmem>>, vector<16xf32>,
    tpu.vector_store %arg19[%swap3A_1126, %swap3A_1127], %gather3A_1123 {strides = array<i32>} : memref<128x128xf32, #tpu.memory_space<vmem>>, vector<16xf32>,
    %swap3A_1129 = arith.constant 124 : i32
    %swap3A_1130 = arith.index_cast %swap3A_1129 : i32 to index
    %swap3A_1131 = arith.constant 16 : index
    %swap3A_1132 = tpu.vector_load %arg19[%swap3A_1130, %swap3A_1131] {strides = array<i32>} : memref<128x128xf32, #tpu.memory_space<vmem>>, vector<16xf32>,
    tpu.vector_store %arg19[%swap3A_1130, %swap3A_1131], %gather3A_1124 {strides = array<i32>} : memref<128x128xf32, #tpu.memory_space<vmem>>, vector<16xf32>,
    %slice3A_1133 = vector.extract_strided_slice %get3A_1117 {offsets = [1], sizes = [1], strides = [1]} : vector<16xi32> to vector<1xi32>
    %squeeze3A_1134 = vector.extract %slice3A_1133[0] : i32 from vector<1xi32>
    %broadcast_in_dim3A_1135 = vector.broadcast %squeeze3A_1134 : i32 to vector<16xi32>
    %broadcast_in_dim3A_1136 = arith.constant 1 : i32
    %broadcast_in_dim3A_1137 = vector.broadcast %broadcast_in_dim3A_1136 : i32 to vector<16xi32>
    %gather3A_1138 = tpu.vector_load_idx %arg14[%broadcast_in_dim3A_1137, %iota3A_1112, %broadcast_in_dim3A_1135] : memref<4x32x128xf32, #tpu.memory_space<vmem>>[vector<16xi32>, vector<16xi32>, vector<16xi32>], vector<16xf32>,
    %gather3A_1139 = tpu.vector_load_idx %arg14[%broadcast_in_dim3A_1137, %add3A_1115, %broadcast_in_dim3A_1135] : memref<4x32x128xf32, #tpu.memory_space<vmem>>[vector<16xi32>, vector<16xi32>, vector<16xi32>], vector<16xf32>,
    %swap3A_1140 = arith.constant 124 : i32
    %swap3A_1141 = arith.index_cast %swap3A_1140 : i32 to index
    %swap3A_1142 = arith.constant 32 : index
    %swap3A_1143 = tpu.vector_load %arg19[%swap3A_1141, %swap3A_1142] {strides = array<i32>} : memref<128x128xf32, #tpu.memory_space<vmem>>, vector<16xf32>,
    tpu.vector_store %arg19[%swap3A_1141, %swap3A_1142], %gather3A_1138 {strides = array<i32>} : memref<128x128xf32, #tpu.memory_space<vmem>>, vector<16xf32>,
    %swap3A_1144 = arith.constant 124 : i32
    %swap3A_1145 = arith.index_cast %swap3A_1144 : i32 to index
    %swap3A_1146 = arith.constant 48 : index
    %swap3A_1147 = tpu.vector_load %arg19[%swap3A_1145, %swap3A_1146] {strides = array<i32>} : memref<128x128xf32, #tpu.memory_space<vmem>>, vector<16xf32>,
    tpu.vector_store %arg19[%swap3A_1145, %swap3A_1146], %gather3A_1139 {strides = array<i32>} : memref<128x128xf32, #tpu.memory_space<vmem>>, vector<16xf32>,
    %slice3A_1148 = vector.extract_strided_slice %get3A_1117 {offsets = [2], sizes = [1], strides = [1]} : vector<16xi32> to vector<1xi32>
    %squeeze3A_1149 = vector.extract %slice3A_1148[0] : i32 from vector<1xi32>
    %broadcast_in_dim3A_1150 = vector.broadcast %squeeze3A_1149 : i32 to vector<16xi32>
    %broadcast_in_dim3A_1151 = arith.constant 2 : i32
    %broadcast_in_dim3A_1152 = vector.broadcast %broadcast_in_dim3A_1151 : i32 to vector<16xi32>
    %gather3A_1153 = tpu.vector_load_idx %arg14[%broadcast_in_dim3A_1152, %iota3A_1112, %broadcast_in_dim3A_1150] : memref<4x32x128xf32, #tpu.memory_space<vmem>>[vector<16xi32>, vector<16xi32>, vector<16xi32>], vector<16xf32>,
    %gather3A_1154 = tpu.vector_load_idx %arg14[%broadcast_in_dim3A_1152, %add3A_1115, %broadcast_in_dim3A_1150] : memref<4x32x128xf32, #tpu.memory_space<vmem>>[vector<16xi32>, vector<16xi32>, vector<16xi32>], vector<16xf32>,
    %swap3A_1155 = arith.constant 124 : i32
    %swap3A_1156 = arith.index_cast %swap3A_1155 : i32 to index
    %swap3A_1157 = arith.constant 64 : index
    %swap3A_1158 = tpu.vector_load %arg19[%swap3A_1156, %swap3A_1157] {strides = array<i32>} : memref<128x128xf32, #tpu.memory_space<vmem>>, vector<16xf32>,
    tpu.vector_store %arg19[%swap3A_1156, %swap3A_1157], %gather3A_1153 {strides = array<i32>} : memref<128x128xf32, #tpu.memory_space<vmem>>, vector<16xf32>,
    %swap3A_1159 = arith.constant 124 : i32
    %swap3A_1160 = arith.index_cast %swap3A_1159 : i32 to index
    %swap3A_1161 = arith.constant 80 : index
    %swap3A_1162 = tpu.vector_load %arg19[%swap3A_1160, %swap3A_1161] {strides = array<i32>} : memref<128x128xf32, #tpu.memory_space<vmem>>, vector<16xf32>,
    tpu.vector_store %arg19[%swap3A_1160, %swap3A_1161], %gather3A_1154 {strides = array<i32>} : memref<128x128xf32, #tpu.memory_space<vmem>>, vector<16xf32>,
    %slice3A_1163 = vector.extract_strided_slice %get3A_1117 {offsets = [3], sizes = [1], strides = [1]} : vector<16xi32> to vector<1xi32>
    %squeeze3A_1164 = vector.extract %slice3A_1163[0] : i32 from vector<1xi32>
    %broadcast_in_dim3A_1165 = vector.broadcast %squeeze3A_1164 : i32 to vector<16xi32>
    %broadcast_in_dim3A_1166 = arith.constant 3 : i32
    %broadcast_in_dim3A_1167 = vector.broadcast %broadcast_in_dim3A_1166 : i32 to vector<16xi32>
    %gather3A_1168 = tpu.vector_load_idx %arg14[%broadcast_in_dim3A_1167, %iota3A_1112, %broadcast_in_dim3A_1165] : memref<4x32x128xf32, #tpu.memory_space<vmem>>[vector<16xi32>, vector<16xi32>, vector<16xi32>], vector<16xf32>,
    %gather3A_1169 = tpu.vector_load_idx %arg14[%broadcast_in_dim3A_1167, %add3A_1115, %broadcast_in_dim3A_1165] : memref<4x32x128xf32, #tpu.memory_space<vmem>>[vector<16xi32>, vector<16xi32>, vector<16xi32>], vector<16xf32>,
    %swap3A_1170 = arith.constant 124 : i32
    %swap3A_1171 = arith.index_cast %swap3A_1170 : i32 to index
    %swap3A_1172 = arith.constant 96 : index
    %swap3A_1173 = tpu.vector_load %arg19[%swap3A_1171, %swap3A_1172] {strides = array<i32>} : memref<128x128xf32, #tpu.memory_space<vmem>>, vector<16xf32>,
    tpu.vector_store %arg19[%swap3A_1171, %swap3A_1172], %gather3A_1168 {strides = array<i32>} : memref<128x128xf32, #tpu.memory_space<vmem>>, vector<16xf32>,
    %swap3A_1174 = arith.constant 124 : i32
    %swap3A_1175 = arith.index_cast %swap3A_1174 : i32 to index
    %swap3A_1176 = arith.constant 112 : index
    %swap3A_1177 = tpu.vector_load %arg19[%swap3A_1175, %swap3A_1176] {strides = array<i32>} : memref<128x128xf32, #tpu.memory_space<vmem>>, vector<16xf32>,
    tpu.vector_store %arg19[%swap3A_1175, %swap3A_1176], %gather3A_1169 {strides = array<i32>} : memref<128x128xf32, #tpu.memory_space<vmem>>, vector<16xf32>,
    %dma_wait3A_1178 = arith.constant 0 : i32
    %dma_wait3A_1179 = arith.constant 0 : i32
    %dma_wait3A_1180 = arith.constant 0 : i32
    %dma_wait3A_1181 = tpu.memref_slice %arg15[%dma_wait3A_1178, %dma_wait3A_1179, %dma_wait3A_1180] : memref<4x32x128xf32, #tpu.memory_space<vmem>> -> memref<1x32x128xf32, #tpu.memory_space<vmem>>
    %dma_wait3A_1182 = tpu.memref_squeeze %dma_wait3A_1181 : memref<1x32x128xf32, #tpu.memory_space<vmem>> -> memref<32x128xf32, #tpu.memory_space<vmem>>
    %dma_wait3A_1183 = arith.constant 0 : i32
    %dma_wait3A_1184 = arith.constant 0 : i32
    %dma_wait3A_1185 = tpu.memref_slice %arg3[%dma_wait3A_1183, %dma_wait3A_1184] : memref<32x1000000xf32, #tpu.memory_space<hbm>> -> memref<32x128xf32, #tpu.memory_space<hbm>>
    %dma_wait3A_1186 = arith.constant 0 : i32
    %dma_wait3A_1187 = arith.constant 0 : i32
    %dma_wait3A_1188 = tpu.memref_slice %arg15[%dma_wait3A_1178, %dma_wait3A_1186, %dma_wait3A_1187] : memref<4x32x128xf32, #tpu.memory_space<vmem>> -> memref<1x32x128xf32, #tpu.memory_space<vmem>>
    %dma_wait3A_1189 = tpu.memref_squeeze %dma_wait3A_1188 : memref<1x32x128xf32, #tpu.memory_space<vmem>> -> memref<32x128xf32, #tpu.memory_space<vmem>>
    %dma_wait3A_1190 = arith.constant 0 : i32
    %dma_wait3A_1191 = arith.constant 0 : i32
    %dma_wait3A_1192 = tpu.memref_slice %arg3[%dma_wait3A_1190, %dma_wait3A_1191] : memref<32x1000000xf32, #tpu.memory_space<hbm>> -> memref<32x128xf32, #tpu.memory_space<hbm>>
    tpu.wait_dma2 semaphore(%arg21 : memref<!tpu.dma_semaphore, #tpu.memory_space<semaphore_mem>>) src(%dma_wait3A_1192 : memref<32x128xf32, #tpu.memory_space<hbm>>) dst(%dma_wait3A_1189 : memref<32x128xf32, #tpu.memory_space<vmem>>)
    %dma_wait3A_1193 = arith.constant 1 : i32
    %dma_wait3A_1194 = arith.constant 0 : i32
    %dma_wait3A_1195 = arith.constant 0 : i32
    %dma_wait3A_1196 = tpu.memref_slice %arg15[%dma_wait3A_1193, %dma_wait3A_1194, %dma_wait3A_1195] : memref<4x32x128xf32, #tpu.memory_space<vmem>> -> memref<1x32x128xf32, #tpu.memory_space<vmem>>
    %dma_wait3A_1197 = tpu.memref_squeeze %dma_wait3A_1196 : memref<1x32x128xf32, #tpu.memory_space<vmem>> -> memref<32x128xf32, #tpu.memory_space<vmem>>
    %dma_wait3A_1198 = arith.constant 0 : i32
    %dma_wait3A_1199 = arith.constant 0 : i32
    %dma_wait3A_1200 = tpu.memref_slice %arg3[%dma_wait3A_1198, %dma_wait3A_1199] : memref<32x1000000xf32, #tpu.memory_space<hbm>> -> memref<32x128xf32, #tpu.memory_space<hbm>>
    %dma_wait3A_1201 = arith.constant 0 : i32
    %dma_wait3A_1202 = arith.constant 0 : i32
    %dma_wait3A_1203 = tpu.memref_slice %arg15[%dma_wait3A_1193, %dma_wait3A_1201, %dma_wait3A_1202] : memref<4x32x128xf32, #tpu.memory_space<vmem>> -> memref<1x32x128xf32, #tpu.memory_space<vmem>>
    %dma_wait3A_1204 = tpu.memref_squeeze %dma_wait3A_1203 : memref<1x32x128xf32, #tpu.memory_space<vmem>> -> memref<32x128xf32, #tpu.memory_space<vmem>>
    %dma_wait3A_1205 = arith.constant 0 : i32
    %dma_wait3A_1206 = arith.constant 0 : i32
    %dma_wait3A_1207 = tpu.memref_slice %arg3[%dma_wait3A_1205, %dma_wait3A_1206] : memref<32x1000000xf32, #tpu.memory_space<hbm>> -> memref<32x128xf32, #tpu.memory_space<hbm>>
    tpu.wait_dma2 semaphore(%arg21 : memref<!tpu.dma_semaphore, #tpu.memory_space<semaphore_mem>>) src(%dma_wait3A_1207 : memref<32x128xf32, #tpu.memory_space<hbm>>) dst(%dma_wait3A_1204 : memref<32x128xf32, #tpu.memory_space<vmem>>)
    %dma_wait3A_1208 = arith.constant 2 : i32
    %dma_wait3A_1209 = arith.constant 0 : i32
    %dma_wait3A_1210 = arith.constant 0 : i32
    %dma_wait3A_1211 = tpu.memref_slice %arg15[%dma_wait3A_1208, %dma_wait3A_1209, %dma_wait3A_1210] : memref<4x32x128xf32, #tpu.memory_space<vmem>> -> memref<1x32x128xf32, #tpu.memory_space<vmem>>
    %dma_wait3A_1212 = tpu.memref_squeeze %dma_wait3A_1211 : memref<1x32x128xf32, #tpu.memory_space<vmem>> -> memref<32x128xf32, #tpu.memory_space<vmem>>
    %dma_wait3A_1213 = arith.constant 0 : i32
    %dma_wait3A_1214 = arith.constant 0 : i32
    %dma_wait3A_1215 = tpu.memref_slice %arg3[%dma_wait3A_1213, %dma_wait3A_1214] : memref<32x1000000xf32, #tpu.memory_space<hbm>> -> memref<32x128xf32, #tpu.memory_space<hbm>>
    %dma_wait3A_1216 = arith.constant 0 : i32
    %dma_wait3A_1217 = arith.constant 0 : i32
    %dma_wait3A_1218 = tpu.memref_slice %arg15[%dma_wait3A_1208, %dma_wait3A_1216, %dma_wait3A_1217] : memref<4x32x128xf32, #tpu.memory_space<vmem>> -> memref<1x32x128xf32, #tpu.memory_space<vmem>>
    %dma_wait3A_1219 = tpu.memref_squeeze %dma_wait3A_1218 : memref<1x32x128xf32, #tpu.memory_space<vmem>> -> memref<32x128xf32, #tpu.memory_space<vmem>>
    %dma_wait3A_1220 = arith.constant 0 : i32
    %dma_wait3A_1221 = arith.constant 0 : i32
    %dma_wait3A_1222 = tpu.memref_slice %arg3[%dma_wait3A_1220, %dma_wait3A_1221] : memref<32x1000000xf32, #tpu.memory_space<hbm>> -> memref<32x128xf32, #tpu.memory_space<hbm>>
    tpu.wait_dma2 semaphore(%arg21 : memref<!tpu.dma_semaphore, #tpu.memory_space<semaphore_mem>>) src(%dma_wait3A_1222 : memref<32x128xf32, #tpu.memory_space<hbm>>) dst(%dma_wait3A_1219 : memref<32x128xf32, #tpu.memory_space<vmem>>)
    %dma_wait3A_1223 = arith.constant 3 : i32
    %dma_wait3A_1224 = arith.constant 0 : i32
    %dma_wait3A_1225 = arith.constant 0 : i32
    %dma_wait3A_1226 = tpu.memref_slice %arg15[%dma_wait3A_1223, %dma_wait3A_1224, %dma_wait3A_1225] : memref<4x32x128xf32, #tpu.memory_space<vmem>> -> memref<1x32x128xf32, #tpu.memory_space<vmem>>
    %dma_wait3A_1227 = tpu.memref_squeeze %dma_wait3A_1226 : memref<1x32x128xf32, #tpu.memory_space<vmem>> -> memref<32x128xf32, #tpu.memory_space<vmem>>
    %dma_wait3A_1228 = arith.constant 0 : i32
    %dma_wait3A_1229 = arith.constant 0 : i32
    %dma_wait3A_1230 = tpu.memref_slice %arg3[%dma_wait3A_1228, %dma_wait3A_1229] : memref<32x1000000xf32, #tpu.memory_space<hbm>> -> memref<32x128xf32, #tpu.memory_space<hbm>>
    %dma_wait3A_1231 = arith.constant 0 : i32
    %dma_wait3A_1232 = arith.constant 0 : i32
    %dma_wait3A_1233 = tpu.memref_slice %arg15[%dma_wait3A_1223, %dma_wait3A_1231, %dma_wait3A_1232] : memref<4x32x128xf32, #tpu.memory_space<vmem>> -> memref<1x32x128xf32, #tpu.memory_space<vmem>>
    %dma_wait3A_1234 = tpu.memref_squeeze %dma_wait3A_1233 : memref<1x32x128xf32, #tpu.memory_space<vmem>> -> memref<32x128xf32, #tpu.memory_space<vmem>>
    %dma_wait3A_1235 = arith.constant 0 : i32
    %dma_wait3A_1236 = arith.constant 0 : i32
    %dma_wait3A_1237 = tpu.memref_slice %arg3[%dma_wait3A_1235, %dma_wait3A_1236] : memref<32x1000000xf32, #tpu.memory_space<hbm>> -> memref<32x128xf32, #tpu.memory_space<hbm>>
    tpu.wait_dma2 semaphore(%arg21 : memref<!tpu.dma_semaphore, #tpu.memory_space<semaphore_mem>>) src(%dma_wait3A_1237 : memref<32x128xf32, #tpu.memory_space<hbm>>) dst(%dma_wait3A_1234 : memref<32x128xf32, #tpu.memory_space<vmem>>)
    %iota3A_1238 = tpu.iota {dimensions = array<i32: 0>} : vector<16xi32>
    %add3A_1239 = arith.constant 16 : i32
    %add3A_1240 = vector.broadcast %add3A_1239 : i32 to vector<16xi32>
    %add3A_1241 = arith.addi %iota3A_1238, %add3A_1240 : vector<16xi32>
    %get3A_1242 = arith.constant 500 : index
    %get3A_1243 = tpu.vector_load %arg13[%get3A_1242] {strides = array<i32>} : memref<528xi32, #tpu.memory_space<vmem>>, vector<16xi32>,
    %slice3A_1244 = vector.extract_strided_slice %get3A_1243 {offsets = [0], sizes = [1], strides = [1]} : vector<16xi32> to vector<1xi32>
    %squeeze3A_1245 = vector.extract %slice3A_1244[0] : i32 from vector<1xi32>
    %broadcast_in_dim3A_1246 = vector.broadcast %squeeze3A_1245 : i32 to vector<16xi32>
    %broadcast_in_dim3A_1247 = arith.constant 0 : i32
    %broadcast_in_dim3A_1248 = vector.broadcast %broadcast_in_dim3A_1247 : i32 to vector<16xi32>
    %gather3A_1249 = tpu.vector_load_idx %arg15[%broadcast_in_dim3A_1248, %iota3A_1238, %broadcast_in_dim3A_1246] : memref<4x32x128xf32, #tpu.memory_space<vmem>>[vector<16xi32>, vector<16xi32>, vector<16xi32>], vector<16xf32>,
    %gather3A_1250 = tpu.vector_load_idx %arg15[%broadcast_in_dim3A_1248, %add3A_1241, %broadcast_in_dim3A_1246] : memref<4x32x128xf32, #tpu.memory_space<vmem>>[vector<16xi32>, vector<16xi32>, vector<16xi32>], vector<16xf32>,
    %swap3A_1251 = arith.constant 125 : i32
    %swap3A_1252 = arith.index_cast %swap3A_1251 : i32 to index
    %swap3A_1253 = arith.constant 0 : index
    %swap3A_1254 = tpu.vector_load %arg19[%swap3A_1252, %swap3A_1253] {strides = array<i32>} : memref<128x128xf32, #tpu.memory_space<vmem>>, vector<16xf32>,
    tpu.vector_store %arg19[%swap3A_1252, %swap3A_1253], %gather3A_1249 {strides = array<i32>} : memref<128x128xf32, #tpu.memory_space<vmem>>, vector<16xf32>,
    %swap3A_1255 = arith.constant 125 : i32
    %swap3A_1256 = arith.index_cast %swap3A_1255 : i32 to index
    %swap3A_1257 = arith.constant 16 : index
    %swap3A_1258 = tpu.vector_load %arg19[%swap3A_1256, %swap3A_1257] {strides = array<i32>} : memref<128x128xf32, #tpu.memory_space<vmem>>, vector<16xf32>,
    tpu.vector_store %arg19[%swap3A_1256, %swap3A_1257], %gather3A_1250 {strides = array<i32>} : memref<128x128xf32, #tpu.memory_space<vmem>>, vector<16xf32>,
    %slice3A_1259 = vector.extract_strided_slice %get3A_1243 {offsets = [1], sizes = [1], strides = [1]} : vector<16xi32> to vector<1xi32>
    %squeeze3A_1260 = vector.extract %slice3A_1259[0] : i32 from vector<1xi32>
    %broadcast_in_dim3A_1261 = vector.broadcast %squeeze3A_1260 : i32 to vector<16xi32>
    %broadcast_in_dim3A_1262 = arith.constant 1 : i32
    %broadcast_in_dim3A_1263 = vector.broadcast %broadcast_in_dim3A_1262 : i32 to vector<16xi32>
    %gather3A_1264 = tpu.vector_load_idx %arg15[%broadcast_in_dim3A_1263, %iota3A_1238, %broadcast_in_dim3A_1261] : memref<4x32x128xf32, #tpu.memory_space<vmem>>[vector<16xi32>, vector<16xi32>, vector<16xi32>], vector<16xf32>,
    %gather3A_1265 = tpu.vector_load_idx %arg15[%broadcast_in_dim3A_1263, %add3A_1241, %broadcast_in_dim3A_1261] : memref<4x32x128xf32, #tpu.memory_space<vmem>>[vector<16xi32>, vector<16xi32>, vector<16xi32>], vector<16xf32>,
    %swap3A_1266 = arith.constant 125 : i32
    %swap3A_1267 = arith.index_cast %swap3A_1266 : i32 to index
    %swap3A_1268 = arith.constant 32 : index
    %swap3A_1269 = tpu.vector_load %arg19[%swap3A_1267, %swap3A_1268] {strides = array<i32>} : memref<128x128xf32, #tpu.memory_space<vmem>>, vector<16xf32>,
    tpu.vector_store %arg19[%swap3A_1267, %swap3A_1268], %gather3A_1264 {strides = array<i32>} : memref<128x128xf32, #tpu.memory_space<vmem>>, vector<16xf32>,
    %swap3A_1270 = arith.constant 125 : i32
    %swap3A_1271 = arith.index_cast %swap3A_1270 : i32 to index
    %swap3A_1272 = arith.constant 48 : index
    %swap3A_1273 = tpu.vector_load %arg19[%swap3A_1271, %swap3A_1272] {strides = array<i32>} : memref<128x128xf32, #tpu.memory_space<vmem>>, vector<16xf32>,
    tpu.vector_store %arg19[%swap3A_1271, %swap3A_1272], %gather3A_1265 {strides = array<i32>} : memref<128x128xf32, #tpu.memory_space<vmem>>, vector<16xf32>,
    %slice3A_1274 = vector.extract_strided_slice %get3A_1243 {offsets = [2], sizes = [1], strides = [1]} : vector<16xi32> to vector<1xi32>
    %squeeze3A_1275 = vector.extract %slice3A_1274[0] : i32 from vector<1xi32>
    %broadcast_in_dim3A_1276 = vector.broadcast %squeeze3A_1275 : i32 to vector<16xi32>
    %broadcast_in_dim3A_1277 = arith.constant 2 : i32
    %broadcast_in_dim3A_1278 = vector.broadcast %broadcast_in_dim3A_1277 : i32 to vector<16xi32>
    %gather3A_1279 = tpu.vector_load_idx %arg15[%broadcast_in_dim3A_1278, %iota3A_1238, %broadcast_in_dim3A_1276] : memref<4x32x128xf32, #tpu.memory_space<vmem>>[vector<16xi32>, vector<16xi32>, vector<16xi32>], vector<16xf32>,
    %gather3A_1280 = tpu.vector_load_idx %arg15[%broadcast_in_dim3A_1278, %add3A_1241, %broadcast_in_dim3A_1276] : memref<4x32x128xf32, #tpu.memory_space<vmem>>[vector<16xi32>, vector<16xi32>, vector<16xi32>], vector<16xf32>,
    %swap3A_1281 = arith.constant 125 : i32
    %swap3A_1282 = arith.index_cast %swap3A_1281 : i32 to index
    %swap3A_1283 = arith.constant 64 : index
    %swap3A_1284 = tpu.vector_load %arg19[%swap3A_1282, %swap3A_1283] {strides = array<i32>} : memref<128x128xf32, #tpu.memory_space<vmem>>, vector<16xf32>,
    tpu.vector_store %arg19[%swap3A_1282, %swap3A_1283], %gather3A_1279 {strides = array<i32>} : memref<128x128xf32, #tpu.memory_space<vmem>>, vector<16xf32>,
    %swap3A_1285 = arith.constant 125 : i32
    %swap3A_1286 = arith.index_cast %swap3A_1285 : i32 to index
    %swap3A_1287 = arith.constant 80 : index
    %swap3A_1288 = tpu.vector_load %arg19[%swap3A_1286, %swap3A_1287] {strides = array<i32>} : memref<128x128xf32, #tpu.memory_space<vmem>>, vector<16xf32>,
    tpu.vector_store %arg19[%swap3A_1286, %swap3A_1287], %gather3A_1280 {strides = array<i32>} : memref<128x128xf32, #tpu.memory_space<vmem>>, vector<16xf32>,
    %slice3A_1289 = vector.extract_strided_slice %get3A_1243 {offsets = [3], sizes = [1], strides = [1]} : vector<16xi32> to vector<1xi32>
    %squeeze3A_1290 = vector.extract %slice3A_1289[0] : i32 from vector<1xi32>
    %broadcast_in_dim3A_1291 = vector.broadcast %squeeze3A_1290 : i32 to vector<16xi32>
    %broadcast_in_dim3A_1292 = arith.constant 3 : i32
    %broadcast_in_dim3A_1293 = vector.broadcast %broadcast_in_dim3A_1292 : i32 to vector<16xi32>
    %gather3A_1294 = tpu.vector_load_idx %arg15[%broadcast_in_dim3A_1293, %iota3A_1238, %broadcast_in_dim3A_1291] : memref<4x32x128xf32, #tpu.memory_space<vmem>>[vector<16xi32>, vector<16xi32>, vector<16xi32>], vector<16xf32>,
    %gather3A_1295 = tpu.vector_load_idx %arg15[%broadcast_in_dim3A_1293, %add3A_1241, %broadcast_in_dim3A_1291] : memref<4x32x128xf32, #tpu.memory_space<vmem>>[vector<16xi32>, vector<16xi32>, vector<16xi32>], vector<16xf32>,
    %swap3A_1296 = arith.constant 125 : i32
    %swap3A_1297 = arith.index_cast %swap3A_1296 : i32 to index
    %swap3A_1298 = arith.constant 96 : index
    %swap3A_1299 = tpu.vector_load %arg19[%swap3A_1297, %swap3A_1298] {strides = array<i32>} : memref<128x128xf32, #tpu.memory_space<vmem>>, vector<16xf32>,
    tpu.vector_store %arg19[%swap3A_1297, %swap3A_1298], %gather3A_1294 {strides = array<i32>} : memref<128x128xf32, #tpu.memory_space<vmem>>, vector<16xf32>,
    %swap3A_1300 = arith.constant 125 : i32
    %swap3A_1301 = arith.index_cast %swap3A_1300 : i32 to index
    %swap3A_1302 = arith.constant 112 : index
    %swap3A_1303 = tpu.vector_load %arg19[%swap3A_1301, %swap3A_1302] {strides = array<i32>} : memref<128x128xf32, #tpu.memory_space<vmem>>, vector<16xf32>,
    tpu.vector_store %arg19[%swap3A_1301, %swap3A_1302], %gather3A_1295 {strides = array<i32>} : memref<128x128xf32, #tpu.memory_space<vmem>>, vector<16xf32>,
    %dma_wait3A_1304 = arith.constant 0 : i32
    %dma_wait3A_1305 = arith.constant 0 : i32
    %dma_wait3A_1306 = arith.constant 0 : i32
    %dma_wait3A_1307 = tpu.memref_slice %arg16[%dma_wait3A_1304, %dma_wait3A_1305, %dma_wait3A_1306] : memref<4x32x128xf32, #tpu.memory_space<vmem>> -> memref<1x32x128xf32, #tpu.memory_space<vmem>>
    %dma_wait3A_1308 = tpu.memref_squeeze %dma_wait3A_1307 : memref<1x32x128xf32, #tpu.memory_space<vmem>> -> memref<32x128xf32, #tpu.memory_space<vmem>>
    %dma_wait3A_1309 = arith.constant 0 : i32
    %dma_wait3A_1310 = arith.constant 0 : i32
    %dma_wait3A_1311 = tpu.memref_slice %arg3[%dma_wait3A_1309, %dma_wait3A_1310] : memref<32x1000000xf32, #tpu.memory_space<hbm>> -> memref<32x128xf32, #tpu.memory_space<hbm>>
    %dma_wait3A_1312 = arith.constant 0 : i32
    %dma_wait3A_1313 = arith.constant 0 : i32
    %dma_wait3A_1314 = tpu.memref_slice %arg16[%dma_wait3A_1304, %dma_wait3A_1312, %dma_wait3A_1313] : memref<4x32x128xf32, #tpu.memory_space<vmem>> -> memref<1x32x128xf32, #tpu.memory_space<vmem>>
    %dma_wait3A_1315 = tpu.memref_squeeze %dma_wait3A_1314 : memref<1x32x128xf32, #tpu.memory_space<vmem>> -> memref<32x128xf32, #tpu.memory_space<vmem>>
    %dma_wait3A_1316 = arith.constant 0 : i32
    %dma_wait3A_1317 = arith.constant 0 : i32
    %dma_wait3A_1318 = tpu.memref_slice %arg3[%dma_wait3A_1316, %dma_wait3A_1317] : memref<32x1000000xf32, #tpu.memory_space<hbm>> -> memref<32x128xf32, #tpu.memory_space<hbm>>
    tpu.wait_dma2 semaphore(%arg22 : memref<!tpu.dma_semaphore, #tpu.memory_space<semaphore_mem>>) src(%dma_wait3A_1318 : memref<32x128xf32, #tpu.memory_space<hbm>>) dst(%dma_wait3A_1315 : memref<32x128xf32, #tpu.memory_space<vmem>>)
    %dma_wait3A_1319 = arith.constant 1 : i32
    %dma_wait3A_1320 = arith.constant 0 : i32
    %dma_wait3A_1321 = arith.constant 0 : i32
    %dma_wait3A_1322 = tpu.memref_slice %arg16[%dma_wait3A_1319, %dma_wait3A_1320, %dma_wait3A_1321] : memref<4x32x128xf32, #tpu.memory_space<vmem>> -> memref<1x32x128xf32, #tpu.memory_space<vmem>>
    %dma_wait3A_1323 = tpu.memref_squeeze %dma_wait3A_1322 : memref<1x32x128xf32, #tpu.memory_space<vmem>> -> memref<32x128xf32, #tpu.memory_space<vmem>>
    %dma_wait3A_1324 = arith.constant 0 : i32
    %dma_wait3A_1325 = arith.constant 0 : i32
    %dma_wait3A_1326 = tpu.memref_slice %arg3[%dma_wait3A_1324, %dma_wait3A_1325] : memref<32x1000000xf32, #tpu.memory_space<hbm>> -> memref<32x128xf32, #tpu.memory_space<hbm>>
    %dma_wait3A_1327 = arith.constant 0 : i32
    %dma_wait3A_1328 = arith.constant 0 : i32
    %dma_wait3A_1329 = tpu.memref_slice %arg16[%dma_wait3A_1319, %dma_wait3A_1327, %dma_wait3A_1328] : memref<4x32x128xf32, #tpu.memory_space<vmem>> -> memref<1x32x128xf32, #tpu.memory_space<vmem>>
    %dma_wait3A_1330 = tpu.memref_squeeze %dma_wait3A_1329 : memref<1x32x128xf32, #tpu.memory_space<vmem>> -> memref<32x128xf32, #tpu.memory_space<vmem>>
    %dma_wait3A_1331 = arith.constant 0 : i32
    %dma_wait3A_1332 = arith.constant 0 : i32
    %dma_wait3A_1333 = tpu.memref_slice %arg3[%dma_wait3A_1331, %dma_wait3A_1332] : memref<32x1000000xf32, #tpu.memory_space<hbm>> -> memref<32x128xf32, #tpu.memory_space<hbm>>
    tpu.wait_dma2 semaphore(%arg22 : memref<!tpu.dma_semaphore, #tpu.memory_space<semaphore_mem>>) src(%dma_wait3A_1333 : memref<32x128xf32, #tpu.memory_space<hbm>>) dst(%dma_wait3A_1330 : memref<32x128xf32, #tpu.memory_space<vmem>>)
    %dma_wait3A_1334 = arith.constant 2 : i32
    %dma_wait3A_1335 = arith.constant 0 : i32
    %dma_wait3A_1336 = arith.constant 0 : i32
    %dma_wait3A_1337 = tpu.memref_slice %arg16[%dma_wait3A_1334, %dma_wait3A_1335, %dma_wait3A_1336] : memref<4x32x128xf32, #tpu.memory_space<vmem>> -> memref<1x32x128xf32, #tpu.memory_space<vmem>>
    %dma_wait3A_1338 = tpu.memref_squeeze %dma_wait3A_1337 : memref<1x32x128xf32, #tpu.memory_space<vmem>> -> memref<32x128xf32, #tpu.memory_space<vmem>>
    %dma_wait3A_1339 = arith.constant 0 : i32
    %dma_wait3A_1340 = arith.constant 0 : i32
    %dma_wait3A_1341 = tpu.memref_slice %arg3[%dma_wait3A_1339, %dma_wait3A_1340] : memref<32x1000000xf32, #tpu.memory_space<hbm>> -> memref<32x128xf32, #tpu.memory_space<hbm>>
    %dma_wait3A_1342 = arith.constant 0 : i32
    %dma_wait3A_1343 = arith.constant 0 : i32
    %dma_wait3A_1344 = tpu.memref_slice %arg16[%dma_wait3A_1334, %dma_wait3A_1342, %dma_wait3A_1343] : memref<4x32x128xf32, #tpu.memory_space<vmem>> -> memref<1x32x128xf32, #tpu.memory_space<vmem>>
    %dma_wait3A_1345 = tpu.memref_squeeze %dma_wait3A_1344 : memref<1x32x128xf32, #tpu.memory_space<vmem>> -> memref<32x128xf32, #tpu.memory_space<vmem>>
    %dma_wait3A_1346 = arith.constant 0 : i32
    %dma_wait3A_1347 = arith.constant 0 : i32
    %dma_wait3A_1348 = tpu.memref_slice %arg3[%dma_wait3A_1346, %dma_wait3A_1347] : memref<32x1000000xf32, #tpu.memory_space<hbm>> -> memref<32x128xf32, #tpu.memory_space<hbm>>
    tpu.wait_dma2 semaphore(%arg22 : memref<!tpu.dma_semaphore, #tpu.memory_space<semaphore_mem>>) src(%dma_wait3A_1348 : memref<32x128xf32, #tpu.memory_space<hbm>>) dst(%dma_wait3A_1345 : memref<32x128xf32, #tpu.memory_space<vmem>>)
    %dma_wait3A_1349 = arith.constant 3 : i32
    %dma_wait3A_1350 = arith.constant 0 : i32
    %dma_wait3A_1351 = arith.constant 0 : i32
    %dma_wait3A_1352 = tpu.memref_slice %arg16[%dma_wait3A_1349, %dma_wait3A_1350, %dma_wait3A_1351] : memref<4x32x128xf32, #tpu.memory_space<vmem>> -> memref<1x32x128xf32, #tpu.memory_space<vmem>>
    %dma_wait3A_1353 = tpu.memref_squeeze %dma_wait3A_1352 : memref<1x32x128xf32, #tpu.memory_space<vmem>> -> memref<32x128xf32, #tpu.memory_space<vmem>>
    %dma_wait3A_1354 = arith.constant 0 : i32
    %dma_wait3A_1355 = arith.constant 0 : i32
    %dma_wait3A_1356 = tpu.memref_slice %arg3[%dma_wait3A_1354, %dma_wait3A_1355] : memref<32x1000000xf32, #tpu.memory_space<hbm>> -> memref<32x128xf32, #tpu.memory_space<hbm>>
    %dma_wait3A_1357 = arith.constant 0 : i32
    %dma_wait3A_1358 = arith.constant 0 : i32
    %dma_wait3A_1359 = tpu.memref_slice %arg16[%dma_wait3A_1349, %dma_wait3A_1357, %dma_wait3A_1358] : memref<4x32x128xf32, #tpu.memory_space<vmem>> -> memref<1x32x128xf32, #tpu.memory_space<vmem>>
    %dma_wait3A_1360 = tpu.memref_squeeze %dma_wait3A_1359 : memref<1x32x128xf32, #tpu.memory_space<vmem>> -> memref<32x128xf32, #tpu.memory_space<vmem>>
    %dma_wait3A_1361 = arith.constant 0 : i32
    %dma_wait3A_1362 = arith.constant 0 : i32
    %dma_wait3A_1363 = tpu.memref_slice %arg3[%dma_wait3A_1361, %dma_wait3A_1362] : memref<32x1000000xf32, #tpu.memory_space<hbm>> -> memref<32x128xf32, #tpu.memory_space<hbm>>
    tpu.wait_dma2 semaphore(%arg22 : memref<!tpu.dma_semaphore, #tpu.memory_space<semaphore_mem>>) src(%dma_wait3A_1363 : memref<32x128xf32, #tpu.memory_space<hbm>>) dst(%dma_wait3A_1360 : memref<32x128xf32, #tpu.memory_space<vmem>>)
    %iota3A_1364 = tpu.iota {dimensions = array<i32: 0>} : vector<16xi32>
    %add3A_1365 = arith.constant 16 : i32
    %add3A_1366 = vector.broadcast %add3A_1365 : i32 to vector<16xi32>
    %add3A_1367 = arith.addi %iota3A_1364, %add3A_1366 : vector<16xi32>
    %get3A_1368 = arith.constant 504 : index
    %get3A_1369 = tpu.vector_load %arg13[%get3A_1368] {strides = array<i32>} : memref<528xi32, #tpu.memory_space<vmem>>, vector<16xi32>,
    %slice3A_1370 = vector.extract_strided_slice %get3A_1369 {offsets = [0], sizes = [1], strides = [1]} : vector<16xi32> to vector<1xi32>
    %squeeze3A_1371 = vector.extract %slice3A_1370[0] : i32 from vector<1xi32>
    %broadcast_in_dim3A_1372 = vector.broadcast %squeeze3A_1371 : i32 to vector<16xi32>
    %broadcast_in_dim3A_1373 = arith.constant 0 : i32
    %broadcast_in_dim3A_1374 = vector.broadcast %broadcast_in_dim3A_1373 : i32 to vector<16xi32>
    %gather3A_1375 = tpu.vector_load_idx %arg16[%broadcast_in_dim3A_1374, %iota3A_1364, %broadcast_in_dim3A_1372] : memref<4x32x128xf32, #tpu.memory_space<vmem>>[vector<16xi32>, vector<16xi32>, vector<16xi32>], vector<16xf32>,
    %gather3A_1376 = tpu.vector_load_idx %arg16[%broadcast_in_dim3A_1374, %add3A_1367, %broadcast_in_dim3A_1372] : memref<4x32x128xf32, #tpu.memory_space<vmem>>[vector<16xi32>, vector<16xi32>, vector<16xi32>], vector<16xf32>,
    %swap3A_1377 = arith.constant 126 : i32
    %swap3A_1378 = arith.index_cast %swap3A_1377 : i32 to index
    %swap3A_1379 = arith.constant 0 : index
    %swap3A_1380 = tpu.vector_load %arg19[%swap3A_1378, %swap3A_1379] {strides = array<i32>} : memref<128x128xf32, #tpu.memory_space<vmem>>, vector<16xf32>,
    tpu.vector_store %arg19[%swap3A_1378, %swap3A_1379], %gather3A_1375 {strides = array<i32>} : memref<128x128xf32, #tpu.memory_space<vmem>>, vector<16xf32>,
    %swap3A_1381 = arith.constant 126 : i32
    %swap3A_1382 = arith.index_cast %swap3A_1381 : i32 to index
    %swap3A_1383 = arith.constant 16 : index
    %swap3A_1384 = tpu.vector_load %arg19[%swap3A_1382, %swap3A_1383] {strides = array<i32>} : memref<128x128xf32, #tpu.memory_space<vmem>>, vector<16xf32>,
    tpu.vector_store %arg19[%swap3A_1382, %swap3A_1383], %gather3A_1376 {strides = array<i32>} : memref<128x128xf32, #tpu.memory_space<vmem>>, vector<16xf32>,
    %slice3A_1385 = vector.extract_strided_slice %get3A_1369 {offsets = [1], sizes = [1], strides = [1]} : vector<16xi32> to vector<1xi32>
    %squeeze3A_1386 = vector.extract %slice3A_1385[0] : i32 from vector<1xi32>
    %broadcast_in_dim3A_1387 = vector.broadcast %squeeze3A_1386 : i32 to vector<16xi32>
    %broadcast_in_dim3A_1388 = arith.constant 1 : i32
    %broadcast_in_dim3A_1389 = vector.broadcast %broadcast_in_dim3A_1388 : i32 to vector<16xi32>
    %gather3A_1390 = tpu.vector_load_idx %arg16[%broadcast_in_dim3A_1389, %iota3A_1364, %broadcast_in_dim3A_1387] : memref<4x32x128xf32, #tpu.memory_space<vmem>>[vector<16xi32>, vector<16xi32>, vector<16xi32>], vector<16xf32>,
    %gather3A_1391 = tpu.vector_load_idx %arg16[%broadcast_in_dim3A_1389, %add3A_1367, %broadcast_in_dim3A_1387] : memref<4x32x128xf32, #tpu.memory_space<vmem>>[vector<16xi32>, vector<16xi32>, vector<16xi32>], vector<16xf32>,
    %swap3A_1392 = arith.constant 126 : i32
    %swap3A_1393 = arith.index_cast %swap3A_1392 : i32 to index
    %swap3A_1394 = arith.constant 32 : index
    %swap3A_1395 = tpu.vector_load %arg19[%swap3A_1393, %swap3A_1394] {strides = array<i32>} : memref<128x128xf32, #tpu.memory_space<vmem>>, vector<16xf32>,
    tpu.vector_store %arg19[%swap3A_1393, %swap3A_1394], %gather3A_1390 {strides = array<i32>} : memref<128x128xf32, #tpu.memory_space<vmem>>, vector<16xf32>,
    %swap3A_1396 = arith.constant 126 : i32
    %swap3A_1397 = arith.index_cast %swap3A_1396 : i32 to index
    %swap3A_1398 = arith.constant 48 : index
    %swap3A_1399 = tpu.vector_load %arg19[%swap3A_1397, %swap3A_1398] {strides = array<i32>} : memref<128x128xf32, #tpu.memory_space<vmem>>, vector<16xf32>,
    tpu.vector_store %arg19[%swap3A_1397, %swap3A_1398], %gather3A_1391 {strides = array<i32>} : memref<128x128xf32, #tpu.memory_space<vmem>>, vector<16xf32>,
    %slice3A_1400 = vector.extract_strided_slice %get3A_1369 {offsets = [2], sizes = [1], strides = [1]} : vector<16xi32> to vector<1xi32>
    %squeeze3A_1401 = vector.extract %slice3A_1400[0] : i32 from vector<1xi32>
    %broadcast_in_dim3A_1402 = vector.broadcast %squeeze3A_1401 : i32 to vector<16xi32>
    %broadcast_in_dim3A_1403 = arith.constant 2 : i32
    %broadcast_in_dim3A_1404 = vector.broadcast %broadcast_in_dim3A_1403 : i32 to vector<16xi32>
    %gather3A_1405 = tpu.vector_load_idx %arg16[%broadcast_in_dim3A_1404, %iota3A_1364, %broadcast_in_dim3A_1402] : memref<4x32x128xf32, #tpu.memory_space<vmem>>[vector<16xi32>, vector<16xi32>, vector<16xi32>], vector<16xf32>,
    %gather3A_1406 = tpu.vector_load_idx %arg16[%broadcast_in_dim3A_1404, %add3A_1367, %broadcast_in_dim3A_1402] : memref<4x32x128xf32, #tpu.memory_space<vmem>>[vector<16xi32>, vector<16xi32>, vector<16xi32>], vector<16xf32>,
    %swap3A_1407 = arith.constant 126 : i32
    %swap3A_1408 = arith.index_cast %swap3A_1407 : i32 to index
    %swap3A_1409 = arith.constant 64 : index
    %swap3A_1410 = tpu.vector_load %arg19[%swap3A_1408, %swap3A_1409] {strides = array<i32>} : memref<128x128xf32, #tpu.memory_space<vmem>>, vector<16xf32>,
    tpu.vector_store %arg19[%swap3A_1408, %swap3A_1409], %gather3A_1405 {strides = array<i32>} : memref<128x128xf32, #tpu.memory_space<vmem>>, vector<16xf32>,
    %swap3A_1411 = arith.constant 126 : i32
    %swap3A_1412 = arith.index_cast %swap3A_1411 : i32 to index
    %swap3A_1413 = arith.constant 80 : index
    %swap3A_1414 = tpu.vector_load %arg19[%swap3A_1412, %swap3A_1413] {strides = array<i32>} : memref<128x128xf32, #tpu.memory_space<vmem>>, vector<16xf32>,
    tpu.vector_store %arg19[%swap3A_1412, %swap3A_1413], %gather3A_1406 {strides = array<i32>} : memref<128x128xf32, #tpu.memory_space<vmem>>, vector<16xf32>,
    %slice3A_1415 = vector.extract_strided_slice %get3A_1369 {offsets = [3], sizes = [1], strides = [1]} : vector<16xi32> to vector<1xi32>
    %squeeze3A_1416 = vector.extract %slice3A_1415[0] : i32 from vector<1xi32>
    %broadcast_in_dim3A_1417 = vector.broadcast %squeeze3A_1416 : i32 to vector<16xi32>
    %broadcast_in_dim3A_1418 = arith.constant 3 : i32
    %broadcast_in_dim3A_1419 = vector.broadcast %broadcast_in_dim3A_1418 : i32 to vector<16xi32>
    %gather3A_1420 = tpu.vector_load_idx %arg16[%broadcast_in_dim3A_1419, %iota3A_1364, %broadcast_in_dim3A_1417] : memref<4x32x128xf32, #tpu.memory_space<vmem>>[vector<16xi32>, vector<16xi32>, vector<16xi32>], vector<16xf32>,
    %gather3A_1421 = tpu.vector_load_idx %arg16[%broadcast_in_dim3A_1419, %add3A_1367, %broadcast_in_dim3A_1417] : memref<4x32x128xf32, #tpu.memory_space<vmem>>[vector<16xi32>, vector<16xi32>, vector<16xi32>], vector<16xf32>,
    %swap3A_1422 = arith.constant 126 : i32
    %swap3A_1423 = arith.index_cast %swap3A_1422 : i32 to index
    %swap3A_1424 = arith.constant 96 : index
    %swap3A_1425 = tpu.vector_load %arg19[%swap3A_1423, %swap3A_1424] {strides = array<i32>} : memref<128x128xf32, #tpu.memory_space<vmem>>, vector<16xf32>,
    tpu.vector_store %arg19[%swap3A_1423, %swap3A_1424], %gather3A_1420 {strides = array<i32>} : memref<128x128xf32, #tpu.memory_space<vmem>>, vector<16xf32>,
    %swap3A_1426 = arith.constant 126 : i32
    %swap3A_1427 = arith.index_cast %swap3A_1426 : i32 to index
    %swap3A_1428 = arith.constant 112 : index
    %swap3A_1429 = tpu.vector_load %arg19[%swap3A_1427, %swap3A_1428] {strides = array<i32>} : memref<128x128xf32, #tpu.memory_space<vmem>>, vector<16xf32>,
    tpu.vector_store %arg19[%swap3A_1427, %swap3A_1428], %gather3A_1421 {strides = array<i32>} : memref<128x128xf32, #tpu.memory_space<vmem>>, vector<16xf32>,
    %dma_wait3A_1430 = arith.constant 0 : i32
    %dma_wait3A_1431 = arith.constant 0 : i32
    %dma_wait3A_1432 = arith.constant 0 : i32
    %dma_wait3A_1433 = tpu.memref_slice %arg17[%dma_wait3A_1430, %dma_wait3A_1431, %dma_wait3A_1432] : memref<4x32x128xf32, #tpu.memory_space<vmem>> -> memref<1x32x128xf32, #tpu.memory_space<vmem>>
    %dma_wait3A_1434 = tpu.memref_squeeze %dma_wait3A_1433 : memref<1x32x128xf32, #tpu.memory_space<vmem>> -> memref<32x128xf32, #tpu.memory_space<vmem>>
    %dma_wait3A_1435 = arith.constant 0 : i32
    %dma_wait3A_1436 = arith.constant 0 : i32
    %dma_wait3A_1437 = tpu.memref_slice %arg3[%dma_wait3A_1435, %dma_wait3A_1436] : memref<32x1000000xf32, #tpu.memory_space<hbm>> -> memref<32x128xf32, #tpu.memory_space<hbm>>
    %dma_wait3A_1438 = arith.constant 0 : i32
    %dma_wait3A_1439 = arith.constant 0 : i32
    %dma_wait3A_1440 = tpu.memref_slice %arg17[%dma_wait3A_1430, %dma_wait3A_1438, %dma_wait3A_1439] : memref<4x32x128xf32, #tpu.memory_space<vmem>> -> memref<1x32x128xf32, #tpu.memory_space<vmem>>
    %dma_wait3A_1441 = tpu.memref_squeeze %dma_wait3A_1440 : memref<1x32x128xf32, #tpu.memory_space<vmem>> -> memref<32x128xf32, #tpu.memory_space<vmem>>
    %dma_wait3A_1442 = arith.constant 0 : i32
    %dma_wait3A_1443 = arith.constant 0 : i32
    %dma_wait3A_1444 = tpu.memref_slice %arg3[%dma_wait3A_1442, %dma_wait3A_1443] : memref<32x1000000xf32, #tpu.memory_space<hbm>> -> memref<32x128xf32, #tpu.memory_space<hbm>>
    tpu.wait_dma2 semaphore(%arg23 : memref<!tpu.dma_semaphore, #tpu.memory_space<semaphore_mem>>) src(%dma_wait3A_1444 : memref<32x128xf32, #tpu.memory_space<hbm>>) dst(%dma_wait3A_1441 : memref<32x128xf32, #tpu.memory_space<vmem>>)
    %dma_wait3A_1445 = arith.constant 1 : i32
    %dma_wait3A_1446 = arith.constant 0 : i32
    %dma_wait3A_1447 = arith.constant 0 : i32
    %dma_wait3A_1448 = tpu.memref_slice %arg17[%dma_wait3A_1445, %dma_wait3A_1446, %dma_wait3A_1447] : memref<4x32x128xf32, #tpu.memory_space<vmem>> -> memref<1x32x128xf32, #tpu.memory_space<vmem>>
    %dma_wait3A_1449 = tpu.memref_squeeze %dma_wait3A_1448 : memref<1x32x128xf32, #tpu.memory_space<vmem>> -> memref<32x128xf32, #tpu.memory_space<vmem>>
    %dma_wait3A_1450 = arith.constant 0 : i32
    %dma_wait3A_1451 = arith.constant 0 : i32
    %dma_wait3A_1452 = tpu.memref_slice %arg3[%dma_wait3A_1450, %dma_wait3A_1451] : memref<32x1000000xf32, #tpu.memory_space<hbm>> -> memref<32x128xf32, #tpu.memory_space<hbm>>
    %dma_wait3A_1453 = arith.constant 0 : i32
    %dma_wait3A_1454 = arith.constant 0 : i32
    %dma_wait3A_1455 = tpu.memref_slice %arg17[%dma_wait3A_1445, %dma_wait3A_1453, %dma_wait3A_1454] : memref<4x32x128xf32, #tpu.memory_space<vmem>> -> memref<1x32x128xf32, #tpu.memory_space<vmem>>
    %dma_wait3A_1456 = tpu.memref_squeeze %dma_wait3A_1455 : memref<1x32x128xf32, #tpu.memory_space<vmem>> -> memref<32x128xf32, #tpu.memory_space<vmem>>
    %dma_wait3A_1457 = arith.constant 0 : i32
    %dma_wait3A_1458 = arith.constant 0 : i32
    %dma_wait3A_1459 = tpu.memref_slice %arg3[%dma_wait3A_1457, %dma_wait3A_1458] : memref<32x1000000xf32, #tpu.memory_space<hbm>> -> memref<32x128xf32, #tpu.memory_space<hbm>>
    tpu.wait_dma2 semaphore(%arg23 : memref<!tpu.dma_semaphore, #tpu.memory_space<semaphore_mem>>) src(%dma_wait3A_1459 : memref<32x128xf32, #tpu.memory_space<hbm>>) dst(%dma_wait3A_1456 : memref<32x128xf32, #tpu.memory_space<vmem>>)
    %dma_wait3A_1460 = arith.constant 2 : i32
    %dma_wait3A_1461 = arith.constant 0 : i32
    %dma_wait3A_1462 = arith.constant 0 : i32
    %dma_wait3A_1463 = tpu.memref_slice %arg17[%dma_wait3A_1460, %dma_wait3A_1461, %dma_wait3A_1462] : memref<4x32x128xf32, #tpu.memory_space<vmem>> -> memref<1x32x128xf32, #tpu.memory_space<vmem>>
    %dma_wait3A_1464 = tpu.memref_squeeze %dma_wait3A_1463 : memref<1x32x128xf32, #tpu.memory_space<vmem>> -> memref<32x128xf32, #tpu.memory_space<vmem>>
    %dma_wait3A_1465 = arith.constant 0 : i32
    %dma_wait3A_1466 = arith.constant 0 : i32
    %dma_wait3A_1467 = tpu.memref_slice %arg3[%dma_wait3A_1465, %dma_wait3A_1466] : memref<32x1000000xf32, #tpu.memory_space<hbm>> -> memref<32x128xf32, #tpu.memory_space<hbm>>
    %dma_wait3A_1468 = arith.constant 0 : i32
    %dma_wait3A_1469 = arith.constant 0 : i32
    %dma_wait3A_1470 = tpu.memref_slice %arg17[%dma_wait3A_1460, %dma_wait3A_1468, %dma_wait3A_1469] : memref<4x32x128xf32, #tpu.memory_space<vmem>> -> memref<1x32x128xf32, #tpu.memory_space<vmem>>
    %dma_wait3A_1471 = tpu.memref_squeeze %dma_wait3A_1470 : memref<1x32x128xf32, #tpu.memory_space<vmem>> -> memref<32x128xf32, #tpu.memory_space<vmem>>
    %dma_wait3A_1472 = arith.constant 0 : i32
    %dma_wait3A_1473 = arith.constant 0 : i32
    %dma_wait3A_1474 = tpu.memref_slice %arg3[%dma_wait3A_1472, %dma_wait3A_1473] : memref<32x1000000xf32, #tpu.memory_space<hbm>> -> memref<32x128xf32, #tpu.memory_space<hbm>>
    tpu.wait_dma2 semaphore(%arg23 : memref<!tpu.dma_semaphore, #tpu.memory_space<semaphore_mem>>) src(%dma_wait3A_1474 : memref<32x128xf32, #tpu.memory_space<hbm>>) dst(%dma_wait3A_1471 : memref<32x128xf32, #tpu.memory_space<vmem>>)
    %dma_wait3A_1475 = arith.constant 3 : i32
    %dma_wait3A_1476 = arith.constant 0 : i32
    %dma_wait3A_1477 = arith.constant 0 : i32
    %dma_wait3A_1478 = tpu.memref_slice %arg17[%dma_wait3A_1475, %dma_wait3A_1476, %dma_wait3A_1477] : memref<4x32x128xf32, #tpu.memory_space<vmem>> -> memref<1x32x128xf32, #tpu.memory_space<vmem>>
    %dma_wait3A_1479 = tpu.memref_squeeze %dma_wait3A_1478 : memref<1x32x128xf32, #tpu.memory_space<vmem>> -> memref<32x128xf32, #tpu.memory_space<vmem>>
    %dma_wait3A_1480 = arith.constant 0 : i32
    %dma_wait3A_1481 = arith.constant 0 : i32
    %dma_wait3A_1482 = tpu.memref_slice %arg3[%dma_wait3A_1480, %dma_wait3A_1481] : memref<32x1000000xf32, #tpu.memory_space<hbm>> -> memref<32x128xf32, #tpu.memory_space<hbm>>
    %dma_wait3A_1483 = arith.constant 0 : i32
    %dma_wait3A_1484 = arith.constant 0 : i32
    %dma_wait3A_1485 = tpu.memref_slice %arg17[%dma_wait3A_1475, %dma_wait3A_1483, %dma_wait3A_1484] : memref<4x32x128xf32, #tpu.memory_space<vmem>> -> memref<1x32x128xf32, #tpu.memory_space<vmem>>
    %dma_wait3A_1486 = tpu.memref_squeeze %dma_wait3A_1485 : memref<1x32x128xf32, #tpu.memory_space<vmem>> -> memref<32x128xf32, #tpu.memory_space<vmem>>
    %dma_wait3A_1487 = arith.constant 0 : i32
    %dma_wait3A_1488 = arith.constant 0 : i32
    %dma_wait3A_1489 = tpu.memref_slice %arg3[%dma_wait3A_1487, %dma_wait3A_1488] : memref<32x1000000xf32, #tpu.memory_space<hbm>> -> memref<32x128xf32, #tpu.memory_space<hbm>>
    tpu.wait_dma2 semaphore(%arg23 : memref<!tpu.dma_semaphore, #tpu.memory_space<semaphore_mem>>) src(%dma_wait3A_1489 : memref<32x128xf32, #tpu.memory_space<hbm>>) dst(%dma_wait3A_1486 : memref<32x128xf32, #tpu.memory_space<vmem>>)
    %iota3A_1490 = tpu.iota {dimensions = array<i32: 0>} : vector<16xi32>
    %add3A_1491 = arith.constant 16 : i32
    %add3A_1492 = vector.broadcast %add3A_1491 : i32 to vector<16xi32>
    %add3A_1493 = arith.addi %iota3A_1490, %add3A_1492 : vector<16xi32>
    %get3A_1494 = arith.constant 508 : index
    %get3A_1495 = tpu.vector_load %arg13[%get3A_1494] {strides = array<i32>} : memref<528xi32, #tpu.memory_space<vmem>>, vector<16xi32>,
    %slice3A_1496 = vector.extract_strided_slice %get3A_1495 {offsets = [0], sizes = [1], strides = [1]} : vector<16xi32> to vector<1xi32>
    %squeeze3A_1497 = vector.extract %slice3A_1496[0] : i32 from vector<1xi32>
    %broadcast_in_dim3A_1498 = vector.broadcast %squeeze3A_1497 : i32 to vector<16xi32>
    %broadcast_in_dim3A_1499 = arith.constant 0 : i32
    %broadcast_in_dim3A_1500 = vector.broadcast %broadcast_in_dim3A_1499 : i32 to vector<16xi32>
    %gather3A_1501 = tpu.vector_load_idx %arg17[%broadcast_in_dim3A_1500, %iota3A_1490, %broadcast_in_dim3A_1498] : memref<4x32x128xf32, #tpu.memory_space<vmem>>[vector<16xi32>, vector<16xi32>, vector<16xi32>], vector<16xf32>,
    %gather3A_1502 = tpu.vector_load_idx %arg17[%broadcast_in_dim3A_1500, %add3A_1493, %broadcast_in_dim3A_1498] : memref<4x32x128xf32, #tpu.memory_space<vmem>>[vector<16xi32>, vector<16xi32>, vector<16xi32>], vector<16xf32>,
    %swap3A_1503 = arith.constant 127 : i32
    %swap3A_1504 = arith.index_cast %swap3A_1503 : i32 to index
    %swap3A_1505 = arith.constant 0 : index
    %swap3A_1506 = tpu.vector_load %arg19[%swap3A_1504, %swap3A_1505] {strides = array<i32>} : memref<128x128xf32, #tpu.memory_space<vmem>>, vector<16xf32>,
    tpu.vector_store %arg19[%swap3A_1504, %swap3A_1505], %gather3A_1501 {strides = array<i32>} : memref<128x128xf32, #tpu.memory_space<vmem>>, vector<16xf32>,
    %swap3A_1507 = arith.constant 127 : i32
    %swap3A_1508 = arith.index_cast %swap3A_1507 : i32 to index
    %swap3A_1509 = arith.constant 16 : index
    %swap3A_1510 = tpu.vector_load %arg19[%swap3A_1508, %swap3A_1509] {strides = array<i32>} : memref<128x128xf32, #tpu.memory_space<vmem>>, vector<16xf32>,
    tpu.vector_store %arg19[%swap3A_1508, %swap3A_1509], %gather3A_1502 {strides = array<i32>} : memref<128x128xf32, #tpu.memory_space<vmem>>, vector<16xf32>,
    %slice3A_1511 = vector.extract_strided_slice %get3A_1495 {offsets = [1], sizes = [1], strides = [1]} : vector<16xi32> to vector<1xi32>
    %squeeze3A_1512 = vector.extract %slice3A_1511[0] : i32 from vector<1xi32>
    %broadcast_in_dim3A_1513 = vector.broadcast %squeeze3A_1512 : i32 to vector<16xi32>
    %broadcast_in_dim3A_1514 = arith.constant 1 : i32
    %broadcast_in_dim3A_1515 = vector.broadcast %broadcast_in_dim3A_1514 : i32 to vector<16xi32>
    %gather3A_1516 = tpu.vector_load_idx %arg17[%broadcast_in_dim3A_1515, %iota3A_1490, %broadcast_in_dim3A_1513] : memref<4x32x128xf32, #tpu.memory_space<vmem>>[vector<16xi32>, vector<16xi32>, vector<16xi32>], vector<16xf32>,
    %gather3A_1517 = tpu.vector_load_idx %arg17[%broadcast_in_dim3A_1515, %add3A_1493, %broadcast_in_dim3A_1513] : memref<4x32x128xf32, #tpu.memory_space<vmem>>[vector<16xi32>, vector<16xi32>, vector<16xi32>], vector<16xf32>,
    %swap3A_1518 = arith.constant 127 : i32
    %swap3A_1519 = arith.index_cast %swap3A_1518 : i32 to index
    %swap3A_1520 = arith.constant 32 : index
    %swap3A_1521 = tpu.vector_load %arg19[%swap3A_1519, %swap3A_1520] {strides = array<i32>} : memref<128x128xf32, #tpu.memory_space<vmem>>, vector<16xf32>,
    tpu.vector_store %arg19[%swap3A_1519, %swap3A_1520], %gather3A_1516 {strides = array<i32>} : memref<128x128xf32, #tpu.memory_space<vmem>>, vector<16xf32>,
    %swap3A_1522 = arith.constant 127 : i32
    %swap3A_1523 = arith.index_cast %swap3A_1522 : i32 to index
    %swap3A_1524 = arith.constant 48 : index
    %swap3A_1525 = tpu.vector_load %arg19[%swap3A_1523, %swap3A_1524] {strides = array<i32>} : memref<128x128xf32, #tpu.memory_space<vmem>>, vector<16xf32>,
    tpu.vector_store %arg19[%swap3A_1523, %swap3A_1524], %gather3A_1517 {strides = array<i32>} : memref<128x128xf32, #tpu.memory_space<vmem>>, vector<16xf32>,
    %slice3A_1526 = vector.extract_strided_slice %get3A_1495 {offsets = [2], sizes = [1], strides = [1]} : vector<16xi32> to vector<1xi32>
    %squeeze3A_1527 = vector.extract %slice3A_1526[0] : i32 from vector<1xi32>
    %broadcast_in_dim3A_1528 = vector.broadcast %squeeze3A_1527 : i32 to vector<16xi32>
    %broadcast_in_dim3A_1529 = arith.constant 2 : i32
    %broadcast_in_dim3A_1530 = vector.broadcast %broadcast_in_dim3A_1529 : i32 to vector<16xi32>
    %gather3A_1531 = tpu.vector_load_idx %arg17[%broadcast_in_dim3A_1530, %iota3A_1490, %broadcast_in_dim3A_1528] : memref<4x32x128xf32, #tpu.memory_space<vmem>>[vector<16xi32>, vector<16xi32>, vector<16xi32>], vector<16xf32>,
    %gather3A_1532 = tpu.vector_load_idx %arg17[%broadcast_in_dim3A_1530, %add3A_1493, %broadcast_in_dim3A_1528] : memref<4x32x128xf32, #tpu.memory_space<vmem>>[vector<16xi32>, vector<16xi32>, vector<16xi32>], vector<16xf32>,
    %swap3A_1533 = arith.constant 127 : i32
    %swap3A_1534 = arith.index_cast %swap3A_1533 : i32 to index
    %swap3A_1535 = arith.constant 64 : index
    %swap3A_1536 = tpu.vector_load %arg19[%swap3A_1534, %swap3A_1535] {strides = array<i32>} : memref<128x128xf32, #tpu.memory_space<vmem>>, vector<16xf32>,
    tpu.vector_store %arg19[%swap3A_1534, %swap3A_1535], %gather3A_1531 {strides = array<i32>} : memref<128x128xf32, #tpu.memory_space<vmem>>, vector<16xf32>,
    %swap3A_1537 = arith.constant 127 : i32
    %swap3A_1538 = arith.index_cast %swap3A_1537 : i32 to index
    %swap3A_1539 = arith.constant 80 : index
    %swap3A_1540 = tpu.vector_load %arg19[%swap3A_1538, %swap3A_1539] {strides = array<i32>} : memref<128x128xf32, #tpu.memory_space<vmem>>, vector<16xf32>,
    tpu.vector_store %arg19[%swap3A_1538, %swap3A_1539], %gather3A_1532 {strides = array<i32>} : memref<128x128xf32, #tpu.memory_space<vmem>>, vector<16xf32>,
    %slice3A_1541 = vector.extract_strided_slice %get3A_1495 {offsets = [3], sizes = [1], strides = [1]} : vector<16xi32> to vector<1xi32>
    %squeeze3A_1542 = vector.extract %slice3A_1541[0] : i32 from vector<1xi32>
    %broadcast_in_dim3A_1543 = vector.broadcast %squeeze3A_1542 : i32 to vector<16xi32>
    %broadcast_in_dim3A_1544 = arith.constant 3 : i32
    %broadcast_in_dim3A_1545 = vector.broadcast %broadcast_in_dim3A_1544 : i32 to vector<16xi32>
    %gather3A_1546 = tpu.vector_load_idx %arg17[%broadcast_in_dim3A_1545, %iota3A_1490, %broadcast_in_dim3A_1543] : memref<4x32x128xf32, #tpu.memory_space<vmem>>[vector<16xi32>, vector<16xi32>, vector<16xi32>], vector<16xf32>,
    %gather3A_1547 = tpu.vector_load_idx %arg17[%broadcast_in_dim3A_1545, %add3A_1493, %broadcast_in_dim3A_1543] : memref<4x32x128xf32, #tpu.memory_space<vmem>>[vector<16xi32>, vector<16xi32>, vector<16xi32>], vector<16xf32>,
    %swap3A_1548 = arith.constant 127 : i32
    %swap3A_1549 = arith.index_cast %swap3A_1548 : i32 to index
    %swap3A_1550 = arith.constant 96 : index
    %swap3A_1551 = tpu.vector_load %arg19[%swap3A_1549, %swap3A_1550] {strides = array<i32>} : memref<128x128xf32, #tpu.memory_space<vmem>>, vector<16xf32>,
    tpu.vector_store %arg19[%swap3A_1549, %swap3A_1550], %gather3A_1546 {strides = array<i32>} : memref<128x128xf32, #tpu.memory_space<vmem>>, vector<16xf32>,
    %swap3A_1552 = arith.constant 127 : i32
    %swap3A_1553 = arith.index_cast %swap3A_1552 : i32 to index
    %swap3A_1554 = arith.constant 112 : index
    %swap3A_1555 = tpu.vector_load %arg19[%swap3A_1553, %swap3A_1554] {strides = array<i32>} : memref<128x128xf32, #tpu.memory_space<vmem>>, vector<16xf32>,
    tpu.vector_store %arg19[%swap3A_1553, %swap3A_1554], %gather3A_1547 {strides = array<i32>} : memref<128x128xf32, #tpu.memory_space<vmem>>, vector<16xf32>,
    %mul3A_1556 = arith.constant 128 : i32
    %mul3A_1557 = arith.muli %add3A, %mul3A_1556 : i32
    "tpu.region"() ({
      %run_scoped3A = tpu.sem_alloc : memref<!tpu.dma_semaphore, #tpu.memory_space<semaphore_mem>>
      %dma_start3A_1558 = arith.constant 0 : i32
      %dma_start3A_1559 = tpu.memref_slice %arg7[%mul3A_1557, %dma_start3A_1558] : memref<4096x128xf32, #tpu.memory_space<hbm>> -> memref<128x128xf32, #tpu.memory_space<hbm>>
      %dma_start3A_1560 = arith.constant 0 : i32
      %dma_start3A_1561 = tpu.memref_slice %arg7[%mul3A_1557, %dma_start3A_1560] : memref<4096x128xf32, #tpu.memory_space<hbm>> -> memref<128x128xf32, #tpu.memory_space<hbm>>
      tpu.enqueue_dma source(%arg19 : memref<128x128xf32, #tpu.memory_space<vmem>>) target(%dma_start3A_1561 : memref<128x128xf32, #tpu.memory_space<hbm>>) target_semaphore(%run_scoped3A : memref<!tpu.dma_semaphore, #tpu.memory_space<semaphore_mem>>)
      %dma_wait3A_1562 = arith.constant 0 : i32
      %dma_wait3A_1563 = tpu.memref_slice %arg7[%mul3A_1557, %dma_wait3A_1562] : memref<4096x128xf32, #tpu.memory_space<hbm>> -> memref<128x128xf32, #tpu.memory_space<hbm>>
      %dma_wait3A_1564 = arith.constant 0 : i32
      %dma_wait3A_1565 = tpu.memref_slice %arg7[%mul3A_1557, %dma_wait3A_1564] : memref<4096x128xf32, #tpu.memory_space<hbm>> -> memref<128x128xf32, #tpu.memory_space<hbm>>
      tpu.wait_dma2 semaphore(%run_scoped3A : memref<!tpu.dma_semaphore, #tpu.memory_space<semaphore_mem>>) src(%arg19 : memref<128x128xf32, #tpu.memory_space<vmem>>) dst(%dma_wait3A_1565 : memref<128x128xf32, #tpu.memory_space<hbm>>)
      tpu.yield
    }) : () -> ()
    return
  }
}

module attributes {stable_mosaic.version = 14 : i64} {
  func.func @_mlp_body(%arg0: i32, %arg1: memref<1024x128xf32, #tpu.memory_space<vmem>>, %arg2: memref<1024x128xf32, #tpu.memory_space<vmem>>, %arg3: memref<384x256xf32, #tpu.memory_space<vmem>>, %arg4: memref<1x256xf32, #tpu.memory_space<vmem>>, %arg5: memref<256x4xf32, #tpu.memory_space<vmem>>, %arg6: memref<128x4xf32, #tpu.memory_space<vmem>>, %arg7: memref<1x1xf32, #tpu.memory_space<vmem>>, %arg8: memref<1024x4xf32, #tpu.memory_space<vmem>>, %arg9: memref<1024x4xf32, #tpu.memory_space<vmem>>) attributes {dimension_semantics = [#tpu.dimension_semantics<arbitrary>], iteration_bounds = array<i64: 4>, scalar_prefetch = 0 : i64, scratch_operands = 0 : i64, tpu.core_type = #tpu.core_type<tc>, window_params = [{transform_indices = @transform_0, window_bounds = array<i64: 1024, 128>}, {transform_indices = @transform_1, window_bounds = array<i64: 1024, 128>}, {pipeline_mode = #tpu.pipeline_mode<synchronous>, transform_indices = @transform_2, window_bounds = array<i64: 384, 256>}, {pipeline_mode = #tpu.pipeline_mode<synchronous>, transform_indices = @transform_3, window_bounds = array<i64: 1, 256>}, {pipeline_mode = #tpu.pipeline_mode<synchronous>, transform_indices = @transform_4, window_bounds = array<i64: 256, 4>}, {pipeline_mode = #tpu.pipeline_mode<synchronous>, transform_indices = @transform_5, window_bounds = array<i64: 128, 4>}, {pipeline_mode = #tpu.pipeline_mode<synchronous>, transform_indices = @transform_6, window_bounds = array<i64: 1, 1>}, {transform_indices = @transform_7, window_bounds = array<i64: 1024, 4>}, {transform_indices = @transform_8, window_bounds = array<i64: 1024, 4>}]} {
    %get3A = arith.constant 0 : index
    %get3A_0 = arith.constant 0 : index
    %get3A_1 = vector.load %arg1[%get3A, %get3A_0] : memref<1024x128xf32, #tpu.memory_space<vmem>>, vector<1024x128xf32>
    %get3A_2 = arith.constant 0 : index
    %get3A_3 = arith.constant 0 : index
    %get3A_4 = vector.load %arg2[%get3A_2, %get3A_3] : memref<1024x128xf32, #tpu.memory_space<vmem>>, vector<1024x128xf32>
    %mul3A = arith.mulf %get3A_1, %get3A_4 : vector<1024x128xf32>
    %get3A_5 = arith.constant 0 : index
    %get3A_6 = arith.constant 0 : index
    %get3A_7 = vector.load %arg6[%get3A_5, %get3A_6] : memref<128x4xf32, #tpu.memory_space<vmem>>, vector<128x4xf32>
    %dot_general3A = arith.constant dense<0.000000e+00> : vector<1024x4xf32>
    %dot_general3A_8 = tpu.matmul %mul3A, %get3A_7, %dot_general3A {dimension_numbers = #tpu.dot_dimension_numbers<[1], [0], [0], [1], [0, 0, 1, 1], [], []>, transpose_lhs_hint = false} : vector<1024x128xf32>, vector<128x4xf32>, vector<1024x4xf32> -> vector<1024x4xf32>
    %swap3A = arith.constant 0 : index
    %swap3A_9 = arith.constant 0 : index
    %swap3A_10 = vector.load %arg8[%swap3A, %swap3A_9] : memref<1024x4xf32, #tpu.memory_space<vmem>>, vector<1024x4xf32>
    tpu.vector_store %arg8[%swap3A, %swap3A_9], %dot_general3A_8 {strides = array<i32>} : memref<1024x4xf32, #tpu.memory_space<vmem>>, vector<1024x4xf32>,
    %concatenate3A = tpu.concatenate %get3A_1, %get3A_4, %mul3A in 1 : vector<1024x128xf32>, vector<1024x128xf32>, vector<1024x128xf32> -> vector<1024x384xf32>
    %get3A_11 = arith.constant 0 : index
    %get3A_12 = arith.constant 0 : index
    %get3A_13 = vector.load %arg3[%get3A_11, %get3A_12] : memref<384x256xf32, #tpu.memory_space<vmem>>, vector<384x256xf32>
    %dot_general3A_14 = arith.constant dense<0.000000e+00> : vector<1024x256xf32>
    %dot_general3A_15 = tpu.matmul %concatenate3A, %get3A_13, %dot_general3A_14 {dimension_numbers = #tpu.dot_dimension_numbers<[1], [0], [0], [1], [0, 0, 1, 1], [], []>, transpose_lhs_hint = false} : vector<1024x384xf32>, vector<384x256xf32>, vector<1024x256xf32> -> vector<1024x256xf32>
    %get3A_16 = arith.constant 0 : index
    %get3A_17 = arith.constant 0 : index
    %get3A_18 = vector.load %arg4[%get3A_16, %get3A_17] : memref<1x256xf32, #tpu.memory_space<vmem>>, vector<1x256xf32>
    %add3A = vector.broadcast %get3A_18 : vector<1x256xf32> to vector<1024x256xf32>
    %add3A_19 = arith.addf %dot_general3A_15, %add3A : vector<1024x256xf32>
    %max3A = arith.constant 0.000000e+00 : f32
    %max3A_20 = vector.broadcast %max3A : f32 to vector<1024x256xf32>
    %max3A_21 = arith.maximumf %add3A_19, %max3A_20 : vector<1024x256xf32>
    %get3A_22 = arith.constant 0 : index
    %get3A_23 = arith.constant 0 : index
    %get3A_24 = vector.load %arg5[%get3A_22, %get3A_23] : memref<256x4xf32, #tpu.memory_space<vmem>>, vector<256x4xf32>
    %dot_general3A_25 = arith.constant dense<0.000000e+00> : vector<1024x4xf32>
    %dot_general3A_26 = tpu.matmul %max3A_21, %get3A_24, %dot_general3A_25 {dimension_numbers = #tpu.dot_dimension_numbers<[1], [0], [0], [1], [0, 0, 1, 1], [], []>, transpose_lhs_hint = false} : vector<1024x256xf32>, vector<256x4xf32>, vector<1024x4xf32> -> vector<1024x4xf32>
    %get3A_27 = arith.constant 0 : index
    %get3A_28 = arith.constant 0 : index
    %get3A_29 = vector.load %arg7[%get3A_27, %get3A_28] : memref<1x1xf32, #tpu.memory_space<vmem>>, vector<1x1xf32>
    %add3A_30 = vector.broadcast %get3A_29 : vector<1x1xf32> to vector<1024x4xf32>
    %add3A_31 = arith.addf %dot_general3A_26, %add3A_30 : vector<1024x4xf32>
    %swap3A_32 = arith.constant 0 : index
    %swap3A_33 = arith.constant 0 : index
    %swap3A_34 = vector.load %arg9[%swap3A_32, %swap3A_33] : memref<1024x4xf32, #tpu.memory_space<vmem>>, vector<1024x4xf32>
    tpu.vector_store %arg9[%swap3A_32, %swap3A_33], %add3A_31 {strides = array<i32>} : memref<1024x4xf32, #tpu.memory_space<vmem>>, vector<1024x4xf32>,
    return
  }
  func.func @transform_0(%arg0: i32) -> (i32, i32) {
    %c0_i32 = arith.constant 0 : i32
    %c0_i32_0 = arith.constant 0 : i32
    return %arg0, %c0_i32 : i32, i32
  }
  func.func @transform_1(%arg0: i32) -> (i32, i32) {
    %c0_i32 = arith.constant 0 : i32
    %c0_i32_0 = arith.constant 0 : i32
    return %arg0, %c0_i32 : i32, i32
  }
  func.func @transform_2(%arg0: i32) -> (i32, i32) {
    %c0_i32 = arith.constant 0 : i32
    %c0_i32_0 = arith.constant 0 : i32
    %c0_i32_1 = arith.constant 0 : i32
    return %c0_i32, %c0_i32_0 : i32, i32
  }
  func.func @transform_3(%arg0: i32) -> (i32, i32) {
    %c0_i32 = arith.constant 0 : i32
    %c0_i32_0 = arith.constant 0 : i32
    %c0_i32_1 = arith.constant 0 : i32
    return %c0_i32, %c0_i32_0 : i32, i32
  }
  func.func @transform_4(%arg0: i32) -> (i32, i32) {
    %c0_i32 = arith.constant 0 : i32
    %c0_i32_0 = arith.constant 0 : i32
    %c0_i32_1 = arith.constant 0 : i32
    return %c0_i32, %c0_i32_0 : i32, i32
  }
  func.func @transform_5(%arg0: i32) -> (i32, i32) {
    %c0_i32 = arith.constant 0 : i32
    %c0_i32_0 = arith.constant 0 : i32
    %c0_i32_1 = arith.constant 0 : i32
    return %c0_i32, %c0_i32_0 : i32, i32
  }
  func.func @transform_6(%arg0: i32) -> (i32, i32) {
    %c0_i32 = arith.constant 0 : i32
    %c0_i32_0 = arith.constant 0 : i32
    %c0_i32_1 = arith.constant 0 : i32
    return %c0_i32, %c0_i32_0 : i32, i32
  }
  func.func @transform_7(%arg0: i32) -> (i32, i32) {
    %c0_i32 = arith.constant 0 : i32
    %c0_i32_0 = arith.constant 0 : i32
    return %arg0, %c0_i32 : i32, i32
  }
  func.func @transform_8(%arg0: i32) -> (i32, i32) {
    %c0_i32 = arith.constant 0 : i32
    %c0_i32_0 = arith.constant 0 : i32
    return %arg0, %c0_i32 : i32, i32
  }
}

</mosaic_0001>

<sc_bundles>
// kernel: kernel.4.cloned.1.call-start
scs
__scs_entry_jumppad:
0x0: {  	(pc) =	sbr.rel $0x88, $3  }
0x1: {  	(tag) =	ssettag $0x0;
	lr =	simm.s32 $0x1  }
0x2: {  	[smem:$0x3F99] =	sst lr;
	_ =	strace $0xD0000000  }
0x3: {  	_ = 	snop  }
0x4: {  	_ = 	snop  }
0x5: {  	_ = 	snop  }
0x6: {  	_ = 	snop  }
0x7: {  	_ = 	snop  }
__scs_overlays_trampoline_lowered:
0x8: {  	[smem:$0x3FA8] =	sst s0  }
0x9: {  	[smem:$0x3FA9] =	sst s1  }
0xa: {  	[smem:$0x3FAA] =	sst s2  }
0xb: {  	[smem:$0x3FAB] =	sst s3  }
0xc: {  	[smem:$0x3FAC] =	sst s4  }
0xd: {  	[smem:$0x3FAD] =	sst s5  }
0xe: {  	[smem:$0x3FAE] =	sst s6  }
0xf: {  	[smem:$0x3FAF] =	sst s7  }
0x10: {  	[smem:$0x3FB0] =	sst s8  }
0x11: {  	[smem:$0x3FB1] =	sst s9;
	s0 =	simm.s32 @!p0 $0x0  }
0x12: {  	s1 =	sld [smem:$0x3F97];
	s0 =	simm.s32 @p0 $0x1  }
0x13: {  	[smem:$0x3FB2] =	sst s0;
	s0 =	simm.s32 @!p1 $0x0  }
0x14: {  	s2 =	sld [smem:$0x3F96];
	s0 =	simm.s32 @p1 $0x1  }
0x15: {  	[smem:$0x3FB3] =	sst s0;
	s0 =	simm.s32 @!p2 $0x0  }
0x16: {  	s3 =	sld [smem:$0x3FDB];
	s0 =	simm.s32 @p2 $0x1  }
0x17: {  	s4 =	simm.s32 $0x1BF5;
	[smem:$0x3FB5] =	sst s0  }
0x18: {  	s0 =	sld [smem:$0x3F98];
	_ =	swait.ge [sflag:s4], $0x0  }
0x19: {  	s7 =	sld [smem:$0x3F99]  }
0x1a: {  	s8 =	sadd.s32 $0xFFFFE003, lr  }
0x1b: {  	s9 =	sadd.s32 $0xFFFFFEF7, lr;
	s5 =	simm.s32 $0xFFFFFFFF;
	p2 =	slt.u32 s8, $0xFFFFF086  }
0x1c: {  	p1 =	slt.u32 s9, $0xF7A;
	s5 =	simm.s32 @!p2 $0x0  }
0x1d: {  	s5 =	simm.s32 @p1 $0x1;
	p0 =	seq.s32 s7, s2  }
0x1e: {  	s7 =	smul.u32 @!p0 $0xF7A, s2;
	p2 =	seq.s32 @!p0 s5, $0x0  }
0x1f: {  	s9 =	smul.u32 $0xF7A, s1;
	s8 =	simm.s32 @!p0 $0x1BF5;
	p2 =	por !p2, p0  }
0x20: {  	[sflag:s8] =	ssyncset.s32 @!p0 $0xFFFFF086;
	s6 =	sadd.s32 @!p0 s3, s7;
	s7 =	simm.s32 @!p0 $0x108  }
0x21: {  	s3 =	sadd.s32 s3, s9;
	s6 =	sadd.s32 @!p0 $0x88, s6;
	s7 =	simm.s32 @p2 $0x1082  }
0x22: {  	[simem:s7], [sflag:s8] =	dma.local @!p0 [hbm:s6], $0xF7A  }
0x23: {  	s9 =	sor.u32 $0xD0000000, s2;
	s6 =	simm.s32 $0x108;
	_ =	swait.ge @!p0 [sflag:s8], $0x0  }
0x24: {  	s3 =	sadd.s32 $0x88, s3;
	s6 =	simm.s32 @!p1 $0x1082;
	[sflag:s4] =	ssyncset.s32 $0xFFFFF086  }
0x25: {  	[simem:s6], [sflag:s4] =	dma.local [hbm:s3], $0xF7A  }
0x26: {  	[smem:$0x3F99] =	sst s1;
	(tag) =	ssettag s2;
	_ =	strace s9  }
0x27: {  	s1 =	sld [smem:$0x3FA9]  }
0x28: {  	s2 =	sld [smem:$0x3FAA]  }
0x29: {  	s4 =	sld [smem:$0x3FAC]  }
0x2a: {  	p0 =	seq.s32 s5, $0x0;
	s5 =	sld [smem:$0x3FAD]  }
0x2b: {  	s6 =	sld [smem:$0x3FAE]  }
0x2c: {  	s7 =	sld [smem:$0x3FAF]  }
0x2d: {  	s3 =	simm.s32 $0x108;
	s8 =	sld [smem:$0x3FB0]  }
0x2e: {  	s3 =	simm.s32 @!p0 $0x1082;
	s9 =	sld [smem:$0x3FB1]  }
0x2f: {  	lr =	sadd.s32 s0, s3;
	s0 =	sld [smem:$0x3FA8]  }
0x30: {  	s3 =	sld [smem:$0x3FAB]  }
0x31: {  	[smem:$0x3FB4] =	sst s10  }
0x32: {  	s10 =	sld [smem:$0x3FB2];
	_ =	sdelay $0x3  }
0x33: {  	p0 =	seq.s32 s10, $0x1;
	s10 =	sld [smem:$0x3FB4];
	_ =	sdelay $0x3  }
0x34: {  	[smem:$0x3FB4] =	sst s10  }
0x35: {  	s10 =	sld [smem:$0x3FB3];
	_ =	sdelay $0x3  }
0x36: {  	p1 =	seq.s32 s10, $0x1;
	s10 =	sld [smem:$0x3FB4];
	_ =	sdelay $0x3  }
0x37: {  	[smem:$0x3FB4] =	sst s10  }
0x38: {  	s10 =	sld [smem:$0x3FB5]  }
0x39: {  	_ = 	snop;
	(pc) =	sbr.ind lr, $3  }
0x3a: {  	_ = 	snop  }
0x3b: {  	_ = 	snop  }
0x3c: {  	p2 =	seq.s32 s10, $0x1;
	s10 =	sld [smem:$0x3FB4]  }
0x3d: {  	_ =	shalt  }
0x3e: {  	_ =	shalt  }
0x3f: {  	_ =	shalt  }
0x40: {  	_ =	shalt  }
0x41: {  	_ =	shalt  }
0x42: {  	_ =	shalt  }
0x43: {  	_ =	shalt  }
0x44: {  	_ =	shalt  }
0x45: {  	_ =	shalt  }
0x46: {  	_ =	shalt  }
0x47: {  	_ =	shalt  }
0x48: {  	_ =	shalt  }
0x49: {  	_ =	shalt  }
0x4a: {  	_ =	shalt  }
0x4b: {  	_ =	shalt  }
0x4c: {  	_ =	shalt  }
0x4d: {  	_ =	shalt  }
0x4e: {  	_ =	shalt  }
0x4f: {  	_ =	shalt  }
0x50: {  	_ =	shalt  }
0x51: {  	_ =	shalt  }
0x52: {  	_ =	shalt  }
0x53: {  	_ =	shalt  }
0x54: {  	_ =	shalt  }
0x55: {  	_ =	shalt  }
0x56: {  	_ =	shalt  }
0x57: {  	_ =	shalt  }
0x58: {  	_ =	shalt  }
0x59: {  	_ =	shalt  }
0x5a: {  	_ =	shalt  }
0x5b: {  	_ =	shalt  }
0x5c: {  	_ =	shalt  }
0x5d: {  	_ =	shalt  }
0x5e: {  	_ =	shalt  }
0x5f: {  	_ =	shalt  }
0x60: {  	_ =	shalt  }
0x61: {  	_ =	shalt  }
0x62: {  	_ =	shalt  }
0x63: {  	_ =	shalt  }
0x64: {  	_ =	shalt  }
0x65: {  	_ =	shalt  }
0x66: {  	_ =	shalt  }
0x67: {  	_ =	shalt  }
0x68: {  	_ =	shalt  }
0x69: {  	_ =	shalt  }
0x6a: {  	_ =	shalt  }
0x6b: {  	_ =	shalt  }
0x6c: {  	_ =	shalt  }
0x6d: {  	_ =	shalt  }
0x6e: {  	_ =	shalt  }
0x6f: {  	_ =	shalt  }
0x70: {  	_ =	shalt  }
0x71: {  	_ =	shalt  }
0x72: {  	_ =	shalt  }
0x73: {  	_ =	shalt  }
0x74: {  	_ =	shalt  }
0x75: {  	_ =	shalt  }
0x76: {  	_ =	shalt  }
0x77: {  	_ =	shalt  }
0x78: {  	_ =	shalt  }
0x79: {  	_ =	shalt  }
0x7a: {  	_ =	shalt  }
0x7b: {  	_ =	shalt  }
0x7c: {  	_ =	shalt  }
0x7d: {  	_ =	shalt  }
0x7e: {  	_ =	shalt  }
0x7f: {  	_ =	shalt  }
0x80: {  	_ =	shalt  }
0x81: {  	_ =	shalt  }
0x82: {  	_ =	shalt  }
0x83: {  	_ =	shalt  }
0x84: {  	_ =	shalt  }
0x85: {  	_ =	shalt  }
0x86: {  	_ =	shalt  }
0x87: {  	_ =	shalt  }
.Lfunc_end0:
.L_simem_size_0:
called_computation_lowered:
.L_overlay_start_0:
0x88: {  	s2 =	sld [smem:$0x3FD9]  }
0x89: {  	s3 =	sld [smem:$0x3FFE];
	_ =	sdelay $0x1  }
0x8a: {  	s1 =	srdreg.scid  }
0x8b: {  	s0 =	sand.u32 $0x1, s1  }
0x8c: {  	s14 =	sshll.u32 s0, $0xA;
	s2 =	sadd.s32 s3, s2  }
0x8d: {  	s2 =	sadd.s32 s2, s14  }
0x8e: {  	[smem:$0x3FC0] =	sst s2  }
0x8f: {  	_ = 	snop  }
0x90: {  	s2 =	sld [smem:$0x3FD0];
	_ =	sdelay $0x1  }
0x91: {  	s15 =	sld [smem:$0x3FC7]  }
0x92: {  	s5 =	simm.s32 $0xA;
	s6 =	simm.s32 $0x10;
	s4 =	sld [smem:$0x3FC6]  }
0x93: {  	[smem:s6], [sflag:s5] =	dma.local [hbm:s2], $0x1  }
0x94: {  	_ =	swait.eq [sflag:s5], $0x1  }
0x95: {  	[sflag:s5] =	ssyncset.done $0x0  }
0x96: {  	s16 =	sld [smem:$0x10];
	[sflag:s5] =	ssyncadd.s32 $0xFFFFFFFF  }
0x97: {  	s17 =	sld [smem:$0x11];
	(tm) =	ssettm $0x1  }
0x98: {  	s18 =	sld [smem:$0x3FFB];
	_ =	sdelay $0x3  }
0x99: {  	_ =	strace s18  }
0x9a: {  	s6 =	sld [smem:$0x3FFC];
	_ =	sdelay $0x3  }
0x9b: {  	_ =	strace s6  }
0x9c: {  	s6 =	sld [smem:$0x3FFD];
	_ =	sdelay $0x3  }
0x9d: {  	_ =	strace s6  }
0x9e: {  	_ =	strace $0x8FFFFFFF  }
0x9f: {  	s19 =	sld [smem:$0x3FDB];
	_ =	sdelay $0x1  }
0xa0: {  	s7 =	simm.s32 $_scs_section_size  }
0xa1: {  	s8 =	simm.s32 $_size__tile_overlayer_lowered;
	s9 =	simm.s32 $_tile_overlayer_lowered  }
0xa2: {  	s22 =	simm.s32 $0x1BFF;
	s21 =	sshll.u32 s9, $0x1;
	s6 =	sadd.s32 s7, s19  }
0xa3: {  	s10 =	simm.s32 $0x0;
	s20 =	sshll.u32 s8, $0x1;
	s8 =	sadd.s32 s21, s6  }
0xa4: {  	[timem:s10], [sflag:s22] =	dma.local [hbm:s8], s20  }
0xa5: {  	_ =	swait.ge [sflag:s22], s20  }
0xa6: {  	s7 =	ssub.s32 $0x0, s20;
	[sflag:s22] =	ssyncset.done $0x0  }
0xa7: {  	[sflag:s22] =	ssyncadd.s32 s7;
	_ =	sdelay $0x1  }
0xa8: {  	s23 =	simm.s32 $0x1B8B  }
0xa9: {  	_ =	swait.ge [sflag:s23], $0x1  }
0xaa: {  	[sflag:s23] =	ssyncset.done $0x0  }
0xab: {  	s25 =	simm.s32 $0x1B8E;
	s24 =	sld [smem:$0x3FFE];
	[sflag:s23] =	ssyncadd.s32 $0xFFFFFFFF  }
0xac: {  	s26 =	simm.s32 $execute0_lowered;
	[smem:$0x3FD2] =	sst s25  }
0xad: {  	s8 =	sshll.u32 s26, $0x1;
	_ =	strace $0x80000046;
	[dreg:$0x1] =	wrdreg $0xFFFFFFFF  }
0xae: {  	s28 =	simm.s32 $_size_execute0_lowered;
	s6 =	sadd.s32 s6, s8;
	[dreg:$0x0] =	wrdreg $0x0  }
0xaf: {  	s8 =	sshll.u32 s28, $0x1;
	[dreg:$0x2] =	wrdreg s6  }
0xb0: {  	[dreg:$0x3] =	wrdreg s8  }
0xb1: {  	[dreg:$0x4] =	wrdreg $0xC0  }
0xb2: {  	_ =	task [dreg:s10], $0x5FFFF  }
0xb3: {  	[dreg:$0x1] =	wrdreg $0xFFFFFFFF  }
0xb4: {  	[dreg:$0x0] =	wrdreg $0x60  }
0xb5: {  	[dreg:$0x2] =	wrdreg s15  }
0xb6: {  	[dreg:$0x3] =	wrdreg s4  }
0xb7: {  	[dreg:$0x4] =	wrdreg s17  }
0xb8: {  	[dreg:$0x5] =	wrdreg s16  }
0xb9: {  	[dreg:$0x6] =	wrdreg s24  }
0xba: {  	[dreg:$0x7] =	wrdreg $0x9  }
0xbb: {  	_ =	task.clear_ibuf [dreg:s10], $0x8FFFF;
	_ =	strace $0x90000046  }
0xbc: {  	s29 =	simm.s32 $0x9;
	_ =	strace $0x80000048  }
0xbd: {  	_ =	swait.ge [sflag:s29], $0x1  }
0xbe: {  	[sflag:s29] =	ssyncadd.s32 $0xFFFFFFFF  }
0xbf: {  	_ =	strace $0x90000048  }
0xc0: {  	_ =	sfence  }
0xc1: {  	s30 =	sld [smem:$0x0];
	_ =	sdelay $0x2  }
0xc2: {  	s31 =	sshll.u32 s1, $0xD;
	s1 =	sshrl.u32 s1, $0x2  }
0xc3: {  	s3 =	sand.u32 $0x4000, s31;
	s1 =	sadd.s32 s1, s30  }
0xc4: {  	s0 =	sor.u32 s3, s0;
	s1 =	sshll.u32 s1, $0x11  }
0xc5: {  	s0 =	sor.u32 s1, s0  }
0xc6: {  	s0 =	sadd.s32 $0x8F2B, s0  }
0xc7: {  	[sflag:s0] =	ssyncadd.remote.s32 $0x1  }
0xc8: {  	_ =	sfence.sel $0xFFFF  }
0xc9: {  	[dreg:$0x0] =	wrdreg $0xFFFFFFFF;
	(pc) =	sbr.abs _section_cstart, $3  }
0xca: {  	[dreg:$0x1] =	wrdreg $0xFFFFFFFF  }
0xcb: {  	_ =	task.clear_ibuf [dreg:s10], $0x2FFFF;
	_ =	strace $0x9FFFFFFF  }
0xcc: {  	(tm) =	ssettm $0x7FFFFFFF  }
0xcd: {  	_ =	shalt  }
tec
execute0_lowered:
.L_overlay_start_1:
0x0: {  	(tag) =	ssettag $0x1  }
0x1: {  	s1 =	rddreg [dreg:$0x0]  }
0x2: {  	s2 =	rddreg [dreg:$0x1]  }
0x3: {  	s0 =	rddreg [dreg:$0x2]  }
0x4: {  	s3 =	rddreg [dreg:$0x3]  }
0x5: {  	s4 =	rddreg [dreg:$0x4]  }
0x6: {  	s6 =	simm.s32 $0x0;
	s5 =	srdreg.scid;
	s7 =	stileid.u32  }
0x7: {  	s11 =	simm.s32 $0x400;
	s12 =	simm.s32 $0x5;
	s14 =	simm.s32 $0x7A1400  }
0x8: {  	s15 =	simm.s32 $0xE00;
	s16 =	simm.s32 $0x1E00;
	s17 =	simm.s32 $0x2E00  }
0x9: {  	s18 =	simm.s32 $0x3E00;
	s19 =	simm.s32 $0x4E00;
	s20 =	simm.s32 $0x5E00  }
0xa: {  	s21 =	simm.s32 $0x6E00;
	s28 =	simm.s32 $0xCE00;
	s29 =	simm.s32 $0xDE00  }
0xb: {  	s30 =	simm.s32 $0xEE00;
	s31 =	simm.s32 $0xFE00;
	s13 =	simm.s32 $0x3  }
0xc: {  	s10 =	simm.s32 $0x0;
	[smem:$0x7FF] =	sst s6;
	s5 =	sand.u32 $0x1, s5  }
0xd: {  	s22 =	sshll.u32 s7, $0x1;
	s7 =	sshll.u32 s7, $0x7;
	_ =	strace $0x80000047  }
0xe: {  	s6 =	sor.u32 s5, s22;
	s5 =	ssub.s32 $0x2, s5;
	s22 =	simm.s32 $0x7E00  }
0xf: {  	s8 =	sshll.u32 s6, $0x4;
	s6 =	sshll.u32 s6, $0xB;
	s9 =	sshrl.u32 s5, $0x1  }
0x10: {  	s7 =	sor.u32 s7, s8;
	s4 =	sadd.s32 s6, s4;
	s5 =	ssub.s32 s5, s9  }
0x11: {  	v0 =	vlaneseq.u32;
	s23 =	sand.u32 $0x670, s7;
	s25 =	sadd.s32 $0x1800, s4;
	s26 =	sadd.s32 $0x11800, s4  }
0x12: {  	v0 =	vmul.u32 $0x80, v0;
	s9 =	smax.u32 s5, $0x1;
	s5 =	simm.s32 $0x0;
	s4 =	simm.s32 $0x4  }
0x13: {  	s0 =	sadd.s32 s0, s23;
	s24 =	sadd.s32 s3, s23;
	[dreg:$0x8] =	wrdreg s25  }
0x14: {  	v1 =	vor.u32 $0x800, v0;
	[dreg:$0x9] =	wrdreg s26;
	s23 =	simm.s32 $0x8E00;
	s25 =	simm.s32 $0xAE00  }
0x15: {  	v2 =	vor.u32 $0x1000, v0;
	v3 =	vor.u32 $0x1800, v0;
	v4 =	vor.u32 $0x2000, v0;
	s26 =	simm.s32 $0xBE00;
	s3 =	simm.s32 $0x2;
	[dreg:$0x6] =	wrdreg s0  }
0x16: {  	v5 =	vor.u32 $0x2800, v0;
	v6 =	vor.u32 $0x3000, v0;
	v7 =	vor.u32 $0x3800, v0;
	[dreg:$0x7] =	wrdreg s24;
	s24 =	simm.s32 $0x9E00;
	s0 =	simm.s32 $0x1  }
.LBB2_1:
0x17: {  	s6 =	rddreg [dreg:$0x6];
	s7 =	simm.s32 $0x80  }
0x18: {  	[tilespmem:s5], [sflag:$0x5] =	stream.strided.gather [hbm4b:s6+s7], $0x200, s11, s7, $0x38;
	[tilespmem:$0x18E00] =	vst v63  }
0x19: {  	_ =	swait.ge [sflag:s12], $0x200  }
0x1a: {  	[sflag:s12] =	ssyncset.done $0x0  }
0x1b: {  	s8 =	simm.s32 $0x200;
	s6 =	rddreg [dreg:$0x7];
	[sflag:s12] =	ssyncadd.s32 $0xFFFFFE00  }
0x1c: {  	[tilespmem:s8], [sflag:$0x5] =	stream.strided.gather [hbm4b:s6+s7], $0x200, s11, s7, $0x38;
	[tilespmem:$0x18E00] =	vst v63  }
0x1d: {  	_ =	swait.ge [sflag:s12], $0x200  }
0x1e: {  	[sflag:s12] =	ssyncset.done $0x0  }
0x1f: {  	s5 =	simm.s32 $0x0;
	[sflag:s12] =	ssyncadd.s32 $0xFFFFFE00  }
0x20: {  	v8 =	vld [tilespmem:s5+$0x0]  }
0x21: {  	s6 =	simm.s32 $0x40  }
.LBB2_2:
0x22: {  	p0 =	sne.s32 s6, $0x7C0  }
.Ltmp0:
0x23: {  	_ = 	snop;
	(pc) =	sbr.rel @p0 .LBB2_2-.Ltmp0, $4  }
0x24: {  	_ = 	snop  }
0x25: {  	s7 =	sshra.s32 s6, $0x2;
	s6 =	sadd.s32 $0x40, s6;
	v9 =	vand.u32 $0xFFFFFF80, v8;
	v10 =	vand.u32 $0x7F, v8  }
0x26: {  	v8 =	vld [tilespmem:s7+$0x0];
	[tilespmem:s5+$0x680] =	vst v10  }
0x27: {  	[tilespmem:s5+$0x400] =	vst v9;
	s5 =	smov.u32 s7  }
0x28: {  	_ =	sdelay $0x2  }
0x29: {  	v9 =	vand.u32 $0x7F, v8  }
0x2a: {  	v8 =	vand.u32 $0xFFFFFF80, v8;
	[tilespmem:s5+$0x680] =	vst v9  }
0x2b: {  	[tilespmem:s5+$0x400] =	vst v8;
	s5 =	simm.s32 $0x0  }
0x2c: {  	v8 =	vld [tilespmem:s5+$0x200]  }
0x2d: {  	s6 =	simm.s32 $0x40  }
.LBB2_4:
0x2e: {  	p0 =	sne.s32 s6, $0x7C0  }
.Ltmp1:
0x2f: {  	_ = 	snop;
	(pc) =	sbr.rel @p0 .LBB2_4-.Ltmp1, $4  }
0x30: {  	_ = 	snop  }
0x31: {  	s7 =	sshra.s32 s6, $0x2;
	s6 =	sadd.s32 $0x40, s6;
	v9 =	vand.u32 $0xFFFFFF80, v8;
	v10 =	vand.u32 $0x7F, v8  }
0x32: {  	v8 =	vld [tilespmem:s7+$0x200];
	[tilespmem:s5+$0xB80] =	vst v10  }
0x33: {  	[tilespmem:s5+$0x900] =	vst v9;
	s5 =	smov.u32 s7  }
0x34: {  	_ =	sdelay $0x2  }
0x35: {  	v9 =	vand.u32 $0x7F, v8  }
0x36: {  	v8 =	vand.u32 $0xFFFFFF80, v8;
	[tilespmem:s5+$0xB80] =	vst v9  }
0x37: {  	[tilespmem:s5+$0x900] =	vst v8  }
0x38: {  	v8 =	vld [tilespmem:$0x400];
	_ =	sdelay $0x4  }
0x39: {  	(v2sf) =	vpush v8, $0x0;
	_ =	sdelay $0x1  }
0x3a: {  	(v2sf) =	vpush v8, $0x1;
	_ =	sdelay $0x2  }
0x3b: {  	(v2sf) =	vpush v8, $0x2;
	_ =	sdelay $0x2  }
0x3c: {  	(v2sf) =	vpush v8, $0x3;
	_ =	sdelay $0x6  }
0x3d: {  	s6 =	spop (v2sf)  }
0x3e: {  	s5 =	sand.u32 $0xFFFFF80, s6  }
0x3f: {  	s7 =	spop (v2sf);
	s5 =	sadd.s32 s1, s5  }
0x40: {  	[tilespmem:s15], [sflag:$0x1] =	stream.strided.gather [hbm4b:s5+s11], $0x1000, s14, s11, $0x38;
	[tilespmem:$0x18E00] =	vst v63  }
0x41: {  	s5 =	sand.u32 $0xFFFFF80, s7  }
0x42: {  	s8 =	spop (v2sf);
	s5 =	sadd.s32 s1, s5  }
0x43: {  	[tilespmem:s16], [sflag:$0x1] =	stream.strided.gather [hbm4b:s5+s11], $0x1000, s14, s11, $0x38;
	[tilespmem:$0x18E00] =	vst v63  }
0x44: {  	s5 =	sand.u32 $0xFFFFF80, s8  }
0x45: {  	s6 =	spop (v2sf);
	s5 =	sadd.s32 s1, s5  }
0x46: {  	[tilespmem:s17], [sflag:$0x1] =	stream.strided.gather [hbm4b:s5+s11], $0x1000, s14, s11, $0x38;
	[tilespmem:$0x18E00] =	vst v63  }
0x47: {  	s5 =	sand.u32 $0xFFFFF80, s6  }
0x48: {  	s5 =	sadd.s32 s1, s5  }
0x49: {  	[tilespmem:s18], [sflag:$0x1] =	stream.strided.gather [hbm4b:s5+s11], $0x1000, s14, s11, $0x38;
	[tilespmem:$0x18E00] =	vst v63  }
0x4a: {  	v8 =	vld [tilespmem:$0x404];
	_ =	sdelay $0x4  }
0x4b: {  	(v2sf) =	vpush v8, $0x0;
	_ =	sdelay $0x1  }
0x4c: {  	(v2sf) =	vpush v8, $0x1;
	_ =	sdelay $0x2  }
0x4d: {  	(v2sf) =	vpush v8, $0x2;
	_ =	sdelay $0x2  }
0x4e: {  	(v2sf) =	vpush v8, $0x3;
	_ =	sdelay $0x6  }
0x4f: {  	s7 =	spop (v2sf)  }
0x50: {  	s5 =	sand.u32 $0xFFFFF80, s7  }
0x51: {  	s8 =	spop (v2sf);
	s5 =	sadd.s32 s1, s5  }
0x52: {  	[tilespmem:s19], [sflag:$0x2] =	stream.strided.gather [hbm4b:s5+s11], $0x1000, s14, s11, $0x38;
	[tilespmem:$0x18E00] =	vst v63  }
0x53: {  	s5 =	sand.u32 $0xFFFFF80, s8  }
0x54: {  	s6 =	spop (v2sf);
	s5 =	sadd.s32 s1, s5  }
0x55: {  	[tilespmem:s20], [sflag:$0x2] =	stream.strided.gather [hbm4b:s5+s11], $0x1000, s14, s11, $0x38;
	[tilespmem:$0x18E00] =	vst v63  }
0x56: {  	s5 =	sand.u32 $0xFFFFF80, s6  }
0x57: {  	s7 =	spop (v2sf);
	s5 =	sadd.s32 s1, s5  }
0x58: {  	[tilespmem:s21], [sflag:$0x2] =	stream.strided.gather [hbm4b:s5+s11], $0x1000, s14, s11, $0x38;
	[tilespmem:$0x18E00] =	vst v63  }
0x59: {  	s5 =	sand.u32 $0xFFFFF80, s7  }
0x5a: {  	s5 =	sadd.s32 s1, s5  }
0x5b: {  	[tilespmem:s22], [sflag:$0x2] =	stream.strided.gather [hbm4b:s5+s11], $0x1000, s14, s11, $0x38;
	[tilespmem:$0x18E00] =	vst v63  }
0x5c: {  	v8 =	vld [tilespmem:$0x408];
	_ =	sdelay $0x4  }
0x5d: {  	(v2sf) =	vpush v8, $0x0;
	_ =	sdelay $0x1  }
0x5e: {  	(v2sf) =	vpush v8, $0x1;
	_ =	sdelay $0x2  }
0x5f: {  	(v2sf) =	vpush v8, $0x2;
	_ =	sdelay $0x2  }
0x60: {  	(v2sf) =	vpush v8, $0x3;
	_ =	sdelay $0x6  }
0x61: {  	s8 =	spop (v2sf)  }
0x62: {  	s5 =	sand.u32 $0xFFFFF80, s8  }
0x63: {  	s6 =	spop (v2sf);
	s5 =	sadd.s32 s1, s5  }
0x64: {  	[tilespmem:s23], [sflag:$0x3] =	stream.strided.gather [hbm4b:s5+s11], $0x1000, s14, s11, $0x38;
	[tilespmem:$0x18E00] =	vst v63  }
0x65: {  	s5 =	sand.u32 $0xFFFFF80, s6  }
0x66: {  	s7 =	spop (v2sf);
	s5 =	sadd.s32 s1, s5  }
0x67: {  	[tilespmem:s24], [sflag:$0x3] =	stream.strided.gather [hbm4b:s5+s11], $0x1000, s14, s11, $0x38;
	[tilespmem:$0x18E00] =	vst v63  }
0x68: {  	s5 =	sand.u32 $0xFFFFF80, s7  }
0x69: {  	s8 =	spop (v2sf);
	s5 =	sadd.s32 s1, s5  }
0x6a: {  	[tilespmem:s25], [sflag:$0x3] =	stream.strided.gather [hbm4b:s5+s11], $0x1000, s14, s11, $0x38;
	[tilespmem:$0x18E00] =	vst v63  }
0x6b: {  	s5 =	sand.u32 $0xFFFFF80, s8  }
0x6c: {  	s5 =	sadd.s32 s1, s5  }
0x6d: {  	[tilespmem:s26], [sflag:$0x3] =	stream.strided.gather [hbm4b:s5+s11], $0x1000, s14, s11, $0x38;
	[tilespmem:$0x18E00] =	vst v63  }
0x6e: {  	v8 =	vld [tilespmem:$0x40C];
	_ =	sdelay $0x4  }
0x6f: {  	(v2sf) =	vpush v8, $0x0  }
0x70: {  	(v2sf) =	vpush v8, $0x1  }
0x71: {  	(v2sf) =	vpush v8, $0x2;
	_ =	sdelay $0x3  }
0x72: {  	(v2sf) =	vpush v8, $0x3;
	_ =	sdelay $0x8  }
0x73: {  	s6 =	spop (v2sf)  }
0x74: {  	s5 =	sand.u32 $0xFFFFF80, s6;
	s6 =	spop (v2sf)  }
0x75: {  	s5 =	sadd.s32 s1, s5;
	s7 =	sand.u32 $0xFFFFF80, s6;
	s8 =	spop (v2sf)  }
0x76: {  	[tilespmem:s28], [sflag:$0x4] =	stream.strided.gather [hbm4b:s5+s11], $0x1000, s14, s11, $0x38;
	[tilespmem:$0x18E00] =	vst v63  }
0x77: {  	s5 =	sadd.s32 s1, s7;
	s7 =	sand.u32 $0xFFFFF80, s8  }
0x78: {  	[tilespmem:s29], [sflag:$0x4] =	stream.strided.gather [hbm4b:s5+s11], $0x1000, s14, s11, $0x38;
	[tilespmem:$0x18E00] =	vst v63  }
0x79: {  	s8 =	spop (v2sf);
	s5 =	sadd.s32 s1, s7  }
0x7a: {  	[tilespmem:s30], [sflag:$0x4] =	stream.strided.gather [hbm4b:s5+s11], $0x1000, s14, s11, $0x38;
	[tilespmem:$0x18E00] =	vst v63  }
0x7b: {  	s5 =	sand.u32 $0xFFFFF80, s8  }
0x7c: {  	s5 =	sadd.s32 s1, s5  }
0x7d: {  	[tilespmem:s31], [sflag:$0x4] =	stream.strided.gather [hbm4b:s5+s11], $0x1000, s14, s11, $0x38;
	[tilespmem:$0x18E00] =	vst v63  }
0x7e: {  	s6 =	simm.s32 $0x10F00;
	s5 =	simm.s32 $0x0  }
.LBB2_6:
0x7f: {  	_ =	swait.ge [sflag:s0], $0x1000  }
0x80: {  	[sflag:s0] =	ssyncset.done $0x0  }
0x81: {  	[sflag:s0] =	ssyncadd.s32 $0xFFFFF000  }
0x82: {  	_ =	swait.ge [sflag:s0], $0x1000  }
0x83: {  	[sflag:s0] =	ssyncset.done $0x0  }
0x84: {  	[sflag:s0] =	ssyncadd.s32 $0xFFFFF000  }
0x85: {  	_ =	swait.ge [sflag:s0], $0x1000  }
0x86: {  	[sflag:s0] =	ssyncset.done $0x0  }
0x87: {  	[sflag:s0] =	ssyncadd.s32 $0xFFFFF000  }
0x88: {  	_ =	swait.ge [sflag:s0], $0x1000  }
0x89: {  	[sflag:s0] =	ssyncset.done $0x0  }
0x8a: {  	s7 =	sshra.s32 s5, $0x2;
	[sflag:s0] =	ssyncadd.s32 $0xFFFFF000  }
0x8b: {  	v8 =	vld [tilespmem:s7+$0x680];
	_ =	sdelay $0x4  }
0x8c: {  	v9 =	vbroadcast v8, $0x0;
	_ =	sdelay $0x1  }
0x8d: {  	v10 =	vadd.s32 v0, v9  }
0x8e: {  	v9 =	vadd.s32 v1, v9;
	_ =	sdelay $0x3  }
0x8f: {  	v11 =	vbroadcast v8, $0x1;
	v10 =	vld.idx.msk [tilespmem:v10+s15+$0x0], $0xffff  }
0x90: {  	v9 =	vld.idx.msk [tilespmem:v9+s15+$0x0], $0xffff  }
0x91: {  	v12 =	vadd.s32 v2, v11  }
0x92: {  	v11 =	vadd.s32 v3, v11;
	_ =	sdelay $0x1  }
0x93: {  	[tilespmem:s6+$0xFFFFFF00] =	vst v10  }
0x94: {  	[tilespmem:s6+$0xFFFFFF10] =	vst v9  }
0x95: {  	v40 =	vbroadcast v8, $0x2;
	v9 =	vld.idx.msk [tilespmem:v12+s15+$0x0], $0xffff  }
0x96: {  	v11 =	vld.idx.msk [tilespmem:v11+s15+$0x0], $0xffff  }
0x97: {  	v41 =	vadd.s32 v4, v40  }
0x98: {  	v10 =	vadd.s32 v5, v40;
	_ =	sdelay $0x1  }
0x99: {  	[tilespmem:s6+$0xFFFFFF20] =	vst v9  }
0x9a: {  	[tilespmem:s6+$0xFFFFFF30] =	vst v11  }
0x9b: {  	v8 =	vbroadcast v8, $0x3;
	v9 =	vld.idx.msk [tilespmem:v41+s15+$0x0], $0xffff  }
0x9c: {  	v10 =	vld.idx.msk [tilespmem:v10+s15+$0x0], $0xffff  }
0x9d: {  	v42 =	vadd.s32 v6, v8  }
0x9e: {  	v8 =	vadd.s32 v7, v8;
	_ =	sdelay $0x1  }
0x9f: {  	[tilespmem:s6+$0xFFFFFF40] =	vst v9  }
0xa0: {  	[tilespmem:s6+$0xFFFFFF50] =	vst v10  }
0xa1: {  	v9 =	vld.idx.msk [tilespmem:v42+s15+$0x0], $0xffff  }
0xa2: {  	v8 =	vld.idx.msk [tilespmem:v8+s15+$0x0], $0xffff;
	_ =	sdelay $0x3  }
0xa3: {  	[tilespmem:s6+$0xFFFFFF60] =	vst v9  }
0xa4: {  	[tilespmem:s6+$0xFFFFFF70] =	vst v8  }
0xa5: {  	v8 =	vld [tilespmem:s7+$0x410];
	_ =	sdelay $0x4  }
0xa6: {  	(v2sf) =	vpush v8, $0x0;
	_ =	sdelay $0x3  }
0xa7: {  	(v2sf) =	vpush v8, $0x1;
	_ =	sdelay $0x3  }
0xa8: {  	(v2sf) =	vpush v8, $0x2;
	_ =	sdelay $0x3  }
0xa9: {  	(v2sf) =	vpush v8, $0x3;
	_ =	sdelay $0x2  }
0xaa: {  	s8 =	spop (v2sf)  }
0xab: {  	s8 =	sand.u32 $0xFFFFF80, s8  }
0xac: {  	s8 =	sadd.s32 s1, s8  }
0xad: {  	[tilespmem:s15], [sflag:$0x1] =	stream.strided.gather [hbm4b:s8+s11], $0x1000, s14, s11, $0x38;
	[tilespmem:$0x18E00] =	vst v63  }
0xae: {  	s8 =	spop (v2sf)  }
0xaf: {  	s8 =	sand.u32 $0xFFFFF80, s8  }
0xb0: {  	s8 =	sadd.s32 s1, s8  }
0xb1: {  	[tilespmem:s16], [sflag:$0x1] =	stream.strided.gather [hbm4b:s8+s11], $0x1000, s14, s11, $0x38;
	[tilespmem:$0x18E00] =	vst v63  }
0xb2: {  	s8 =	spop (v2sf)  }
0xb3: {  	s8 =	sand.u32 $0xFFFFF80, s8  }
0xb4: {  	s8 =	sadd.s32 s1, s8  }
0xb5: {  	[tilespmem:s17], [sflag:$0x1] =	stream.strided.gather [hbm4b:s8+s11], $0x1000, s14, s11, $0x38;
	[tilespmem:$0x18E00] =	vst v63  }
0xb6: {  	s8 =	spop (v2sf)  }
0xb7: {  	s8 =	sand.u32 $0xFFFFF80, s8  }
0xb8: {  	s8 =	sadd.s32 s1, s8  }
0xb9: {  	[tilespmem:s18], [sflag:$0x1] =	stream.strided.gather [hbm4b:s8+s11], $0x1000, s14, s11, $0x38;
	[tilespmem:$0x18E00] =	vst v63  }
0xba: {  	_ =	swait.ge [sflag:s3], $0x1000  }
0xbb: {  	[sflag:s3] =	ssyncset.done $0x0  }
0xbc: {  	[sflag:s3] =	ssyncadd.s32 $0xFFFFF000  }
0xbd: {  	_ =	swait.ge [sflag:s3], $0x1000  }
0xbe: {  	[sflag:s3] =	ssyncset.done $0x0  }
0xbf: {  	[sflag:s3] =	ssyncadd.s32 $0xFFFFF000  }
0xc0: {  	_ =	swait.ge [sflag:s3], $0x1000  }
0xc1: {  	[sflag:s3] =	ssyncset.done $0x0  }
0xc2: {  	[sflag:s3] =	ssyncadd.s32 $0xFFFFF000  }
0xc3: {  	_ =	swait.ge [sflag:s3], $0x1000  }
0xc4: {  	[sflag:s3] =	ssyncset.done $0x0  }
0xc5: {  	[sflag:s3] =	ssyncadd.s32 $0xFFFFF000  }
0xc6: {  	v8 =	vld [tilespmem:s7+$0x684];
	_ =	sdelay $0x4  }
0xc7: {  	v43 =	vbroadcast v8, $0x0;
	_ =	sdelay $0x1  }
0xc8: {  	v44 =	vadd.s32 v0, v43  }
0xc9: {  	v9 =	vadd.s32 v1, v43;
	_ =	sdelay $0x3  }
0xca: {  	v45 =	vbroadcast v8, $0x1;
	v10 =	vld.idx.msk [tilespmem:v44+s19+$0x0], $0xffff  }
0xcb: {  	v9 =	vld.idx.msk [tilespmem:v9+s19+$0x0], $0xffff  }
0xcc: {  	v46 =	vadd.s32 v2, v45  }
0xcd: {  	v11 =	vadd.s32 v3, v45;
	_ =	sdelay $0x1  }
0xce: {  	[tilespmem:s6+$0xFFFFFF80] =	vst v10  }
0xcf: {  	[tilespmem:s6+$0xFFFFFF90] =	vst v9  }
0xd0: {  	v47 =	vbroadcast v8, $0x2;
	v9 =	vld.idx.msk [tilespmem:v46+s19+$0x0], $0xffff  }
0xd1: {  	v11 =	vld.idx.msk [tilespmem:v11+s19+$0x0], $0xffff  }
0xd2: {  	v48 =	vadd.s32 v4, v47  }
0xd3: {  	v10 =	vadd.s32 v5, v47;
	_ =	sdelay $0x1  }
0xd4: {  	[tilespmem:s6+$0xFFFFFFA0] =	vst v9  }
0xd5: {  	[tilespmem:s6+$0xFFFFFFB0] =	vst v11  }
0xd6: {  	v8 =	vbroadcast v8, $0x3;
	v9 =	vld.idx.msk [tilespmem:v48+s19+$0x0], $0xffff  }
0xd7: {  	v10 =	vld.idx.msk [tilespmem:v10+s19+$0x0], $0xffff  }
0xd8: {  	v49 =	vadd.s32 v6, v8  }
0xd9: {  	v8 =	vadd.s32 v7, v8;
	_ =	sdelay $0x1  }
0xda: {  	[tilespmem:s6+$0xFFFFFFC0] =	vst v9  }
0xdb: {  	[tilespmem:s6+$0xFFFFFFD0] =	vst v10  }
0xdc: {  	v9 =	vld.idx.msk [tilespmem:v49+s19+$0x0], $0xffff  }
0xdd: {  	v8 =	vld.idx.msk [tilespmem:v8+s19+$0x0], $0xffff;
	_ =	sdelay $0x3  }
0xde: {  	[tilespmem:s6+$0xFFFFFFE0] =	vst v9  }
0xdf: {  	[tilespmem:s6+$0xFFFFFFF0] =	vst v8  }
0xe0: {  	v8 =	vld [tilespmem:s7+$0x414];
	_ =	sdelay $0x4  }
0xe1: {  	(v2sf) =	vpush v8, $0x0;
	_ =	sdelay $0x3  }
0xe2: {  	(v2sf) =	vpush v8, $0x1;
	_ =	sdelay $0x3  }
0xe3: {  	(v2sf) =	vpush v8, $0x2;
	_ =	sdelay $0x3  }
0xe4: {  	(v2sf) =	vpush v8, $0x3;
	_ =	sdelay $0x2  }
0xe5: {  	s8 =	spop (v2sf)  }
0xe6: {  	s8 =	sand.u32 $0xFFFFF80, s8  }
0xe7: {  	s8 =	sadd.s32 s1, s8  }
0xe8: {  	[tilespmem:s19], [sflag:$0x2] =	stream.strided.gather [hbm4b:s8+s11], $0x1000, s14, s11, $0x38;
	[tilespmem:$0x18E00] =	vst v63  }
0xe9: {  	s8 =	spop (v2sf)  }
0xea: {  	s8 =	sand.u32 $0xFFFFF80, s8  }
0xeb: {  	s8 =	sadd.s32 s1, s8  }
0xec: {  	[tilespmem:s20], [sflag:$0x2] =	stream.strided.gather [hbm4b:s8+s11], $0x1000, s14, s11, $0x38;
	[tilespmem:$0x18E00] =	vst v63  }
0xed: {  	s8 =	spop (v2sf)  }
0xee: {  	s8 =	sand.u32 $0xFFFFF80, s8  }
0xef: {  	s8 =	sadd.s32 s1, s8  }
0xf0: {  	[tilespmem:s21], [sflag:$0x2] =	stream.strided.gather [hbm4b:s8+s11], $0x1000, s14, s11, $0x38;
	[tilespmem:$0x18E00] =	vst v63  }
0xf1: {  	s8 =	spop (v2sf)  }
0xf2: {  	s8 =	sand.u32 $0xFFFFF80, s8  }
0xf3: {  	s8 =	sadd.s32 s1, s8  }
0xf4: {  	[tilespmem:s22], [sflag:$0x2] =	stream.strided.gather [hbm4b:s8+s11], $0x1000, s14, s11, $0x38;
	[tilespmem:$0x18E00] =	vst v63  }
0xf5: {  	_ =	swait.ge [sflag:s13], $0x1000  }
0xf6: {  	[sflag:s13] =	ssyncset.done $0x0  }
0xf7: {  	[sflag:s13] =	ssyncadd.s32 $0xFFFFF000  }
0xf8: {  	_ =	swait.ge [sflag:s13], $0x1000  }
0xf9: {  	[sflag:s13] =	ssyncset.done $0x0  }
0xfa: {  	[sflag:s13] =	ssyncadd.s32 $0xFFFFF000  }
0xfb: {  	_ =	swait.ge [sflag:s13], $0x1000  }
0xfc: {  	[sflag:s13] =	ssyncset.done $0x0  }
0xfd: {  	[sflag:s13] =	ssyncadd.s32 $0xFFFFF000  }
0xfe: {  	_ =	swait.ge [sflag:s13], $0x1000  }
0xff: {  	[sflag:s13] =	ssyncset.done $0x0  }
0x100: {  	[sflag:s13] =	ssyncadd.s32 $0xFFFFF000  }
0x101: {  	v8 =	vld [tilespmem:s7+$0x688];
	_ =	sdelay $0x4  }
0x102: {  	v50 =	vbroadcast v8, $0x0;
	_ =	sdelay $0x1  }
0x103: {  	v51 =	vadd.s32 v0, v50  }
0x104: {  	v9 =	vadd.s32 v1, v50;
	_ =	sdelay $0x3  }
0x105: {  	v52 =	vbroadcast v8, $0x1;
	v10 =	vld.idx.msk [tilespmem:v51+s23+$0x0], $0xffff  }
0x106: {  	v9 =	vld.idx.msk [tilespmem:v9+s23+$0x0], $0xffff  }
0x107: {  	v53 =	vadd.s32 v2, v52  }
0x108: {  	v11 =	vadd.s32 v3, v52;
	_ =	sdelay $0x1  }
0x109: {  	[tilespmem:s6+$0x0] =	vst v10  }
0x10a: {  	[tilespmem:s6+$0x10] =	vst v9  }
0x10b: {  	v54 =	vbroadcast v8, $0x2;
	v9 =	vld.idx.msk [tilespmem:v53+s23+$0x0], $0xffff  }
0x10c: {  	v11 =	vld.idx.msk [tilespmem:v11+s23+$0x0], $0xffff  }
0x10d: {  	v55 =	vadd.s32 v4, v54  }
0x10e: {  	v10 =	vadd.s32 v5, v54;
	_ =	sdelay $0x1  }
0x10f: {  	[tilespmem:s6+$0x20] =	vst v9  }
0x110: {  	[tilespmem:s6+$0x30] =	vst v11  }
0x111: {  	v8 =	vbroadcast v8, $0x3;
	v9 =	vld.idx.msk [tilespmem:v55+s23+$0x0], $0xffff  }
0x112: {  	v10 =	vld.idx.msk [tilespmem:v10+s23+$0x0], $0xffff  }
0x113: {  	v56 =	vadd.s32 v6, v8  }
0x114: {  	v8 =	vadd.s32 v7, v8;
	_ =	sdelay $0x1  }
0x115: {  	[tilespmem:s6+$0x40] =	vst v9  }
0x116: {  	[tilespmem:s6+$0x50] =	vst v10  }
0x117: {  	v9 =	vld.idx.msk [tilespmem:v56+s23+$0x0], $0xffff  }
0x118: {  	v8 =	vld.idx.msk [tilespmem:v8+s23+$0x0], $0xffff;
	_ =	sdelay $0x3  }
0x119: {  	[tilespmem:s6+$0x60] =	vst v9  }
0x11a: {  	[tilespmem:s6+$0x70] =	vst v8  }
0x11b: {  	v8 =	vld [tilespmem:s7+$0x418];
	_ =	sdelay $0x4  }
0x11c: {  	(v2sf) =	vpush v8, $0x0;
	_ =	sdelay $0x3  }
0x11d: {  	(v2sf) =	vpush v8, $0x1;
	_ =	sdelay $0x3  }
0x11e: {  	(v2sf) =	vpush v8, $0x2;
	_ =	sdelay $0x3  }
0x11f: {  	(v2sf) =	vpush v8, $0x3;
	_ =	sdelay $0x2  }
0x120: {  	s8 =	spop (v2sf)  }
0x121: {  	s8 =	sand.u32 $0xFFFFF80, s8  }
0x122: {  	s8 =	sadd.s32 s1, s8  }
0x123: {  	[tilespmem:s23], [sflag:$0x3] =	stream.strided.gather [hbm4b:s8+s11], $0x1000, s14, s11, $0x38;
	[tilespmem:$0x18E00] =	vst v63  }
0x124: {  	s8 =	spop (v2sf)  }
0x125: {  	s8 =	sand.u32 $0xFFFFF80, s8  }
0x126: {  	s8 =	sadd.s32 s1, s8  }
0x127: {  	[tilespmem:s24], [sflag:$0x3] =	stream.strided.gather [hbm4b:s8+s11], $0x1000, s14, s11, $0x38;
	[tilespmem:$0x18E00] =	vst v63  }
0x128: {  	s8 =	spop (v2sf)  }
0x129: {  	s8 =	sand.u32 $0xFFFFF80, s8  }
0x12a: {  	s8 =	sadd.s32 s1, s8  }
0x12b: {  	[tilespmem:s25], [sflag:$0x3] =	stream.strided.gather [hbm4b:s8+s11], $0x1000, s14, s11, $0x38;
	[tilespmem:$0x18E00] =	vst v63  }
0x12c: {  	s8 =	spop (v2sf)  }
0x12d: {  	s8 =	sand.u32 $0xFFFFF80, s8  }
0x12e: {  	s8 =	sadd.s32 s1, s8  }
0x12f: {  	[tilespmem:s26], [sflag:$0x3] =	stream.strided.gather [hbm4b:s8+s11], $0x1000, s14, s11, $0x38;
	[tilespmem:$0x18E00] =	vst v63  }
0x130: {  	_ =	swait.ge [sflag:s4], $0x1000  }
0x131: {  	[sflag:s4] =	ssyncset.done $0x0  }
0x132: {  	[sflag:s4] =	ssyncadd.s32 $0xFFFFF000  }
0x133: {  	_ =	swait.ge [sflag:s4], $0x1000  }
0x134: {  	[sflag:s4] =	ssyncset.done $0x0  }
0x135: {  	[sflag:s4] =	ssyncadd.s32 $0xFFFFF000  }
0x136: {  	_ =	swait.ge [sflag:s4], $0x1000  }
0x137: {  	[sflag:s4] =	ssyncset.done $0x0  }
0x138: {  	[sflag:s4] =	ssyncadd.s32 $0xFFFFF000  }
0x139: {  	_ =	swait.ge [sflag:s4], $0x1000  }
0x13a: {  	[sflag:s4] =	ssyncset.done $0x0  }
0x13b: {  	[sflag:s4] =	ssyncadd.s32 $0xFFFFF000  }
0x13c: {  	v8 =	vld [tilespmem:s7+$0x68C];
	_ =	sdelay $0x4  }
0x13d: {  	v57 =	vbroadcast v8, $0x0;
	_ =	sdelay $0x1  }
0x13e: {  	v58 =	vadd.s32 v0, v57  }
0x13f: {  	v9 =	vadd.s32 v1, v57;
	_ =	sdelay $0x3  }
0x140: {  	v59 =	vbroadcast v8, $0x1;
	v10 =	vld.idx.msk [tilespmem:v58+s28+$0x0], $0xffff  }
0x141: {  	v9 =	vld.idx.msk [tilespmem:v9+s28+$0x0], $0xffff  }
0x142: {  	v60 =	vadd.s32 v2, v59  }
0x143: {  	v11 =	vadd.s32 v3, v59;
	_ =	sdelay $0x1  }
0x144: {  	[tilespmem:s6+$0x80] =	vst v10  }
0x145: {  	[tilespmem:s6+$0x90] =	vst v9  }
0x146: {  	v61 =	vbroadcast v8, $0x2;
	v9 =	vld.idx.msk [tilespmem:v60+s28+$0x0], $0xffff  }
0x147: {  	v11 =	vld.idx.msk [tilespmem:v11+s28+$0x0], $0xffff  }
0x148: {  	v62 =	vadd.s32 v4, v61  }
0x149: {  	v10 =	vadd.s32 v5, v61;
	_ =	sdelay $0x1  }
0x14a: {  	[tilespmem:s6+$0xA0] =	vst v9  }
0x14b: {  	[tilespmem:s6+$0xB0] =	vst v11  }
0x14c: {  	v8 =	vbroadcast v8, $0x3;
	v9 =	vld.idx.msk [tilespmem:v62+s28+$0x0], $0xffff  }
0x14d: {  	v10 =	vld.idx.msk [tilespmem:v10+s28+$0x0], $0xffff  }
0x14e: {  	v63 =	vadd.s32 v6, v8  }
0x14f: {  	v8 =	vadd.s32 v7, v8;
	_ =	sdelay $0x1  }
0x150: {  	[tilespmem:s6+$0xC0] =	vst v9  }
0x151: {  	[tilespmem:s6+$0xD0] =	vst v10  }
0x152: {  	v9 =	vld.idx.msk [tilespmem:v63+s28+$0x0], $0xffff  }
0x153: {  	v8 =	vld.idx.msk [tilespmem:v8+s28+$0x0], $0xffff;
	_ =	sdelay $0x3  }
0x154: {  	[tilespmem:s6+$0xE0] =	vst v9  }
0x155: {  	[tilespmem:s6+$0xF0] =	vst v8  }
0x156: {  	v8 =	vld [tilespmem:s7+$0x41C];
	_ =	sdelay $0x4  }
0x157: {  	(v2sf) =	vpush v8, $0x0;
	_ =	sdelay $0x1  }
0x158: {  	(v2sf) =	vpush v8, $0x1;
	_ =	sdelay $0x2  }
0x159: {  	(v2sf) =	vpush v8, $0x2;
	_ =	sdelay $0x2  }
0x15a: {  	(v2sf) =	vpush v8, $0x3;
	_ =	sdelay $0x6  }
0x15b: {  	s8 =	spop (v2sf)  }
0x15c: {  	s7 =	sand.u32 $0xFFFFF80, s8  }
0x15d: {  	s8 =	spop (v2sf);
	s7 =	sadd.s32 s1, s7  }
0x15e: {  	[tilespmem:s28], [sflag:$0x4] =	stream.strided.gather [hbm4b:s7+s11], $0x1000, s14, s11, $0x38;
	[tilespmem:$0x18E00] =	vst v63  }
0x15f: {  	s7 =	sand.u32 $0xFFFFF80, s8  }
0x160: {  	s8 =	spop (v2sf);
	s7 =	sadd.s32 s1, s7  }
0x161: {  	[tilespmem:s29], [sflag:$0x4] =	stream.strided.gather [hbm4b:s7+s11], $0x1000, s14, s11, $0x38;
	[tilespmem:$0x18E00] =	vst v63  }
0x162: {  	p0 =	sne.s32 s5, $0x780;
	s7 =	sand.u32 $0xFFFFF80, s8  }
.Ltmp2:
0x163: {  	s8 =	spop (v2sf);
	s7 =	sadd.s32 s1, s7;
	(pc) =	sbr.rel @p0 .LBB2_6-.Ltmp2, $4  }
0x164: {  	[tilespmem:s30], [sflag:$0x4] =	stream.strided.gather [hbm4b:s7+s11], $0x1000, s14, s11, $0x38;
	[tilespmem:$0x18E00] =	vst v63  }
0x165: {  	s7 =	sand.u32 $0xFFFFF80, s8  }
0x166: {  	s5 =	sadd.s32 $0x40, s5;
	s6 =	sadd.s32 $0x200, s6;
	s7 =	sadd.s32 s1, s7  }
0x167: {  	[tilespmem:s31], [sflag:$0x4] =	stream.strided.gather [hbm4b:s7+s11], $0x1000, s14, s11, $0x38;
	[tilespmem:$0x18E00] =	vst v63  }
0x168: {  	_ =	swait.ge [sflag:s0], $0x1000  }
0x169: {  	[sflag:s0] =	ssyncset.done $0x0  }
0x16a: {  	[sflag:s0] =	ssyncadd.s32 $0xFFFFF000  }
0x16b: {  	_ =	swait.ge [sflag:s0], $0x1000  }
0x16c: {  	[sflag:s0] =	ssyncset.done $0x0  }
0x16d: {  	[sflag:s0] =	ssyncadd.s32 $0xFFFFF000  }
0x16e: {  	_ =	swait.ge [sflag:s0], $0x1000  }
0x16f: {  	[sflag:s0] =	ssyncset.done $0x0  }
0x170: {  	[sflag:s0] =	ssyncadd.s32 $0xFFFFF000  }
0x171: {  	_ =	swait.ge [sflag:s0], $0x1000  }
0x172: {  	[sflag:s0] =	ssyncset.done $0x0  }
0x173: {  	[sflag:s0] =	ssyncadd.s32 $0xFFFFF000  }
0x174: {  	v8 =	vld [tilespmem:$0x870];
	_ =	sdelay $0x4  }
0x175: {  	v9 =	vbroadcast v8, $0x0;
	_ =	sdelay $0x1  }
0x176: {  	v10 =	vadd.s32 v0, v9  }
0x177: {  	v9 =	vadd.s32 v1, v9;
	_ =	sdelay $0x3  }
0x178: {  	v11 =	vbroadcast v8, $0x1;
	v10 =	vld.idx.msk [tilespmem:v10+s15+$0x0], $0xffff  }
0x179: {  	v9 =	vld.idx.msk [tilespmem:v9+s15+$0x0], $0xffff  }
0x17a: {  	v12 =	vadd.s32 v2, v11  }
0x17b: {  	v11 =	vadd.s32 v3, v11;
	_ =	sdelay $0x1  }
0x17c: {  	[tilespmem:$0x14C00] =	vst v10  }
0x17d: {  	[tilespmem:$0x14C10] =	vst v9  }
0x17e: {  	v40 =	vbroadcast v8, $0x2;
	v9 =	vld.idx.msk [tilespmem:v12+s15+$0x0], $0xffff  }
0x17f: {  	v11 =	vld.idx.msk [tilespmem:v11+s15+$0x0], $0xffff  }
0x180: {  	v41 =	vadd.s32 v4, v40  }
0x181: {  	v10 =	vadd.s32 v5, v40;
	_ =	sdelay $0x1  }
0x182: {  	[tilespmem:$0x14C20] =	vst v9  }
0x183: {  	[tilespmem:$0x14C30] =	vst v11  }
0x184: {  	v8 =	vbroadcast v8, $0x3;
	v9 =	vld.idx.msk [tilespmem:v41+s15+$0x0], $0xffff  }
0x185: {  	v10 =	vld.idx.msk [tilespmem:v10+s15+$0x0], $0xffff  }
0x186: {  	v42 =	vadd.s32 v6, v8  }
0x187: {  	v8 =	vadd.s32 v7, v8;
	_ =	sdelay $0x1  }
0x188: {  	[tilespmem:$0x14C40] =	vst v9  }
0x189: {  	[tilespmem:$0x14C50] =	vst v10  }
0x18a: {  	v9 =	vld.idx.msk [tilespmem:v42+s15+$0x0], $0xffff  }
0x18b: {  	v8 =	vld.idx.msk [tilespmem:v8+s15+$0x0], $0xffff;
	_ =	sdelay $0x3  }
0x18c: {  	[tilespmem:$0x14C60] =	vst v9  }
0x18d: {  	[tilespmem:$0x14C70] =	vst v8  }
0x18e: {  	_ =	swait.ge [sflag:s3], $0x1000  }
0x18f: {  	[sflag:s3] =	ssyncset.done $0x0  }
0x190: {  	[sflag:s3] =	ssyncadd.s32 $0xFFFFF000  }
0x191: {  	_ =	swait.ge [sflag:s3], $0x1000  }
0x192: {  	[sflag:s3] =	ssyncset.done $0x0  }
0x193: {  	[sflag:s3] =	ssyncadd.s32 $0xFFFFF000  }
0x194: {  	_ =	swait.ge [sflag:s3], $0x1000  }
0x195: {  	[sflag:s3] =	ssyncset.done $0x0  }
0x196: {  	[sflag:s3] =	ssyncadd.s32 $0xFFFFF000  }
0x197: {  	_ =	swait.ge [sflag:s3], $0x1000  }
0x198: {  	[sflag:s3] =	ssyncset.done $0x0  }
0x199: {  	[sflag:s3] =	ssyncadd.s32 $0xFFFFF000  }
0x19a: {  	v8 =	vld [tilespmem:$0x874];
	_ =	sdelay $0x4  }
0x19b: {  	v43 =	vbroadcast v8, $0x0;
	_ =	sdelay $0x1  }
0x19c: {  	v44 =	vadd.s32 v0, v43  }
0x19d: {  	v9 =	vadd.s32 v1, v43;
	_ =	sdelay $0x3  }
0x19e: {  	v45 =	vbroadcast v8, $0x1;
	v10 =	vld.idx.msk [tilespmem:v44+s19+$0x0], $0xffff  }
0x19f: {  	v9 =	vld.idx.msk [tilespmem:v9+s19+$0x0], $0xffff  }
0x1a0: {  	v46 =	vadd.s32 v2, v45  }
0x1a1: {  	v11 =	vadd.s32 v3, v45;
	_ =	sdelay $0x1  }
0x1a2: {  	[tilespmem:$0x14C80] =	vst v10  }
0x1a3: {  	[tilespmem:$0x14C90] =	vst v9  }
0x1a4: {  	v47 =	vbroadcast v8, $0x2;
	v9 =	vld.idx.msk [tilespmem:v46+s19+$0x0], $0xffff  }
0x1a5: {  	v11 =	vld.idx.msk [tilespmem:v11+s19+$0x0], $0xffff  }
0x1a6: {  	v48 =	vadd.s32 v4, v47  }
0x1a7: {  	v10 =	vadd.s32 v5, v47;
	_ =	sdelay $0x1  }
0x1a8: {  	[tilespmem:$0x14CA0] =	vst v9  }
0x1a9: {  	[tilespmem:$0x14CB0] =	vst v11  }
0x1aa: {  	v8 =	vbroadcast v8, $0x3;
	v9 =	vld.idx.msk [tilespmem:v48+s19+$0x0], $0xffff  }
0x1ab: {  	v10 =	vld.idx.msk [tilespmem:v10+s19+$0x0], $0xffff  }
0x1ac: {  	v49 =	vadd.s32 v6, v8  }
0x1ad: {  	v8 =	vadd.s32 v7, v8;
	_ =	sdelay $0x1  }
0x1ae: {  	[tilespmem:$0x14CC0] =	vst v9  }
0x1af: {  	[tilespmem:$0x14CD0] =	vst v10  }
0x1b0: {  	v9 =	vld.idx.msk [tilespmem:v49+s19+$0x0], $0xffff  }
0x1b1: {  	v8 =	vld.idx.msk [tilespmem:v8+s19+$0x0], $0xffff;
	_ =	sdelay $0x3  }
0x1b2: {  	[tilespmem:$0x14CE0] =	vst v9  }
0x1b3: {  	[tilespmem:$0x14CF0] =	vst v8  }
0x1b4: {  	_ =	swait.ge [sflag:s13], $0x1000  }
0x1b5: {  	[sflag:s13] =	ssyncset.done $0x0  }
0x1b6: {  	[sflag:s13] =	ssyncadd.s32 $0xFFFFF000  }
0x1b7: {  	_ =	swait.ge [sflag:s13], $0x1000  }
0x1b8: {  	[sflag:s13] =	ssyncset.done $0x0  }
0x1b9: {  	[sflag:s13] =	ssyncadd.s32 $0xFFFFF000  }
0x1ba: {  	_ =	swait.ge [sflag:s13], $0x1000  }
0x1bb: {  	[sflag:s13] =	ssyncset.done $0x0  }
0x1bc: {  	[sflag:s13] =	ssyncadd.s32 $0xFFFFF000  }
0x1bd: {  	_ =	swait.ge [sflag:s13], $0x1000  }
0x1be: {  	[sflag:s13] =	ssyncset.done $0x0  }
0x1bf: {  	[sflag:s13] =	ssyncadd.s32 $0xFFFFF000  }
0x1c0: {  	v8 =	vld [tilespmem:$0x878];
	_ =	sdelay $0x4  }
0x1c1: {  	v50 =	vbroadcast v8, $0x0;
	_ =	sdelay $0x1  }
0x1c2: {  	v51 =	vadd.s32 v0, v50  }
0x1c3: {  	v9 =	vadd.s32 v1, v50;
	_ =	sdelay $0x3  }
0x1c4: {  	v52 =	vbroadcast v8, $0x1;
	v10 =	vld.idx.msk [tilespmem:v51+s23+$0x0], $0xffff  }
0x1c5: {  	v9 =	vld.idx.msk [tilespmem:v9+s23+$0x0], $0xffff  }
0x1c6: {  	v53 =	vadd.s32 v2, v52  }
0x1c7: {  	v11 =	vadd.s32 v3, v52;
	_ =	sdelay $0x1  }
0x1c8: {  	[tilespmem:$0x14D00] =	vst v10  }
0x1c9: {  	[tilespmem:$0x14D10] =	vst v9  }
0x1ca: {  	v54 =	vbroadcast v8, $0x2;
	v9 =	vld.idx.msk [tilespmem:v53+s23+$0x0], $0xffff  }
0x1cb: {  	v11 =	vld.idx.msk [tilespmem:v11+s23+$0x0], $0xffff  }
0x1cc: {  	v55 =	vadd.s32 v4, v54  }
0x1cd: {  	v10 =	vadd.s32 v5, v54;
	_ =	sdelay $0x1  }
0x1ce: {  	[tilespmem:$0x14D20] =	vst v9  }
0x1cf: {  	[tilespmem:$0x14D30] =	vst v11  }
0x1d0: {  	v8 =	vbroadcast v8, $0x3;
	v9 =	vld.idx.msk [tilespmem:v55+s23+$0x0], $0xffff  }
0x1d1: {  	v10 =	vld.idx.msk [tilespmem:v10+s23+$0x0], $0xffff  }
0x1d2: {  	v56 =	vadd.s32 v6, v8  }
0x1d3: {  	v8 =	vadd.s32 v7, v8;
	_ =	sdelay $0x1  }
0x1d4: {  	[tilespmem:$0x14D40] =	vst v9  }
0x1d5: {  	[tilespmem:$0x14D50] =	vst v10  }
0x1d6: {  	v9 =	vld.idx.msk [tilespmem:v56+s23+$0x0], $0xffff  }
0x1d7: {  	v8 =	vld.idx.msk [tilespmem:v8+s23+$0x0], $0xffff;
	_ =	sdelay $0x3  }
0x1d8: {  	[tilespmem:$0x14D60] =	vst v9  }
0x1d9: {  	[tilespmem:$0x14D70] =	vst v8  }
0x1da: {  	_ =	swait.ge [sflag:s4], $0x1000  }
0x1db: {  	[sflag:s4] =	ssyncset.done $0x0  }
0x1dc: {  	[sflag:s4] =	ssyncadd.s32 $0xFFFFF000  }
0x1dd: {  	_ =	swait.ge [sflag:s4], $0x1000  }
0x1de: {  	[sflag:s4] =	ssyncset.done $0x0  }
0x1df: {  	[sflag:s4] =	ssyncadd.s32 $0xFFFFF000  }
0x1e0: {  	_ =	swait.ge [sflag:s4], $0x1000  }
0x1e1: {  	[sflag:s4] =	ssyncset.done $0x0  }
0x1e2: {  	[sflag:s4] =	ssyncadd.s32 $0xFFFFF000  }
0x1e3: {  	_ =	swait.ge [sflag:s4], $0x1000  }
0x1e4: {  	[sflag:s4] =	ssyncset.done $0x0  }
0x1e5: {  	[sflag:s4] =	ssyncadd.s32 $0xFFFFF000  }
0x1e6: {  	v8 =	vld [tilespmem:$0x87C];
	_ =	sdelay $0x4  }
0x1e7: {  	v57 =	vbroadcast v8, $0x0;
	_ =	sdelay $0x1  }
0x1e8: {  	v58 =	vadd.s32 v0, v57  }
0x1e9: {  	v9 =	vadd.s32 v1, v57;
	_ =	sdelay $0x3  }
0x1ea: {  	v59 =	vbroadcast v8, $0x1;
	v10 =	vld.idx.msk [tilespmem:v58+s28+$0x0], $0xffff  }
0x1eb: {  	v9 =	vld.idx.msk [tilespmem:v9+s28+$0x0], $0xffff  }
0x1ec: {  	v60 =	vadd.s32 v2, v59  }
0x1ed: {  	v11 =	vadd.s32 v3, v59;
	_ =	sdelay $0x1  }
0x1ee: {  	[tilespmem:$0x14D80] =	vst v10  }
0x1ef: {  	[tilespmem:$0x14D90] =	vst v9  }
0x1f0: {  	v61 =	vbroadcast v8, $0x2;
	v9 =	vld.idx.msk [tilespmem:v60+s28+$0x0], $0xffff  }
0x1f1: {  	v11 =	vld.idx.msk [tilespmem:v11+s28+$0x0], $0xffff  }
0x1f2: {  	v62 =	vadd.s32 v4, v61  }
0x1f3: {  	v10 =	vadd.s32 v5, v61;
	_ =	sdelay $0x1  }
0x1f4: {  	[tilespmem:$0x14DA0] =	vst v9  }
0x1f5: {  	[tilespmem:$0x14DB0] =	vst v11  }
0x1f6: {  	v8 =	vbroadcast v8, $0x3;
	v9 =	vld.idx.msk [tilespmem:v62+s28+$0x0], $0xffff  }
0x1f7: {  	v10 =	vld.idx.msk [tilespmem:v10+s28+$0x0], $0xffff  }
0x1f8: {  	v63 =	vadd.s32 v6, v8  }
0x1f9: {  	v8 =	vadd.s32 v7, v8;
	_ =	sdelay $0x1  }
0x1fa: {  	[tilespmem:$0x14DC0] =	vst v9  }
0x1fb: {  	[tilespmem:$0x14DD0] =	vst v10  }
0x1fc: {  	v9 =	vld.idx.msk [tilespmem:v63+s28+$0x0], $0xffff  }
0x1fd: {  	v8 =	vld.idx.msk [tilespmem:v8+s28+$0x0], $0xffff;
	_ =	sdelay $0x3  }
0x1fe: {  	[tilespmem:$0x14DE0] =	vst v9  }
0x1ff: {  	s5 =	simm.s32 $0x0;
	s7 =	simm.s32 $0x10E00;
	s6 =	rddreg [dreg:$0x8];
	[tilespmem:$0x14DF0] =	vst v8  }
0x200: {  	[hbm4b:s6+s5] =	stream.linear.scatter [tilespmem:s7], [sflag:$0x5], $0x4000, $0x38;
	[tilespmem:$0x18E00] =	vst v63  }
0x201: {  	_ =	swait.ge [sflag:s12], $0x4000  }
0x202: {  	[sflag:s12] =	ssyncset.done $0x0  }
0x203: {  	[sflag:s12] =	ssyncadd.s32 $0xFFFFC000  }
0x204: {  	v8 =	vld [tilespmem:$0x900];
	_ =	sdelay $0x4  }
0x205: {  	(v2sf) =	vpush v8, $0x0;
	_ =	sdelay $0x1  }
0x206: {  	(v2sf) =	vpush v8, $0x1;
	_ =	sdelay $0x2  }
0x207: {  	(v2sf) =	vpush v8, $0x2;
	_ =	sdelay $0x2  }
0x208: {  	(v2sf) =	vpush v8, $0x3;
	_ =	sdelay $0x6  }
0x209: {  	s7 =	spop (v2sf)  }
0x20a: {  	s6 =	sand.u32 $0xFFFFF80, s7  }
0x20b: {  	s8 =	spop (v2sf);
	s6 =	sadd.s32 s2, s6  }
0x20c: {  	[tilespmem:s15], [sflag:$0x1] =	stream.strided.gather [hbm4b:s6+s11], $0x1000, s14, s11, $0x38;
	[tilespmem:$0x18E00] =	vst v63  }
0x20d: {  	s6 =	sand.u32 $0xFFFFF80, s8  }
0x20e: {  	s7 =	spop (v2sf);
	s6 =	sadd.s32 s2, s6  }
0x20f: {  	[tilespmem:s16], [sflag:$0x1] =	stream.strided.gather [hbm4b:s6+s11], $0x1000, s14, s11, $0x38;
	[tilespmem:$0x18E00] =	vst v63  }
0x210: {  	s6 =	sand.u32 $0xFFFFF80, s7  }
0x211: {  	s8 =	spop (v2sf);
	s6 =	sadd.s32 s2, s6  }
0x212: {  	[tilespmem:s17], [sflag:$0x1] =	stream.strided.gather [hbm4b:s6+s11], $0x1000, s14, s11, $0x38;
	[tilespmem:$0x18E00] =	vst v63  }
0x213: {  	s6 =	sand.u32 $0xFFFFF80, s8  }
0x214: {  	s6 =	sadd.s32 s2, s6  }
0x215: {  	[tilespmem:s18], [sflag:$0x1] =	stream.strided.gather [hbm4b:s6+s11], $0x1000, s14, s11, $0x38;
	[tilespmem:$0x18E00] =	vst v63  }
0x216: {  	v8 =	vld [tilespmem:$0x904];
	_ =	sdelay $0x4  }
0x217: {  	(v2sf) =	vpush v8, $0x0;
	_ =	sdelay $0x1  }
0x218: {  	(v2sf) =	vpush v8, $0x1;
	_ =	sdelay $0x2  }
0x219: {  	(v2sf) =	vpush v8, $0x2;
	_ =	sdelay $0x2  }
0x21a: {  	(v2sf) =	vpush v8, $0x3;
	_ =	sdelay $0x6  }
0x21b: {  	s7 =	spop (v2sf)  }
0x21c: {  	s6 =	sand.u32 $0xFFFFF80, s7  }
0x21d: {  	s8 =	spop (v2sf);
	s6 =	sadd.s32 s2, s6  }
0x21e: {  	[tilespmem:s19], [sflag:$0x2] =	stream.strided.gather [hbm4b:s6+s11], $0x1000, s14, s11, $0x38;
	[tilespmem:$0x18E00] =	vst v63  }
0x21f: {  	s6 =	sand.u32 $0xFFFFF80, s8  }
0x220: {  	s7 =	spop (v2sf);
	s6 =	sadd.s32 s2, s6  }
0x221: {  	[tilespmem:s20], [sflag:$0x2] =	stream.strided.gather [hbm4b:s6+s11], $0x1000, s14, s11, $0x38;
	[tilespmem:$0x18E00] =	vst v63  }
0x222: {  	s6 =	sand.u32 $0xFFFFF80, s7  }
0x223: {  	s8 =	spop (v2sf);
	s6 =	sadd.s32 s2, s6  }
0x224: {  	[tilespmem:s21], [sflag:$0x2] =	stream.strided.gather [hbm4b:s6+s11], $0x1000, s14, s11, $0x38;
	[tilespmem:$0x18E00] =	vst v63  }
0x225: {  	s6 =	sand.u32 $0xFFFFF80, s8  }
0x226: {  	s6 =	sadd.s32 s2, s6  }
0x227: {  	[tilespmem:s22], [sflag:$0x2] =	stream.strided.gather [hbm4b:s6+s11], $0x1000, s14, s11, $0x38;
	[tilespmem:$0x18E00] =	vst v63  }
0x228: {  	v8 =	vld [tilespmem:$0x908];
	_ =	sdelay $0x4  }
0x229: {  	(v2sf) =	vpush v8, $0x0;
	_ =	sdelay $0x1  }
0x22a: {  	(v2sf) =	vpush v8, $0x1;
	_ =	sdelay $0x2  }
0x22b: {  	(v2sf) =	vpush v8, $0x2;
	_ =	sdelay $0x2  }
0x22c: {  	(v2sf) =	vpush v8, $0x3;
	_ =	sdelay $0x6  }
0x22d: {  	s7 =	spop (v2sf)  }
0x22e: {  	s6 =	sand.u32 $0xFFFFF80, s7  }
0x22f: {  	s8 =	spop (v2sf);
	s6 =	sadd.s32 s2, s6  }
0x230: {  	[tilespmem:s23], [sflag:$0x3] =	stream.strided.gather [hbm4b:s6+s11], $0x1000, s14, s11, $0x38;
	[tilespmem:$0x18E00] =	vst v63  }
0x231: {  	s6 =	sand.u32 $0xFFFFF80, s8  }
0x232: {  	s7 =	spop (v2sf);
	s6 =	sadd.s32 s2, s6  }
0x233: {  	[tilespmem:s24], [sflag:$0x3] =	stream.strided.gather [hbm4b:s6+s11], $0x1000, s14, s11, $0x38;
	[tilespmem:$0x18E00] =	vst v63  }
0x234: {  	s6 =	sand.u32 $0xFFFFF80, s7  }
0x235: {  	s8 =	spop (v2sf);
	s6 =	sadd.s32 s2, s6  }
0x236: {  	[tilespmem:s25], [sflag:$0x3] =	stream.strided.gather [hbm4b:s6+s11], $0x1000, s14, s11, $0x38;
	[tilespmem:$0x18E00] =	vst v63  }
0x237: {  	s6 =	sand.u32 $0xFFFFF80, s8  }
0x238: {  	s6 =	sadd.s32 s2, s6  }
0x239: {  	[tilespmem:s26], [sflag:$0x3] =	stream.strided.gather [hbm4b:s6+s11], $0x1000, s14, s11, $0x38;
	[tilespmem:$0x18E00] =	vst v63  }
0x23a: {  	v8 =	vld [tilespmem:$0x90C];
	_ =	sdelay $0x4  }
0x23b: {  	(v2sf) =	vpush v8, $0x0;
	_ =	sdelay $0x1  }
0x23c: {  	(v2sf) =	vpush v8, $0x1;
	_ =	sdelay $0x2  }
0x23d: {  	(v2sf) =	vpush v8, $0x2;
	_ =	sdelay $0x2  }
0x23e: {  	(v2sf) =	vpush v8, $0x3;
	_ =	sdelay $0x6  }
0x23f: {  	s7 =	spop (v2sf)  }
0x240: {  	s6 =	sand.u32 $0xFFFFF80, s7  }
0x241: {  	s8 =	spop (v2sf);
	s6 =	sadd.s32 s2, s6  }
0x242: {  	[tilespmem:s28], [sflag:$0x4] =	stream.strided.gather [hbm4b:s6+s11], $0x1000, s14, s11, $0x38;
	[tilespmem:$0x18E00] =	vst v63  }
0x243: {  	s6 =	sand.u32 $0xFFFFF80, s8  }
0x244: {  	s7 =	spop (v2sf);
	s6 =	sadd.s32 s2, s6  }
0x245: {  	[tilespmem:s29], [sflag:$0x4] =	stream.strided.gather [hbm4b:s6+s11], $0x1000, s14, s11, $0x38;
	[tilespmem:$0x18E00] =	vst v63  }
0x246: {  	s6 =	sand.u32 $0xFFFFF80, s7  }
0x247: {  	s8 =	spop (v2sf);
	s6 =	sadd.s32 s2, s6  }
0x248: {  	[tilespmem:s30], [sflag:$0x4] =	stream.strided.gather [hbm4b:s6+s11], $0x1000, s14, s11, $0x38;
	[tilespmem:$0x18E00] =	vst v63  }
0x249: {  	s6 =	sand.u32 $0xFFFFF80, s8  }
0x24a: {  	s6 =	sadd.s32 s2, s6  }
0x24b: {  	[tilespmem:s31], [sflag:$0x4] =	stream.strided.gather [hbm4b:s6+s11], $0x1000, s14, s11, $0x38;
	[tilespmem:$0x18E00] =	vst v63  }
0x24c: {  	s6 =	simm.s32 $0x14F00  }
.LBB2_8:
0x24d: {  	_ =	swait.ge [sflag:s0], $0x1000  }
0x24e: {  	[sflag:s0] =	ssyncset.done $0x0  }
0x24f: {  	[sflag:s0] =	ssyncadd.s32 $0xFFFFF000  }
0x250: {  	_ =	swait.ge [sflag:s0], $0x1000  }
0x251: {  	[sflag:s0] =	ssyncset.done $0x0  }
0x252: {  	[sflag:s0] =	ssyncadd.s32 $0xFFFFF000  }
0x253: {  	_ =	swait.ge [sflag:s0], $0x1000  }
0x254: {  	[sflag:s0] =	ssyncset.done $0x0  }
0x255: {  	[sflag:s0] =	ssyncadd.s32 $0xFFFFF000  }
0x256: {  	_ =	swait.ge [sflag:s0], $0x1000  }
0x257: {  	[sflag:s0] =	ssyncset.done $0x0  }
0x258: {  	s7 =	sshra.s32 s5, $0x2;
	[sflag:s0] =	ssyncadd.s32 $0xFFFFF000  }
0x259: {  	v8 =	vld [tilespmem:s7+$0xB80];
	_ =	sdelay $0x4  }
0x25a: {  	v9 =	vbroadcast v8, $0x0;
	_ =	sdelay $0x1  }
0x25b: {  	v10 =	vadd.s32 v0, v9  }
0x25c: {  	v9 =	vadd.s32 v1, v9;
	_ =	sdelay $0x3  }
0x25d: {  	v11 =	vbroadcast v8, $0x1;
	v10 =	vld.idx.msk [tilespmem:v10+s15+$0x0], $0xffff  }
0x25e: {  	v9 =	vld.idx.msk [tilespmem:v9+s15+$0x0], $0xffff  }
0x25f: {  	v12 =	vadd.s32 v2, v11  }
0x260: {  	v11 =	vadd.s32 v3, v11;
	_ =	sdelay $0x1  }
0x261: {  	[tilespmem:s6+$0xFFFFFF00] =	vst v10  }
0x262: {  	[tilespmem:s6+$0xFFFFFF10] =	vst v9  }
0x263: {  	v40 =	vbroadcast v8, $0x2;
	v9 =	vld.idx.msk [tilespmem:v12+s15+$0x0], $0xffff  }
0x264: {  	v11 =	vld.idx.msk [tilespmem:v11+s15+$0x0], $0xffff  }
0x265: {  	v41 =	vadd.s32 v4, v40  }
0x266: {  	v10 =	vadd.s32 v5, v40;
	_ =	sdelay $0x1  }
0x267: {  	[tilespmem:s6+$0xFFFFFF20] =	vst v9  }
0x268: {  	[tilespmem:s6+$0xFFFFFF30] =	vst v11  }
0x269: {  	v8 =	vbroadcast v8, $0x3;
	v9 =	vld.idx.msk [tilespmem:v41+s15+$0x0], $0xffff  }
0x26a: {  	v10 =	vld.idx.msk [tilespmem:v10+s15+$0x0], $0xffff  }
0x26b: {  	v42 =	vadd.s32 v6, v8  }
0x26c: {  	v8 =	vadd.s32 v7, v8;
	_ =	sdelay $0x1  }
0x26d: {  	[tilespmem:s6+$0xFFFFFF40] =	vst v9  }
0x26e: {  	[tilespmem:s6+$0xFFFFFF50] =	vst v10  }
0x26f: {  	v9 =	vld.idx.msk [tilespmem:v42+s15+$0x0], $0xffff  }
0x270: {  	v8 =	vld.idx.msk [tilespmem:v8+s15+$0x0], $0xffff;
	_ =	sdelay $0x3  }
0x271: {  	[tilespmem:s6+$0xFFFFFF60] =	vst v9  }
0x272: {  	[tilespmem:s6+$0xFFFFFF70] =	vst v8  }
0x273: {  	v8 =	vld [tilespmem:s7+$0x910];
	_ =	sdelay $0x4  }
0x274: {  	(v2sf) =	vpush v8, $0x0;
	_ =	sdelay $0x3  }
0x275: {  	(v2sf) =	vpush v8, $0x1;
	_ =	sdelay $0x3  }
0x276: {  	(v2sf) =	vpush v8, $0x2;
	_ =	sdelay $0x3  }
0x277: {  	(v2sf) =	vpush v8, $0x3;
	_ =	sdelay $0x2  }
0x278: {  	s8 =	spop (v2sf)  }
0x279: {  	s8 =	sand.u32 $0xFFFFF80, s8  }
0x27a: {  	s8 =	sadd.s32 s2, s8  }
0x27b: {  	[tilespmem:s15], [sflag:$0x1] =	stream.strided.gather [hbm4b:s8+s11], $0x1000, s14, s11, $0x38;
	[tilespmem:$0x18E00] =	vst v63  }
0x27c: {  	s8 =	spop (v2sf)  }
0x27d: {  	s8 =	sand.u32 $0xFFFFF80, s8  }
0x27e: {  	s8 =	sadd.s32 s2, s8  }
0x27f: {  	[tilespmem:s16], [sflag:$0x1] =	stream.strided.gather [hbm4b:s8+s11], $0x1000, s14, s11, $0x38;
	[tilespmem:$0x18E00] =	vst v63  }
0x280: {  	s8 =	spop (v2sf)  }
0x281: {  	s8 =	sand.u32 $0xFFFFF80, s8  }
0x282: {  	s8 =	sadd.s32 s2, s8  }
0x283: {  	[tilespmem:s17], [sflag:$0x1] =	stream.strided.gather [hbm4b:s8+s11], $0x1000, s14, s11, $0x38;
	[tilespmem:$0x18E00] =	vst v63  }
0x284: {  	s8 =	spop (v2sf)  }
0x285: {  	s8 =	sand.u32 $0xFFFFF80, s8  }
0x286: {  	s8 =	sadd.s32 s2, s8  }
0x287: {  	[tilespmem:s18], [sflag:$0x1] =	stream.strided.gather [hbm4b:s8+s11], $0x1000, s14, s11, $0x38;
	[tilespmem:$0x18E00] =	vst v63  }
0x288: {  	_ =	swait.ge [sflag:s3], $0x1000  }
0x289: {  	[sflag:s3] =	ssyncset.done $0x0  }
0x28a: {  	[sflag:s3] =	ssyncadd.s32 $0xFFFFF000  }
0x28b: {  	_ =	swait.ge [sflag:s3], $0x1000  }
0x28c: {  	[sflag:s3] =	ssyncset.done $0x0  }
0x28d: {  	[sflag:s3] =	ssyncadd.s32 $0xFFFFF000  }
0x28e: {  	_ =	swait.ge [sflag:s3], $0x1000  }
0x28f: {  	[sflag:s3] =	ssyncset.done $0x0  }
0x290: {  	[sflag:s3] =	ssyncadd.s32 $0xFFFFF000  }
0x291: {  	_ =	swait.ge [sflag:s3], $0x1000  }
0x292: {  	[sflag:s3] =	ssyncset.done $0x0  }
0x293: {  	[sflag:s3] =	ssyncadd.s32 $0xFFFFF000  }
0x294: {  	v8 =	vld [tilespmem:s7+$0xB84];
	_ =	sdelay $0x4  }
0x295: {  	v43 =	vbroadcast v8, $0x0;
	_ =	sdelay $0x1  }
0x296: {  	v44 =	vadd.s32 v0, v43  }
0x297: {  	v9 =	vadd.s32 v1, v43;
	_ =	sdelay $0x3  }
0x298: {  	v45 =	vbroadcast v8, $0x1;
	v10 =	vld.idx.msk [tilespmem:v44+s19+$0x0], $0xffff  }
0x299: {  	v9 =	vld.idx.msk [tilespmem:v9+s19+$0x0], $0xffff  }
0x29a: {  	v46 =	vadd.s32 v2, v45  }
0x29b: {  	v11 =	vadd.s32 v3, v45;
	_ =	sdelay $0x1  }
0x29c: {  	[tilespmem:s6+$0xFFFFFF80] =	vst v10  }
0x29d: {  	[tilespmem:s6+$0xFFFFFF90] =	vst v9  }
0x29e: {  	v47 =	vbroadcast v8, $0x2;
	v9 =	vld.idx.msk [tilespmem:v46+s19+$0x0], $0xffff  }
0x29f: {  	v11 =	vld.idx.msk [tilespmem:v11+s19+$0x0], $0xffff  }
0x2a0: {  	v48 =	vadd.s32 v4, v47  }
0x2a1: {  	v10 =	vadd.s32 v5, v47;
	_ =	sdelay $0x1  }
0x2a2: {  	[tilespmem:s6+$0xFFFFFFA0] =	vst v9  }
0x2a3: {  	[tilespmem:s6+$0xFFFFFFB0] =	vst v11  }
0x2a4: {  	v8 =	vbroadcast v8, $0x3;
	v9 =	vld.idx.msk [tilespmem:v48+s19+$0x0], $0xffff  }
0x2a5: {  	v10 =	vld.idx.msk [tilespmem:v10+s19+$0x0], $0xffff  }
0x2a6: {  	v49 =	vadd.s32 v6, v8  }
0x2a7: {  	v8 =	vadd.s32 v7, v8;
	_ =	sdelay $0x1  }
0x2a8: {  	[tilespmem:s6+$0xFFFFFFC0] =	vst v9  }
0x2a9: {  	[tilespmem:s6+$0xFFFFFFD0] =	vst v10  }
0x2aa: {  	v9 =	vld.idx.msk [tilespmem:v49+s19+$0x0], $0xffff  }
0x2ab: {  	v8 =	vld.idx.msk [tilespmem:v8+s19+$0x0], $0xffff;
	_ =	sdelay $0x3  }
0x2ac: {  	[tilespmem:s6+$0xFFFFFFE0] =	vst v9  }
0x2ad: {  	[tilespmem:s6+$0xFFFFFFF0] =	vst v8  }
0x2ae: {  	v8 =	vld [tilespmem:s7+$0x914];
	_ =	sdelay $0x4  }
0x2af: {  	(v2sf) =	vpush v8, $0x0;
	_ =	sdelay $0x3  }
0x2b0: {  	(v2sf) =	vpush v8, $0x1;
	_ =	sdelay $0x3  }
0x2b1: {  	(v2sf) =	vpush v8, $0x2;
	_ =	sdelay $0x3  }
0x2b2: {  	(v2sf) =	vpush v8, $0x3;
	_ =	sdelay $0x2  }
0x2b3: {  	s8 =	spop (v2sf)  }
0x2b4: {  	s8 =	sand.u32 $0xFFFFF80, s8  }
0x2b5: {  	s8 =	sadd.s32 s2, s8  }
0x2b6: {  	[tilespmem:s19], [sflag:$0x2] =	stream.strided.gather [hbm4b:s8+s11], $0x1000, s14, s11, $0x38;
	[tilespmem:$0x18E00] =	vst v63  }
0x2b7: {  	s8 =	spop (v2sf)  }
0x2b8: {  	s8 =	sand.u32 $0xFFFFF80, s8  }
0x2b9: {  	s8 =	sadd.s32 s2, s8  }
0x2ba: {  	[tilespmem:s20], [sflag:$0x2] =	stream.strided.gather [hbm4b:s8+s11], $0x1000, s14, s11, $0x38;
	[tilespmem:$0x18E00] =	vst v63  }
0x2bb: {  	s8 =	spop (v2sf)  }
0x2bc: {  	s8 =	sand.u32 $0xFFFFF80, s8  }
0x2bd: {  	s8 =	sadd.s32 s2, s8  }
0x2be: {  	[tilespmem:s21], [sflag:$0x2] =	stream.strided.gather [hbm4b:s8+s11], $0x1000, s14, s11, $0x38;
	[tilespmem:$0x18E00] =	vst v63  }
0x2bf: {  	s8 =	spop (v2sf)  }
0x2c0: {  	s8 =	sand.u32 $0xFFFFF80, s8  }
0x2c1: {  	s8 =	sadd.s32 s2, s8  }
0x2c2: {  	[tilespmem:s22], [sflag:$0x2] =	stream.strided.gather [hbm4b:s8+s11], $0x1000, s14, s11, $0x38;
	[tilespmem:$0x18E00] =	vst v63  }
0x2c3: {  	_ =	swait.ge [sflag:s13], $0x1000  }
0x2c4: {  	[sflag:s13] =	ssyncset.done $0x0  }
0x2c5: {  	[sflag:s13] =	ssyncadd.s32 $0xFFFFF000  }
0x2c6: {  	_ =	swait.ge [sflag:s13], $0x1000  }
0x2c7: {  	[sflag:s13] =	ssyncset.done $0x0  }
0x2c8: {  	[sflag:s13] =	ssyncadd.s32 $0xFFFFF000  }
0x2c9: {  	_ =	swait.ge [sflag:s13], $0x1000  }
0x2ca: {  	[sflag:s13] =	ssyncset.done $0x0  }
0x2cb: {  	[sflag:s13] =	ssyncadd.s32 $0xFFFFF000  }
0x2cc: {  	_ =	swait.ge [sflag:s13], $0x1000  }
0x2cd: {  	[sflag:s13] =	ssyncset.done $0x0  }
0x2ce: {  	[sflag:s13] =	ssyncadd.s32 $0xFFFFF000  }
0x2cf: {  	v8 =	vld [tilespmem:s7+$0xB88];
	_ =	sdelay $0x4  }
0x2d0: {  	v50 =	vbroadcast v8, $0x0;
	_ =	sdelay $0x1  }
0x2d1: {  	v51 =	vadd.s32 v0, v50  }
0x2d2: {  	v9 =	vadd.s32 v1, v50;
	_ =	sdelay $0x3  }
0x2d3: {  	v52 =	vbroadcast v8, $0x1;
	v10 =	vld.idx.msk [tilespmem:v51+s23+$0x0], $0xffff  }
0x2d4: {  	v9 =	vld.idx.msk [tilespmem:v9+s23+$0x0], $0xffff  }
0x2d5: {  	v53 =	vadd.s32 v2, v52  }
0x2d6: {  	v11 =	vadd.s32 v3, v52;
	_ =	sdelay $0x1  }
0x2d7: {  	[tilespmem:s6+$0x0] =	vst v10  }
0x2d8: {  	[tilespmem:s6+$0x10] =	vst v9  }
0x2d9: {  	v54 =	vbroadcast v8, $0x2;
	v9 =	vld.idx.msk [tilespmem:v53+s23+$0x0], $0xffff  }
0x2da: {  	v11 =	vld.idx.msk [tilespmem:v11+s23+$0x0], $0xffff  }
0x2db: {  	v55 =	vadd.s32 v4, v54  }
0x2dc: {  	v10 =	vadd.s32 v5, v54;
	_ =	sdelay $0x1  }
0x2dd: {  	[tilespmem:s6+$0x20] =	vst v9  }
0x2de: {  	[tilespmem:s6+$0x30] =	vst v11  }
0x2df: {  	v8 =	vbroadcast v8, $0x3;
	v9 =	vld.idx.msk [tilespmem:v55+s23+$0x0], $0xffff  }
0x2e0: {  	v10 =	vld.idx.msk [tilespmem:v10+s23+$0x0], $0xffff  }
0x2e1: {  	v56 =	vadd.s32 v6, v8  }
0x2e2: {  	v8 =	vadd.s32 v7, v8;
	_ =	sdelay $0x1  }
0x2e3: {  	[tilespmem:s6+$0x40] =	vst v9  }
0x2e4: {  	[tilespmem:s6+$0x50] =	vst v10  }
0x2e5: {  	v9 =	vld.idx.msk [tilespmem:v56+s23+$0x0], $0xffff  }
0x2e6: {  	v8 =	vld.idx.msk [tilespmem:v8+s23+$0x0], $0xffff;
	_ =	sdelay $0x3  }
0x2e7: {  	[tilespmem:s6+$0x60] =	vst v9  }
0x2e8: {  	[tilespmem:s6+$0x70] =	vst v8  }
0x2e9: {  	v8 =	vld [tilespmem:s7+$0x918];
	_ =	sdelay $0x4  }
0x2ea: {  	(v2sf) =	vpush v8, $0x0;
	_ =	sdelay $0x3  }
0x2eb: {  	(v2sf) =	vpush v8, $0x1;
	_ =	sdelay $0x3  }
0x2ec: {  	(v2sf) =	vpush v8, $0x2;
	_ =	sdelay $0x3  }
0x2ed: {  	(v2sf) =	vpush v8, $0x3;
	_ =	sdelay $0x2  }
0x2ee: {  	s8 =	spop (v2sf)  }
0x2ef: {  	s8 =	sand.u32 $0xFFFFF80, s8  }
0x2f0: {  	s8 =	sadd.s32 s2, s8  }
0x2f1: {  	[tilespmem:s23], [sflag:$0x3] =	stream.strided.gather [hbm4b:s8+s11], $0x1000, s14, s11, $0x38;
	[tilespmem:$0x18E00] =	vst v63  }
0x2f2: {  	s8 =	spop (v2sf)  }
0x2f3: {  	s8 =	sand.u32 $0xFFFFF80, s8  }
0x2f4: {  	s8 =	sadd.s32 s2, s8  }
0x2f5: {  	[tilespmem:s24], [sflag:$0x3] =	stream.strided.gather [hbm4b:s8+s11], $0x1000, s14, s11, $0x38;
	[tilespmem:$0x18E00] =	vst v63  }
0x2f6: {  	s8 =	spop (v2sf)  }
0x2f7: {  	s8 =	sand.u32 $0xFFFFF80, s8  }
0x2f8: {  	s8 =	sadd.s32 s2, s8  }
0x2f9: {  	[tilespmem:s25], [sflag:$0x3] =	stream.strided.gather [hbm4b:s8+s11], $0x1000, s14, s11, $0x38;
	[tilespmem:$0x18E00] =	vst v63  }
0x2fa: {  	s8 =	spop (v2sf)  }
0x2fb: {  	s8 =	sand.u32 $0xFFFFF80, s8  }
0x2fc: {  	s8 =	sadd.s32 s2, s8  }
0x2fd: {  	[tilespmem:s26], [sflag:$0x3] =	stream.strided.gather [hbm4b:s8+s11], $0x1000, s14, s11, $0x38;
	[tilespmem:$0x18E00] =	vst v63  }
0x2fe: {  	_ =	swait.ge [sflag:s4], $0x1000  }
0x2ff: {  	[sflag:s4] =	ssyncset.done $0x0  }
0x300: {  	[sflag:s4] =	ssyncadd.s32 $0xFFFFF000  }
0x301: {  	_ =	swait.ge [sflag:s4], $0x1000  }
0x302: {  	[sflag:s4] =	ssyncset.done $0x0  }
0x303: {  	[sflag:s4] =	ssyncadd.s32 $0xFFFFF000  }
0x304: {  	_ =	swait.ge [sflag:s4], $0x1000  }
0x305: {  	[sflag:s4] =	ssyncset.done $0x0  }
0x306: {  	[sflag:s4] =	ssyncadd.s32 $0xFFFFF000  }
0x307: {  	_ =	swait.ge [sflag:s4], $0x1000  }
0x308: {  	[sflag:s4] =	ssyncset.done $0x0  }
0x309: {  	[sflag:s4] =	ssyncadd.s32 $0xFFFFF000  }
0x30a: {  	v8 =	vld [tilespmem:s7+$0xB8C];
	_ =	sdelay $0x4  }
0x30b: {  	v57 =	vbroadcast v8, $0x0;
	_ =	sdelay $0x1  }
0x30c: {  	v58 =	vadd.s32 v0, v57  }
0x30d: {  	v9 =	vadd.s32 v1, v57;
	_ =	sdelay $0x3  }
0x30e: {  	v59 =	vbroadcast v8, $0x1;
	v10 =	vld.idx.msk [tilespmem:v58+s28+$0x0], $0xffff  }
0x30f: {  	v9 =	vld.idx.msk [tilespmem:v9+s28+$0x0], $0xffff  }
0x310: {  	v60 =	vadd.s32 v2, v59  }
0x311: {  	v11 =	vadd.s32 v3, v59;
	_ =	sdelay $0x1  }
0x312: {  	[tilespmem:s6+$0x80] =	vst v10  }
0x313: {  	[tilespmem:s6+$0x90] =	vst v9  }
0x314: {  	v61 =	vbroadcast v8, $0x2;
	v9 =	vld.idx.msk [tilespmem:v60+s28+$0x0], $0xffff  }
0x315: {  	v11 =	vld.idx.msk [tilespmem:v11+s28+$0x0], $0xffff  }
0x316: {  	v62 =	vadd.s32 v4, v61  }
0x317: {  	v10 =	vadd.s32 v5, v61;
	_ =	sdelay $0x1  }
0x318: {  	[tilespmem:s6+$0xA0] =	vst v9  }
0x319: {  	[tilespmem:s6+$0xB0] =	vst v11  }
0x31a: {  	v8 =	vbroadcast v8, $0x3;
	v9 =	vld.idx.msk [tilespmem:v62+s28+$0x0], $0xffff  }
0x31b: {  	v10 =	vld.idx.msk [tilespmem:v10+s28+$0x0], $0xffff  }
0x31c: {  	v63 =	vadd.s32 v6, v8  }
0x31d: {  	v8 =	vadd.s32 v7, v8;
	_ =	sdelay $0x1  }
0x31e: {  	[tilespmem:s6+$0xC0] =	vst v9  }
0x31f: {  	[tilespmem:s6+$0xD0] =	vst v10  }
0x320: {  	v9 =	vld.idx.msk [tilespmem:v63+s28+$0x0], $0xffff  }
0x321: {  	v8 =	vld.idx.msk [tilespmem:v8+s28+$0x0], $0xffff;
	_ =	sdelay $0x3  }
0x322: {  	[tilespmem:s6+$0xE0] =	vst v9  }
0x323: {  	[tilespmem:s6+$0xF0] =	vst v8  }
0x324: {  	v8 =	vld [tilespmem:s7+$0x91C];
	_ =	sdelay $0x4  }
0x325: {  	(v2sf) =	vpush v8, $0x0;
	_ =	sdelay $0x1  }
0x326: {  	(v2sf) =	vpush v8, $0x1;
	_ =	sdelay $0x2  }
0x327: {  	(v2sf) =	vpush v8, $0x2;
	_ =	sdelay $0x2  }
0x328: {  	(v2sf) =	vpush v8, $0x3;
	_ =	sdelay $0x6  }
0x329: {  	s8 =	spop (v2sf)  }
0x32a: {  	s7 =	sand.u32 $0xFFFFF80, s8  }
0x32b: {  	s8 =	spop (v2sf);
	s7 =	sadd.s32 s2, s7  }
0x32c: {  	[tilespmem:s28], [sflag:$0x4] =	stream.strided.gather [hbm4b:s7+s11], $0x1000, s14, s11, $0x38;
	[tilespmem:$0x18E00] =	vst v63  }
0x32d: {  	s7 =	sand.u32 $0xFFFFF80, s8  }
0x32e: {  	s8 =	spop (v2sf);
	s7 =	sadd.s32 s2, s7  }
0x32f: {  	[tilespmem:s29], [sflag:$0x4] =	stream.strided.gather [hbm4b:s7+s11], $0x1000, s14, s11, $0x38;
	[tilespmem:$0x18E00] =	vst v63  }
0x330: {  	p0 =	sne.s32 s5, $0x780;
	s7 =	sand.u32 $0xFFFFF80, s8  }
.Ltmp3:
0x331: {  	s8 =	spop (v2sf);
	s7 =	sadd.s32 s2, s7;
	(pc) =	sbr.rel @p0 .LBB2_8-.Ltmp3, $4  }
0x332: {  	[tilespmem:s30], [sflag:$0x4] =	stream.strided.gather [hbm4b:s7+s11], $0x1000, s14, s11, $0x38;
	[tilespmem:$0x18E00] =	vst v63  }
0x333: {  	s7 =	sand.u32 $0xFFFFF80, s8  }
0x334: {  	s5 =	sadd.s32 $0x40, s5;
	s6 =	sadd.s32 $0x200, s6;
	s7 =	sadd.s32 s2, s7  }
0x335: {  	[tilespmem:s31], [sflag:$0x4] =	stream.strided.gather [hbm4b:s7+s11], $0x1000, s14, s11, $0x38;
	[tilespmem:$0x18E00] =	vst v63  }
0x336: {  	_ =	swait.ge [sflag:s0], $0x1000  }
0x337: {  	[sflag:s0] =	ssyncset.done $0x0  }
0x338: {  	[sflag:s0] =	ssyncadd.s32 $0xFFFFF000  }
0x339: {  	_ =	swait.ge [sflag:s0], $0x1000  }
0x33a: {  	[sflag:s0] =	ssyncset.done $0x0  }
0x33b: {  	[sflag:s0] =	ssyncadd.s32 $0xFFFFF000  }
0x33c: {  	_ =	swait.ge [sflag:s0], $0x1000  }
0x33d: {  	[sflag:s0] =	ssyncset.done $0x0  }
0x33e: {  	[sflag:s0] =	ssyncadd.s32 $0xFFFFF000  }
0x33f: {  	_ =	swait.ge [sflag:s0], $0x1000  }
0x340: {  	[sflag:s0] =	ssyncset.done $0x0  }
0x341: {  	[sflag:s0] =	ssyncadd.s32 $0xFFFFF000  }
0x342: {  	v8 =	vld [tilespmem:$0xD70];
	_ =	sdelay $0x4  }
0x343: {  	v9 =	vbroadcast v8, $0x0;
	_ =	sdelay $0x1  }
0x344: {  	v10 =	vadd.s32 v0, v9  }
0x345: {  	v9 =	vadd.s32 v1, v9;
	_ =	sdelay $0x3  }
0x346: {  	v11 =	vbroadcast v8, $0x1;
	v10 =	vld.idx.msk [tilespmem:v10+s15+$0x0], $0xffff  }
0x347: {  	v9 =	vld.idx.msk [tilespmem:v9+s15+$0x0], $0xffff  }
0x348: {  	v12 =	vadd.s32 v2, v11  }
0x349: {  	v11 =	vadd.s32 v3, v11;
	_ =	sdelay $0x1  }
0x34a: {  	[tilespmem:$0x18C00] =	vst v10  }
0x34b: {  	[tilespmem:$0x18C10] =	vst v9  }
0x34c: {  	v40 =	vbroadcast v8, $0x2;
	v9 =	vld.idx.msk [tilespmem:v12+s15+$0x0], $0xffff  }
0x34d: {  	v11 =	vld.idx.msk [tilespmem:v11+s15+$0x0], $0xffff  }
0x34e: {  	v41 =	vadd.s32 v4, v40  }
0x34f: {  	v10 =	vadd.s32 v5, v40;
	_ =	sdelay $0x1  }
0x350: {  	[tilespmem:$0x18C20] =	vst v9  }
0x351: {  	[tilespmem:$0x18C30] =	vst v11  }
0x352: {  	v8 =	vbroadcast v8, $0x3;
	v9 =	vld.idx.msk [tilespmem:v41+s15+$0x0], $0xffff  }
0x353: {  	v10 =	vld.idx.msk [tilespmem:v10+s15+$0x0], $0xffff  }
0x354: {  	v42 =	vadd.s32 v6, v8  }
0x355: {  	v8 =	vadd.s32 v7, v8;
	_ =	sdelay $0x1  }
0x356: {  	[tilespmem:$0x18C40] =	vst v9  }
0x357: {  	[tilespmem:$0x18C50] =	vst v10  }
0x358: {  	v9 =	vld.idx.msk [tilespmem:v42+s15+$0x0], $0xffff  }
0x359: {  	v8 =	vld.idx.msk [tilespmem:v8+s15+$0x0], $0xffff;
	_ =	sdelay $0x3  }
0x35a: {  	[tilespmem:$0x18C60] =	vst v9  }
0x35b: {  	[tilespmem:$0x18C70] =	vst v8  }
0x35c: {  	_ =	swait.ge [sflag:s3], $0x1000  }
0x35d: {  	[sflag:s3] =	ssyncset.done $0x0  }
0x35e: {  	[sflag:s3] =	ssyncadd.s32 $0xFFFFF000  }
0x35f: {  	_ =	swait.ge [sflag:s3], $0x1000  }
0x360: {  	[sflag:s3] =	ssyncset.done $0x0  }
0x361: {  	[sflag:s3] =	ssyncadd.s32 $0xFFFFF000  }
0x362: {  	_ =	swait.ge [sflag:s3], $0x1000  }
0x363: {  	[sflag:s3] =	ssyncset.done $0x0  }
0x364: {  	[sflag:s3] =	ssyncadd.s32 $0xFFFFF000  }
0x365: {  	_ =	swait.ge [sflag:s3], $0x1000  }
0x366: {  	[sflag:s3] =	ssyncset.done $0x0  }
0x367: {  	[sflag:s3] =	ssyncadd.s32 $0xFFFFF000  }
0x368: {  	v8 =	vld [tilespmem:$0xD74];
	_ =	sdelay $0x4  }
0x369: {  	v43 =	vbroadcast v8, $0x0;
	_ =	sdelay $0x1  }
0x36a: {  	v44 =	vadd.s32 v0, v43  }
0x36b: {  	v9 =	vadd.s32 v1, v43;
	_ =	sdelay $0x3  }
0x36c: {  	v45 =	vbroadcast v8, $0x1;
	v10 =	vld.idx.msk [tilespmem:v44+s19+$0x0], $0xffff  }
0x36d: {  	v9 =	vld.idx.msk [tilespmem:v9+s19+$0x0], $0xffff  }
0x36e: {  	v46 =	vadd.s32 v2, v45  }
0x36f: {  	v11 =	vadd.s32 v3, v45;
	_ =	sdelay $0x1  }
0x370: {  	[tilespmem:$0x18C80] =	vst v10  }
0x371: {  	[tilespmem:$0x18C90] =	vst v9  }
0x372: {  	v47 =	vbroadcast v8, $0x2;
	v9 =	vld.idx.msk [tilespmem:v46+s19+$0x0], $0xffff  }
0x373: {  	v11 =	vld.idx.msk [tilespmem:v11+s19+$0x0], $0xffff  }
0x374: {  	v48 =	vadd.s32 v4, v47  }
0x375: {  	v10 =	vadd.s32 v5, v47;
	_ =	sdelay $0x1  }
0x376: {  	[tilespmem:$0x18CA0] =	vst v9  }
0x377: {  	[tilespmem:$0x18CB0] =	vst v11  }
0x378: {  	v8 =	vbroadcast v8, $0x3;
	v9 =	vld.idx.msk [tilespmem:v48+s19+$0x0], $0xffff  }
0x379: {  	v10 =	vld.idx.msk [tilespmem:v10+s19+$0x0], $0xffff  }
0x37a: {  	v49 =	vadd.s32 v6, v8  }
0x37b: {  	v8 =	vadd.s32 v7, v8;
	_ =	sdelay $0x1  }
0x37c: {  	[tilespmem:$0x18CC0] =	vst v9  }
0x37d: {  	[tilespmem:$0x18CD0] =	vst v10  }
0x37e: {  	v9 =	vld.idx.msk [tilespmem:v49+s19+$0x0], $0xffff  }
0x37f: {  	v8 =	vld.idx.msk [tilespmem:v8+s19+$0x0], $0xffff;
	_ =	sdelay $0x3  }
0x380: {  	[tilespmem:$0x18CE0] =	vst v9  }
0x381: {  	[tilespmem:$0x18CF0] =	vst v8  }
0x382: {  	_ =	swait.ge [sflag:s13], $0x1000  }
0x383: {  	[sflag:s13] =	ssyncset.done $0x0  }
0x384: {  	[sflag:s13] =	ssyncadd.s32 $0xFFFFF000  }
0x385: {  	_ =	swait.ge [sflag:s13], $0x1000  }
0x386: {  	[sflag:s13] =	ssyncset.done $0x0  }
0x387: {  	[sflag:s13] =	ssyncadd.s32 $0xFFFFF000  }
0x388: {  	_ =	swait.ge [sflag:s13], $0x1000  }
0x389: {  	[sflag:s13] =	ssyncset.done $0x0  }
0x38a: {  	[sflag:s13] =	ssyncadd.s32 $0xFFFFF000  }
0x38b: {  	_ =	swait.ge [sflag:s13], $0x1000  }
0x38c: {  	[sflag:s13] =	ssyncset.done $0x0  }
0x38d: {  	[sflag:s13] =	ssyncadd.s32 $0xFFFFF000  }
0x38e: {  	v8 =	vld [tilespmem:$0xD78];
	_ =	sdelay $0x4  }
0x38f: {  	v50 =	vbroadcast v8, $0x0;
	_ =	sdelay $0x1  }
0x390: {  	v51 =	vadd.s32 v0, v50  }
0x391: {  	v9 =	vadd.s32 v1, v50;
	_ =	sdelay $0x3  }
0x392: {  	v52 =	vbroadcast v8, $0x1;
	v10 =	vld.idx.msk [tilespmem:v51+s23+$0x0], $0xffff  }
0x393: {  	v9 =	vld.idx.msk [tilespmem:v9+s23+$0x0], $0xffff  }
0x394: {  	v53 =	vadd.s32 v2, v52  }
0x395: {  	v11 =	vadd.s32 v3, v52;
	_ =	sdelay $0x1  }
0x396: {  	[tilespmem:$0x18D00] =	vst v10  }
0x397: {  	[tilespmem:$0x18D10] =	vst v9  }
0x398: {  	v54 =	vbroadcast v8, $0x2;
	v9 =	vld.idx.msk [tilespmem:v53+s23+$0x0], $0xffff  }
0x399: {  	v11 =	vld.idx.msk [tilespmem:v11+s23+$0x0], $0xffff  }
0x39a: {  	v55 =	vadd.s32 v4, v54  }
0x39b: {  	v10 =	vadd.s32 v5, v54;
	_ =	sdelay $0x1  }
0x39c: {  	[tilespmem:$0x18D20] =	vst v9  }
0x39d: {  	[tilespmem:$0x18D30] =	vst v11  }
0x39e: {  	v8 =	vbroadcast v8, $0x3;
	v9 =	vld.idx.msk [tilespmem:v55+s23+$0x0], $0xffff  }
0x39f: {  	v10 =	vld.idx.msk [tilespmem:v10+s23+$0x0], $0xffff  }
0x3a0: {  	v56 =	vadd.s32 v6, v8  }
0x3a1: {  	v8 =	vadd.s32 v7, v8;
	_ =	sdelay $0x1  }
0x3a2: {  	[tilespmem:$0x18D40] =	vst v9  }
0x3a3: {  	[tilespmem:$0x18D50] =	vst v10  }
0x3a4: {  	v9 =	vld.idx.msk [tilespmem:v56+s23+$0x0], $0xffff  }
0x3a5: {  	v8 =	vld.idx.msk [tilespmem:v8+s23+$0x0], $0xffff;
	_ =	sdelay $0x3  }
0x3a6: {  	[tilespmem:$0x18D60] =	vst v9  }
0x3a7: {  	[tilespmem:$0x18D70] =	vst v8  }
0x3a8: {  	_ =	swait.ge [sflag:s4], $0x1000  }
0x3a9: {  	[sflag:s4] =	ssyncset.done $0x0  }
0x3aa: {  	[sflag:s4] =	ssyncadd.s32 $0xFFFFF000  }
0x3ab: {  	_ =	swait.ge [sflag:s4], $0x1000  }
0x3ac: {  	[sflag:s4] =	ssyncset.done $0x0  }
0x3ad: {  	[sflag:s4] =	ssyncadd.s32 $0xFFFFF000  }
0x3ae: {  	_ =	swait.ge [sflag:s4], $0x1000  }
0x3af: {  	[sflag:s4] =	ssyncset.done $0x0  }
0x3b0: {  	[sflag:s4] =	ssyncadd.s32 $0xFFFFF000  }
0x3b1: {  	_ =	swait.ge [sflag:s4], $0x1000  }
0x3b2: {  	[sflag:s4] =	ssyncset.done $0x0  }
0x3b3: {  	[sflag:s4] =	ssyncadd.s32 $0xFFFFF000  }
0x3b4: {  	v8 =	vld [tilespmem:$0xD7C];
	_ =	sdelay $0x4  }
0x3b5: {  	v57 =	vbroadcast v8, $0x0;
	_ =	sdelay $0x1  }
0x3b6: {  	v58 =	vadd.s32 v0, v57  }
0x3b7: {  	v9 =	vadd.s32 v1, v57;
	_ =	sdelay $0x3  }
0x3b8: {  	v59 =	vbroadcast v8, $0x1;
	v10 =	vld.idx.msk [tilespmem:v58+s28+$0x0], $0xffff  }
0x3b9: {  	v9 =	vld.idx.msk [tilespmem:v9+s28+$0x0], $0xffff  }
0x3ba: {  	v60 =	vadd.s32 v2, v59  }
0x3bb: {  	v11 =	vadd.s32 v3, v59;
	_ =	sdelay $0x1  }
0x3bc: {  	[tilespmem:$0x18D80] =	vst v10  }
0x3bd: {  	[tilespmem:$0x18D90] =	vst v9  }
0x3be: {  	v61 =	vbroadcast v8, $0x2;
	v9 =	vld.idx.msk [tilespmem:v60+s28+$0x0], $0xffff  }
0x3bf: {  	v11 =	vld.idx.msk [tilespmem:v11+s28+$0x0], $0xffff  }
0x3c0: {  	v62 =	vadd.s32 v4, v61  }
0x3c1: {  	v10 =	vadd.s32 v5, v61;
	_ =	sdelay $0x1  }
0x3c2: {  	[tilespmem:$0x18DA0] =	vst v9  }
0x3c3: {  	[tilespmem:$0x18DB0] =	vst v11  }
0x3c4: {  	v8 =	vbroadcast v8, $0x3;
	v9 =	vld.idx.msk [tilespmem:v62+s28+$0x0], $0xffff  }
0x3c5: {  	v10 =	vld.idx.msk [tilespmem:v10+s28+$0x0], $0xffff  }
0x3c6: {  	v63 =	vadd.s32 v6, v8  }
0x3c7: {  	v8 =	vadd.s32 v7, v8;
	_ =	sdelay $0x1  }
0x3c8: {  	[tilespmem:$0x18DC0] =	vst v9  }
0x3c9: {  	[tilespmem:$0x18DD0] =	vst v10  }
0x3ca: {  	v9 =	vld.idx.msk [tilespmem:v63+s28+$0x0], $0xffff  }
0x3cb: {  	v8 =	vld.idx.msk [tilespmem:v8+s28+$0x0], $0xffff;
	_ =	sdelay $0x2  }
0x3cc: {  	s10 =	sadd.s32 $0x1, s10  }
0x3cd: {  	s5 =	simm.s32 $0x0;
	p0 =	sne.s32 s10, s9;
	[tilespmem:$0x18DE0] =	vst v9  }
.Ltmp4:
0x3ce: {  	s7 =	simm.s32 $0x14E00;
	s6 =	rddreg [dreg:$0x9];
	[tilespmem:$0x18DF0] =	vst v8;
	(pc) =	sbr.rel @p0 .LBB2_1-.Ltmp4, $4  }
0x3cf: {  	[hbm4b:s6+s5] =	stream.linear.scatter [tilespmem:s7], [sflag:$0x5], $0x4000, $0x38;
	[tilespmem:$0x18E00] =	vst v63  }
0x3d0: {  	_ =	swait.ge [sflag:s12], $0x4000  }
0x3d1: {  	[sflag:s12] =	ssyncset.done $0x0  }
0x3d2: {  	[sflag:s12] =	ssyncadd.s32 $0xFFFFC000  }
0x3d3: {  	_ =	sfence.sel $0x180000  }
0x3d4: {  	[bflag:$0x0] =	sbarrier.arrive $0xFFFF  }
0x3d5: {  	_ =	strace $0x90000047  }
0x3d6: {  	s0 =	stileid.u32;
	[bflag:$0x2] =	sbarrier.arrive $0xFFFF  }
0x3d7: {  	p0 =	sne.s32 s0, $0x0;
	s0 =	rddreg [dreg:$0x5]  }
0x3d8: {  	s0 =	sadd.s32 @!p0 $0x100000, s0  }
0x3d9: {  	[sflag:s0] =	ssyncadd.tile.s32 @!p0 $0x1;
	_ =	shalt  }
.Lfunc_end2:
_tile_overlayer_lowered:
.L_overlay_start_2:
0x3da: {  	(tag) =	ssettag $0x2  }
0x3db: {  	s0 =	rddreg [dreg:$0x0];
	s2 =	stileid.u32  }
0x3dc: {  	s1 =	rddreg [dreg:$0x1];
	p0 =	sne.s32 s2, $0x0  }
0x3dd: {  	s3 =	rddreg [dreg:$0x2];
	[bflag:$0x3] =	sbarrier.arrive $0xFFFF;
	s2 =	simm.s32 @!p0 $0x1C05  }
0x3de: {  	[timem:s3], [sflag:s2] =	dma.local @!p0 [hbm:s0], s1  }
0x3df: {  	s0 =	simm.s32 @!p0 $0x5  }
0x3e0: {  	_ =	swait.ge @!p0 [sflag:s0], s1  }
0x3e1: {  	s1 =	ssub.s32 @!p0 $0x0, s1;
	[sflag:s0] =	ssyncset.done @!p0 $0x0  }
0x3e2: {  	[sflag:s0] =	ssyncadd.s32 @!p0 s1  }
0x3e3: {  	[bflag:$0x3] =	sbarrier.arrive $0xFFFF  }
0x3e4: {  	_ =	shalt  }

</sc_bundles>
